<compile_context>
chip_gen: v7x
topology: tpu7x:2x2x1
jax: 0.10.2.dev20260603
libtpu: 0.0.44.dev20260713+nightly
codegen_flags: <defaults>
</compile_context>

<pallas_src>
import jax
import jax.numpy as jnp
from jax.experimental import pallas as pl

N = 256
V = 68
D = 1
EPG = 544
E = N * EPG
C1, C2, C3 = 512, 256, 128
K = 34
SEQ = C3 * K
LAT = 128
KMAX = 40

_f32 = jnp.float32
_HI = jax.lax.Precision.HIGHEST


def _dot_hi(a, b):
    return jax.lax.dot_general(a, b, (((1,), (0,)), ((), ())), precision=_HI)


def _gcn_kernel(colsS_ref, colsL_ref, rowsL_ref, ewL_ref, xS_ref, W1_ref,
                b1_ref, W2_ref, b2_ref, W3_ref, b3_ref, pw_ref, Wh_ref,
                bh_ref, g1_ref, be1_ref, Wd_ref, bd_ref, g2_ref, be2_ref,
                Wdc_ref, bdc_ref, out_ref):
    colsS = colsS_ref[...].reshape(EPG, 1)
    colsL = colsL_ref[...].reshape(1, EPG)
    rowsL = rowsL_ref[...].reshape(1, EPG)
    ewL = ewL_ref[...].reshape(1, EPG)
    xS = xS_ref[...].reshape(V, 1)

    lane_v = jax.lax.broadcasted_iota(jnp.int32, (1, V), 1)
    sub_v = jax.lax.broadcasted_iota(jnp.int32, (V, 1), 0)
    Cm = (colsS == lane_v).astype(_f32)
    CTf = (sub_v == colsL).astype(_f32)
    RT = (sub_v == rowsL).astype(_f32)

    bstart_row = jnp.sum((colsS < lane_v).astype(_f32), axis=0,
                         keepdims=True)
    e_iota = jax.lax.broadcasted_iota(jnp.int32, (1, EPG), 1).astype(_f32)
    bstartE = jnp.sum(CTf * jnp.swapaxes(bstart_row, 0, 1),
                      axis=0, keepdims=True)
    rL = (e_iota - bstartE).astype(jnp.int32)
    k_sub = jax.lax.broadcasted_iota(jnp.int32, (KMAX, 1), 0)
    A = (k_sub == rL).astype(_f32)

    def slot(valsL):
        rows_ = []
        for k in range(KMAX):
            m = (A[k:k + 1, :] * valsL)
            rows_.append(jnp.sum(Cm * jnp.swapaxes(m, 0, 1),
                                 axis=0, keepdims=True))
        return jnp.concatenate(rows_, axis=0)

    slot_ew = slot(ewL)

    deg = jnp.zeros((1, V), _f32)
    for k in range(KMAX):
        deg = deg + slot_ew[k:k + 1, :]
    deg = deg + 1.0
    disR = jnp.where(deg > 0, jax.lax.rsqrt(jnp.maximum(deg, 1e-12)), 0.0)
    disC = jnp.swapaxes(disR, 0, 1)
    dis_rL = jnp.sum(RT * disC, axis=0, keepdims=True)
    dis_cL = jnp.sum(CTf * disC, axis=0, keepdims=True)
    normL = (dis_rL * ewL) * dis_cL
    disq = disC * disC

    slot_norm = slot(normL)
    slot_src = slot(rowsL.astype(_f32))

    Gks, normks = [], []
    for k in range(KMAX):
        srck = jnp.swapaxes(slot_src[k:k + 1, :], 0, 1).astype(jnp.int32)
        Gks.append((srck == lane_v).astype(_f32))
        normks.append(jnp.swapaxes(slot_norm[k:k + 1, :], 0, 1))

    def agg(xw):
        out = jnp.zeros(xw.shape, _f32)
        for k in range(KMAX):
            out = out + _dot_hi(Gks[k], xw) * normks[k]
        return out

    xw1 = xS * W1_ref[...]
    h1 = jnp.maximum(agg(xw1) + xw1 * disq + b1_ref[...], 0.0)

    xw2 = h1 @ W2_ref[...]
    h2 = jnp.maximum(agg(xw2) + xw2 * disq + b2_ref[...], 0.0)

    xw3 = h2 @ W3_ref[...]
    h3 = jnp.maximum(agg(xw3) + xw3 * disq + b3_ref[...], 0.0)

    pwc = pw_ref[...]
    pn = jnp.sqrt(jnp.sum(pwc * pwc))
    score = jnp.tanh((h3 @ pwc) / pn)
    scoreT = score.reshape(1, V)

    vv_j = jax.lax.broadcasted_iota(jnp.int32, (V, V), 1)
    vv_i = jax.lax.broadcasted_iota(jnp.int32, (V, V), 0)
    before = (scoreT > score) | ((scoreT == score) & (vv_j < vv_i))
    rank = jnp.sum(before.astype(jnp.int32), axis=1, keepdims=True)
    k_iota = jax.lax.broadcasted_iota(jnp.int32, (K, V), 0)
    P = (rank.reshape(1, V) == k_iota).astype(_f32)
    vals = _dot_hi(P, score)
    sel = _dot_hi(P, h3)
    z3 = sel * vals

    zg = z3.reshape(1, K * C3)
    zh = zg @ Wh_ref[...] + bh_ref[...]
    mu = jnp.mean(zh, axis=1, keepdims=True)
    var = jnp.mean((zh - mu) * (zh - mu), axis=1, keepdims=True)
    t = (zh - mu) * jax.lax.rsqrt(var + 1e-5) * g1_ref[...] + be1_ref[...]

    d = jnp.maximum(t @ Wd_ref[...] + bd_ref[...], 0.0)
    mu2 = jnp.mean(d, axis=1, keepdims=True)
    var2 = jnp.mean((d - mu2) * (d - mu2), axis=1, keepdims=True)
    t2 = (d - mu2) * jax.lax.rsqrt(var2 + 1e-5) * g2_ref[...] + be2_ref[...]

    xwq = jnp.swapaxes(t2, 0, 1) * Wdc_ref[0, 0]
    outg = jnp.maximum(agg(xwq) + xwq * disq + bdc_ref[0, 0], 0.0)
    out_ref[...] = outg.reshape(1, 1, V)


def kernel(x, edge_index, edge_attr, W1, b1, W2, b2, W3, b3, pw, Wh, bh,
           g1, be1, Wd, bd, g2, be2, Wdc, bdc):
    rows2 = edge_index[0].reshape(N, EPG)
    cols2 = edge_index[1].reshape(N, EPG)
    ew2 = edge_attr.reshape(N, EPG)
    order = jnp.argsort(cols2, axis=1, stable=True)
    rows2 = jnp.take_along_axis(rows2, order, axis=1)
    ew2 = jnp.take_along_axis(ew2, order, axis=1)
    cols2 = jnp.take_along_axis(cols2, order, axis=1)

    colsS = cols2.reshape(N, EPG, 1)
    colsL = cols2.reshape(N, 1, EPG)
    rowsL = rows2.reshape(N, 1, EPG)
    ewL = ew2.reshape(N, 1, EPG)
    xS = x.reshape(N, V, 1)

    def full2(shape):
        return pl.BlockSpec(shape, lambda i: (0, 0))

    out = pl.pallas_call(
        _gcn_kernel,
        grid=(N,),
        in_specs=[
            pl.BlockSpec((1, EPG, 1), lambda i: (i, 0, 0)),
            pl.BlockSpec((1, 1, EPG), lambda i: (i, 0, 0)),
            pl.BlockSpec((1, 1, EPG), lambda i: (i, 0, 0)),
            pl.BlockSpec((1, 1, EPG), lambda i: (i, 0, 0)),
            pl.BlockSpec((1, V, 1), lambda i: (i, 0, 0)),
            full2((1, C1)),
            full2((1, C1)),
            full2((C1, C2)),
            full2((1, C2)),
            full2((C2, C3)),
            full2((1, C3)),
            full2((C3, 1)),
            full2((SEQ, LAT)),
            full2((1, LAT)),
            full2((1, LAT)),
            full2((1, LAT)),
            full2((LAT, V)),
            full2((1, V)),
            full2((1, V)),
            full2((1, V)),
            full2((1, 1)),
            full2((1, 1)),
        ],
        out_specs=pl.BlockSpec((1, 1, V), lambda i: (i, 0, 0)),
        out_shape=jax.ShapeDtypeStruct((N, 1, V), jnp.float32),
    )(colsS, colsL, rowsL, ewL, xS, W1, b1.reshape(1, -1), W2,
      b2.reshape(1, -1), W3, b3.reshape(1, -1), pw.reshape(-1, 1), Wh,
      bh.reshape(1, -1), g1.reshape(1, -1), be1.reshape(1, -1), Wd,
      bd.reshape(1, -1), g2.reshape(1, -1), be2.reshape(1, -1),
      Wdc, bdc.reshape(1, 1))
    return out.reshape(N, V, D)

# --- scband reference (transcript-rebuilt; emitter-appended) ---
"""Pipeline reference for scband-gcnmae-76192719832100 (READ-ONLY COPY).

The authoritative reference and input builder live on the scoring server;
editing this copy changes nothing except your own understanding.
"""

import jax, jax.numpy as jnp
import numpy as np

N = 256; V = 68; D = 1; EPG = 544; E = N * EPG
C1, C2, C3 = 512, 256, 128
K = 34; SEQ = C3 * K; LAT = 128; OUT = V * D
NN = N * V

def layernorm(x, g, b):
    m = jnp.mean(x, axis=-1, keepdims=True)
    v = jnp.var(x, axis=-1, keepdims=True)
    return (x - m) / jnp.sqrt(v + 1e-5) * g + b

def gcn_conv(x, row, col, ew, W, b):
    # Faithful PyG GCNConv: add self-loops (w=1), symmetric norm, linear, scatter-add, bias
    n = x.shape[0]
    loop = jnp.arange(n, dtype=row.dtype)
    r = jnp.concatenate([row, loop])
    c = jnp.concatenate([col, loop])
    w = jnp.concatenate([ew, jnp.ones((n,), x.dtype)])
    deg = jnp.zeros((n,), x.dtype).at[c].add(w)
    dis = jnp.where(deg > 0, jax.lax.rsqrt(jnp.maximum(deg, 1e-12)), 0.0)
    norm = dis[r] * w * dis[c]
    xw = x @ W
    msg = xw[r] * norm[:, None]
    out = jnp.zeros((n, W.shape[1]), x.dtype).at[c].add(msg)
    return out + b

def setup_inputs(seed: int = 0):
    key = jax.random.key(seed)
    ks = jax.random.split(key, 24)
    x = jax.random.normal(ks[0], (N, 1, V, D), jnp.float32)
    edge_index = jax.random.randint(ks[1], (2, E), 0, V, dtype=jnp.int32)
    edge_attr = jax.random.uniform(ks[2], (E,), jnp.float32)
    def gl(k, i, o):
        s = np.sqrt(6.0 / (i + o))
        return jax.random.uniform(k, (i, o), jnp.float32, -s, s)
    W1 = gl(ks[3], D, C1); b1 = jnp.zeros((C1,), jnp.float32)
    W2 = gl(ks[4], C1, C2); b2 = jnp.zeros((C2,), jnp.float32)
    W3 = gl(ks[5], C2, C3); b3 = jnp.zeros((C3,), jnp.float32)
    pw = jax.random.normal(ks[6], (C3,), jnp.float32)
    Wh = jax.random.truncated_normal(ks[7], -2.0, 2.0, (SEQ, LAT), jnp.float32) * 0.02
    bh = jnp.zeros((LAT,), jnp.float32)
    g1 = jnp.ones((LAT,), jnp.float32); be1 = jnp.zeros((LAT,), jnp.float32)
    Wd = jax.random.truncated_normal(ks[8], -2.0, 2.0, (LAT, OUT), jnp.float32) * 0.02
    bd = jnp.zeros((OUT,), jnp.float32)
    g2 = jnp.ones((OUT,), jnp.float32); be2 = jnp.zeros((OUT,), jnp.float32)
    Wdc = gl(ks[9], D, D); bdc = jnp.zeros((D,), jnp.float32)
    return {"x": x, "edge_index": edge_index, "edge_attr": edge_attr,
            "W1": W1, "b1": b1, "W2": W2, "b2": b2, "W3": W3, "b3": b3,
            "pw": pw, "Wh": Wh, "bh": bh, "g1": g1, "be1": be1,
            "Wd": Wd, "bd": bd, "g2": g2, "be2": be2, "Wdc": Wdc, "bdc": bdc}

def reference(x, edge_index, edge_attr, W1, b1, W2, b2, W3, b3, pw, Wh, bh, g1, be1, Wd, bd, g2, be2, Wdc, bdc):
    h = x.reshape(NN, D)
    off = jnp.repeat(jnp.arange(N, dtype=edge_index.dtype) * V, EPG)
    row = edge_index[0] + off
    col = edge_index[1] + off
    ew = edge_attr.reshape(-1)
    # encoder convs (dropout is identity in eval)
    h = jax.nn.relu(gcn_conv(h, row, col, ew, W1, b1))
    h = jax.nn.relu(gcn_conv(h, row, col, ew, W2, b2))
    h = jax.nn.relu(gcn_conv(h, row, col, ew, W3, b3))
    # TopKPooling (PyG): score = tanh((x . w)/||w||); keep top ceil(ratio*V) per graph, scale by score
    hr = h.reshape(N, V, C3)
    score = jnp.tanh((hr @ pw) / jnp.linalg.norm(pw))
    vals, idx = jax.lax.top_k(score, K)
    sel = jnp.take_along_axis(hr, idx[:, :, None], axis=1) * vals[:, :, None]
    z = sel.reshape(N, SEQ)
    z = layernorm(z @ Wh + bh, g1, be1)
    z = layernorm(jax.nn.relu(z @ Wd + bd), g2, be2)
    h = z.reshape(NN, D)
    h = jax.nn.relu(gcn_conv(h, row, col, ew, Wdc, bdc))
    return h.reshape(N, V, D)

if __name__ == "__main__":
    import jax
    _d = setup_inputs()
    print(jax.jit(kernel)(*tuple(_d.values())))

</pallas_src>

<mosaic_0001>
module attributes {stable_mosaic.version = 14 : i64} {
  func.func @_gcn_kernel(%arg0: i32, %arg1: memref<1x544x1xi32, #tpu.memory_space<vmem>>, %arg2: memref<1x1x544xi32, #tpu.memory_space<vmem>>, %arg3: memref<1x1x544xi32, #tpu.memory_space<vmem>>, %arg4: memref<1x1x544xf32, #tpu.memory_space<vmem>>, %arg5: memref<1x68x1xf32, #tpu.memory_space<vmem>>, %arg6: memref<1x512xf32, #tpu.memory_space<vmem>>, %arg7: memref<1x512xf32, #tpu.memory_space<vmem>>, %arg8: memref<512x256xf32, #tpu.memory_space<vmem>>, %arg9: memref<1x256xf32, #tpu.memory_space<vmem>>, %arg10: memref<256x128xf32, #tpu.memory_space<vmem>>, %arg11: memref<1x128xf32, #tpu.memory_space<vmem>>, %arg12: memref<128x1xf32, #tpu.memory_space<vmem>>, %arg13: memref<4352x128xf32, #tpu.memory_space<vmem>>, %arg14: memref<1x128xf32, #tpu.memory_space<vmem>>, %arg15: memref<1x128xf32, #tpu.memory_space<vmem>>, %arg16: memref<1x128xf32, #tpu.memory_space<vmem>>, %arg17: memref<128x68xf32, #tpu.memory_space<vmem>>, %arg18: memref<1x68xf32, #tpu.memory_space<vmem>>, %arg19: memref<1x68xf32, #tpu.memory_space<vmem>>, %arg20: memref<1x68xf32, #tpu.memory_space<vmem>>, %arg21: memref<1x1xf32, #tpu.memory_space<vmem>>, %arg22: memref<1x1xf32, #tpu.memory_space<vmem>>, %arg23: memref<1x1x68xf32, #tpu.memory_space<vmem>>) attributes {dimension_semantics = [#tpu.dimension_semantics<arbitrary>], iteration_bounds = array<i64: 256>, scalar_prefetch = 0 : i64, scratch_operands = 0 : i64, tpu.core_type = #tpu.core_type<tc>, window_params = [{transform_indices = @transform_0, window_bounds = array<i64: 1, 544, 1>}, {transform_indices = @transform_1, window_bounds = array<i64: 1, 1, 544>}, {transform_indices = @transform_2, window_bounds = array<i64: 1, 1, 544>}, {transform_indices = @transform_3, window_bounds = array<i64: 1, 1, 544>}, {transform_indices = @transform_4, window_bounds = array<i64: 1, 68, 1>}, {pipeline_mode = #tpu.pipeline_mode<synchronous>, transform_indices = @transform_5, window_bounds = array<i64: 1, 512>}, {pipeline_mode = #tpu.pipeline_mode<synchronous>, transform_indices = @transform_6, window_bounds = array<i64: 1, 512>}, {pipeline_mode = #tpu.pipeline_mode<synchronous>, transform_indices = @transform_7, window_bounds = array<i64: 512, 256>}, {pipeline_mode = #tpu.pipeline_mode<synchronous>, transform_indices = @transform_8, window_bounds = array<i64: 1, 256>}, {pipeline_mode = #tpu.pipeline_mode<synchronous>, transform_indices = @transform_9, window_bounds = array<i64: 256, 128>}, {pipeline_mode = #tpu.pipeline_mode<synchronous>, transform_indices = @transform_10, window_bounds = array<i64: 1, 128>}, {pipeline_mode = #tpu.pipeline_mode<synchronous>, transform_indices = @transform_11, window_bounds = array<i64: 128, 1>}, {pipeline_mode = #tpu.pipeline_mode<synchronous>, transform_indices = @transform_12, window_bounds = array<i64: 4352, 128>}, {pipeline_mode = #tpu.pipeline_mode<synchronous>, transform_indices = @transform_13, window_bounds = array<i64: 1, 128>}, {pipeline_mode = #tpu.pipeline_mode<synchronous>, transform_indices = @transform_14, window_bounds = array<i64: 1, 128>}, {pipeline_mode = #tpu.pipeline_mode<synchronous>, transform_indices = @transform_15, window_bounds = array<i64: 1, 128>}, {pipeline_mode = #tpu.pipeline_mode<synchronous>, transform_indices = @transform_16, window_bounds = array<i64: 128, 68>}, {pipeline_mode = #tpu.pipeline_mode<synchronous>, transform_indices = @transform_17, window_bounds = array<i64: 1, 68>}, {pipeline_mode = #tpu.pipeline_mode<synchronous>, transform_indices = @transform_18, window_bounds = array<i64: 1, 68>}, {pipeline_mode = #tpu.pipeline_mode<synchronous>, transform_indices = @transform_19, window_bounds = array<i64: 1, 68>}, {pipeline_mode = #tpu.pipeline_mode<synchronous>, transform_indices = @transform_20, window_bounds = array<i64: 1, 1>}, {pipeline_mode = #tpu.pipeline_mode<synchronous>, transform_indices = @transform_21, window_bounds = array<i64: 1, 1>}, {transform_indices = @transform_22, window_bounds = array<i64: 1, 1, 68>}]} {
    %get3A = arith.constant 0 : index
    %get3A_0 = arith.constant 0 : index
    %get3A_1 = arith.constant 0 : index
    %get3A_2 = vector.load %arg1[%get3A, %get3A_0, %get3A_1] : memref<1x544x1xi32, #tpu.memory_space<vmem>>, vector<1x544x1xi32>
    %reshape3A = vector.shape_cast %get3A_2 : vector<1x544x1xi32> to vector<544x1xi32>
    %get3A_3 = arith.constant 0 : index
    %get3A_4 = arith.constant 0 : index
    %get3A_5 = arith.constant 0 : index
    %get3A_6 = vector.load %arg2[%get3A_3, %get3A_4, %get3A_5] : memref<1x1x544xi32, #tpu.memory_space<vmem>>, vector<1x1x544xi32>
    %reshape3A_7 = vector.shape_cast %get3A_6 : vector<1x1x544xi32> to vector<1x544xi32>
    %get3A_8 = arith.constant 0 : index
    %get3A_9 = arith.constant 0 : index
    %get3A_10 = arith.constant 0 : index
    %get3A_11 = vector.load %arg3[%get3A_8, %get3A_9, %get3A_10] : memref<1x1x544xi32, #tpu.memory_space<vmem>>, vector<1x1x544xi32>
    %reshape3A_12 = vector.shape_cast %get3A_11 : vector<1x1x544xi32> to vector<1x544xi32>
    %get3A_13 = arith.constant 0 : index
    %get3A_14 = arith.constant 0 : index
    %get3A_15 = arith.constant 0 : index
    %get3A_16 = vector.load %arg4[%get3A_13, %get3A_14, %get3A_15] : memref<1x1x544xf32, #tpu.memory_space<vmem>>, vector<1x1x544xf32>
    %reshape3A_17 = vector.shape_cast %get3A_16 : vector<1x1x544xf32> to vector<1x544xf32>
    %get3A_18 = arith.constant 0 : index
    %get3A_19 = arith.constant 0 : index
    %get3A_20 = arith.constant 0 : index
    %get3A_21 = vector.load %arg5[%get3A_18, %get3A_19, %get3A_20] : memref<1x68x1xf32, #tpu.memory_space<vmem>>, vector<1x68x1xf32>
    %reshape3A_22 = vector.shape_cast %get3A_21 : vector<1x68x1xf32> to vector<68x1xf32>
    %iota3A = tpu.iota {dimensions = array<i32: 1>} : vector<1x68xi32>
    %iota3A_23 = tpu.iota {dimensions = array<i32: 0>} : vector<68x1xi32>
    %eq3A = vector.broadcast %reshape3A : vector<544x1xi32> to vector<544x68xi32>
    %eq3A_24 = vector.broadcast %iota3A : vector<1x68xi32> to vector<544x68xi32>
    %eq3A_25 = arith.cmpi eq, %eq3A, %eq3A_24 : vector<544x68xi32>
    %convert_element_type3A = arith.extui %eq3A_25 : vector<544x68xi1> to vector<544x68xi32>
    %convert_element_type3A_26 = arith.sitofp %convert_element_type3A : vector<544x68xi32> to vector<544x68xf32>
    %eq3A_27 = vector.broadcast %iota3A_23 : vector<68x1xi32> to vector<68x544xi32>
    %eq3A_28 = vector.broadcast %reshape3A_7 : vector<1x544xi32> to vector<68x544xi32>
    %eq3A_29 = arith.cmpi eq, %eq3A_27, %eq3A_28 : vector<68x544xi32>
    %convert_element_type3A_30 = arith.extui %eq3A_29 : vector<68x544xi1> to vector<68x544xi32>
    %convert_element_type3A_31 = arith.sitofp %convert_element_type3A_30 : vector<68x544xi32> to vector<68x544xf32>
    %eq3A_32 = vector.broadcast %iota3A_23 : vector<68x1xi32> to vector<68x544xi32>
    %eq3A_33 = vector.broadcast %reshape3A_12 : vector<1x544xi32> to vector<68x544xi32>
    %eq3A_34 = arith.cmpi eq, %eq3A_32, %eq3A_33 : vector<68x544xi32>
    %convert_element_type3A_35 = arith.extui %eq3A_34 : vector<68x544xi1> to vector<68x544xi32>
    %convert_element_type3A_36 = arith.sitofp %convert_element_type3A_35 : vector<68x544xi32> to vector<68x544xf32>
    %lt3A = vector.broadcast %reshape3A : vector<544x1xi32> to vector<544x68xi32>
    %lt3A_37 = vector.broadcast %iota3A : vector<1x68xi32> to vector<544x68xi32>
    %lt3A_38 = arith.cmpi slt, %lt3A, %lt3A_37 : vector<544x68xi32>
    %convert_element_type3A_39 = arith.extui %lt3A_38 : vector<544x68xi1> to vector<544x68xi32>
    %convert_element_type3A_40 = arith.sitofp %convert_element_type3A_39 : vector<544x68xi32> to vector<544x68xf32>
    %reduce_sum3A = arith.constant dense<0.000000e+00> : vector<68xf32>
    %reduce_sum3A_41 = vector.multi_reduction <add>, %convert_element_type3A_40, %reduce_sum3A [0] : vector<544x68xf32> to vector<68xf32>
    %broadcast_in_dim3A = vector.shape_cast %reduce_sum3A_41 : vector<68xf32> to vector<1x68xf32>
    %iota3A_42 = tpu.iota {dimensions = array<i32: 1>} : vector<1x544xi32>
    %convert_element_type3A_43 = arith.sitofp %iota3A_42 : vector<1x544xi32> to vector<1x544xf32>
    %transpose3A = tpu.transpose %broadcast_in_dim3A, [1, 0] : vector<1x68xf32> -> vector<68x1xf32>
    %mul3A = vector.broadcast %transpose3A : vector<68x1xf32> to vector<68x544xf32>
    %mul3A_44 = arith.mulf %convert_element_type3A_31, %mul3A : vector<68x544xf32>
    %reduce_sum3A_45 = arith.constant dense<0.000000e+00> : vector<544xf32>
    %reduce_sum3A_46 = vector.multi_reduction <add>, %mul3A_44, %reduce_sum3A_45 [0] : vector<68x544xf32> to vector<544xf32>
    %broadcast_in_dim3A_47 = vector.shape_cast %reduce_sum3A_46 : vector<544xf32> to vector<1x544xf32>
    %sub3A = arith.subf %convert_element_type3A_43, %broadcast_in_dim3A_47 : vector<1x544xf32>
    %convert_element_type3A_48 = arith.fptosi %sub3A : vector<1x544xf32> to vector<1x544xi32>
    %iota3A_49 = tpu.iota {dimensions = array<i32: 0>} : vector<40x1xi32>
    %eq3A_50 = vector.broadcast %iota3A_49 : vector<40x1xi32> to vector<40x544xi32>
    %eq3A_51 = vector.broadcast %convert_element_type3A_48 : vector<1x544xi32> to vector<40x544xi32>
    %eq3A_52 = arith.cmpi eq, %eq3A_50, %eq3A_51 : vector<40x544xi32>
    %convert_element_type3A_53 = arith.extui %eq3A_52 : vector<40x544xi1> to vector<40x544xi32>
    %convert_element_type3A_54 = arith.sitofp %convert_element_type3A_53 : vector<40x544xi32> to vector<40x544xf32>
    %slice3A = vector.extract_strided_slice %convert_element_type3A_54 {offsets = [0, 0], sizes = [1, 544], strides = [1, 1]} : vector<40x544xf32> to vector<1x544xf32>
    %mul3A_55 = arith.mulf %slice3A, %reshape3A_17 : vector<1x544xf32>
    %transpose3A_56 = tpu.transpose %mul3A_55, [1, 0] : vector<1x544xf32> -> vector<544x1xf32>
    %mul3A_57 = vector.broadcast %transpose3A_56 : vector<544x1xf32> to vector<544x68xf32>
    %mul3A_58 = arith.mulf %convert_element_type3A_26, %mul3A_57 : vector<544x68xf32>
    %reduce_sum3A_59 = arith.constant dense<0.000000e+00> : vector<68xf32>
    %reduce_sum3A_60 = vector.multi_reduction <add>, %mul3A_58, %reduce_sum3A_59 [0] : vector<544x68xf32> to vector<68xf32>
    %broadcast_in_dim3A_61 = vector.shape_cast %reduce_sum3A_60 : vector<68xf32> to vector<1x68xf32>
    %slice3A_62 = vector.extract_strided_slice %convert_element_type3A_54 {offsets = [1, 0], sizes = [1, 544], strides = [1, 1]} : vector<40x544xf32> to vector<1x544xf32>
    %mul3A_63 = arith.mulf %slice3A_62, %reshape3A_17 : vector<1x544xf32>
    %transpose3A_64 = tpu.transpose %mul3A_63, [1, 0] : vector<1x544xf32> -> vector<544x1xf32>
    %mul3A_65 = vector.broadcast %transpose3A_64 : vector<544x1xf32> to vector<544x68xf32>
    %mul3A_66 = arith.mulf %convert_element_type3A_26, %mul3A_65 : vector<544x68xf32>
    %reduce_sum3A_67 = arith.constant dense<0.000000e+00> : vector<68xf32>
    %reduce_sum3A_68 = vector.multi_reduction <add>, %mul3A_66, %reduce_sum3A_67 [0] : vector<544x68xf32> to vector<68xf32>
    %broadcast_in_dim3A_69 = vector.shape_cast %reduce_sum3A_68 : vector<68xf32> to vector<1x68xf32>
    %slice3A_70 = vector.extract_strided_slice %convert_element_type3A_54 {offsets = [2, 0], sizes = [1, 544], strides = [1, 1]} : vector<40x544xf32> to vector<1x544xf32>
    %mul3A_71 = arith.mulf %slice3A_70, %reshape3A_17 : vector<1x544xf32>
    %transpose3A_72 = tpu.transpose %mul3A_71, [1, 0] : vector<1x544xf32> -> vector<544x1xf32>
    %mul3A_73 = vector.broadcast %transpose3A_72 : vector<544x1xf32> to vector<544x68xf32>
    %mul3A_74 = arith.mulf %convert_element_type3A_26, %mul3A_73 : vector<544x68xf32>
    %reduce_sum3A_75 = arith.constant dense<0.000000e+00> : vector<68xf32>
    %reduce_sum3A_76 = vector.multi_reduction <add>, %mul3A_74, %reduce_sum3A_75 [0] : vector<544x68xf32> to vector<68xf32>
    %broadcast_in_dim3A_77 = vector.shape_cast %reduce_sum3A_76 : vector<68xf32> to vector<1x68xf32>
    %slice3A_78 = vector.extract_strided_slice %convert_element_type3A_54 {offsets = [3, 0], sizes = [1, 544], strides = [1, 1]} : vector<40x544xf32> to vector<1x544xf32>
    %mul3A_79 = arith.mulf %slice3A_78, %reshape3A_17 : vector<1x544xf32>
    %transpose3A_80 = tpu.transpose %mul3A_79, [1, 0] : vector<1x544xf32> -> vector<544x1xf32>
    %mul3A_81 = vector.broadcast %transpose3A_80 : vector<544x1xf32> to vector<544x68xf32>
    %mul3A_82 = arith.mulf %convert_element_type3A_26, %mul3A_81 : vector<544x68xf32>
    %reduce_sum3A_83 = arith.constant dense<0.000000e+00> : vector<68xf32>
    %reduce_sum3A_84 = vector.multi_reduction <add>, %mul3A_82, %reduce_sum3A_83 [0] : vector<544x68xf32> to vector<68xf32>
    %broadcast_in_dim3A_85 = vector.shape_cast %reduce_sum3A_84 : vector<68xf32> to vector<1x68xf32>
    %slice3A_86 = vector.extract_strided_slice %convert_element_type3A_54 {offsets = [4, 0], sizes = [1, 544], strides = [1, 1]} : vector<40x544xf32> to vector<1x544xf32>
    %mul3A_87 = arith.mulf %slice3A_86, %reshape3A_17 : vector<1x544xf32>
    %transpose3A_88 = tpu.transpose %mul3A_87, [1, 0] : vector<1x544xf32> -> vector<544x1xf32>
    %mul3A_89 = vector.broadcast %transpose3A_88 : vector<544x1xf32> to vector<544x68xf32>
    %mul3A_90 = arith.mulf %convert_element_type3A_26, %mul3A_89 : vector<544x68xf32>
    %reduce_sum3A_91 = arith.constant dense<0.000000e+00> : vector<68xf32>
    %reduce_sum3A_92 = vector.multi_reduction <add>, %mul3A_90, %reduce_sum3A_91 [0] : vector<544x68xf32> to vector<68xf32>
    %broadcast_in_dim3A_93 = vector.shape_cast %reduce_sum3A_92 : vector<68xf32> to vector<1x68xf32>
    %slice3A_94 = vector.extract_strided_slice %convert_element_type3A_54 {offsets = [5, 0], sizes = [1, 544], strides = [1, 1]} : vector<40x544xf32> to vector<1x544xf32>
    %mul3A_95 = arith.mulf %slice3A_94, %reshape3A_17 : vector<1x544xf32>
    %transpose3A_96 = tpu.transpose %mul3A_95, [1, 0] : vector<1x544xf32> -> vector<544x1xf32>
    %mul3A_97 = vector.broadcast %transpose3A_96 : vector<544x1xf32> to vector<544x68xf32>
    %mul3A_98 = arith.mulf %convert_element_type3A_26, %mul3A_97 : vector<544x68xf32>
    %reduce_sum3A_99 = arith.constant dense<0.000000e+00> : vector<68xf32>
    %reduce_sum3A_100 = vector.multi_reduction <add>, %mul3A_98, %reduce_sum3A_99 [0] : vector<544x68xf32> to vector<68xf32>
    %broadcast_in_dim3A_101 = vector.shape_cast %reduce_sum3A_100 : vector<68xf32> to vector<1x68xf32>
    %slice3A_102 = vector.extract_strided_slice %convert_element_type3A_54 {offsets = [6, 0], sizes = [1, 544], strides = [1, 1]} : vector<40x544xf32> to vector<1x544xf32>
    %mul3A_103 = arith.mulf %slice3A_102, %reshape3A_17 : vector<1x544xf32>
    %transpose3A_104 = tpu.transpose %mul3A_103, [1, 0] : vector<1x544xf32> -> vector<544x1xf32>
    %mul3A_105 = vector.broadcast %transpose3A_104 : vector<544x1xf32> to vector<544x68xf32>
    %mul3A_106 = arith.mulf %convert_element_type3A_26, %mul3A_105 : vector<544x68xf32>
    %reduce_sum3A_107 = arith.constant dense<0.000000e+00> : vector<68xf32>
    %reduce_sum3A_108 = vector.multi_reduction <add>, %mul3A_106, %reduce_sum3A_107 [0] : vector<544x68xf32> to vector<68xf32>
    %broadcast_in_dim3A_109 = vector.shape_cast %reduce_sum3A_108 : vector<68xf32> to vector<1x68xf32>
    %slice3A_110 = vector.extract_strided_slice %convert_element_type3A_54 {offsets = [7, 0], sizes = [1, 544], strides = [1, 1]} : vector<40x544xf32> to vector<1x544xf32>
    %mul3A_111 = arith.mulf %slice3A_110, %reshape3A_17 : vector<1x544xf32>
    %transpose3A_112 = tpu.transpose %mul3A_111, [1, 0] : vector<1x544xf32> -> vector<544x1xf32>
    %mul3A_113 = vector.broadcast %transpose3A_112 : vector<544x1xf32> to vector<544x68xf32>
    %mul3A_114 = arith.mulf %convert_element_type3A_26, %mul3A_113 : vector<544x68xf32>
    %reduce_sum3A_115 = arith.constant dense<0.000000e+00> : vector<68xf32>
    %reduce_sum3A_116 = vector.multi_reduction <add>, %mul3A_114, %reduce_sum3A_115 [0] : vector<544x68xf32> to vector<68xf32>
    %broadcast_in_dim3A_117 = vector.shape_cast %reduce_sum3A_116 : vector<68xf32> to vector<1x68xf32>
    %slice3A_118 = vector.extract_strided_slice %convert_element_type3A_54 {offsets = [8, 0], sizes = [1, 544], strides = [1, 1]} : vector<40x544xf32> to vector<1x544xf32>
    %mul3A_119 = arith.mulf %slice3A_118, %reshape3A_17 : vector<1x544xf32>
    %transpose3A_120 = tpu.transpose %mul3A_119, [1, 0] : vector<1x544xf32> -> vector<544x1xf32>
    %mul3A_121 = vector.broadcast %transpose3A_120 : vector<544x1xf32> to vector<544x68xf32>
    %mul3A_122 = arith.mulf %convert_element_type3A_26, %mul3A_121 : vector<544x68xf32>
    %reduce_sum3A_123 = arith.constant dense<0.000000e+00> : vector<68xf32>
    %reduce_sum3A_124 = vector.multi_reduction <add>, %mul3A_122, %reduce_sum3A_123 [0] : vector<544x68xf32> to vector<68xf32>
    %broadcast_in_dim3A_125 = vector.shape_cast %reduce_sum3A_124 : vector<68xf32> to vector<1x68xf32>
    %slice3A_126 = vector.extract_strided_slice %convert_element_type3A_54 {offsets = [9, 0], sizes = [1, 544], strides = [1, 1]} : vector<40x544xf32> to vector<1x544xf32>
    %mul3A_127 = arith.mulf %slice3A_126, %reshape3A_17 : vector<1x544xf32>
    %transpose3A_128 = tpu.transpose %mul3A_127, [1, 0] : vector<1x544xf32> -> vector<544x1xf32>
    %mul3A_129 = vector.broadcast %transpose3A_128 : vector<544x1xf32> to vector<544x68xf32>
    %mul3A_130 = arith.mulf %convert_element_type3A_26, %mul3A_129 : vector<544x68xf32>
    %reduce_sum3A_131 = arith.constant dense<0.000000e+00> : vector<68xf32>
    %reduce_sum3A_132 = vector.multi_reduction <add>, %mul3A_130, %reduce_sum3A_131 [0] : vector<544x68xf32> to vector<68xf32>
    %broadcast_in_dim3A_133 = vector.shape_cast %reduce_sum3A_132 : vector<68xf32> to vector<1x68xf32>
    %slice3A_134 = vector.extract_strided_slice %convert_element_type3A_54 {offsets = [10, 0], sizes = [1, 544], strides = [1, 1]} : vector<40x544xf32> to vector<1x544xf32>
    %mul3A_135 = arith.mulf %slice3A_134, %reshape3A_17 : vector<1x544xf32>
    %transpose3A_136 = tpu.transpose %mul3A_135, [1, 0] : vector<1x544xf32> -> vector<544x1xf32>
    %mul3A_137 = vector.broadcast %transpose3A_136 : vector<544x1xf32> to vector<544x68xf32>
    %mul3A_138 = arith.mulf %convert_element_type3A_26, %mul3A_137 : vector<544x68xf32>
    %reduce_sum3A_139 = arith.constant dense<0.000000e+00> : vector<68xf32>
    %reduce_sum3A_140 = vector.multi_reduction <add>, %mul3A_138, %reduce_sum3A_139 [0] : vector<544x68xf32> to vector<68xf32>
    %broadcast_in_dim3A_141 = vector.shape_cast %reduce_sum3A_140 : vector<68xf32> to vector<1x68xf32>
    %slice3A_142 = vector.extract_strided_slice %convert_element_type3A_54 {offsets = [11, 0], sizes = [1, 544], strides = [1, 1]} : vector<40x544xf32> to vector<1x544xf32>
    %mul3A_143 = arith.mulf %slice3A_142, %reshape3A_17 : vector<1x544xf32>
    %transpose3A_144 = tpu.transpose %mul3A_143, [1, 0] : vector<1x544xf32> -> vector<544x1xf32>
    %mul3A_145 = vector.broadcast %transpose3A_144 : vector<544x1xf32> to vector<544x68xf32>
    %mul3A_146 = arith.mulf %convert_element_type3A_26, %mul3A_145 : vector<544x68xf32>
    %reduce_sum3A_147 = arith.constant dense<0.000000e+00> : vector<68xf32>
    %reduce_sum3A_148 = vector.multi_reduction <add>, %mul3A_146, %reduce_sum3A_147 [0] : vector<544x68xf32> to vector<68xf32>
    %broadcast_in_dim3A_149 = vector.shape_cast %reduce_sum3A_148 : vector<68xf32> to vector<1x68xf32>
    %slice3A_150 = vector.extract_strided_slice %convert_element_type3A_54 {offsets = [12, 0], sizes = [1, 544], strides = [1, 1]} : vector<40x544xf32> to vector<1x544xf32>
    %mul3A_151 = arith.mulf %slice3A_150, %reshape3A_17 : vector<1x544xf32>
    %transpose3A_152 = tpu.transpose %mul3A_151, [1, 0] : vector<1x544xf32> -> vector<544x1xf32>
    %mul3A_153 = vector.broadcast %transpose3A_152 : vector<544x1xf32> to vector<544x68xf32>
    %mul3A_154 = arith.mulf %convert_element_type3A_26, %mul3A_153 : vector<544x68xf32>
    %reduce_sum3A_155 = arith.constant dense<0.000000e+00> : vector<68xf32>
    %reduce_sum3A_156 = vector.multi_reduction <add>, %mul3A_154, %reduce_sum3A_155 [0] : vector<544x68xf32> to vector<68xf32>
    %broadcast_in_dim3A_157 = vector.shape_cast %reduce_sum3A_156 : vector<68xf32> to vector<1x68xf32>
    %slice3A_158 = vector.extract_strided_slice %convert_element_type3A_54 {offsets = [13, 0], sizes = [1, 544], strides = [1, 1]} : vector<40x544xf32> to vector<1x544xf32>
    %mul3A_159 = arith.mulf %slice3A_158, %reshape3A_17 : vector<1x544xf32>
    %transpose3A_160 = tpu.transpose %mul3A_159, [1, 0] : vector<1x544xf32> -> vector<544x1xf32>
    %mul3A_161 = vector.broadcast %transpose3A_160 : vector<544x1xf32> to vector<544x68xf32>
    %mul3A_162 = arith.mulf %convert_element_type3A_26, %mul3A_161 : vector<544x68xf32>
    %reduce_sum3A_163 = arith.constant dense<0.000000e+00> : vector<68xf32>
    %reduce_sum3A_164 = vector.multi_reduction <add>, %mul3A_162, %reduce_sum3A_163 [0] : vector<544x68xf32> to vector<68xf32>
    %broadcast_in_dim3A_165 = vector.shape_cast %reduce_sum3A_164 : vector<68xf32> to vector<1x68xf32>
    %slice3A_166 = vector.extract_strided_slice %convert_element_type3A_54 {offsets = [14, 0], sizes = [1, 544], strides = [1, 1]} : vector<40x544xf32> to vector<1x544xf32>
    %mul3A_167 = arith.mulf %slice3A_166, %reshape3A_17 : vector<1x544xf32>
    %transpose3A_168 = tpu.transpose %mul3A_167, [1, 0] : vector<1x544xf32> -> vector<544x1xf32>
    %mul3A_169 = vector.broadcast %transpose3A_168 : vector<544x1xf32> to vector<544x68xf32>
    %mul3A_170 = arith.mulf %convert_element_type3A_26, %mul3A_169 : vector<544x68xf32>
    %reduce_sum3A_171 = arith.constant dense<0.000000e+00> : vector<68xf32>
    %reduce_sum3A_172 = vector.multi_reduction <add>, %mul3A_170, %reduce_sum3A_171 [0] : vector<544x68xf32> to vector<68xf32>
    %broadcast_in_dim3A_173 = vector.shape_cast %reduce_sum3A_172 : vector<68xf32> to vector<1x68xf32>
    %slice3A_174 = vector.extract_strided_slice %convert_element_type3A_54 {offsets = [15, 0], sizes = [1, 544], strides = [1, 1]} : vector<40x544xf32> to vector<1x544xf32>
    %mul3A_175 = arith.mulf %slice3A_174, %reshape3A_17 : vector<1x544xf32>
    %transpose3A_176 = tpu.transpose %mul3A_175, [1, 0] : vector<1x544xf32> -> vector<544x1xf32>
    %mul3A_177 = vector.broadcast %transpose3A_176 : vector<544x1xf32> to vector<544x68xf32>
    %mul3A_178 = arith.mulf %convert_element_type3A_26, %mul3A_177 : vector<544x68xf32>
    %reduce_sum3A_179 = arith.constant dense<0.000000e+00> : vector<68xf32>
    %reduce_sum3A_180 = vector.multi_reduction <add>, %mul3A_178, %reduce_sum3A_179 [0] : vector<544x68xf32> to vector<68xf32>
    %broadcast_in_dim3A_181 = vector.shape_cast %reduce_sum3A_180 : vector<68xf32> to vector<1x68xf32>
    %slice3A_182 = vector.extract_strided_slice %convert_element_type3A_54 {offsets = [16, 0], sizes = [1, 544], strides = [1, 1]} : vector<40x544xf32> to vector<1x544xf32>
    %mul3A_183 = arith.mulf %slice3A_182, %reshape3A_17 : vector<1x544xf32>
    %transpose3A_184 = tpu.transpose %mul3A_183, [1, 0] : vector<1x544xf32> -> vector<544x1xf32>
    %mul3A_185 = vector.broadcast %transpose3A_184 : vector<544x1xf32> to vector<544x68xf32>
    %mul3A_186 = arith.mulf %convert_element_type3A_26, %mul3A_185 : vector<544x68xf32>
    %reduce_sum3A_187 = arith.constant dense<0.000000e+00> : vector<68xf32>
    %reduce_sum3A_188 = vector.multi_reduction <add>, %mul3A_186, %reduce_sum3A_187 [0] : vector<544x68xf32> to vector<68xf32>
    %broadcast_in_dim3A_189 = vector.shape_cast %reduce_sum3A_188 : vector<68xf32> to vector<1x68xf32>
    %slice3A_190 = vector.extract_strided_slice %convert_element_type3A_54 {offsets = [17, 0], sizes = [1, 544], strides = [1, 1]} : vector<40x544xf32> to vector<1x544xf32>
    %mul3A_191 = arith.mulf %slice3A_190, %reshape3A_17 : vector<1x544xf32>
    %transpose3A_192 = tpu.transpose %mul3A_191, [1, 0] : vector<1x544xf32> -> vector<544x1xf32>
    %mul3A_193 = vector.broadcast %transpose3A_192 : vector<544x1xf32> to vector<544x68xf32>
    %mul3A_194 = arith.mulf %convert_element_type3A_26, %mul3A_193 : vector<544x68xf32>
    %reduce_sum3A_195 = arith.constant dense<0.000000e+00> : vector<68xf32>
    %reduce_sum3A_196 = vector.multi_reduction <add>, %mul3A_194, %reduce_sum3A_195 [0] : vector<544x68xf32> to vector<68xf32>
    %broadcast_in_dim3A_197 = vector.shape_cast %reduce_sum3A_196 : vector<68xf32> to vector<1x68xf32>
    %slice3A_198 = vector.extract_strided_slice %convert_element_type3A_54 {offsets = [18, 0], sizes = [1, 544], strides = [1, 1]} : vector<40x544xf32> to vector<1x544xf32>
    %mul3A_199 = arith.mulf %slice3A_198, %reshape3A_17 : vector<1x544xf32>
    %transpose3A_200 = tpu.transpose %mul3A_199, [1, 0] : vector<1x544xf32> -> vector<544x1xf32>
    %mul3A_201 = vector.broadcast %transpose3A_200 : vector<544x1xf32> to vector<544x68xf32>
    %mul3A_202 = arith.mulf %convert_element_type3A_26, %mul3A_201 : vector<544x68xf32>
    %reduce_sum3A_203 = arith.constant dense<0.000000e+00> : vector<68xf32>
    %reduce_sum3A_204 = vector.multi_reduction <add>, %mul3A_202, %reduce_sum3A_203 [0] : vector<544x68xf32> to vector<68xf32>
    %broadcast_in_dim3A_205 = vector.shape_cast %reduce_sum3A_204 : vector<68xf32> to vector<1x68xf32>
    %slice3A_206 = vector.extract_strided_slice %convert_element_type3A_54 {offsets = [19, 0], sizes = [1, 544], strides = [1, 1]} : vector<40x544xf32> to vector<1x544xf32>
    %mul3A_207 = arith.mulf %slice3A_206, %reshape3A_17 : vector<1x544xf32>
    %transpose3A_208 = tpu.transpose %mul3A_207, [1, 0] : vector<1x544xf32> -> vector<544x1xf32>
    %mul3A_209 = vector.broadcast %transpose3A_208 : vector<544x1xf32> to vector<544x68xf32>
    %mul3A_210 = arith.mulf %convert_element_type3A_26, %mul3A_209 : vector<544x68xf32>
    %reduce_sum3A_211 = arith.constant dense<0.000000e+00> : vector<68xf32>
    %reduce_sum3A_212 = vector.multi_reduction <add>, %mul3A_210, %reduce_sum3A_211 [0] : vector<544x68xf32> to vector<68xf32>
    %broadcast_in_dim3A_213 = vector.shape_cast %reduce_sum3A_212 : vector<68xf32> to vector<1x68xf32>
    %slice3A_214 = vector.extract_strided_slice %convert_element_type3A_54 {offsets = [20, 0], sizes = [1, 544], strides = [1, 1]} : vector<40x544xf32> to vector<1x544xf32>
    %mul3A_215 = arith.mulf %slice3A_214, %reshape3A_17 : vector<1x544xf32>
    %transpose3A_216 = tpu.transpose %mul3A_215, [1, 0] : vector<1x544xf32> -> vector<544x1xf32>
    %mul3A_217 = vector.broadcast %transpose3A_216 : vector<544x1xf32> to vector<544x68xf32>
    %mul3A_218 = arith.mulf %convert_element_type3A_26, %mul3A_217 : vector<544x68xf32>
    %reduce_sum3A_219 = arith.constant dense<0.000000e+00> : vector<68xf32>
    %reduce_sum3A_220 = vector.multi_reduction <add>, %mul3A_218, %reduce_sum3A_219 [0] : vector<544x68xf32> to vector<68xf32>
    %broadcast_in_dim3A_221 = vector.shape_cast %reduce_sum3A_220 : vector<68xf32> to vector<1x68xf32>
    %slice3A_222 = vector.extract_strided_slice %convert_element_type3A_54 {offsets = [21, 0], sizes = [1, 544], strides = [1, 1]} : vector<40x544xf32> to vector<1x544xf32>
    %mul3A_223 = arith.mulf %slice3A_222, %reshape3A_17 : vector<1x544xf32>
    %transpose3A_224 = tpu.transpose %mul3A_223, [1, 0] : vector<1x544xf32> -> vector<544x1xf32>
    %mul3A_225 = vector.broadcast %transpose3A_224 : vector<544x1xf32> to vector<544x68xf32>
    %mul3A_226 = arith.mulf %convert_element_type3A_26, %mul3A_225 : vector<544x68xf32>
    %reduce_sum3A_227 = arith.constant dense<0.000000e+00> : vector<68xf32>
    %reduce_sum3A_228 = vector.multi_reduction <add>, %mul3A_226, %reduce_sum3A_227 [0] : vector<544x68xf32> to vector<68xf32>
    %broadcast_in_dim3A_229 = vector.shape_cast %reduce_sum3A_228 : vector<68xf32> to vector<1x68xf32>
    %slice3A_230 = vector.extract_strided_slice %convert_element_type3A_54 {offsets = [22, 0], sizes = [1, 544], strides = [1, 1]} : vector<40x544xf32> to vector<1x544xf32>
    %mul3A_231 = arith.mulf %slice3A_230, %reshape3A_17 : vector<1x544xf32>
    %transpose3A_232 = tpu.transpose %mul3A_231, [1, 0] : vector<1x544xf32> -> vector<544x1xf32>
    %mul3A_233 = vector.broadcast %transpose3A_232 : vector<544x1xf32> to vector<544x68xf32>
    %mul3A_234 = arith.mulf %convert_element_type3A_26, %mul3A_233 : vector<544x68xf32>
    %reduce_sum3A_235 = arith.constant dense<0.000000e+00> : vector<68xf32>
    %reduce_sum3A_236 = vector.multi_reduction <add>, %mul3A_234, %reduce_sum3A_235 [0] : vector<544x68xf32> to vector<68xf32>
    %broadcast_in_dim3A_237 = vector.shape_cast %reduce_sum3A_236 : vector<68xf32> to vector<1x68xf32>
    %slice3A_238 = vector.extract_strided_slice %convert_element_type3A_54 {offsets = [23, 0], sizes = [1, 544], strides = [1, 1]} : vector<40x544xf32> to vector<1x544xf32>
    %mul3A_239 = arith.mulf %slice3A_238, %reshape3A_17 : vector<1x544xf32>
    %transpose3A_240 = tpu.transpose %mul3A_239, [1, 0] : vector<1x544xf32> -> vector<544x1xf32>
    %mul3A_241 = vector.broadcast %transpose3A_240 : vector<544x1xf32> to vector<544x68xf32>
    %mul3A_242 = arith.mulf %convert_element_type3A_26, %mul3A_241 : vector<544x68xf32>
    %reduce_sum3A_243 = arith.constant dense<0.000000e+00> : vector<68xf32>
    %reduce_sum3A_244 = vector.multi_reduction <add>, %mul3A_242, %reduce_sum3A_243 [0] : vector<544x68xf32> to vector<68xf32>
    %broadcast_in_dim3A_245 = vector.shape_cast %reduce_sum3A_244 : vector<68xf32> to vector<1x68xf32>
    %slice3A_246 = vector.extract_strided_slice %convert_element_type3A_54 {offsets = [24, 0], sizes = [1, 544], strides = [1, 1]} : vector<40x544xf32> to vector<1x544xf32>
    %mul3A_247 = arith.mulf %slice3A_246, %reshape3A_17 : vector<1x544xf32>
    %transpose3A_248 = tpu.transpose %mul3A_247, [1, 0] : vector<1x544xf32> -> vector<544x1xf32>
    %mul3A_249 = vector.broadcast %transpose3A_248 : vector<544x1xf32> to vector<544x68xf32>
    %mul3A_250 = arith.mulf %convert_element_type3A_26, %mul3A_249 : vector<544x68xf32>
    %reduce_sum3A_251 = arith.constant dense<0.000000e+00> : vector<68xf32>
    %reduce_sum3A_252 = vector.multi_reduction <add>, %mul3A_250, %reduce_sum3A_251 [0] : vector<544x68xf32> to vector<68xf32>
    %broadcast_in_dim3A_253 = vector.shape_cast %reduce_sum3A_252 : vector<68xf32> to vector<1x68xf32>
    %slice3A_254 = vector.extract_strided_slice %convert_element_type3A_54 {offsets = [25, 0], sizes = [1, 544], strides = [1, 1]} : vector<40x544xf32> to vector<1x544xf32>
    %mul3A_255 = arith.mulf %slice3A_254, %reshape3A_17 : vector<1x544xf32>
    %transpose3A_256 = tpu.transpose %mul3A_255, [1, 0] : vector<1x544xf32> -> vector<544x1xf32>
    %mul3A_257 = vector.broadcast %transpose3A_256 : vector<544x1xf32> to vector<544x68xf32>
    %mul3A_258 = arith.mulf %convert_element_type3A_26, %mul3A_257 : vector<544x68xf32>
    %reduce_sum3A_259 = arith.constant dense<0.000000e+00> : vector<68xf32>
    %reduce_sum3A_260 = vector.multi_reduction <add>, %mul3A_258, %reduce_sum3A_259 [0] : vector<544x68xf32> to vector<68xf32>
    %broadcast_in_dim3A_261 = vector.shape_cast %reduce_sum3A_260 : vector<68xf32> to vector<1x68xf32>
    %slice3A_262 = vector.extract_strided_slice %convert_element_type3A_54 {offsets = [26, 0], sizes = [1, 544], strides = [1, 1]} : vector<40x544xf32> to vector<1x544xf32>
    %mul3A_263 = arith.mulf %slice3A_262, %reshape3A_17 : vector<1x544xf32>
    %transpose3A_264 = tpu.transpose %mul3A_263, [1, 0] : vector<1x544xf32> -> vector<544x1xf32>
    %mul3A_265 = vector.broadcast %transpose3A_264 : vector<544x1xf32> to vector<544x68xf32>
    %mul3A_266 = arith.mulf %convert_element_type3A_26, %mul3A_265 : vector<544x68xf32>
    %reduce_sum3A_267 = arith.constant dense<0.000000e+00> : vector<68xf32>
    %reduce_sum3A_268 = vector.multi_reduction <add>, %mul3A_266, %reduce_sum3A_267 [0] : vector<544x68xf32> to vector<68xf32>
    %broadcast_in_dim3A_269 = vector.shape_cast %reduce_sum3A_268 : vector<68xf32> to vector<1x68xf32>
    %slice3A_270 = vector.extract_strided_slice %convert_element_type3A_54 {offsets = [27, 0], sizes = [1, 544], strides = [1, 1]} : vector<40x544xf32> to vector<1x544xf32>
    %mul3A_271 = arith.mulf %slice3A_270, %reshape3A_17 : vector<1x544xf32>
    %transpose3A_272 = tpu.transpose %mul3A_271, [1, 0] : vector<1x544xf32> -> vector<544x1xf32>
    %mul3A_273 = vector.broadcast %transpose3A_272 : vector<544x1xf32> to vector<544x68xf32>
    %mul3A_274 = arith.mulf %convert_element_type3A_26, %mul3A_273 : vector<544x68xf32>
    %reduce_sum3A_275 = arith.constant dense<0.000000e+00> : vector<68xf32>
    %reduce_sum3A_276 = vector.multi_reduction <add>, %mul3A_274, %reduce_sum3A_275 [0] : vector<544x68xf32> to vector<68xf32>
    %broadcast_in_dim3A_277 = vector.shape_cast %reduce_sum3A_276 : vector<68xf32> to vector<1x68xf32>
    %slice3A_278 = vector.extract_strided_slice %convert_element_type3A_54 {offsets = [28, 0], sizes = [1, 544], strides = [1, 1]} : vector<40x544xf32> to vector<1x544xf32>
    %mul3A_279 = arith.mulf %slice3A_278, %reshape3A_17 : vector<1x544xf32>
    %transpose3A_280 = tpu.transpose %mul3A_279, [1, 0] : vector<1x544xf32> -> vector<544x1xf32>
    %mul3A_281 = vector.broadcast %transpose3A_280 : vector<544x1xf32> to vector<544x68xf32>
    %mul3A_282 = arith.mulf %convert_element_type3A_26, %mul3A_281 : vector<544x68xf32>
    %reduce_sum3A_283 = arith.constant dense<0.000000e+00> : vector<68xf32>
    %reduce_sum3A_284 = vector.multi_reduction <add>, %mul3A_282, %reduce_sum3A_283 [0] : vector<544x68xf32> to vector<68xf32>
    %broadcast_in_dim3A_285 = vector.shape_cast %reduce_sum3A_284 : vector<68xf32> to vector<1x68xf32>
    %slice3A_286 = vector.extract_strided_slice %convert_element_type3A_54 {offsets = [29, 0], sizes = [1, 544], strides = [1, 1]} : vector<40x544xf32> to vector<1x544xf32>
    %mul3A_287 = arith.mulf %slice3A_286, %reshape3A_17 : vector<1x544xf32>
    %transpose3A_288 = tpu.transpose %mul3A_287, [1, 0] : vector<1x544xf32> -> vector<544x1xf32>
    %mul3A_289 = vector.broadcast %transpose3A_288 : vector<544x1xf32> to vector<544x68xf32>
    %mul3A_290 = arith.mulf %convert_element_type3A_26, %mul3A_289 : vector<544x68xf32>
    %reduce_sum3A_291 = arith.constant dense<0.000000e+00> : vector<68xf32>
    %reduce_sum3A_292 = vector.multi_reduction <add>, %mul3A_290, %reduce_sum3A_291 [0] : vector<544x68xf32> to vector<68xf32>
    %broadcast_in_dim3A_293 = vector.shape_cast %reduce_sum3A_292 : vector<68xf32> to vector<1x68xf32>
    %slice3A_294 = vector.extract_strided_slice %convert_element_type3A_54 {offsets = [30, 0], sizes = [1, 544], strides = [1, 1]} : vector<40x544xf32> to vector<1x544xf32>
    %mul3A_295 = arith.mulf %slice3A_294, %reshape3A_17 : vector<1x544xf32>
    %transpose3A_296 = tpu.transpose %mul3A_295, [1, 0] : vector<1x544xf32> -> vector<544x1xf32>
    %mul3A_297 = vector.broadcast %transpose3A_296 : vector<544x1xf32> to vector<544x68xf32>
    %mul3A_298 = arith.mulf %convert_element_type3A_26, %mul3A_297 : vector<544x68xf32>
    %reduce_sum3A_299 = arith.constant dense<0.000000e+00> : vector<68xf32>
    %reduce_sum3A_300 = vector.multi_reduction <add>, %mul3A_298, %reduce_sum3A_299 [0] : vector<544x68xf32> to vector<68xf32>
    %broadcast_in_dim3A_301 = vector.shape_cast %reduce_sum3A_300 : vector<68xf32> to vector<1x68xf32>
    %slice3A_302 = vector.extract_strided_slice %convert_element_type3A_54 {offsets = [31, 0], sizes = [1, 544], strides = [1, 1]} : vector<40x544xf32> to vector<1x544xf32>
    %mul3A_303 = arith.mulf %slice3A_302, %reshape3A_17 : vector<1x544xf32>
    %transpose3A_304 = tpu.transpose %mul3A_303, [1, 0] : vector<1x544xf32> -> vector<544x1xf32>
    %mul3A_305 = vector.broadcast %transpose3A_304 : vector<544x1xf32> to vector<544x68xf32>
    %mul3A_306 = arith.mulf %convert_element_type3A_26, %mul3A_305 : vector<544x68xf32>
    %reduce_sum3A_307 = arith.constant dense<0.000000e+00> : vector<68xf32>
    %reduce_sum3A_308 = vector.multi_reduction <add>, %mul3A_306, %reduce_sum3A_307 [0] : vector<544x68xf32> to vector<68xf32>
    %broadcast_in_dim3A_309 = vector.shape_cast %reduce_sum3A_308 : vector<68xf32> to vector<1x68xf32>
    %slice3A_310 = vector.extract_strided_slice %convert_element_type3A_54 {offsets = [32, 0], sizes = [1, 544], strides = [1, 1]} : vector<40x544xf32> to vector<1x544xf32>
    %mul3A_311 = arith.mulf %slice3A_310, %reshape3A_17 : vector<1x544xf32>
    %transpose3A_312 = tpu.transpose %mul3A_311, [1, 0] : vector<1x544xf32> -> vector<544x1xf32>
    %mul3A_313 = vector.broadcast %transpose3A_312 : vector<544x1xf32> to vector<544x68xf32>
    %mul3A_314 = arith.mulf %convert_element_type3A_26, %mul3A_313 : vector<544x68xf32>
    %reduce_sum3A_315 = arith.constant dense<0.000000e+00> : vector<68xf32>
    %reduce_sum3A_316 = vector.multi_reduction <add>, %mul3A_314, %reduce_sum3A_315 [0] : vector<544x68xf32> to vector<68xf32>
    %broadcast_in_dim3A_317 = vector.shape_cast %reduce_sum3A_316 : vector<68xf32> to vector<1x68xf32>
    %slice3A_318 = vector.extract_strided_slice %convert_element_type3A_54 {offsets = [33, 0], sizes = [1, 544], strides = [1, 1]} : vector<40x544xf32> to vector<1x544xf32>
    %mul3A_319 = arith.mulf %slice3A_318, %reshape3A_17 : vector<1x544xf32>
    %transpose3A_320 = tpu.transpose %mul3A_319, [1, 0] : vector<1x544xf32> -> vector<544x1xf32>
    %mul3A_321 = vector.broadcast %transpose3A_320 : vector<544x1xf32> to vector<544x68xf32>
    %mul3A_322 = arith.mulf %convert_element_type3A_26, %mul3A_321 : vector<544x68xf32>
    %reduce_sum3A_323 = arith.constant dense<0.000000e+00> : vector<68xf32>
    %reduce_sum3A_324 = vector.multi_reduction <add>, %mul3A_322, %reduce_sum3A_323 [0] : vector<544x68xf32> to vector<68xf32>
    %broadcast_in_dim3A_325 = vector.shape_cast %reduce_sum3A_324 : vector<68xf32> to vector<1x68xf32>
    %slice3A_326 = vector.extract_strided_slice %convert_element_type3A_54 {offsets = [34, 0], sizes = [1, 544], strides = [1, 1]} : vector<40x544xf32> to vector<1x544xf32>
    %mul3A_327 = arith.mulf %slice3A_326, %reshape3A_17 : vector<1x544xf32>
    %transpose3A_328 = tpu.transpose %mul3A_327, [1, 0] : vector<1x544xf32> -> vector<544x1xf32>
    %mul3A_329 = vector.broadcast %transpose3A_328 : vector<544x1xf32> to vector<544x68xf32>
    %mul3A_330 = arith.mulf %convert_element_type3A_26, %mul3A_329 : vector<544x68xf32>
    %reduce_sum3A_331 = arith.constant dense<0.000000e+00> : vector<68xf32>
    %reduce_sum3A_332 = vector.multi_reduction <add>, %mul3A_330, %reduce_sum3A_331 [0] : vector<544x68xf32> to vector<68xf32>
    %broadcast_in_dim3A_333 = vector.shape_cast %reduce_sum3A_332 : vector<68xf32> to vector<1x68xf32>
    %slice3A_334 = vector.extract_strided_slice %convert_element_type3A_54 {offsets = [35, 0], sizes = [1, 544], strides = [1, 1]} : vector<40x544xf32> to vector<1x544xf32>
    %mul3A_335 = arith.mulf %slice3A_334, %reshape3A_17 : vector<1x544xf32>
    %transpose3A_336 = tpu.transpose %mul3A_335, [1, 0] : vector<1x544xf32> -> vector<544x1xf32>
    %mul3A_337 = vector.broadcast %transpose3A_336 : vector<544x1xf32> to vector<544x68xf32>
    %mul3A_338 = arith.mulf %convert_element_type3A_26, %mul3A_337 : vector<544x68xf32>
    %reduce_sum3A_339 = arith.constant dense<0.000000e+00> : vector<68xf32>
    %reduce_sum3A_340 = vector.multi_reduction <add>, %mul3A_338, %reduce_sum3A_339 [0] : vector<544x68xf32> to vector<68xf32>
    %broadcast_in_dim3A_341 = vector.shape_cast %reduce_sum3A_340 : vector<68xf32> to vector<1x68xf32>
    %slice3A_342 = vector.extract_strided_slice %convert_element_type3A_54 {offsets = [36, 0], sizes = [1, 544], strides = [1, 1]} : vector<40x544xf32> to vector<1x544xf32>
    %mul3A_343 = arith.mulf %slice3A_342, %reshape3A_17 : vector<1x544xf32>
    %transpose3A_344 = tpu.transpose %mul3A_343, [1, 0] : vector<1x544xf32> -> vector<544x1xf32>
    %mul3A_345 = vector.broadcast %transpose3A_344 : vector<544x1xf32> to vector<544x68xf32>
    %mul3A_346 = arith.mulf %convert_element_type3A_26, %mul3A_345 : vector<544x68xf32>
    %reduce_sum3A_347 = arith.constant dense<0.000000e+00> : vector<68xf32>
    %reduce_sum3A_348 = vector.multi_reduction <add>, %mul3A_346, %reduce_sum3A_347 [0] : vector<544x68xf32> to vector<68xf32>
    %broadcast_in_dim3A_349 = vector.shape_cast %reduce_sum3A_348 : vector<68xf32> to vector<1x68xf32>
    %slice3A_350 = vector.extract_strided_slice %convert_element_type3A_54 {offsets = [37, 0], sizes = [1, 544], strides = [1, 1]} : vector<40x544xf32> to vector<1x544xf32>
    %mul3A_351 = arith.mulf %slice3A_350, %reshape3A_17 : vector<1x544xf32>
    %transpose3A_352 = tpu.transpose %mul3A_351, [1, 0] : vector<1x544xf32> -> vector<544x1xf32>
    %mul3A_353 = vector.broadcast %transpose3A_352 : vector<544x1xf32> to vector<544x68xf32>
    %mul3A_354 = arith.mulf %convert_element_type3A_26, %mul3A_353 : vector<544x68xf32>
    %reduce_sum3A_355 = arith.constant dense<0.000000e+00> : vector<68xf32>
    %reduce_sum3A_356 = vector.multi_reduction <add>, %mul3A_354, %reduce_sum3A_355 [0] : vector<544x68xf32> to vector<68xf32>
    %broadcast_in_dim3A_357 = vector.shape_cast %reduce_sum3A_356 : vector<68xf32> to vector<1x68xf32>
    %slice3A_358 = vector.extract_strided_slice %convert_element_type3A_54 {offsets = [38, 0], sizes = [1, 544], strides = [1, 1]} : vector<40x544xf32> to vector<1x544xf32>
    %mul3A_359 = arith.mulf %slice3A_358, %reshape3A_17 : vector<1x544xf32>
    %transpose3A_360 = tpu.transpose %mul3A_359, [1, 0] : vector<1x544xf32> -> vector<544x1xf32>
    %mul3A_361 = vector.broadcast %transpose3A_360 : vector<544x1xf32> to vector<544x68xf32>
    %mul3A_362 = arith.mulf %convert_element_type3A_26, %mul3A_361 : vector<544x68xf32>
    %reduce_sum3A_363 = arith.constant dense<0.000000e+00> : vector<68xf32>
    %reduce_sum3A_364 = vector.multi_reduction <add>, %mul3A_362, %reduce_sum3A_363 [0] : vector<544x68xf32> to vector<68xf32>
    %broadcast_in_dim3A_365 = vector.shape_cast %reduce_sum3A_364 : vector<68xf32> to vector<1x68xf32>
    %slice3A_366 = vector.extract_strided_slice %convert_element_type3A_54 {offsets = [39, 0], sizes = [1, 544], strides = [1, 1]} : vector<40x544xf32> to vector<1x544xf32>
    %mul3A_367 = arith.mulf %slice3A_366, %reshape3A_17 : vector<1x544xf32>
    %transpose3A_368 = tpu.transpose %mul3A_367, [1, 0] : vector<1x544xf32> -> vector<544x1xf32>
    %mul3A_369 = vector.broadcast %transpose3A_368 : vector<544x1xf32> to vector<544x68xf32>
    %mul3A_370 = arith.mulf %convert_element_type3A_26, %mul3A_369 : vector<544x68xf32>
    %reduce_sum3A_371 = arith.constant dense<0.000000e+00> : vector<68xf32>
    %reduce_sum3A_372 = vector.multi_reduction <add>, %mul3A_370, %reduce_sum3A_371 [0] : vector<544x68xf32> to vector<68xf32>
    %broadcast_in_dim3A_373 = vector.shape_cast %reduce_sum3A_372 : vector<68xf32> to vector<1x68xf32>
    %concatenate3A = tpu.concatenate %broadcast_in_dim3A_61, %broadcast_in_dim3A_69, %broadcast_in_dim3A_77, %broadcast_in_dim3A_85, %broadcast_in_dim3A_93, %broadcast_in_dim3A_101, %broadcast_in_dim3A_109, %broadcast_in_dim3A_117, %broadcast_in_dim3A_125, %broadcast_in_dim3A_133, %broadcast_in_dim3A_141, %broadcast_in_dim3A_149, %broadcast_in_dim3A_157, %broadcast_in_dim3A_165, %broadcast_in_dim3A_173, %broadcast_in_dim3A_181, %broadcast_in_dim3A_189, %broadcast_in_dim3A_197, %broadcast_in_dim3A_205, %broadcast_in_dim3A_213, %broadcast_in_dim3A_221, %broadcast_in_dim3A_229, %broadcast_in_dim3A_237, %broadcast_in_dim3A_245, %broadcast_in_dim3A_253, %broadcast_in_dim3A_261, %broadcast_in_dim3A_269, %broadcast_in_dim3A_277, %broadcast_in_dim3A_285, %broadcast_in_dim3A_293, %broadcast_in_dim3A_301, %broadcast_in_dim3A_309, %broadcast_in_dim3A_317, %broadcast_in_dim3A_325, %broadcast_in_dim3A_333, %broadcast_in_dim3A_341, %broadcast_in_dim3A_349, %broadcast_in_dim3A_357, %broadcast_in_dim3A_365, %broadcast_in_dim3A_373 in 0 : vector<1x68xf32>, vector<1x68xf32>, vector<1x68xf32>, vector<1x68xf32>, vector<1x68xf32>, vector<1x68xf32>, vector<1x68xf32>, vector<1x68xf32>, vector<1x68xf32>, vector<1x68xf32>, vector<1x68xf32>, vector<1x68xf32>, vector<1x68xf32>, vector<1x68xf32>, vector<1x68xf32>, vector<1x68xf32>, vector<1x68xf32>, vector<1x68xf32>, vector<1x68xf32>, vector<1x68xf32>, vector<1x68xf32>, vector<1x68xf32>, vector<1x68xf32>, vector<1x68xf32>, vector<1x68xf32>, vector<1x68xf32>, vector<1x68xf32>, vector<1x68xf32>, vector<1x68xf32>, vector<1x68xf32>, vector<1x68xf32>, vector<1x68xf32>, vector<1x68xf32>, vector<1x68xf32>, vector<1x68xf32>, vector<1x68xf32>, vector<1x68xf32>, vector<1x68xf32>, vector<1x68xf32>, vector<1x68xf32> -> vector<40x68xf32>
    %broadcast_in_dim3A_374 = arith.constant 0.000000e+00 : f32
    %broadcast_in_dim3A_375 = vector.broadcast %broadcast_in_dim3A_374 : f32 to vector<1x68xf32>
    %slice3A_376 = vector.extract_strided_slice %concatenate3A {offsets = [0, 0], sizes = [1, 68], strides = [1, 1]} : vector<40x68xf32> to vector<1x68xf32>
    %add3A = arith.addf %broadcast_in_dim3A_375, %slice3A_376 : vector<1x68xf32>
    %slice3A_377 = vector.extract_strided_slice %concatenate3A {offsets = [1, 0], sizes = [1, 68], strides = [1, 1]} : vector<40x68xf32> to vector<1x68xf32>
    %add3A_378 = arith.addf %add3A, %slice3A_377 : vector<1x68xf32>
    %slice3A_379 = vector.extract_strided_slice %concatenate3A {offsets = [2, 0], sizes = [1, 68], strides = [1, 1]} : vector<40x68xf32> to vector<1x68xf32>
    %add3A_380 = arith.addf %add3A_378, %slice3A_379 : vector<1x68xf32>
    %slice3A_381 = vector.extract_strided_slice %concatenate3A {offsets = [3, 0], sizes = [1, 68], strides = [1, 1]} : vector<40x68xf32> to vector<1x68xf32>
    %add3A_382 = arith.addf %add3A_380, %slice3A_381 : vector<1x68xf32>
    %slice3A_383 = vector.extract_strided_slice %concatenate3A {offsets = [4, 0], sizes = [1, 68], strides = [1, 1]} : vector<40x68xf32> to vector<1x68xf32>
    %add3A_384 = arith.addf %add3A_382, %slice3A_383 : vector<1x68xf32>
    %slice3A_385 = vector.extract_strided_slice %concatenate3A {offsets = [5, 0], sizes = [1, 68], strides = [1, 1]} : vector<40x68xf32> to vector<1x68xf32>
    %add3A_386 = arith.addf %add3A_384, %slice3A_385 : vector<1x68xf32>
    %slice3A_387 = vector.extract_strided_slice %concatenate3A {offsets = [6, 0], sizes = [1, 68], strides = [1, 1]} : vector<40x68xf32> to vector<1x68xf32>
    %add3A_388 = arith.addf %add3A_386, %slice3A_387 : vector<1x68xf32>
    %slice3A_389 = vector.extract_strided_slice %concatenate3A {offsets = [7, 0], sizes = [1, 68], strides = [1, 1]} : vector<40x68xf32> to vector<1x68xf32>
    %add3A_390 = arith.addf %add3A_388, %slice3A_389 : vector<1x68xf32>
    %slice3A_391 = vector.extract_strided_slice %concatenate3A {offsets = [8, 0], sizes = [1, 68], strides = [1, 1]} : vector<40x68xf32> to vector<1x68xf32>
    %add3A_392 = arith.addf %add3A_390, %slice3A_391 : vector<1x68xf32>
    %slice3A_393 = vector.extract_strided_slice %concatenate3A {offsets = [9, 0], sizes = [1, 68], strides = [1, 1]} : vector<40x68xf32> to vector<1x68xf32>
    %add3A_394 = arith.addf %add3A_392, %slice3A_393 : vector<1x68xf32>
    %slice3A_395 = vector.extract_strided_slice %concatenate3A {offsets = [10, 0], sizes = [1, 68], strides = [1, 1]} : vector<40x68xf32> to vector<1x68xf32>
    %add3A_396 = arith.addf %add3A_394, %slice3A_395 : vector<1x68xf32>
    %slice3A_397 = vector.extract_strided_slice %concatenate3A {offsets = [11, 0], sizes = [1, 68], strides = [1, 1]} : vector<40x68xf32> to vector<1x68xf32>
    %add3A_398 = arith.addf %add3A_396, %slice3A_397 : vector<1x68xf32>
    %slice3A_399 = vector.extract_strided_slice %concatenate3A {offsets = [12, 0], sizes = [1, 68], strides = [1, 1]} : vector<40x68xf32> to vector<1x68xf32>
    %add3A_400 = arith.addf %add3A_398, %slice3A_399 : vector<1x68xf32>
    %slice3A_401 = vector.extract_strided_slice %concatenate3A {offsets = [13, 0], sizes = [1, 68], strides = [1, 1]} : vector<40x68xf32> to vector<1x68xf32>
    %add3A_402 = arith.addf %add3A_400, %slice3A_401 : vector<1x68xf32>
    %slice3A_403 = vector.extract_strided_slice %concatenate3A {offsets = [14, 0], sizes = [1, 68], strides = [1, 1]} : vector<40x68xf32> to vector<1x68xf32>
    %add3A_404 = arith.addf %add3A_402, %slice3A_403 : vector<1x68xf32>
    %slice3A_405 = vector.extract_strided_slice %concatenate3A {offsets = [15, 0], sizes = [1, 68], strides = [1, 1]} : vector<40x68xf32> to vector<1x68xf32>
    %add3A_406 = arith.addf %add3A_404, %slice3A_405 : vector<1x68xf32>
    %slice3A_407 = vector.extract_strided_slice %concatenate3A {offsets = [16, 0], sizes = [1, 68], strides = [1, 1]} : vector<40x68xf32> to vector<1x68xf32>
    %add3A_408 = arith.addf %add3A_406, %slice3A_407 : vector<1x68xf32>
    %slice3A_409 = vector.extract_strided_slice %concatenate3A {offsets = [17, 0], sizes = [1, 68], strides = [1, 1]} : vector<40x68xf32> to vector<1x68xf32>
    %add3A_410 = arith.addf %add3A_408, %slice3A_409 : vector<1x68xf32>
    %slice3A_411 = vector.extract_strided_slice %concatenate3A {offsets = [18, 0], sizes = [1, 68], strides = [1, 1]} : vector<40x68xf32> to vector<1x68xf32>
    %add3A_412 = arith.addf %add3A_410, %slice3A_411 : vector<1x68xf32>
    %slice3A_413 = vector.extract_strided_slice %concatenate3A {offsets = [19, 0], sizes = [1, 68], strides = [1, 1]} : vector<40x68xf32> to vector<1x68xf32>
    %add3A_414 = arith.addf %add3A_412, %slice3A_413 : vector<1x68xf32>
    %slice3A_415 = vector.extract_strided_slice %concatenate3A {offsets = [20, 0], sizes = [1, 68], strides = [1, 1]} : vector<40x68xf32> to vector<1x68xf32>
    %add3A_416 = arith.addf %add3A_414, %slice3A_415 : vector<1x68xf32>
    %slice3A_417 = vector.extract_strided_slice %concatenate3A {offsets = [21, 0], sizes = [1, 68], strides = [1, 1]} : vector<40x68xf32> to vector<1x68xf32>
    %add3A_418 = arith.addf %add3A_416, %slice3A_417 : vector<1x68xf32>
    %slice3A_419 = vector.extract_strided_slice %concatenate3A {offsets = [22, 0], sizes = [1, 68], strides = [1, 1]} : vector<40x68xf32> to vector<1x68xf32>
    %add3A_420 = arith.addf %add3A_418, %slice3A_419 : vector<1x68xf32>
    %slice3A_421 = vector.extract_strided_slice %concatenate3A {offsets = [23, 0], sizes = [1, 68], strides = [1, 1]} : vector<40x68xf32> to vector<1x68xf32>
    %add3A_422 = arith.addf %add3A_420, %slice3A_421 : vector<1x68xf32>
    %slice3A_423 = vector.extract_strided_slice %concatenate3A {offsets = [24, 0], sizes = [1, 68], strides = [1, 1]} : vector<40x68xf32> to vector<1x68xf32>
    %add3A_424 = arith.addf %add3A_422, %slice3A_423 : vector<1x68xf32>
    %slice3A_425 = vector.extract_strided_slice %concatenate3A {offsets = [25, 0], sizes = [1, 68], strides = [1, 1]} : vector<40x68xf32> to vector<1x68xf32>
    %add3A_426 = arith.addf %add3A_424, %slice3A_425 : vector<1x68xf32>
    %slice3A_427 = vector.extract_strided_slice %concatenate3A {offsets = [26, 0], sizes = [1, 68], strides = [1, 1]} : vector<40x68xf32> to vector<1x68xf32>
    %add3A_428 = arith.addf %add3A_426, %slice3A_427 : vector<1x68xf32>
    %slice3A_429 = vector.extract_strided_slice %concatenate3A {offsets = [27, 0], sizes = [1, 68], strides = [1, 1]} : vector<40x68xf32> to vector<1x68xf32>
    %add3A_430 = arith.addf %add3A_428, %slice3A_429 : vector<1x68xf32>
    %slice3A_431 = vector.extract_strided_slice %concatenate3A {offsets = [28, 0], sizes = [1, 68], strides = [1, 1]} : vector<40x68xf32> to vector<1x68xf32>
    %add3A_432 = arith.addf %add3A_430, %slice3A_431 : vector<1x68xf32>
    %slice3A_433 = vector.extract_strided_slice %concatenate3A {offsets = [29, 0], sizes = [1, 68], strides = [1, 1]} : vector<40x68xf32> to vector<1x68xf32>
    %add3A_434 = arith.addf %add3A_432, %slice3A_433 : vector<1x68xf32>
    %slice3A_435 = vector.extract_strided_slice %concatenate3A {offsets = [30, 0], sizes = [1, 68], strides = [1, 1]} : vector<40x68xf32> to vector<1x68xf32>
    %add3A_436 = arith.addf %add3A_434, %slice3A_435 : vector<1x68xf32>
    %slice3A_437 = vector.extract_strided_slice %concatenate3A {offsets = [31, 0], sizes = [1, 68], strides = [1, 1]} : vector<40x68xf32> to vector<1x68xf32>
    %add3A_438 = arith.addf %add3A_436, %slice3A_437 : vector<1x68xf32>
    %slice3A_439 = vector.extract_strided_slice %concatenate3A {offsets = [32, 0], sizes = [1, 68], strides = [1, 1]} : vector<40x68xf32> to vector<1x68xf32>
    %add3A_440 = arith.addf %add3A_438, %slice3A_439 : vector<1x68xf32>
    %slice3A_441 = vector.extract_strided_slice %concatenate3A {offsets = [33, 0], sizes = [1, 68], strides = [1, 1]} : vector<40x68xf32> to vector<1x68xf32>
    %add3A_442 = arith.addf %add3A_440, %slice3A_441 : vector<1x68xf32>
    %slice3A_443 = vector.extract_strided_slice %concatenate3A {offsets = [34, 0], sizes = [1, 68], strides = [1, 1]} : vector<40x68xf32> to vector<1x68xf32>
    %add3A_444 = arith.addf %add3A_442, %slice3A_443 : vector<1x68xf32>
    %slice3A_445 = vector.extract_strided_slice %concatenate3A {offsets = [35, 0], sizes = [1, 68], strides = [1, 1]} : vector<40x68xf32> to vector<1x68xf32>
    %add3A_446 = arith.addf %add3A_444, %slice3A_445 : vector<1x68xf32>
    %slice3A_447 = vector.extract_strided_slice %concatenate3A {offsets = [36, 0], sizes = [1, 68], strides = [1, 1]} : vector<40x68xf32> to vector<1x68xf32>
    %add3A_448 = arith.addf %add3A_446, %slice3A_447 : vector<1x68xf32>
    %slice3A_449 = vector.extract_strided_slice %concatenate3A {offsets = [37, 0], sizes = [1, 68], strides = [1, 1]} : vector<40x68xf32> to vector<1x68xf32>
    %add3A_450 = arith.addf %add3A_448, %slice3A_449 : vector<1x68xf32>
    %slice3A_451 = vector.extract_strided_slice %concatenate3A {offsets = [38, 0], sizes = [1, 68], strides = [1, 1]} : vector<40x68xf32> to vector<1x68xf32>
    %add3A_452 = arith.addf %add3A_450, %slice3A_451 : vector<1x68xf32>
    %slice3A_453 = vector.extract_strided_slice %concatenate3A {offsets = [39, 0], sizes = [1, 68], strides = [1, 1]} : vector<40x68xf32> to vector<1x68xf32>
    %add3A_454 = arith.addf %add3A_452, %slice3A_453 : vector<1x68xf32>
    %add3A_455 = arith.constant 1.000000e+00 : f32
    %add3A_456 = vector.broadcast %add3A_455 : f32 to vector<1x68xf32>
    %add3A_457 = arith.addf %add3A_454, %add3A_456 : vector<1x68xf32>
    %gt3A = arith.constant 0.000000e+00 : f32
    %gt3A_458 = vector.broadcast %gt3A : f32 to vector<1x68xf32>
    %gt3A_459 = arith.cmpf ogt, %add3A_457, %gt3A_458 : vector<1x68xf32>
    %max3A = arith.constant 9.99999996E-13 : f32
    %max3A_460 = vector.broadcast %max3A : f32 to vector<1x68xf32>
    %max3A_461 = arith.maximumf %add3A_457, %max3A_460 : vector<1x68xf32>
    %rsqrt3A = math.rsqrt %max3A_461 : vector<1x68xf32>
    %jit3A = arith.constant 0.000000e+00 : f32
    %broadcast_in_dim3A_462 = vector.broadcast %jit3A : f32 to vector<1x68xf32>
    %select_n3A = arith.select %gt3A_459, %rsqrt3A, %broadcast_in_dim3A_462 : vector<1x68xi1>, vector<1x68xf32>
    %transpose3A_463 = tpu.transpose %select_n3A, [1, 0] : vector<1x68xf32> -> vector<68x1xf32>
    %mul3A_464 = vector.broadcast %transpose3A_463 : vector<68x1xf32> to vector<68x544xf32>
    %mul3A_465 = arith.mulf %convert_element_type3A_36, %mul3A_464 : vector<68x544xf32>
    %reduce_sum3A_466 = arith.constant dense<0.000000e+00> : vector<544xf32>
    %reduce_sum3A_467 = vector.multi_reduction <add>, %mul3A_465, %reduce_sum3A_466 [0] : vector<68x544xf32> to vector<544xf32>
    %broadcast_in_dim3A_468 = vector.shape_cast %reduce_sum3A_467 : vector<544xf32> to vector<1x544xf32>
    %mul3A_469 = vector.broadcast %transpose3A_463 : vector<68x1xf32> to vector<68x544xf32>
    %mul3A_470 = arith.mulf %convert_element_type3A_31, %mul3A_469 : vector<68x544xf32>
    %reduce_sum3A_471 = arith.constant dense<0.000000e+00> : vector<544xf32>
    %reduce_sum3A_472 = vector.multi_reduction <add>, %mul3A_470, %reduce_sum3A_471 [0] : vector<68x544xf32> to vector<544xf32>
    %broadcast_in_dim3A_473 = vector.shape_cast %reduce_sum3A_472 : vector<544xf32> to vector<1x544xf32>
    %mul3A_474 = arith.mulf %broadcast_in_dim3A_468, %reshape3A_17 : vector<1x544xf32>
    %mul3A_475 = arith.mulf %mul3A_474, %broadcast_in_dim3A_473 : vector<1x544xf32>
    %mul3A_476 = arith.mulf %transpose3A_463, %transpose3A_463 : vector<68x1xf32>
    %slice3A_477 = vector.extract_strided_slice %convert_element_type3A_54 {offsets = [0, 0], sizes = [1, 544], strides = [1, 1]} : vector<40x544xf32> to vector<1x544xf32>
    %mul3A_478 = arith.mulf %slice3A_477, %mul3A_475 : vector<1x544xf32>
    %transpose3A_479 = tpu.transpose %mul3A_478, [1, 0] : vector<1x544xf32> -> vector<544x1xf32>
    %mul3A_480 = vector.broadcast %transpose3A_479 : vector<544x1xf32> to vector<544x68xf32>
    %mul3A_481 = arith.mulf %convert_element_type3A_26, %mul3A_480 : vector<544x68xf32>
    %reduce_sum3A_482 = arith.constant dense<0.000000e+00> : vector<68xf32>
    %reduce_sum3A_483 = vector.multi_reduction <add>, %mul3A_481, %reduce_sum3A_482 [0] : vector<544x68xf32> to vector<68xf32>
    %broadcast_in_dim3A_484 = vector.shape_cast %reduce_sum3A_483 : vector<68xf32> to vector<1x68xf32>
    %slice3A_485 = vector.extract_strided_slice %convert_element_type3A_54 {offsets = [1, 0], sizes = [1, 544], strides = [1, 1]} : vector<40x544xf32> to vector<1x544xf32>
    %mul3A_486 = arith.mulf %slice3A_485, %mul3A_475 : vector<1x544xf32>
    %transpose3A_487 = tpu.transpose %mul3A_486, [1, 0] : vector<1x544xf32> -> vector<544x1xf32>
    %mul3A_488 = vector.broadcast %transpose3A_487 : vector<544x1xf32> to vector<544x68xf32>
    %mul3A_489 = arith.mulf %convert_element_type3A_26, %mul3A_488 : vector<544x68xf32>
    %reduce_sum3A_490 = arith.constant dense<0.000000e+00> : vector<68xf32>
    %reduce_sum3A_491 = vector.multi_reduction <add>, %mul3A_489, %reduce_sum3A_490 [0] : vector<544x68xf32> to vector<68xf32>
    %broadcast_in_dim3A_492 = vector.shape_cast %reduce_sum3A_491 : vector<68xf32> to vector<1x68xf32>
    %slice3A_493 = vector.extract_strided_slice %convert_element_type3A_54 {offsets = [2, 0], sizes = [1, 544], strides = [1, 1]} : vector<40x544xf32> to vector<1x544xf32>
    %mul3A_494 = arith.mulf %slice3A_493, %mul3A_475 : vector<1x544xf32>
    %transpose3A_495 = tpu.transpose %mul3A_494, [1, 0] : vector<1x544xf32> -> vector<544x1xf32>
    %mul3A_496 = vector.broadcast %transpose3A_495 : vector<544x1xf32> to vector<544x68xf32>
    %mul3A_497 = arith.mulf %convert_element_type3A_26, %mul3A_496 : vector<544x68xf32>
    %reduce_sum3A_498 = arith.constant dense<0.000000e+00> : vector<68xf32>
    %reduce_sum3A_499 = vector.multi_reduction <add>, %mul3A_497, %reduce_sum3A_498 [0] : vector<544x68xf32> to vector<68xf32>
    %broadcast_in_dim3A_500 = vector.shape_cast %reduce_sum3A_499 : vector<68xf32> to vector<1x68xf32>
    %slice3A_501 = vector.extract_strided_slice %convert_element_type3A_54 {offsets = [3, 0], sizes = [1, 544], strides = [1, 1]} : vector<40x544xf32> to vector<1x544xf32>
    %mul3A_502 = arith.mulf %slice3A_501, %mul3A_475 : vector<1x544xf32>
    %transpose3A_503 = tpu.transpose %mul3A_502, [1, 0] : vector<1x544xf32> -> vector<544x1xf32>
    %mul3A_504 = vector.broadcast %transpose3A_503 : vector<544x1xf32> to vector<544x68xf32>
    %mul3A_505 = arith.mulf %convert_element_type3A_26, %mul3A_504 : vector<544x68xf32>
    %reduce_sum3A_506 = arith.constant dense<0.000000e+00> : vector<68xf32>
    %reduce_sum3A_507 = vector.multi_reduction <add>, %mul3A_505, %reduce_sum3A_506 [0] : vector<544x68xf32> to vector<68xf32>
    %broadcast_in_dim3A_508 = vector.shape_cast %reduce_sum3A_507 : vector<68xf32> to vector<1x68xf32>
    %slice3A_509 = vector.extract_strided_slice %convert_element_type3A_54 {offsets = [4, 0], sizes = [1, 544], strides = [1, 1]} : vector<40x544xf32> to vector<1x544xf32>
    %mul3A_510 = arith.mulf %slice3A_509, %mul3A_475 : vector<1x544xf32>
    %transpose3A_511 = tpu.transpose %mul3A_510, [1, 0] : vector<1x544xf32> -> vector<544x1xf32>
    %mul3A_512 = vector.broadcast %transpose3A_511 : vector<544x1xf32> to vector<544x68xf32>
    %mul3A_513 = arith.mulf %convert_element_type3A_26, %mul3A_512 : vector<544x68xf32>
    %reduce_sum3A_514 = arith.constant dense<0.000000e+00> : vector<68xf32>
    %reduce_sum3A_515 = vector.multi_reduction <add>, %mul3A_513, %reduce_sum3A_514 [0] : vector<544x68xf32> to vector<68xf32>
    %broadcast_in_dim3A_516 = vector.shape_cast %reduce_sum3A_515 : vector<68xf32> to vector<1x68xf32>
    %slice3A_517 = vector.extract_strided_slice %convert_element_type3A_54 {offsets = [5, 0], sizes = [1, 544], strides = [1, 1]} : vector<40x544xf32> to vector<1x544xf32>
    %mul3A_518 = arith.mulf %slice3A_517, %mul3A_475 : vector<1x544xf32>
    %transpose3A_519 = tpu.transpose %mul3A_518, [1, 0] : vector<1x544xf32> -> vector<544x1xf32>
    %mul3A_520 = vector.broadcast %transpose3A_519 : vector<544x1xf32> to vector<544x68xf32>
    %mul3A_521 = arith.mulf %convert_element_type3A_26, %mul3A_520 : vector<544x68xf32>
    %reduce_sum3A_522 = arith.constant dense<0.000000e+00> : vector<68xf32>
    %reduce_sum3A_523 = vector.multi_reduction <add>, %mul3A_521, %reduce_sum3A_522 [0] : vector<544x68xf32> to vector<68xf32>
    %broadcast_in_dim3A_524 = vector.shape_cast %reduce_sum3A_523 : vector<68xf32> to vector<1x68xf32>
    %slice3A_525 = vector.extract_strided_slice %convert_element_type3A_54 {offsets = [6, 0], sizes = [1, 544], strides = [1, 1]} : vector<40x544xf32> to vector<1x544xf32>
    %mul3A_526 = arith.mulf %slice3A_525, %mul3A_475 : vector<1x544xf32>
    %transpose3A_527 = tpu.transpose %mul3A_526, [1, 0] : vector<1x544xf32> -> vector<544x1xf32>
    %mul3A_528 = vector.broadcast %transpose3A_527 : vector<544x1xf32> to vector<544x68xf32>
    %mul3A_529 = arith.mulf %convert_element_type3A_26, %mul3A_528 : vector<544x68xf32>
    %reduce_sum3A_530 = arith.constant dense<0.000000e+00> : vector<68xf32>
    %reduce_sum3A_531 = vector.multi_reduction <add>, %mul3A_529, %reduce_sum3A_530 [0] : vector<544x68xf32> to vector<68xf32>
    %broadcast_in_dim3A_532 = vector.shape_cast %reduce_sum3A_531 : vector<68xf32> to vector<1x68xf32>
    %slice3A_533 = vector.extract_strided_slice %convert_element_type3A_54 {offsets = [7, 0], sizes = [1, 544], strides = [1, 1]} : vector<40x544xf32> to vector<1x544xf32>
    %mul3A_534 = arith.mulf %slice3A_533, %mul3A_475 : vector<1x544xf32>
    %transpose3A_535 = tpu.transpose %mul3A_534, [1, 0] : vector<1x544xf32> -> vector<544x1xf32>
    %mul3A_536 = vector.broadcast %transpose3A_535 : vector<544x1xf32> to vector<544x68xf32>
    %mul3A_537 = arith.mulf %convert_element_type3A_26, %mul3A_536 : vector<544x68xf32>
    %reduce_sum3A_538 = arith.constant dense<0.000000e+00> : vector<68xf32>
    %reduce_sum3A_539 = vector.multi_reduction <add>, %mul3A_537, %reduce_sum3A_538 [0] : vector<544x68xf32> to vector<68xf32>
    %broadcast_in_dim3A_540 = vector.shape_cast %reduce_sum3A_539 : vector<68xf32> to vector<1x68xf32>
    %slice3A_541 = vector.extract_strided_slice %convert_element_type3A_54 {offsets = [8, 0], sizes = [1, 544], strides = [1, 1]} : vector<40x544xf32> to vector<1x544xf32>
    %mul3A_542 = arith.mulf %slice3A_541, %mul3A_475 : vector<1x544xf32>
    %transpose3A_543 = tpu.transpose %mul3A_542, [1, 0] : vector<1x544xf32> -> vector<544x1xf32>
    %mul3A_544 = vector.broadcast %transpose3A_543 : vector<544x1xf32> to vector<544x68xf32>
    %mul3A_545 = arith.mulf %convert_element_type3A_26, %mul3A_544 : vector<544x68xf32>
    %reduce_sum3A_546 = arith.constant dense<0.000000e+00> : vector<68xf32>
    %reduce_sum3A_547 = vector.multi_reduction <add>, %mul3A_545, %reduce_sum3A_546 [0] : vector<544x68xf32> to vector<68xf32>
    %broadcast_in_dim3A_548 = vector.shape_cast %reduce_sum3A_547 : vector<68xf32> to vector<1x68xf32>
    %slice3A_549 = vector.extract_strided_slice %convert_element_type3A_54 {offsets = [9, 0], sizes = [1, 544], strides = [1, 1]} : vector<40x544xf32> to vector<1x544xf32>
    %mul3A_550 = arith.mulf %slice3A_549, %mul3A_475 : vector<1x544xf32>
    %transpose3A_551 = tpu.transpose %mul3A_550, [1, 0] : vector<1x544xf32> -> vector<544x1xf32>
    %mul3A_552 = vector.broadcast %transpose3A_551 : vector<544x1xf32> to vector<544x68xf32>
    %mul3A_553 = arith.mulf %convert_element_type3A_26, %mul3A_552 : vector<544x68xf32>
    %reduce_sum3A_554 = arith.constant dense<0.000000e+00> : vector<68xf32>
    %reduce_sum3A_555 = vector.multi_reduction <add>, %mul3A_553, %reduce_sum3A_554 [0] : vector<544x68xf32> to vector<68xf32>
    %broadcast_in_dim3A_556 = vector.shape_cast %reduce_sum3A_555 : vector<68xf32> to vector<1x68xf32>
    %slice3A_557 = vector.extract_strided_slice %convert_element_type3A_54 {offsets = [10, 0], sizes = [1, 544], strides = [1, 1]} : vector<40x544xf32> to vector<1x544xf32>
    %mul3A_558 = arith.mulf %slice3A_557, %mul3A_475 : vector<1x544xf32>
    %transpose3A_559 = tpu.transpose %mul3A_558, [1, 0] : vector<1x544xf32> -> vector<544x1xf32>
    %mul3A_560 = vector.broadcast %transpose3A_559 : vector<544x1xf32> to vector<544x68xf32>
    %mul3A_561 = arith.mulf %convert_element_type3A_26, %mul3A_560 : vector<544x68xf32>
    %reduce_sum3A_562 = arith.constant dense<0.000000e+00> : vector<68xf32>
    %reduce_sum3A_563 = vector.multi_reduction <add>, %mul3A_561, %reduce_sum3A_562 [0] : vector<544x68xf32> to vector<68xf32>
    %broadcast_in_dim3A_564 = vector.shape_cast %reduce_sum3A_563 : vector<68xf32> to vector<1x68xf32>
    %slice3A_565 = vector.extract_strided_slice %convert_element_type3A_54 {offsets = [11, 0], sizes = [1, 544], strides = [1, 1]} : vector<40x544xf32> to vector<1x544xf32>
    %mul3A_566 = arith.mulf %slice3A_565, %mul3A_475 : vector<1x544xf32>
    %transpose3A_567 = tpu.transpose %mul3A_566, [1, 0] : vector<1x544xf32> -> vector<544x1xf32>
    %mul3A_568 = vector.broadcast %transpose3A_567 : vector<544x1xf32> to vector<544x68xf32>
    %mul3A_569 = arith.mulf %convert_element_type3A_26, %mul3A_568 : vector<544x68xf32>
    %reduce_sum3A_570 = arith.constant dense<0.000000e+00> : vector<68xf32>
    %reduce_sum3A_571 = vector.multi_reduction <add>, %mul3A_569, %reduce_sum3A_570 [0] : vector<544x68xf32> to vector<68xf32>
    %broadcast_in_dim3A_572 = vector.shape_cast %reduce_sum3A_571 : vector<68xf32> to vector<1x68xf32>
    %slice3A_573 = vector.extract_strided_slice %convert_element_type3A_54 {offsets = [12, 0], sizes = [1, 544], strides = [1, 1]} : vector<40x544xf32> to vector<1x544xf32>
    %mul3A_574 = arith.mulf %slice3A_573, %mul3A_475 : vector<1x544xf32>
    %transpose3A_575 = tpu.transpose %mul3A_574, [1, 0] : vector<1x544xf32> -> vector<544x1xf32>
    %mul3A_576 = vector.broadcast %transpose3A_575 : vector<544x1xf32> to vector<544x68xf32>
    %mul3A_577 = arith.mulf %convert_element_type3A_26, %mul3A_576 : vector<544x68xf32>
    %reduce_sum3A_578 = arith.constant dense<0.000000e+00> : vector<68xf32>
    %reduce_sum3A_579 = vector.multi_reduction <add>, %mul3A_577, %reduce_sum3A_578 [0] : vector<544x68xf32> to vector<68xf32>
    %broadcast_in_dim3A_580 = vector.shape_cast %reduce_sum3A_579 : vector<68xf32> to vector<1x68xf32>
    %slice3A_581 = vector.extract_strided_slice %convert_element_type3A_54 {offsets = [13, 0], sizes = [1, 544], strides = [1, 1]} : vector<40x544xf32> to vector<1x544xf32>
    %mul3A_582 = arith.mulf %slice3A_581, %mul3A_475 : vector<1x544xf32>
    %transpose3A_583 = tpu.transpose %mul3A_582, [1, 0] : vector<1x544xf32> -> vector<544x1xf32>
    %mul3A_584 = vector.broadcast %transpose3A_583 : vector<544x1xf32> to vector<544x68xf32>
    %mul3A_585 = arith.mulf %convert_element_type3A_26, %mul3A_584 : vector<544x68xf32>
    %reduce_sum3A_586 = arith.constant dense<0.000000e+00> : vector<68xf32>
    %reduce_sum3A_587 = vector.multi_reduction <add>, %mul3A_585, %reduce_sum3A_586 [0] : vector<544x68xf32> to vector<68xf32>
    %broadcast_in_dim3A_588 = vector.shape_cast %reduce_sum3A_587 : vector<68xf32> to vector<1x68xf32>
    %slice3A_589 = vector.extract_strided_slice %convert_element_type3A_54 {offsets = [14, 0], sizes = [1, 544], strides = [1, 1]} : vector<40x544xf32> to vector<1x544xf32>
    %mul3A_590 = arith.mulf %slice3A_589, %mul3A_475 : vector<1x544xf32>
    %transpose3A_591 = tpu.transpose %mul3A_590, [1, 0] : vector<1x544xf32> -> vector<544x1xf32>
    %mul3A_592 = vector.broadcast %transpose3A_591 : vector<544x1xf32> to vector<544x68xf32>
    %mul3A_593 = arith.mulf %convert_element_type3A_26, %mul3A_592 : vector<544x68xf32>
    %reduce_sum3A_594 = arith.constant dense<0.000000e+00> : vector<68xf32>
    %reduce_sum3A_595 = vector.multi_reduction <add>, %mul3A_593, %reduce_sum3A_594 [0] : vector<544x68xf32> to vector<68xf32>
    %broadcast_in_dim3A_596 = vector.shape_cast %reduce_sum3A_595 : vector<68xf32> to vector<1x68xf32>
    %slice3A_597 = vector.extract_strided_slice %convert_element_type3A_54 {offsets = [15, 0], sizes = [1, 544], strides = [1, 1]} : vector<40x544xf32> to vector<1x544xf32>
    %mul3A_598 = arith.mulf %slice3A_597, %mul3A_475 : vector<1x544xf32>
    %transpose3A_599 = tpu.transpose %mul3A_598, [1, 0] : vector<1x544xf32> -> vector<544x1xf32>
    %mul3A_600 = vector.broadcast %transpose3A_599 : vector<544x1xf32> to vector<544x68xf32>
    %mul3A_601 = arith.mulf %convert_element_type3A_26, %mul3A_600 : vector<544x68xf32>
    %reduce_sum3A_602 = arith.constant dense<0.000000e+00> : vector<68xf32>
    %reduce_sum3A_603 = vector.multi_reduction <add>, %mul3A_601, %reduce_sum3A_602 [0] : vector<544x68xf32> to vector<68xf32>
    %broadcast_in_dim3A_604 = vector.shape_cast %reduce_sum3A_603 : vector<68xf32> to vector<1x68xf32>
    %slice3A_605 = vector.extract_strided_slice %convert_element_type3A_54 {offsets = [16, 0], sizes = [1, 544], strides = [1, 1]} : vector<40x544xf32> to vector<1x544xf32>
    %mul3A_606 = arith.mulf %slice3A_605, %mul3A_475 : vector<1x544xf32>
    %transpose3A_607 = tpu.transpose %mul3A_606, [1, 0] : vector<1x544xf32> -> vector<544x1xf32>
    %mul3A_608 = vector.broadcast %transpose3A_607 : vector<544x1xf32> to vector<544x68xf32>
    %mul3A_609 = arith.mulf %convert_element_type3A_26, %mul3A_608 : vector<544x68xf32>
    %reduce_sum3A_610 = arith.constant dense<0.000000e+00> : vector<68xf32>
    %reduce_sum3A_611 = vector.multi_reduction <add>, %mul3A_609, %reduce_sum3A_610 [0] : vector<544x68xf32> to vector<68xf32>
    %broadcast_in_dim3A_612 = vector.shape_cast %reduce_sum3A_611 : vector<68xf32> to vector<1x68xf32>
    %slice3A_613 = vector.extract_strided_slice %convert_element_type3A_54 {offsets = [17, 0], sizes = [1, 544], strides = [1, 1]} : vector<40x544xf32> to vector<1x544xf32>
    %mul3A_614 = arith.mulf %slice3A_613, %mul3A_475 : vector<1x544xf32>
    %transpose3A_615 = tpu.transpose %mul3A_614, [1, 0] : vector<1x544xf32> -> vector<544x1xf32>
    %mul3A_616 = vector.broadcast %transpose3A_615 : vector<544x1xf32> to vector<544x68xf32>
    %mul3A_617 = arith.mulf %convert_element_type3A_26, %mul3A_616 : vector<544x68xf32>
    %reduce_sum3A_618 = arith.constant dense<0.000000e+00> : vector<68xf32>
    %reduce_sum3A_619 = vector.multi_reduction <add>, %mul3A_617, %reduce_sum3A_618 [0] : vector<544x68xf32> to vector<68xf32>
    %broadcast_in_dim3A_620 = vector.shape_cast %reduce_sum3A_619 : vector<68xf32> to vector<1x68xf32>
    %slice3A_621 = vector.extract_strided_slice %convert_element_type3A_54 {offsets = [18, 0], sizes = [1, 544], strides = [1, 1]} : vector<40x544xf32> to vector<1x544xf32>
    %mul3A_622 = arith.mulf %slice3A_621, %mul3A_475 : vector<1x544xf32>
    %transpose3A_623 = tpu.transpose %mul3A_622, [1, 0] : vector<1x544xf32> -> vector<544x1xf32>
    %mul3A_624 = vector.broadcast %transpose3A_623 : vector<544x1xf32> to vector<544x68xf32>
    %mul3A_625 = arith.mulf %convert_element_type3A_26, %mul3A_624 : vector<544x68xf32>
    %reduce_sum3A_626 = arith.constant dense<0.000000e+00> : vector<68xf32>
    %reduce_sum3A_627 = vector.multi_reduction <add>, %mul3A_625, %reduce_sum3A_626 [0] : vector<544x68xf32> to vector<68xf32>
    %broadcast_in_dim3A_628 = vector.shape_cast %reduce_sum3A_627 : vector<68xf32> to vector<1x68xf32>
    %slice3A_629 = vector.extract_strided_slice %convert_element_type3A_54 {offsets = [19, 0], sizes = [1, 544], strides = [1, 1]} : vector<40x544xf32> to vector<1x544xf32>
    %mul3A_630 = arith.mulf %slice3A_629, %mul3A_475 : vector<1x544xf32>
    %transpose3A_631 = tpu.transpose %mul3A_630, [1, 0] : vector<1x544xf32> -> vector<544x1xf32>
    %mul3A_632 = vector.broadcast %transpose3A_631 : vector<544x1xf32> to vector<544x68xf32>
    %mul3A_633 = arith.mulf %convert_element_type3A_26, %mul3A_632 : vector<544x68xf32>
    %reduce_sum3A_634 = arith.constant dense<0.000000e+00> : vector<68xf32>
    %reduce_sum3A_635 = vector.multi_reduction <add>, %mul3A_633, %reduce_sum3A_634 [0] : vector<544x68xf32> to vector<68xf32>
    %broadcast_in_dim3A_636 = vector.shape_cast %reduce_sum3A_635 : vector<68xf32> to vector<1x68xf32>
    %slice3A_637 = vector.extract_strided_slice %convert_element_type3A_54 {offsets = [20, 0], sizes = [1, 544], strides = [1, 1]} : vector<40x544xf32> to vector<1x544xf32>
    %mul3A_638 = arith.mulf %slice3A_637, %mul3A_475 : vector<1x544xf32>
    %transpose3A_639 = tpu.transpose %mul3A_638, [1, 0] : vector<1x544xf32> -> vector<544x1xf32>
    %mul3A_640 = vector.broadcast %transpose3A_639 : vector<544x1xf32> to vector<544x68xf32>
    %mul3A_641 = arith.mulf %convert_element_type3A_26, %mul3A_640 : vector<544x68xf32>
    %reduce_sum3A_642 = arith.constant dense<0.000000e+00> : vector<68xf32>
    %reduce_sum3A_643 = vector.multi_reduction <add>, %mul3A_641, %reduce_sum3A_642 [0] : vector<544x68xf32> to vector<68xf32>
    %broadcast_in_dim3A_644 = vector.shape_cast %reduce_sum3A_643 : vector<68xf32> to vector<1x68xf32>
    %slice3A_645 = vector.extract_strided_slice %convert_element_type3A_54 {offsets = [21, 0], sizes = [1, 544], strides = [1, 1]} : vector<40x544xf32> to vector<1x544xf32>
    %mul3A_646 = arith.mulf %slice3A_645, %mul3A_475 : vector<1x544xf32>
    %transpose3A_647 = tpu.transpose %mul3A_646, [1, 0] : vector<1x544xf32> -> vector<544x1xf32>
    %mul3A_648 = vector.broadcast %transpose3A_647 : vector<544x1xf32> to vector<544x68xf32>
    %mul3A_649 = arith.mulf %convert_element_type3A_26, %mul3A_648 : vector<544x68xf32>
    %reduce_sum3A_650 = arith.constant dense<0.000000e+00> : vector<68xf32>
    %reduce_sum3A_651 = vector.multi_reduction <add>, %mul3A_649, %reduce_sum3A_650 [0] : vector<544x68xf32> to vector<68xf32>
    %broadcast_in_dim3A_652 = vector.shape_cast %reduce_sum3A_651 : vector<68xf32> to vector<1x68xf32>
    %slice3A_653 = vector.extract_strided_slice %convert_element_type3A_54 {offsets = [22, 0], sizes = [1, 544], strides = [1, 1]} : vector<40x544xf32> to vector<1x544xf32>
    %mul3A_654 = arith.mulf %slice3A_653, %mul3A_475 : vector<1x544xf32>
    %transpose3A_655 = tpu.transpose %mul3A_654, [1, 0] : vector<1x544xf32> -> vector<544x1xf32>
    %mul3A_656 = vector.broadcast %transpose3A_655 : vector<544x1xf32> to vector<544x68xf32>
    %mul3A_657 = arith.mulf %convert_element_type3A_26, %mul3A_656 : vector<544x68xf32>
    %reduce_sum3A_658 = arith.constant dense<0.000000e+00> : vector<68xf32>
    %reduce_sum3A_659 = vector.multi_reduction <add>, %mul3A_657, %reduce_sum3A_658 [0] : vector<544x68xf32> to vector<68xf32>
    %broadcast_in_dim3A_660 = vector.shape_cast %reduce_sum3A_659 : vector<68xf32> to vector<1x68xf32>
    %slice3A_661 = vector.extract_strided_slice %convert_element_type3A_54 {offsets = [23, 0], sizes = [1, 544], strides = [1, 1]} : vector<40x544xf32> to vector<1x544xf32>
    %mul3A_662 = arith.mulf %slice3A_661, %mul3A_475 : vector<1x544xf32>
    %transpose3A_663 = tpu.transpose %mul3A_662, [1, 0] : vector<1x544xf32> -> vector<544x1xf32>
    %mul3A_664 = vector.broadcast %transpose3A_663 : vector<544x1xf32> to vector<544x68xf32>
    %mul3A_665 = arith.mulf %convert_element_type3A_26, %mul3A_664 : vector<544x68xf32>
    %reduce_sum3A_666 = arith.constant dense<0.000000e+00> : vector<68xf32>
    %reduce_sum3A_667 = vector.multi_reduction <add>, %mul3A_665, %reduce_sum3A_666 [0] : vector<544x68xf32> to vector<68xf32>
    %broadcast_in_dim3A_668 = vector.shape_cast %reduce_sum3A_667 : vector<68xf32> to vector<1x68xf32>
    %slice3A_669 = vector.extract_strided_slice %convert_element_type3A_54 {offsets = [24, 0], sizes = [1, 544], strides = [1, 1]} : vector<40x544xf32> to vector<1x544xf32>
    %mul3A_670 = arith.mulf %slice3A_669, %mul3A_475 : vector<1x544xf32>
    %transpose3A_671 = tpu.transpose %mul3A_670, [1, 0] : vector<1x544xf32> -> vector<544x1xf32>
    %mul3A_672 = vector.broadcast %transpose3A_671 : vector<544x1xf32> to vector<544x68xf32>
    %mul3A_673 = arith.mulf %convert_element_type3A_26, %mul3A_672 : vector<544x68xf32>
    %reduce_sum3A_674 = arith.constant dense<0.000000e+00> : vector<68xf32>
    %reduce_sum3A_675 = vector.multi_reduction <add>, %mul3A_673, %reduce_sum3A_674 [0] : vector<544x68xf32> to vector<68xf32>
    %broadcast_in_dim3A_676 = vector.shape_cast %reduce_sum3A_675 : vector<68xf32> to vector<1x68xf32>
    %slice3A_677 = vector.extract_strided_slice %convert_element_type3A_54 {offsets = [25, 0], sizes = [1, 544], strides = [1, 1]} : vector<40x544xf32> to vector<1x544xf32>
    %mul3A_678 = arith.mulf %slice3A_677, %mul3A_475 : vector<1x544xf32>
    %transpose3A_679 = tpu.transpose %mul3A_678, [1, 0] : vector<1x544xf32> -> vector<544x1xf32>
    %mul3A_680 = vector.broadcast %transpose3A_679 : vector<544x1xf32> to vector<544x68xf32>
    %mul3A_681 = arith.mulf %convert_element_type3A_26, %mul3A_680 : vector<544x68xf32>
    %reduce_sum3A_682 = arith.constant dense<0.000000e+00> : vector<68xf32>
    %reduce_sum3A_683 = vector.multi_reduction <add>, %mul3A_681, %reduce_sum3A_682 [0] : vector<544x68xf32> to vector<68xf32>
    %broadcast_in_dim3A_684 = vector.shape_cast %reduce_sum3A_683 : vector<68xf32> to vector<1x68xf32>
    %slice3A_685 = vector.extract_strided_slice %convert_element_type3A_54 {offsets = [26, 0], sizes = [1, 544], strides = [1, 1]} : vector<40x544xf32> to vector<1x544xf32>
    %mul3A_686 = arith.mulf %slice3A_685, %mul3A_475 : vector<1x544xf32>
    %transpose3A_687 = tpu.transpose %mul3A_686, [1, 0] : vector<1x544xf32> -> vector<544x1xf32>
    %mul3A_688 = vector.broadcast %transpose3A_687 : vector<544x1xf32> to vector<544x68xf32>
    %mul3A_689 = arith.mulf %convert_element_type3A_26, %mul3A_688 : vector<544x68xf32>
    %reduce_sum3A_690 = arith.constant dense<0.000000e+00> : vector<68xf32>
    %reduce_sum3A_691 = vector.multi_reduction <add>, %mul3A_689, %reduce_sum3A_690 [0] : vector<544x68xf32> to vector<68xf32>
    %broadcast_in_dim3A_692 = vector.shape_cast %reduce_sum3A_691 : vector<68xf32> to vector<1x68xf32>
    %slice3A_693 = vector.extract_strided_slice %convert_element_type3A_54 {offsets = [27, 0], sizes = [1, 544], strides = [1, 1]} : vector<40x544xf32> to vector<1x544xf32>
    %mul3A_694 = arith.mulf %slice3A_693, %mul3A_475 : vector<1x544xf32>
    %transpose3A_695 = tpu.transpose %mul3A_694, [1, 0] : vector<1x544xf32> -> vector<544x1xf32>
    %mul3A_696 = vector.broadcast %transpose3A_695 : vector<544x1xf32> to vector<544x68xf32>
    %mul3A_697 = arith.mulf %convert_element_type3A_26, %mul3A_696 : vector<544x68xf32>
    %reduce_sum3A_698 = arith.constant dense<0.000000e+00> : vector<68xf32>
    %reduce_sum3A_699 = vector.multi_reduction <add>, %mul3A_697, %reduce_sum3A_698 [0] : vector<544x68xf32> to vector<68xf32>
    %broadcast_in_dim3A_700 = vector.shape_cast %reduce_sum3A_699 : vector<68xf32> to vector<1x68xf32>
    %slice3A_701 = vector.extract_strided_slice %convert_element_type3A_54 {offsets = [28, 0], sizes = [1, 544], strides = [1, 1]} : vector<40x544xf32> to vector<1x544xf32>
    %mul3A_702 = arith.mulf %slice3A_701, %mul3A_475 : vector<1x544xf32>
    %transpose3A_703 = tpu.transpose %mul3A_702, [1, 0] : vector<1x544xf32> -> vector<544x1xf32>
    %mul3A_704 = vector.broadcast %transpose3A_703 : vector<544x1xf32> to vector<544x68xf32>
    %mul3A_705 = arith.mulf %convert_element_type3A_26, %mul3A_704 : vector<544x68xf32>
    %reduce_sum3A_706 = arith.constant dense<0.000000e+00> : vector<68xf32>
    %reduce_sum3A_707 = vector.multi_reduction <add>, %mul3A_705, %reduce_sum3A_706 [0] : vector<544x68xf32> to vector<68xf32>
    %broadcast_in_dim3A_708 = vector.shape_cast %reduce_sum3A_707 : vector<68xf32> to vector<1x68xf32>
    %slice3A_709 = vector.extract_strided_slice %convert_element_type3A_54 {offsets = [29, 0], sizes = [1, 544], strides = [1, 1]} : vector<40x544xf32> to vector<1x544xf32>
    %mul3A_710 = arith.mulf %slice3A_709, %mul3A_475 : vector<1x544xf32>
    %transpose3A_711 = tpu.transpose %mul3A_710, [1, 0] : vector<1x544xf32> -> vector<544x1xf32>
    %mul3A_712 = vector.broadcast %transpose3A_711 : vector<544x1xf32> to vector<544x68xf32>
    %mul3A_713 = arith.mulf %convert_element_type3A_26, %mul3A_712 : vector<544x68xf32>
    %reduce_sum3A_714 = arith.constant dense<0.000000e+00> : vector<68xf32>
    %reduce_sum3A_715 = vector.multi_reduction <add>, %mul3A_713, %reduce_sum3A_714 [0] : vector<544x68xf32> to vector<68xf32>
    %broadcast_in_dim3A_716 = vector.shape_cast %reduce_sum3A_715 : vector<68xf32> to vector<1x68xf32>
    %slice3A_717 = vector.extract_strided_slice %convert_element_type3A_54 {offsets = [30, 0], sizes = [1, 544], strides = [1, 1]} : vector<40x544xf32> to vector<1x544xf32>
    %mul3A_718 = arith.mulf %slice3A_717, %mul3A_475 : vector<1x544xf32>
    %transpose3A_719 = tpu.transpose %mul3A_718, [1, 0] : vector<1x544xf32> -> vector<544x1xf32>
    %mul3A_720 = vector.broadcast %transpose3A_719 : vector<544x1xf32> to vector<544x68xf32>
    %mul3A_721 = arith.mulf %convert_element_type3A_26, %mul3A_720 : vector<544x68xf32>
    %reduce_sum3A_722 = arith.constant dense<0.000000e+00> : vector<68xf32>
    %reduce_sum3A_723 = vector.multi_reduction <add>, %mul3A_721, %reduce_sum3A_722 [0] : vector<544x68xf32> to vector<68xf32>
    %broadcast_in_dim3A_724 = vector.shape_cast %reduce_sum3A_723 : vector<68xf32> to vector<1x68xf32>
    %slice3A_725 = vector.extract_strided_slice %convert_element_type3A_54 {offsets = [31, 0], sizes = [1, 544], strides = [1, 1]} : vector<40x544xf32> to vector<1x544xf32>
    %mul3A_726 = arith.mulf %slice3A_725, %mul3A_475 : vector<1x544xf32>
    %transpose3A_727 = tpu.transpose %mul3A_726, [1, 0] : vector<1x544xf32> -> vector<544x1xf32>
    %mul3A_728 = vector.broadcast %transpose3A_727 : vector<544x1xf32> to vector<544x68xf32>
    %mul3A_729 = arith.mulf %convert_element_type3A_26, %mul3A_728 : vector<544x68xf32>
    %reduce_sum3A_730 = arith.constant dense<0.000000e+00> : vector<68xf32>
    %reduce_sum3A_731 = vector.multi_reduction <add>, %mul3A_729, %reduce_sum3A_730 [0] : vector<544x68xf32> to vector<68xf32>
    %broadcast_in_dim3A_732 = vector.shape_cast %reduce_sum3A_731 : vector<68xf32> to vector<1x68xf32>
    %slice3A_733 = vector.extract_strided_slice %convert_element_type3A_54 {offsets = [32, 0], sizes = [1, 544], strides = [1, 1]} : vector<40x544xf32> to vector<1x544xf32>
    %mul3A_734 = arith.mulf %slice3A_733, %mul3A_475 : vector<1x544xf32>
    %transpose3A_735 = tpu.transpose %mul3A_734, [1, 0] : vector<1x544xf32> -> vector<544x1xf32>
    %mul3A_736 = vector.broadcast %transpose3A_735 : vector<544x1xf32> to vector<544x68xf32>
    %mul3A_737 = arith.mulf %convert_element_type3A_26, %mul3A_736 : vector<544x68xf32>
    %reduce_sum3A_738 = arith.constant dense<0.000000e+00> : vector<68xf32>
    %reduce_sum3A_739 = vector.multi_reduction <add>, %mul3A_737, %reduce_sum3A_738 [0] : vector<544x68xf32> to vector<68xf32>
    %broadcast_in_dim3A_740 = vector.shape_cast %reduce_sum3A_739 : vector<68xf32> to vector<1x68xf32>
    %slice3A_741 = vector.extract_strided_slice %convert_element_type3A_54 {offsets = [33, 0], sizes = [1, 544], strides = [1, 1]} : vector<40x544xf32> to vector<1x544xf32>
    %mul3A_742 = arith.mulf %slice3A_741, %mul3A_475 : vector<1x544xf32>
    %transpose3A_743 = tpu.transpose %mul3A_742, [1, 0] : vector<1x544xf32> -> vector<544x1xf32>
    %mul3A_744 = vector.broadcast %transpose3A_743 : vector<544x1xf32> to vector<544x68xf32>
    %mul3A_745 = arith.mulf %convert_element_type3A_26, %mul3A_744 : vector<544x68xf32>
    %reduce_sum3A_746 = arith.constant dense<0.000000e+00> : vector<68xf32>
    %reduce_sum3A_747 = vector.multi_reduction <add>, %mul3A_745, %reduce_sum3A_746 [0] : vector<544x68xf32> to vector<68xf32>
    %broadcast_in_dim3A_748 = vector.shape_cast %reduce_sum3A_747 : vector<68xf32> to vector<1x68xf32>
    %slice3A_749 = vector.extract_strided_slice %convert_element_type3A_54 {offsets = [34, 0], sizes = [1, 544], strides = [1, 1]} : vector<40x544xf32> to vector<1x544xf32>
    %mul3A_750 = arith.mulf %slice3A_749, %mul3A_475 : vector<1x544xf32>
    %transpose3A_751 = tpu.transpose %mul3A_750, [1, 0] : vector<1x544xf32> -> vector<544x1xf32>
    %mul3A_752 = vector.broadcast %transpose3A_751 : vector<544x1xf32> to vector<544x68xf32>
    %mul3A_753 = arith.mulf %convert_element_type3A_26, %mul3A_752 : vector<544x68xf32>
    %reduce_sum3A_754 = arith.constant dense<0.000000e+00> : vector<68xf32>
    %reduce_sum3A_755 = vector.multi_reduction <add>, %mul3A_753, %reduce_sum3A_754 [0] : vector<544x68xf32> to vector<68xf32>
    %broadcast_in_dim3A_756 = vector.shape_cast %reduce_sum3A_755 : vector<68xf32> to vector<1x68xf32>
    %slice3A_757 = vector.extract_strided_slice %convert_element_type3A_54 {offsets = [35, 0], sizes = [1, 544], strides = [1, 1]} : vector<40x544xf32> to vector<1x544xf32>
    %mul3A_758 = arith.mulf %slice3A_757, %mul3A_475 : vector<1x544xf32>
    %transpose3A_759 = tpu.transpose %mul3A_758, [1, 0] : vector<1x544xf32> -> vector<544x1xf32>
    %mul3A_760 = vector.broadcast %transpose3A_759 : vector<544x1xf32> to vector<544x68xf32>
    %mul3A_761 = arith.mulf %convert_element_type3A_26, %mul3A_760 : vector<544x68xf32>
    %reduce_sum3A_762 = arith.constant dense<0.000000e+00> : vector<68xf32>
    %reduce_sum3A_763 = vector.multi_reduction <add>, %mul3A_761, %reduce_sum3A_762 [0] : vector<544x68xf32> to vector<68xf32>
    %broadcast_in_dim3A_764 = vector.shape_cast %reduce_sum3A_763 : vector<68xf32> to vector<1x68xf32>
    %slice3A_765 = vector.extract_strided_slice %convert_element_type3A_54 {offsets = [36, 0], sizes = [1, 544], strides = [1, 1]} : vector<40x544xf32> to vector<1x544xf32>
    %mul3A_766 = arith.mulf %slice3A_765, %mul3A_475 : vector<1x544xf32>
    %transpose3A_767 = tpu.transpose %mul3A_766, [1, 0] : vector<1x544xf32> -> vector<544x1xf32>
    %mul3A_768 = vector.broadcast %transpose3A_767 : vector<544x1xf32> to vector<544x68xf32>
    %mul3A_769 = arith.mulf %convert_element_type3A_26, %mul3A_768 : vector<544x68xf32>
    %reduce_sum3A_770 = arith.constant dense<0.000000e+00> : vector<68xf32>
    %reduce_sum3A_771 = vector.multi_reduction <add>, %mul3A_769, %reduce_sum3A_770 [0] : vector<544x68xf32> to vector<68xf32>
    %broadcast_in_dim3A_772 = vector.shape_cast %reduce_sum3A_771 : vector<68xf32> to vector<1x68xf32>
    %slice3A_773 = vector.extract_strided_slice %convert_element_type3A_54 {offsets = [37, 0], sizes = [1, 544], strides = [1, 1]} : vector<40x544xf32> to vector<1x544xf32>
    %mul3A_774 = arith.mulf %slice3A_773, %mul3A_475 : vector<1x544xf32>
    %transpose3A_775 = tpu.transpose %mul3A_774, [1, 0] : vector<1x544xf32> -> vector<544x1xf32>
    %mul3A_776 = vector.broadcast %transpose3A_775 : vector<544x1xf32> to vector<544x68xf32>
    %mul3A_777 = arith.mulf %convert_element_type3A_26, %mul3A_776 : vector<544x68xf32>
    %reduce_sum3A_778 = arith.constant dense<0.000000e+00> : vector<68xf32>
    %reduce_sum3A_779 = vector.multi_reduction <add>, %mul3A_777, %reduce_sum3A_778 [0] : vector<544x68xf32> to vector<68xf32>
    %broadcast_in_dim3A_780 = vector.shape_cast %reduce_sum3A_779 : vector<68xf32> to vector<1x68xf32>
    %slice3A_781 = vector.extract_strided_slice %convert_element_type3A_54 {offsets = [38, 0], sizes = [1, 544], strides = [1, 1]} : vector<40x544xf32> to vector<1x544xf32>
    %mul3A_782 = arith.mulf %slice3A_781, %mul3A_475 : vector<1x544xf32>
    %transpose3A_783 = tpu.transpose %mul3A_782, [1, 0] : vector<1x544xf32> -> vector<544x1xf32>
    %mul3A_784 = vector.broadcast %transpose3A_783 : vector<544x1xf32> to vector<544x68xf32>
    %mul3A_785 = arith.mulf %convert_element_type3A_26, %mul3A_784 : vector<544x68xf32>
    %reduce_sum3A_786 = arith.constant dense<0.000000e+00> : vector<68xf32>
    %reduce_sum3A_787 = vector.multi_reduction <add>, %mul3A_785, %reduce_sum3A_786 [0] : vector<544x68xf32> to vector<68xf32>
    %broadcast_in_dim3A_788 = vector.shape_cast %reduce_sum3A_787 : vector<68xf32> to vector<1x68xf32>
    %slice3A_789 = vector.extract_strided_slice %convert_element_type3A_54 {offsets = [39, 0], sizes = [1, 544], strides = [1, 1]} : vector<40x544xf32> to vector<1x544xf32>
    %mul3A_790 = arith.mulf %slice3A_789, %mul3A_475 : vector<1x544xf32>
    %transpose3A_791 = tpu.transpose %mul3A_790, [1, 0] : vector<1x544xf32> -> vector<544x1xf32>
    %mul3A_792 = vector.broadcast %transpose3A_791 : vector<544x1xf32> to vector<544x68xf32>
    %mul3A_793 = arith.mulf %convert_element_type3A_26, %mul3A_792 : vector<544x68xf32>
    %reduce_sum3A_794 = arith.constant dense<0.000000e+00> : vector<68xf32>
    %reduce_sum3A_795 = vector.multi_reduction <add>, %mul3A_793, %reduce_sum3A_794 [0] : vector<544x68xf32> to vector<68xf32>
    %broadcast_in_dim3A_796 = vector.shape_cast %reduce_sum3A_795 : vector<68xf32> to vector<1x68xf32>
    %concatenate3A_797 = tpu.concatenate %broadcast_in_dim3A_484, %broadcast_in_dim3A_492, %broadcast_in_dim3A_500, %broadcast_in_dim3A_508, %broadcast_in_dim3A_516, %broadcast_in_dim3A_524, %broadcast_in_dim3A_532, %broadcast_in_dim3A_540, %broadcast_in_dim3A_548, %broadcast_in_dim3A_556, %broadcast_in_dim3A_564, %broadcast_in_dim3A_572, %broadcast_in_dim3A_580, %broadcast_in_dim3A_588, %broadcast_in_dim3A_596, %broadcast_in_dim3A_604, %broadcast_in_dim3A_612, %broadcast_in_dim3A_620, %broadcast_in_dim3A_628, %broadcast_in_dim3A_636, %broadcast_in_dim3A_644, %broadcast_in_dim3A_652, %broadcast_in_dim3A_660, %broadcast_in_dim3A_668, %broadcast_in_dim3A_676, %broadcast_in_dim3A_684, %broadcast_in_dim3A_692, %broadcast_in_dim3A_700, %broadcast_in_dim3A_708, %broadcast_in_dim3A_716, %broadcast_in_dim3A_724, %broadcast_in_dim3A_732, %broadcast_in_dim3A_740, %broadcast_in_dim3A_748, %broadcast_in_dim3A_756, %broadcast_in_dim3A_764, %broadcast_in_dim3A_772, %broadcast_in_dim3A_780, %broadcast_in_dim3A_788, %broadcast_in_dim3A_796 in 0 : vector<1x68xf32>, vector<1x68xf32>, vector<1x68xf32>, vector<1x68xf32>, vector<1x68xf32>, vector<1x68xf32>, vector<1x68xf32>, vector<1x68xf32>, vector<1x68xf32>, vector<1x68xf32>, vector<1x68xf32>, vector<1x68xf32>, vector<1x68xf32>, vector<1x68xf32>, vector<1x68xf32>, vector<1x68xf32>, vector<1x68xf32>, vector<1x68xf32>, vector<1x68xf32>, vector<1x68xf32>, vector<1x68xf32>, vector<1x68xf32>, vector<1x68xf32>, vector<1x68xf32>, vector<1x68xf32>, vector<1x68xf32>, vector<1x68xf32>, vector<1x68xf32>, vector<1x68xf32>, vector<1x68xf32>, vector<1x68xf32>, vector<1x68xf32>, vector<1x68xf32>, vector<1x68xf32>, vector<1x68xf32>, vector<1x68xf32>, vector<1x68xf32>, vector<1x68xf32>, vector<1x68xf32>, vector<1x68xf32> -> vector<40x68xf32>
    %convert_element_type3A_798 = arith.sitofp %reshape3A_12 : vector<1x544xi32> to vector<1x544xf32>
    %slice3A_799 = vector.extract_strided_slice %convert_element_type3A_54 {offsets = [0, 0], sizes = [1, 544], strides = [1, 1]} : vector<40x544xf32> to vector<1x544xf32>
    %mul3A_800 = arith.mulf %slice3A_799, %convert_element_type3A_798 : vector<1x544xf32>
    %transpose3A_801 = tpu.transpose %mul3A_800, [1, 0] : vector<1x544xf32> -> vector<544x1xf32>
    %mul3A_802 = vector.broadcast %transpose3A_801 : vector<544x1xf32> to vector<544x68xf32>
    %mul3A_803 = arith.mulf %convert_element_type3A_26, %mul3A_802 : vector<544x68xf32>
    %reduce_sum3A_804 = arith.constant dense<0.000000e+00> : vector<68xf32>
    %reduce_sum3A_805 = vector.multi_reduction <add>, %mul3A_803, %reduce_sum3A_804 [0] : vector<544x68xf32> to vector<68xf32>
    %broadcast_in_dim3A_806 = vector.shape_cast %reduce_sum3A_805 : vector<68xf32> to vector<1x68xf32>
    %slice3A_807 = vector.extract_strided_slice %convert_element_type3A_54 {offsets = [1, 0], sizes = [1, 544], strides = [1, 1]} : vector<40x544xf32> to vector<1x544xf32>
    %mul3A_808 = arith.mulf %slice3A_807, %convert_element_type3A_798 : vector<1x544xf32>
    %transpose3A_809 = tpu.transpose %mul3A_808, [1, 0] : vector<1x544xf32> -> vector<544x1xf32>
    %mul3A_810 = vector.broadcast %transpose3A_809 : vector<544x1xf32> to vector<544x68xf32>
    %mul3A_811 = arith.mulf %convert_element_type3A_26, %mul3A_810 : vector<544x68xf32>
    %reduce_sum3A_812 = arith.constant dense<0.000000e+00> : vector<68xf32>
    %reduce_sum3A_813 = vector.multi_reduction <add>, %mul3A_811, %reduce_sum3A_812 [0] : vector<544x68xf32> to vector<68xf32>
    %broadcast_in_dim3A_814 = vector.shape_cast %reduce_sum3A_813 : vector<68xf32> to vector<1x68xf32>
    %slice3A_815 = vector.extract_strided_slice %convert_element_type3A_54 {offsets = [2, 0], sizes = [1, 544], strides = [1, 1]} : vector<40x544xf32> to vector<1x544xf32>
    %mul3A_816 = arith.mulf %slice3A_815, %convert_element_type3A_798 : vector<1x544xf32>
    %transpose3A_817 = tpu.transpose %mul3A_816, [1, 0] : vector<1x544xf32> -> vector<544x1xf32>
    %mul3A_818 = vector.broadcast %transpose3A_817 : vector<544x1xf32> to vector<544x68xf32>
    %mul3A_819 = arith.mulf %convert_element_type3A_26, %mul3A_818 : vector<544x68xf32>
    %reduce_sum3A_820 = arith.constant dense<0.000000e+00> : vector<68xf32>
    %reduce_sum3A_821 = vector.multi_reduction <add>, %mul3A_819, %reduce_sum3A_820 [0] : vector<544x68xf32> to vector<68xf32>
    %broadcast_in_dim3A_822 = vector.shape_cast %reduce_sum3A_821 : vector<68xf32> to vector<1x68xf32>
    %slice3A_823 = vector.extract_strided_slice %convert_element_type3A_54 {offsets = [3, 0], sizes = [1, 544], strides = [1, 1]} : vector<40x544xf32> to vector<1x544xf32>
    %mul3A_824 = arith.mulf %slice3A_823, %convert_element_type3A_798 : vector<1x544xf32>
    %transpose3A_825 = tpu.transpose %mul3A_824, [1, 0] : vector<1x544xf32> -> vector<544x1xf32>
    %mul3A_826 = vector.broadcast %transpose3A_825 : vector<544x1xf32> to vector<544x68xf32>
    %mul3A_827 = arith.mulf %convert_element_type3A_26, %mul3A_826 : vector<544x68xf32>
    %reduce_sum3A_828 = arith.constant dense<0.000000e+00> : vector<68xf32>
    %reduce_sum3A_829 = vector.multi_reduction <add>, %mul3A_827, %reduce_sum3A_828 [0] : vector<544x68xf32> to vector<68xf32>
    %broadcast_in_dim3A_830 = vector.shape_cast %reduce_sum3A_829 : vector<68xf32> to vector<1x68xf32>
    %slice3A_831 = vector.extract_strided_slice %convert_element_type3A_54 {offsets = [4, 0], sizes = [1, 544], strides = [1, 1]} : vector<40x544xf32> to vector<1x544xf32>
    %mul3A_832 = arith.mulf %slice3A_831, %convert_element_type3A_798 : vector<1x544xf32>
    %transpose3A_833 = tpu.transpose %mul3A_832, [1, 0] : vector<1x544xf32> -> vector<544x1xf32>
    %mul3A_834 = vector.broadcast %transpose3A_833 : vector<544x1xf32> to vector<544x68xf32>
    %mul3A_835 = arith.mulf %convert_element_type3A_26, %mul3A_834 : vector<544x68xf32>
    %reduce_sum3A_836 = arith.constant dense<0.000000e+00> : vector<68xf32>
    %reduce_sum3A_837 = vector.multi_reduction <add>, %mul3A_835, %reduce_sum3A_836 [0] : vector<544x68xf32> to vector<68xf32>
    %broadcast_in_dim3A_838 = vector.shape_cast %reduce_sum3A_837 : vector<68xf32> to vector<1x68xf32>
    %slice3A_839 = vector.extract_strided_slice %convert_element_type3A_54 {offsets = [5, 0], sizes = [1, 544], strides = [1, 1]} : vector<40x544xf32> to vector<1x544xf32>
    %mul3A_840 = arith.mulf %slice3A_839, %convert_element_type3A_798 : vector<1x544xf32>
    %transpose3A_841 = tpu.transpose %mul3A_840, [1, 0] : vector<1x544xf32> -> vector<544x1xf32>
    %mul3A_842 = vector.broadcast %transpose3A_841 : vector<544x1xf32> to vector<544x68xf32>
    %mul3A_843 = arith.mulf %convert_element_type3A_26, %mul3A_842 : vector<544x68xf32>
    %reduce_sum3A_844 = arith.constant dense<0.000000e+00> : vector<68xf32>
    %reduce_sum3A_845 = vector.multi_reduction <add>, %mul3A_843, %reduce_sum3A_844 [0] : vector<544x68xf32> to vector<68xf32>
    %broadcast_in_dim3A_846 = vector.shape_cast %reduce_sum3A_845 : vector<68xf32> to vector<1x68xf32>
    %slice3A_847 = vector.extract_strided_slice %convert_element_type3A_54 {offsets = [6, 0], sizes = [1, 544], strides = [1, 1]} : vector<40x544xf32> to vector<1x544xf32>
    %mul3A_848 = arith.mulf %slice3A_847, %convert_element_type3A_798 : vector<1x544xf32>
    %transpose3A_849 = tpu.transpose %mul3A_848, [1, 0] : vector<1x544xf32> -> vector<544x1xf32>
    %mul3A_850 = vector.broadcast %transpose3A_849 : vector<544x1xf32> to vector<544x68xf32>
    %mul3A_851 = arith.mulf %convert_element_type3A_26, %mul3A_850 : vector<544x68xf32>
    %reduce_sum3A_852 = arith.constant dense<0.000000e+00> : vector<68xf32>
    %reduce_sum3A_853 = vector.multi_reduction <add>, %mul3A_851, %reduce_sum3A_852 [0] : vector<544x68xf32> to vector<68xf32>
    %broadcast_in_dim3A_854 = vector.shape_cast %reduce_sum3A_853 : vector<68xf32> to vector<1x68xf32>
    %slice3A_855 = vector.extract_strided_slice %convert_element_type3A_54 {offsets = [7, 0], sizes = [1, 544], strides = [1, 1]} : vector<40x544xf32> to vector<1x544xf32>
    %mul3A_856 = arith.mulf %slice3A_855, %convert_element_type3A_798 : vector<1x544xf32>
    %transpose3A_857 = tpu.transpose %mul3A_856, [1, 0] : vector<1x544xf32> -> vector<544x1xf32>
    %mul3A_858 = vector.broadcast %transpose3A_857 : vector<544x1xf32> to vector<544x68xf32>
    %mul3A_859 = arith.mulf %convert_element_type3A_26, %mul3A_858 : vector<544x68xf32>
    %reduce_sum3A_860 = arith.constant dense<0.000000e+00> : vector<68xf32>
    %reduce_sum3A_861 = vector.multi_reduction <add>, %mul3A_859, %reduce_sum3A_860 [0] : vector<544x68xf32> to vector<68xf32>
    %broadcast_in_dim3A_862 = vector.shape_cast %reduce_sum3A_861 : vector<68xf32> to vector<1x68xf32>
    %slice3A_863 = vector.extract_strided_slice %convert_element_type3A_54 {offsets = [8, 0], sizes = [1, 544], strides = [1, 1]} : vector<40x544xf32> to vector<1x544xf32>
    %mul3A_864 = arith.mulf %slice3A_863, %convert_element_type3A_798 : vector<1x544xf32>
    %transpose3A_865 = tpu.transpose %mul3A_864, [1, 0] : vector<1x544xf32> -> vector<544x1xf32>
    %mul3A_866 = vector.broadcast %transpose3A_865 : vector<544x1xf32> to vector<544x68xf32>
    %mul3A_867 = arith.mulf %convert_element_type3A_26, %mul3A_866 : vector<544x68xf32>
    %reduce_sum3A_868 = arith.constant dense<0.000000e+00> : vector<68xf32>
    %reduce_sum3A_869 = vector.multi_reduction <add>, %mul3A_867, %reduce_sum3A_868 [0] : vector<544x68xf32> to vector<68xf32>
    %broadcast_in_dim3A_870 = vector.shape_cast %reduce_sum3A_869 : vector<68xf32> to vector<1x68xf32>
    %slice3A_871 = vector.extract_strided_slice %convert_element_type3A_54 {offsets = [9, 0], sizes = [1, 544], strides = [1, 1]} : vector<40x544xf32> to vector<1x544xf32>
    %mul3A_872 = arith.mulf %slice3A_871, %convert_element_type3A_798 : vector<1x544xf32>
    %transpose3A_873 = tpu.transpose %mul3A_872, [1, 0] : vector<1x544xf32> -> vector<544x1xf32>
    %mul3A_874 = vector.broadcast %transpose3A_873 : vector<544x1xf32> to vector<544x68xf32>
    %mul3A_875 = arith.mulf %convert_element_type3A_26, %mul3A_874 : vector<544x68xf32>
    %reduce_sum3A_876 = arith.constant dense<0.000000e+00> : vector<68xf32>
    %reduce_sum3A_877 = vector.multi_reduction <add>, %mul3A_875, %reduce_sum3A_876 [0] : vector<544x68xf32> to vector<68xf32>
    %broadcast_in_dim3A_878 = vector.shape_cast %reduce_sum3A_877 : vector<68xf32> to vector<1x68xf32>
    %slice3A_879 = vector.extract_strided_slice %convert_element_type3A_54 {offsets = [10, 0], sizes = [1, 544], strides = [1, 1]} : vector<40x544xf32> to vector<1x544xf32>
    %mul3A_880 = arith.mulf %slice3A_879, %convert_element_type3A_798 : vector<1x544xf32>
    %transpose3A_881 = tpu.transpose %mul3A_880, [1, 0] : vector<1x544xf32> -> vector<544x1xf32>
    %mul3A_882 = vector.broadcast %transpose3A_881 : vector<544x1xf32> to vector<544x68xf32>
    %mul3A_883 = arith.mulf %convert_element_type3A_26, %mul3A_882 : vector<544x68xf32>
    %reduce_sum3A_884 = arith.constant dense<0.000000e+00> : vector<68xf32>
    %reduce_sum3A_885 = vector.multi_reduction <add>, %mul3A_883, %reduce_sum3A_884 [0] : vector<544x68xf32> to vector<68xf32>
    %broadcast_in_dim3A_886 = vector.shape_cast %reduce_sum3A_885 : vector<68xf32> to vector<1x68xf32>
    %slice3A_887 = vector.extract_strided_slice %convert_element_type3A_54 {offsets = [11, 0], sizes = [1, 544], strides = [1, 1]} : vector<40x544xf32> to vector<1x544xf32>
    %mul3A_888 = arith.mulf %slice3A_887, %convert_element_type3A_798 : vector<1x544xf32>
    %transpose3A_889 = tpu.transpose %mul3A_888, [1, 0] : vector<1x544xf32> -> vector<544x1xf32>
    %mul3A_890 = vector.broadcast %transpose3A_889 : vector<544x1xf32> to vector<544x68xf32>
    %mul3A_891 = arith.mulf %convert_element_type3A_26, %mul3A_890 : vector<544x68xf32>
    %reduce_sum3A_892 = arith.constant dense<0.000000e+00> : vector<68xf32>
    %reduce_sum3A_893 = vector.multi_reduction <add>, %mul3A_891, %reduce_sum3A_892 [0] : vector<544x68xf32> to vector<68xf32>
    %broadcast_in_dim3A_894 = vector.shape_cast %reduce_sum3A_893 : vector<68xf32> to vector<1x68xf32>
    %slice3A_895 = vector.extract_strided_slice %convert_element_type3A_54 {offsets = [12, 0], sizes = [1, 544], strides = [1, 1]} : vector<40x544xf32> to vector<1x544xf32>
    %mul3A_896 = arith.mulf %slice3A_895, %convert_element_type3A_798 : vector<1x544xf32>
    %transpose3A_897 = tpu.transpose %mul3A_896, [1, 0] : vector<1x544xf32> -> vector<544x1xf32>
    %mul3A_898 = vector.broadcast %transpose3A_897 : vector<544x1xf32> to vector<544x68xf32>
    %mul3A_899 = arith.mulf %convert_element_type3A_26, %mul3A_898 : vector<544x68xf32>
    %reduce_sum3A_900 = arith.constant dense<0.000000e+00> : vector<68xf32>
    %reduce_sum3A_901 = vector.multi_reduction <add>, %mul3A_899, %reduce_sum3A_900 [0] : vector<544x68xf32> to vector<68xf32>
    %broadcast_in_dim3A_902 = vector.shape_cast %reduce_sum3A_901 : vector<68xf32> to vector<1x68xf32>
    %slice3A_903 = vector.extract_strided_slice %convert_element_type3A_54 {offsets = [13, 0], sizes = [1, 544], strides = [1, 1]} : vector<40x544xf32> to vector<1x544xf32>
    %mul3A_904 = arith.mulf %slice3A_903, %convert_element_type3A_798 : vector<1x544xf32>
    %transpose3A_905 = tpu.transpose %mul3A_904, [1, 0] : vector<1x544xf32> -> vector<544x1xf32>
    %mul3A_906 = vector.broadcast %transpose3A_905 : vector<544x1xf32> to vector<544x68xf32>
    %mul3A_907 = arith.mulf %convert_element_type3A_26, %mul3A_906 : vector<544x68xf32>
    %reduce_sum3A_908 = arith.constant dense<0.000000e+00> : vector<68xf32>
    %reduce_sum3A_909 = vector.multi_reduction <add>, %mul3A_907, %reduce_sum3A_908 [0] : vector<544x68xf32> to vector<68xf32>
    %broadcast_in_dim3A_910 = vector.shape_cast %reduce_sum3A_909 : vector<68xf32> to vector<1x68xf32>
    %slice3A_911 = vector.extract_strided_slice %convert_element_type3A_54 {offsets = [14, 0], sizes = [1, 544], strides = [1, 1]} : vector<40x544xf32> to vector<1x544xf32>
    %mul3A_912 = arith.mulf %slice3A_911, %convert_element_type3A_798 : vector<1x544xf32>
    %transpose3A_913 = tpu.transpose %mul3A_912, [1, 0] : vector<1x544xf32> -> vector<544x1xf32>
    %mul3A_914 = vector.broadcast %transpose3A_913 : vector<544x1xf32> to vector<544x68xf32>
    %mul3A_915 = arith.mulf %convert_element_type3A_26, %mul3A_914 : vector<544x68xf32>
    %reduce_sum3A_916 = arith.constant dense<0.000000e+00> : vector<68xf32>
    %reduce_sum3A_917 = vector.multi_reduction <add>, %mul3A_915, %reduce_sum3A_916 [0] : vector<544x68xf32> to vector<68xf32>
    %broadcast_in_dim3A_918 = vector.shape_cast %reduce_sum3A_917 : vector<68xf32> to vector<1x68xf32>
    %slice3A_919 = vector.extract_strided_slice %convert_element_type3A_54 {offsets = [15, 0], sizes = [1, 544], strides = [1, 1]} : vector<40x544xf32> to vector<1x544xf32>
    %mul3A_920 = arith.mulf %slice3A_919, %convert_element_type3A_798 : vector<1x544xf32>
    %transpose3A_921 = tpu.transpose %mul3A_920, [1, 0] : vector<1x544xf32> -> vector<544x1xf32>
    %mul3A_922 = vector.broadcast %transpose3A_921 : vector<544x1xf32> to vector<544x68xf32>
    %mul3A_923 = arith.mulf %convert_element_type3A_26, %mul3A_922 : vector<544x68xf32>
    %reduce_sum3A_924 = arith.constant dense<0.000000e+00> : vector<68xf32>
    %reduce_sum3A_925 = vector.multi_reduction <add>, %mul3A_923, %reduce_sum3A_924 [0] : vector<544x68xf32> to vector<68xf32>
    %broadcast_in_dim3A_926 = vector.shape_cast %reduce_sum3A_925 : vector<68xf32> to vector<1x68xf32>
    %slice3A_927 = vector.extract_strided_slice %convert_element_type3A_54 {offsets = [16, 0], sizes = [1, 544], strides = [1, 1]} : vector<40x544xf32> to vector<1x544xf32>
    %mul3A_928 = arith.mulf %slice3A_927, %convert_element_type3A_798 : vector<1x544xf32>
    %transpose3A_929 = tpu.transpose %mul3A_928, [1, 0] : vector<1x544xf32> -> vector<544x1xf32>
    %mul3A_930 = vector.broadcast %transpose3A_929 : vector<544x1xf32> to vector<544x68xf32>
    %mul3A_931 = arith.mulf %convert_element_type3A_26, %mul3A_930 : vector<544x68xf32>
    %reduce_sum3A_932 = arith.constant dense<0.000000e+00> : vector<68xf32>
    %reduce_sum3A_933 = vector.multi_reduction <add>, %mul3A_931, %reduce_sum3A_932 [0] : vector<544x68xf32> to vector<68xf32>
    %broadcast_in_dim3A_934 = vector.shape_cast %reduce_sum3A_933 : vector<68xf32> to vector<1x68xf32>
    %slice3A_935 = vector.extract_strided_slice %convert_element_type3A_54 {offsets = [17, 0], sizes = [1, 544], strides = [1, 1]} : vector<40x544xf32> to vector<1x544xf32>
    %mul3A_936 = arith.mulf %slice3A_935, %convert_element_type3A_798 : vector<1x544xf32>
    %transpose3A_937 = tpu.transpose %mul3A_936, [1, 0] : vector<1x544xf32> -> vector<544x1xf32>
    %mul3A_938 = vector.broadcast %transpose3A_937 : vector<544x1xf32> to vector<544x68xf32>
    %mul3A_939 = arith.mulf %convert_element_type3A_26, %mul3A_938 : vector<544x68xf32>
    %reduce_sum3A_940 = arith.constant dense<0.000000e+00> : vector<68xf32>
    %reduce_sum3A_941 = vector.multi_reduction <add>, %mul3A_939, %reduce_sum3A_940 [0] : vector<544x68xf32> to vector<68xf32>
    %broadcast_in_dim3A_942 = vector.shape_cast %reduce_sum3A_941 : vector<68xf32> to vector<1x68xf32>
    %slice3A_943 = vector.extract_strided_slice %convert_element_type3A_54 {offsets = [18, 0], sizes = [1, 544], strides = [1, 1]} : vector<40x544xf32> to vector<1x544xf32>
    %mul3A_944 = arith.mulf %slice3A_943, %convert_element_type3A_798 : vector<1x544xf32>
    %transpose3A_945 = tpu.transpose %mul3A_944, [1, 0] : vector<1x544xf32> -> vector<544x1xf32>
    %mul3A_946 = vector.broadcast %transpose3A_945 : vector<544x1xf32> to vector<544x68xf32>
    %mul3A_947 = arith.mulf %convert_element_type3A_26, %mul3A_946 : vector<544x68xf32>
    %reduce_sum3A_948 = arith.constant dense<0.000000e+00> : vector<68xf32>
    %reduce_sum3A_949 = vector.multi_reduction <add>, %mul3A_947, %reduce_sum3A_948 [0] : vector<544x68xf32> to vector<68xf32>
    %broadcast_in_dim3A_950 = vector.shape_cast %reduce_sum3A_949 : vector<68xf32> to vector<1x68xf32>
    %slice3A_951 = vector.extract_strided_slice %convert_element_type3A_54 {offsets = [19, 0], sizes = [1, 544], strides = [1, 1]} : vector<40x544xf32> to vector<1x544xf32>
    %mul3A_952 = arith.mulf %slice3A_951, %convert_element_type3A_798 : vector<1x544xf32>
    %transpose3A_953 = tpu.transpose %mul3A_952, [1, 0] : vector<1x544xf32> -> vector<544x1xf32>
    %mul3A_954 = vector.broadcast %transpose3A_953 : vector<544x1xf32> to vector<544x68xf32>
    %mul3A_955 = arith.mulf %convert_element_type3A_26, %mul3A_954 : vector<544x68xf32>
    %reduce_sum3A_956 = arith.constant dense<0.000000e+00> : vector<68xf32>
    %reduce_sum3A_957 = vector.multi_reduction <add>, %mul3A_955, %reduce_sum3A_956 [0] : vector<544x68xf32> to vector<68xf32>
    %broadcast_in_dim3A_958 = vector.shape_cast %reduce_sum3A_957 : vector<68xf32> to vector<1x68xf32>
    %slice3A_959 = vector.extract_strided_slice %convert_element_type3A_54 {offsets = [20, 0], sizes = [1, 544], strides = [1, 1]} : vector<40x544xf32> to vector<1x544xf32>
    %mul3A_960 = arith.mulf %slice3A_959, %convert_element_type3A_798 : vector<1x544xf32>
    %transpose3A_961 = tpu.transpose %mul3A_960, [1, 0] : vector<1x544xf32> -> vector<544x1xf32>
    %mul3A_962 = vector.broadcast %transpose3A_961 : vector<544x1xf32> to vector<544x68xf32>
    %mul3A_963 = arith.mulf %convert_element_type3A_26, %mul3A_962 : vector<544x68xf32>
    %reduce_sum3A_964 = arith.constant dense<0.000000e+00> : vector<68xf32>
    %reduce_sum3A_965 = vector.multi_reduction <add>, %mul3A_963, %reduce_sum3A_964 [0] : vector<544x68xf32> to vector<68xf32>
    %broadcast_in_dim3A_966 = vector.shape_cast %reduce_sum3A_965 : vector<68xf32> to vector<1x68xf32>
    %slice3A_967 = vector.extract_strided_slice %convert_element_type3A_54 {offsets = [21, 0], sizes = [1, 544], strides = [1, 1]} : vector<40x544xf32> to vector<1x544xf32>
    %mul3A_968 = arith.mulf %slice3A_967, %convert_element_type3A_798 : vector<1x544xf32>
    %transpose3A_969 = tpu.transpose %mul3A_968, [1, 0] : vector<1x544xf32> -> vector<544x1xf32>
    %mul3A_970 = vector.broadcast %transpose3A_969 : vector<544x1xf32> to vector<544x68xf32>
    %mul3A_971 = arith.mulf %convert_element_type3A_26, %mul3A_970 : vector<544x68xf32>
    %reduce_sum3A_972 = arith.constant dense<0.000000e+00> : vector<68xf32>
    %reduce_sum3A_973 = vector.multi_reduction <add>, %mul3A_971, %reduce_sum3A_972 [0] : vector<544x68xf32> to vector<68xf32>
    %broadcast_in_dim3A_974 = vector.shape_cast %reduce_sum3A_973 : vector<68xf32> to vector<1x68xf32>
    %slice3A_975 = vector.extract_strided_slice %convert_element_type3A_54 {offsets = [22, 0], sizes = [1, 544], strides = [1, 1]} : vector<40x544xf32> to vector<1x544xf32>
    %mul3A_976 = arith.mulf %slice3A_975, %convert_element_type3A_798 : vector<1x544xf32>
    %transpose3A_977 = tpu.transpose %mul3A_976, [1, 0] : vector<1x544xf32> -> vector<544x1xf32>
    %mul3A_978 = vector.broadcast %transpose3A_977 : vector<544x1xf32> to vector<544x68xf32>
    %mul3A_979 = arith.mulf %convert_element_type3A_26, %mul3A_978 : vector<544x68xf32>
    %reduce_sum3A_980 = arith.constant dense<0.000000e+00> : vector<68xf32>
    %reduce_sum3A_981 = vector.multi_reduction <add>, %mul3A_979, %reduce_sum3A_980 [0] : vector<544x68xf32> to vector<68xf32>
    %broadcast_in_dim3A_982 = vector.shape_cast %reduce_sum3A_981 : vector<68xf32> to vector<1x68xf32>
    %slice3A_983 = vector.extract_strided_slice %convert_element_type3A_54 {offsets = [23, 0], sizes = [1, 544], strides = [1, 1]} : vector<40x544xf32> to vector<1x544xf32>
    %mul3A_984 = arith.mulf %slice3A_983, %convert_element_type3A_798 : vector<1x544xf32>
    %transpose3A_985 = tpu.transpose %mul3A_984, [1, 0] : vector<1x544xf32> -> vector<544x1xf32>
    %mul3A_986 = vector.broadcast %transpose3A_985 : vector<544x1xf32> to vector<544x68xf32>
    %mul3A_987 = arith.mulf %convert_element_type3A_26, %mul3A_986 : vector<544x68xf32>
    %reduce_sum3A_988 = arith.constant dense<0.000000e+00> : vector<68xf32>
    %reduce_sum3A_989 = vector.multi_reduction <add>, %mul3A_987, %reduce_sum3A_988 [0] : vector<544x68xf32> to vector<68xf32>
    %broadcast_in_dim3A_990 = vector.shape_cast %reduce_sum3A_989 : vector<68xf32> to vector<1x68xf32>
    %slice3A_991 = vector.extract_strided_slice %convert_element_type3A_54 {offsets = [24, 0], sizes = [1, 544], strides = [1, 1]} : vector<40x544xf32> to vector<1x544xf32>
    %mul3A_992 = arith.mulf %slice3A_991, %convert_element_type3A_798 : vector<1x544xf32>
    %transpose3A_993 = tpu.transpose %mul3A_992, [1, 0] : vector<1x544xf32> -> vector<544x1xf32>
    %mul3A_994 = vector.broadcast %transpose3A_993 : vector<544x1xf32> to vector<544x68xf32>
    %mul3A_995 = arith.mulf %convert_element_type3A_26, %mul3A_994 : vector<544x68xf32>
    %reduce_sum3A_996 = arith.constant dense<0.000000e+00> : vector<68xf32>
    %reduce_sum3A_997 = vector.multi_reduction <add>, %mul3A_995, %reduce_sum3A_996 [0] : vector<544x68xf32> to vector<68xf32>
    %broadcast_in_dim3A_998 = vector.shape_cast %reduce_sum3A_997 : vector<68xf32> to vector<1x68xf32>
    %slice3A_999 = vector.extract_strided_slice %convert_element_type3A_54 {offsets = [25, 0], sizes = [1, 544], strides = [1, 1]} : vector<40x544xf32> to vector<1x544xf32>
    %mul3A_1000 = arith.mulf %slice3A_999, %convert_element_type3A_798 : vector<1x544xf32>
    %transpose3A_1001 = tpu.transpose %mul3A_1000, [1, 0] : vector<1x544xf32> -> vector<544x1xf32>
    %mul3A_1002 = vector.broadcast %transpose3A_1001 : vector<544x1xf32> to vector<544x68xf32>
    %mul3A_1003 = arith.mulf %convert_element_type3A_26, %mul3A_1002 : vector<544x68xf32>
    %reduce_sum3A_1004 = arith.constant dense<0.000000e+00> : vector<68xf32>
    %reduce_sum3A_1005 = vector.multi_reduction <add>, %mul3A_1003, %reduce_sum3A_1004 [0] : vector<544x68xf32> to vector<68xf32>
    %broadcast_in_dim3A_1006 = vector.shape_cast %reduce_sum3A_1005 : vector<68xf32> to vector<1x68xf32>
    %slice3A_1007 = vector.extract_strided_slice %convert_element_type3A_54 {offsets = [26, 0], sizes = [1, 544], strides = [1, 1]} : vector<40x544xf32> to vector<1x544xf32>
    %mul3A_1008 = arith.mulf %slice3A_1007, %convert_element_type3A_798 : vector<1x544xf32>
    %transpose3A_1009 = tpu.transpose %mul3A_1008, [1, 0] : vector<1x544xf32> -> vector<544x1xf32>
    %mul3A_1010 = vector.broadcast %transpose3A_1009 : vector<544x1xf32> to vector<544x68xf32>
    %mul3A_1011 = arith.mulf %convert_element_type3A_26, %mul3A_1010 : vector<544x68xf32>
    %reduce_sum3A_1012 = arith.constant dense<0.000000e+00> : vector<68xf32>
    %reduce_sum3A_1013 = vector.multi_reduction <add>, %mul3A_1011, %reduce_sum3A_1012 [0] : vector<544x68xf32> to vector<68xf32>
    %broadcast_in_dim3A_1014 = vector.shape_cast %reduce_sum3A_1013 : vector<68xf32> to vector<1x68xf32>
    %slice3A_1015 = vector.extract_strided_slice %convert_element_type3A_54 {offsets = [27, 0], sizes = [1, 544], strides = [1, 1]} : vector<40x544xf32> to vector<1x544xf32>
    %mul3A_1016 = arith.mulf %slice3A_1015, %convert_element_type3A_798 : vector<1x544xf32>
    %transpose3A_1017 = tpu.transpose %mul3A_1016, [1, 0] : vector<1x544xf32> -> vector<544x1xf32>
    %mul3A_1018 = vector.broadcast %transpose3A_1017 : vector<544x1xf32> to vector<544x68xf32>
    %mul3A_1019 = arith.mulf %convert_element_type3A_26, %mul3A_1018 : vector<544x68xf32>
    %reduce_sum3A_1020 = arith.constant dense<0.000000e+00> : vector<68xf32>
    %reduce_sum3A_1021 = vector.multi_reduction <add>, %mul3A_1019, %reduce_sum3A_1020 [0] : vector<544x68xf32> to vector<68xf32>
    %broadcast_in_dim3A_1022 = vector.shape_cast %reduce_sum3A_1021 : vector<68xf32> to vector<1x68xf32>
    %slice3A_1023 = vector.extract_strided_slice %convert_element_type3A_54 {offsets = [28, 0], sizes = [1, 544], strides = [1, 1]} : vector<40x544xf32> to vector<1x544xf32>
    %mul3A_1024 = arith.mulf %slice3A_1023, %convert_element_type3A_798 : vector<1x544xf32>
    %transpose3A_1025 = tpu.transpose %mul3A_1024, [1, 0] : vector<1x544xf32> -> vector<544x1xf32>
    %mul3A_1026 = vector.broadcast %transpose3A_1025 : vector<544x1xf32> to vector<544x68xf32>
    %mul3A_1027 = arith.mulf %convert_element_type3A_26, %mul3A_1026 : vector<544x68xf32>
    %reduce_sum3A_1028 = arith.constant dense<0.000000e+00> : vector<68xf32>
    %reduce_sum3A_1029 = vector.multi_reduction <add>, %mul3A_1027, %reduce_sum3A_1028 [0] : vector<544x68xf32> to vector<68xf32>
    %broadcast_in_dim3A_1030 = vector.shape_cast %reduce_sum3A_1029 : vector<68xf32> to vector<1x68xf32>
    %slice3A_1031 = vector.extract_strided_slice %convert_element_type3A_54 {offsets = [29, 0], sizes = [1, 544], strides = [1, 1]} : vector<40x544xf32> to vector<1x544xf32>
    %mul3A_1032 = arith.mulf %slice3A_1031, %convert_element_type3A_798 : vector<1x544xf32>
    %transpose3A_1033 = tpu.transpose %mul3A_1032, [1, 0] : vector<1x544xf32> -> vector<544x1xf32>
    %mul3A_1034 = vector.broadcast %transpose3A_1033 : vector<544x1xf32> to vector<544x68xf32>
    %mul3A_1035 = arith.mulf %convert_element_type3A_26, %mul3A_1034 : vector<544x68xf32>
    %reduce_sum3A_1036 = arith.constant dense<0.000000e+00> : vector<68xf32>
    %reduce_sum3A_1037 = vector.multi_reduction <add>, %mul3A_1035, %reduce_sum3A_1036 [0] : vector<544x68xf32> to vector<68xf32>
    %broadcast_in_dim3A_1038 = vector.shape_cast %reduce_sum3A_1037 : vector<68xf32> to vector<1x68xf32>
    %slice3A_1039 = vector.extract_strided_slice %convert_element_type3A_54 {offsets = [30, 0], sizes = [1, 544], strides = [1, 1]} : vector<40x544xf32> to vector<1x544xf32>
    %mul3A_1040 = arith.mulf %slice3A_1039, %convert_element_type3A_798 : vector<1x544xf32>
    %transpose3A_1041 = tpu.transpose %mul3A_1040, [1, 0] : vector<1x544xf32> -> vector<544x1xf32>
    %mul3A_1042 = vector.broadcast %transpose3A_1041 : vector<544x1xf32> to vector<544x68xf32>
    %mul3A_1043 = arith.mulf %convert_element_type3A_26, %mul3A_1042 : vector<544x68xf32>
    %reduce_sum3A_1044 = arith.constant dense<0.000000e+00> : vector<68xf32>
    %reduce_sum3A_1045 = vector.multi_reduction <add>, %mul3A_1043, %reduce_sum3A_1044 [0] : vector<544x68xf32> to vector<68xf32>
    %broadcast_in_dim3A_1046 = vector.shape_cast %reduce_sum3A_1045 : vector<68xf32> to vector<1x68xf32>
    %slice3A_1047 = vector.extract_strided_slice %convert_element_type3A_54 {offsets = [31, 0], sizes = [1, 544], strides = [1, 1]} : vector<40x544xf32> to vector<1x544xf32>
    %mul3A_1048 = arith.mulf %slice3A_1047, %convert_element_type3A_798 : vector<1x544xf32>
    %transpose3A_1049 = tpu.transpose %mul3A_1048, [1, 0] : vector<1x544xf32> -> vector<544x1xf32>
    %mul3A_1050 = vector.broadcast %transpose3A_1049 : vector<544x1xf32> to vector<544x68xf32>
    %mul3A_1051 = arith.mulf %convert_element_type3A_26, %mul3A_1050 : vector<544x68xf32>
    %reduce_sum3A_1052 = arith.constant dense<0.000000e+00> : vector<68xf32>
    %reduce_sum3A_1053 = vector.multi_reduction <add>, %mul3A_1051, %reduce_sum3A_1052 [0] : vector<544x68xf32> to vector<68xf32>
    %broadcast_in_dim3A_1054 = vector.shape_cast %reduce_sum3A_1053 : vector<68xf32> to vector<1x68xf32>
    %slice3A_1055 = vector.extract_strided_slice %convert_element_type3A_54 {offsets = [32, 0], sizes = [1, 544], strides = [1, 1]} : vector<40x544xf32> to vector<1x544xf32>
    %mul3A_1056 = arith.mulf %slice3A_1055, %convert_element_type3A_798 : vector<1x544xf32>
    %transpose3A_1057 = tpu.transpose %mul3A_1056, [1, 0] : vector<1x544xf32> -> vector<544x1xf32>
    %mul3A_1058 = vector.broadcast %transpose3A_1057 : vector<544x1xf32> to vector<544x68xf32>
    %mul3A_1059 = arith.mulf %convert_element_type3A_26, %mul3A_1058 : vector<544x68xf32>
    %reduce_sum3A_1060 = arith.constant dense<0.000000e+00> : vector<68xf32>
    %reduce_sum3A_1061 = vector.multi_reduction <add>, %mul3A_1059, %reduce_sum3A_1060 [0] : vector<544x68xf32> to vector<68xf32>
    %broadcast_in_dim3A_1062 = vector.shape_cast %reduce_sum3A_1061 : vector<68xf32> to vector<1x68xf32>
    %slice3A_1063 = vector.extract_strided_slice %convert_element_type3A_54 {offsets = [33, 0], sizes = [1, 544], strides = [1, 1]} : vector<40x544xf32> to vector<1x544xf32>
    %mul3A_1064 = arith.mulf %slice3A_1063, %convert_element_type3A_798 : vector<1x544xf32>
    %transpose3A_1065 = tpu.transpose %mul3A_1064, [1, 0] : vector<1x544xf32> -> vector<544x1xf32>
    %mul3A_1066 = vector.broadcast %transpose3A_1065 : vector<544x1xf32> to vector<544x68xf32>
    %mul3A_1067 = arith.mulf %convert_element_type3A_26, %mul3A_1066 : vector<544x68xf32>
    %reduce_sum3A_1068 = arith.constant dense<0.000000e+00> : vector<68xf32>
    %reduce_sum3A_1069 = vector.multi_reduction <add>, %mul3A_1067, %reduce_sum3A_1068 [0] : vector<544x68xf32> to vector<68xf32>
    %broadcast_in_dim3A_1070 = vector.shape_cast %reduce_sum3A_1069 : vector<68xf32> to vector<1x68xf32>
    %slice3A_1071 = vector.extract_strided_slice %convert_element_type3A_54 {offsets = [34, 0], sizes = [1, 544], strides = [1, 1]} : vector<40x544xf32> to vector<1x544xf32>
    %mul3A_1072 = arith.mulf %slice3A_1071, %convert_element_type3A_798 : vector<1x544xf32>
    %transpose3A_1073 = tpu.transpose %mul3A_1072, [1, 0] : vector<1x544xf32> -> vector<544x1xf32>
    %mul3A_1074 = vector.broadcast %transpose3A_1073 : vector<544x1xf32> to vector<544x68xf32>
    %mul3A_1075 = arith.mulf %convert_element_type3A_26, %mul3A_1074 : vector<544x68xf32>
    %reduce_sum3A_1076 = arith.constant dense<0.000000e+00> : vector<68xf32>
    %reduce_sum3A_1077 = vector.multi_reduction <add>, %mul3A_1075, %reduce_sum3A_1076 [0] : vector<544x68xf32> to vector<68xf32>
    %broadcast_in_dim3A_1078 = vector.shape_cast %reduce_sum3A_1077 : vector<68xf32> to vector<1x68xf32>
    %slice3A_1079 = vector.extract_strided_slice %convert_element_type3A_54 {offsets = [35, 0], sizes = [1, 544], strides = [1, 1]} : vector<40x544xf32> to vector<1x544xf32>
    %mul3A_1080 = arith.mulf %slice3A_1079, %convert_element_type3A_798 : vector<1x544xf32>
    %transpose3A_1081 = tpu.transpose %mul3A_1080, [1, 0] : vector<1x544xf32> -> vector<544x1xf32>
    %mul3A_1082 = vector.broadcast %transpose3A_1081 : vector<544x1xf32> to vector<544x68xf32>
    %mul3A_1083 = arith.mulf %convert_element_type3A_26, %mul3A_1082 : vector<544x68xf32>
    %reduce_sum3A_1084 = arith.constant dense<0.000000e+00> : vector<68xf32>
    %reduce_sum3A_1085 = vector.multi_reduction <add>, %mul3A_1083, %reduce_sum3A_1084 [0] : vector<544x68xf32> to vector<68xf32>
    %broadcast_in_dim3A_1086 = vector.shape_cast %reduce_sum3A_1085 : vector<68xf32> to vector<1x68xf32>
    %slice3A_1087 = vector.extract_strided_slice %convert_element_type3A_54 {offsets = [36, 0], sizes = [1, 544], strides = [1, 1]} : vector<40x544xf32> to vector<1x544xf32>
    %mul3A_1088 = arith.mulf %slice3A_1087, %convert_element_type3A_798 : vector<1x544xf32>
    %transpose3A_1089 = tpu.transpose %mul3A_1088, [1, 0] : vector<1x544xf32> -> vector<544x1xf32>
    %mul3A_1090 = vector.broadcast %transpose3A_1089 : vector<544x1xf32> to vector<544x68xf32>
    %mul3A_1091 = arith.mulf %convert_element_type3A_26, %mul3A_1090 : vector<544x68xf32>
    %reduce_sum3A_1092 = arith.constant dense<0.000000e+00> : vector<68xf32>
    %reduce_sum3A_1093 = vector.multi_reduction <add>, %mul3A_1091, %reduce_sum3A_1092 [0] : vector<544x68xf32> to vector<68xf32>
    %broadcast_in_dim3A_1094 = vector.shape_cast %reduce_sum3A_1093 : vector<68xf32> to vector<1x68xf32>
    %slice3A_1095 = vector.extract_strided_slice %convert_element_type3A_54 {offsets = [37, 0], sizes = [1, 544], strides = [1, 1]} : vector<40x544xf32> to vector<1x544xf32>
    %mul3A_1096 = arith.mulf %slice3A_1095, %convert_element_type3A_798 : vector<1x544xf32>
    %transpose3A_1097 = tpu.transpose %mul3A_1096, [1, 0] : vector<1x544xf32> -> vector<544x1xf32>
    %mul3A_1098 = vector.broadcast %transpose3A_1097 : vector<544x1xf32> to vector<544x68xf32>
    %mul3A_1099 = arith.mulf %convert_element_type3A_26, %mul3A_1098 : vector<544x68xf32>
    %reduce_sum3A_1100 = arith.constant dense<0.000000e+00> : vector<68xf32>
    %reduce_sum3A_1101 = vector.multi_reduction <add>, %mul3A_1099, %reduce_sum3A_1100 [0] : vector<544x68xf32> to vector<68xf32>
    %broadcast_in_dim3A_1102 = vector.shape_cast %reduce_sum3A_1101 : vector<68xf32> to vector<1x68xf32>
    %slice3A_1103 = vector.extract_strided_slice %convert_element_type3A_54 {offsets = [38, 0], sizes = [1, 544], strides = [1, 1]} : vector<40x544xf32> to vector<1x544xf32>
    %mul3A_1104 = arith.mulf %slice3A_1103, %convert_element_type3A_798 : vector<1x544xf32>
    %transpose3A_1105 = tpu.transpose %mul3A_1104, [1, 0] : vector<1x544xf32> -> vector<544x1xf32>
    %mul3A_1106 = vector.broadcast %transpose3A_1105 : vector<544x1xf32> to vector<544x68xf32>
    %mul3A_1107 = arith.mulf %convert_element_type3A_26, %mul3A_1106 : vector<544x68xf32>
    %reduce_sum3A_1108 = arith.constant dense<0.000000e+00> : vector<68xf32>
    %reduce_sum3A_1109 = vector.multi_reduction <add>, %mul3A_1107, %reduce_sum3A_1108 [0] : vector<544x68xf32> to vector<68xf32>
    %broadcast_in_dim3A_1110 = vector.shape_cast %reduce_sum3A_1109 : vector<68xf32> to vector<1x68xf32>
    %slice3A_1111 = vector.extract_strided_slice %convert_element_type3A_54 {offsets = [39, 0], sizes = [1, 544], strides = [1, 1]} : vector<40x544xf32> to vector<1x544xf32>
    %mul3A_1112 = arith.mulf %slice3A_1111, %convert_element_type3A_798 : vector<1x544xf32>
    %transpose3A_1113 = tpu.transpose %mul3A_1112, [1, 0] : vector<1x544xf32> -> vector<544x1xf32>
    %mul3A_1114 = vector.broadcast %transpose3A_1113 : vector<544x1xf32> to vector<544x68xf32>
    %mul3A_1115 = arith.mulf %convert_element_type3A_26, %mul3A_1114 : vector<544x68xf32>
    %reduce_sum3A_1116 = arith.constant dense<0.000000e+00> : vector<68xf32>
    %reduce_sum3A_1117 = vector.multi_reduction <add>, %mul3A_1115, %reduce_sum3A_1116 [0] : vector<544x68xf32> to vector<68xf32>
    %broadcast_in_dim3A_1118 = vector.shape_cast %reduce_sum3A_1117 : vector<68xf32> to vector<1x68xf32>
    %concatenate3A_1119 = tpu.concatenate %broadcast_in_dim3A_806, %broadcast_in_dim3A_814, %broadcast_in_dim3A_822, %broadcast_in_dim3A_830, %broadcast_in_dim3A_838, %broadcast_in_dim3A_846, %broadcast_in_dim3A_854, %broadcast_in_dim3A_862, %broadcast_in_dim3A_870, %broadcast_in_dim3A_878, %broadcast_in_dim3A_886, %broadcast_in_dim3A_894, %broadcast_in_dim3A_902, %broadcast_in_dim3A_910, %broadcast_in_dim3A_918, %broadcast_in_dim3A_926, %broadcast_in_dim3A_934, %broadcast_in_dim3A_942, %broadcast_in_dim3A_950, %broadcast_in_dim3A_958, %broadcast_in_dim3A_966, %broadcast_in_dim3A_974, %broadcast_in_dim3A_982, %broadcast_in_dim3A_990, %broadcast_in_dim3A_998, %broadcast_in_dim3A_1006, %broadcast_in_dim3A_1014, %broadcast_in_dim3A_1022, %broadcast_in_dim3A_1030, %broadcast_in_dim3A_1038, %broadcast_in_dim3A_1046, %broadcast_in_dim3A_1054, %broadcast_in_dim3A_1062, %broadcast_in_dim3A_1070, %broadcast_in_dim3A_1078, %broadcast_in_dim3A_1086, %broadcast_in_dim3A_1094, %broadcast_in_dim3A_1102, %broadcast_in_dim3A_1110, %broadcast_in_dim3A_1118 in 0 : vector<1x68xf32>, vector<1x68xf32>, vector<1x68xf32>, vector<1x68xf32>, vector<1x68xf32>, vector<1x68xf32>, vector<1x68xf32>, vector<1x68xf32>, vector<1x68xf32>, vector<1x68xf32>, vector<1x68xf32>, vector<1x68xf32>, vector<1x68xf32>, vector<1x68xf32>, vector<1x68xf32>, vector<1x68xf32>, vector<1x68xf32>, vector<1x68xf32>, vector<1x68xf32>, vector<1x68xf32>, vector<1x68xf32>, vector<1x68xf32>, vector<1x68xf32>, vector<1x68xf32>, vector<1x68xf32>, vector<1x68xf32>, vector<1x68xf32>, vector<1x68xf32>, vector<1x68xf32>, vector<1x68xf32>, vector<1x68xf32>, vector<1x68xf32>, vector<1x68xf32>, vector<1x68xf32>, vector<1x68xf32>, vector<1x68xf32>, vector<1x68xf32>, vector<1x68xf32>, vector<1x68xf32>, vector<1x68xf32> -> vector<40x68xf32>
    %slice3A_1120 = vector.extract_strided_slice %concatenate3A_1119 {offsets = [0, 0], sizes = [1, 68], strides = [1, 1]} : vector<40x68xf32> to vector<1x68xf32>
    %transpose3A_1121 = tpu.transpose %slice3A_1120, [1, 0] : vector<1x68xf32> -> vector<68x1xf32>
    %convert_element_type3A_1122 = arith.fptosi %transpose3A_1121 : vector<68x1xf32> to vector<68x1xi32>
    %eq3A_1123 = vector.broadcast %convert_element_type3A_1122 : vector<68x1xi32> to vector<68x68xi32>
    %eq3A_1124 = vector.broadcast %iota3A : vector<1x68xi32> to vector<68x68xi32>
    %eq3A_1125 = arith.cmpi eq, %eq3A_1123, %eq3A_1124 : vector<68x68xi32>
    %convert_element_type3A_1126 = arith.extui %eq3A_1125 : vector<68x68xi1> to vector<68x68xi32>
    %convert_element_type3A_1127 = arith.sitofp %convert_element_type3A_1126 : vector<68x68xi32> to vector<68x68xf32>
    %slice3A_1128 = vector.extract_strided_slice %concatenate3A_797 {offsets = [0, 0], sizes = [1, 68], strides = [1, 1]} : vector<40x68xf32> to vector<1x68xf32>
    %transpose3A_1129 = tpu.transpose %slice3A_1128, [1, 0] : vector<1x68xf32> -> vector<68x1xf32>
    %slice3A_1130 = vector.extract_strided_slice %concatenate3A_1119 {offsets = [1, 0], sizes = [1, 68], strides = [1, 1]} : vector<40x68xf32> to vector<1x68xf32>
    %transpose3A_1131 = tpu.transpose %slice3A_1130, [1, 0] : vector<1x68xf32> -> vector<68x1xf32>
    %convert_element_type3A_1132 = arith.fptosi %transpose3A_1131 : vector<68x1xf32> to vector<68x1xi32>
    %eq3A_1133 = vector.broadcast %convert_element_type3A_1132 : vector<68x1xi32> to vector<68x68xi32>
    %eq3A_1134 = vector.broadcast %iota3A : vector<1x68xi32> to vector<68x68xi32>
    %eq3A_1135 = arith.cmpi eq, %eq3A_1133, %eq3A_1134 : vector<68x68xi32>
    %convert_element_type3A_1136 = arith.extui %eq3A_1135 : vector<68x68xi1> to vector<68x68xi32>
    %convert_element_type3A_1137 = arith.sitofp %convert_element_type3A_1136 : vector<68x68xi32> to vector<68x68xf32>
    %slice3A_1138 = vector.extract_strided_slice %concatenate3A_797 {offsets = [1, 0], sizes = [1, 68], strides = [1, 1]} : vector<40x68xf32> to vector<1x68xf32>
    %transpose3A_1139 = tpu.transpose %slice3A_1138, [1, 0] : vector<1x68xf32> -> vector<68x1xf32>
    %slice3A_1140 = vector.extract_strided_slice %concatenate3A_1119 {offsets = [2, 0], sizes = [1, 68], strides = [1, 1]} : vector<40x68xf32> to vector<1x68xf32>
    %transpose3A_1141 = tpu.transpose %slice3A_1140, [1, 0] : vector<1x68xf32> -> vector<68x1xf32>
    %convert_element_type3A_1142 = arith.fptosi %transpose3A_1141 : vector<68x1xf32> to vector<68x1xi32>
    %eq3A_1143 = vector.broadcast %convert_element_type3A_1142 : vector<68x1xi32> to vector<68x68xi32>
    %eq3A_1144 = vector.broadcast %iota3A : vector<1x68xi32> to vector<68x68xi32>
    %eq3A_1145 = arith.cmpi eq, %eq3A_1143, %eq3A_1144 : vector<68x68xi32>
    %convert_element_type3A_1146 = arith.extui %eq3A_1145 : vector<68x68xi1> to vector<68x68xi32>
    %convert_element_type3A_1147 = arith.sitofp %convert_element_type3A_1146 : vector<68x68xi32> to vector<68x68xf32>
    %slice3A_1148 = vector.extract_strided_slice %concatenate3A_797 {offsets = [2, 0], sizes = [1, 68], strides = [1, 1]} : vector<40x68xf32> to vector<1x68xf32>
    %transpose3A_1149 = tpu.transpose %slice3A_1148, [1, 0] : vector<1x68xf32> -> vector<68x1xf32>
    %slice3A_1150 = vector.extract_strided_slice %concatenate3A_1119 {offsets = [3, 0], sizes = [1, 68], strides = [1, 1]} : vector<40x68xf32> to vector<1x68xf32>
    %transpose3A_1151 = tpu.transpose %slice3A_1150, [1, 0] : vector<1x68xf32> -> vector<68x1xf32>
    %convert_element_type3A_1152 = arith.fptosi %transpose3A_1151 : vector<68x1xf32> to vector<68x1xi32>
    %eq3A_1153 = vector.broadcast %convert_element_type3A_1152 : vector<68x1xi32> to vector<68x68xi32>
    %eq3A_1154 = vector.broadcast %iota3A : vector<1x68xi32> to vector<68x68xi32>
    %eq3A_1155 = arith.cmpi eq, %eq3A_1153, %eq3A_1154 : vector<68x68xi32>
    %convert_element_type3A_1156 = arith.extui %eq3A_1155 : vector<68x68xi1> to vector<68x68xi32>
    %convert_element_type3A_1157 = arith.sitofp %convert_element_type3A_1156 : vector<68x68xi32> to vector<68x68xf32>
    %slice3A_1158 = vector.extract_strided_slice %concatenate3A_797 {offsets = [3, 0], sizes = [1, 68], strides = [1, 1]} : vector<40x68xf32> to vector<1x68xf32>
    %transpose3A_1159 = tpu.transpose %slice3A_1158, [1, 0] : vector<1x68xf32> -> vector<68x1xf32>
    %slice3A_1160 = vector.extract_strided_slice %concatenate3A_1119 {offsets = [4, 0], sizes = [1, 68], strides = [1, 1]} : vector<40x68xf32> to vector<1x68xf32>
    %transpose3A_1161 = tpu.transpose %slice3A_1160, [1, 0] : vector<1x68xf32> -> vector<68x1xf32>
    %convert_element_type3A_1162 = arith.fptosi %transpose3A_1161 : vector<68x1xf32> to vector<68x1xi32>
    %eq3A_1163 = vector.broadcast %convert_element_type3A_1162 : vector<68x1xi32> to vector<68x68xi32>
    %eq3A_1164 = vector.broadcast %iota3A : vector<1x68xi32> to vector<68x68xi32>
    %eq3A_1165 = arith.cmpi eq, %eq3A_1163, %eq3A_1164 : vector<68x68xi32>
    %convert_element_type3A_1166 = arith.extui %eq3A_1165 : vector<68x68xi1> to vector<68x68xi32>
    %convert_element_type3A_1167 = arith.sitofp %convert_element_type3A_1166 : vector<68x68xi32> to vector<68x68xf32>
    %slice3A_1168 = vector.extract_strided_slice %concatenate3A_797 {offsets = [4, 0], sizes = [1, 68], strides = [1, 1]} : vector<40x68xf32> to vector<1x68xf32>
    %transpose3A_1169 = tpu.transpose %slice3A_1168, [1, 0] : vector<1x68xf32> -> vector<68x1xf32>
    %slice3A_1170 = vector.extract_strided_slice %concatenate3A_1119 {offsets = [5, 0], sizes = [1, 68], strides = [1, 1]} : vector<40x68xf32> to vector<1x68xf32>
    %transpose3A_1171 = tpu.transpose %slice3A_1170, [1, 0] : vector<1x68xf32> -> vector<68x1xf32>
    %convert_element_type3A_1172 = arith.fptosi %transpose3A_1171 : vector<68x1xf32> to vector<68x1xi32>
    %eq3A_1173 = vector.broadcast %convert_element_type3A_1172 : vector<68x1xi32> to vector<68x68xi32>
    %eq3A_1174 = vector.broadcast %iota3A : vector<1x68xi32> to vector<68x68xi32>
    %eq3A_1175 = arith.cmpi eq, %eq3A_1173, %eq3A_1174 : vector<68x68xi32>
    %convert_element_type3A_1176 = arith.extui %eq3A_1175 : vector<68x68xi1> to vector<68x68xi32>
    %convert_element_type3A_1177 = arith.sitofp %convert_element_type3A_1176 : vector<68x68xi32> to vector<68x68xf32>
    %slice3A_1178 = vector.extract_strided_slice %concatenate3A_797 {offsets = [5, 0], sizes = [1, 68], strides = [1, 1]} : vector<40x68xf32> to vector<1x68xf32>
    %transpose3A_1179 = tpu.transpose %slice3A_1178, [1, 0] : vector<1x68xf32> -> vector<68x1xf32>
    %slice3A_1180 = vector.extract_strided_slice %concatenate3A_1119 {offsets = [6, 0], sizes = [1, 68], strides = [1, 1]} : vector<40x68xf32> to vector<1x68xf32>
    %transpose3A_1181 = tpu.transpose %slice3A_1180, [1, 0] : vector<1x68xf32> -> vector<68x1xf32>
    %convert_element_type3A_1182 = arith.fptosi %transpose3A_1181 : vector<68x1xf32> to vector<68x1xi32>
    %eq3A_1183 = vector.broadcast %convert_element_type3A_1182 : vector<68x1xi32> to vector<68x68xi32>
    %eq3A_1184 = vector.broadcast %iota3A : vector<1x68xi32> to vector<68x68xi32>
    %eq3A_1185 = arith.cmpi eq, %eq3A_1183, %eq3A_1184 : vector<68x68xi32>
    %convert_element_type3A_1186 = arith.extui %eq3A_1185 : vector<68x68xi1> to vector<68x68xi32>
    %convert_element_type3A_1187 = arith.sitofp %convert_element_type3A_1186 : vector<68x68xi32> to vector<68x68xf32>
    %slice3A_1188 = vector.extract_strided_slice %concatenate3A_797 {offsets = [6, 0], sizes = [1, 68], strides = [1, 1]} : vector<40x68xf32> to vector<1x68xf32>
    %transpose3A_1189 = tpu.transpose %slice3A_1188, [1, 0] : vector<1x68xf32> -> vector<68x1xf32>
    %slice3A_1190 = vector.extract_strided_slice %concatenate3A_1119 {offsets = [7, 0], sizes = [1, 68], strides = [1, 1]} : vector<40x68xf32> to vector<1x68xf32>
    %transpose3A_1191 = tpu.transpose %slice3A_1190, [1, 0] : vector<1x68xf32> -> vector<68x1xf32>
    %convert_element_type3A_1192 = arith.fptosi %transpose3A_1191 : vector<68x1xf32> to vector<68x1xi32>
    %eq3A_1193 = vector.broadcast %convert_element_type3A_1192 : vector<68x1xi32> to vector<68x68xi32>
    %eq3A_1194 = vector.broadcast %iota3A : vector<1x68xi32> to vector<68x68xi32>
    %eq3A_1195 = arith.cmpi eq, %eq3A_1193, %eq3A_1194 : vector<68x68xi32>
    %convert_element_type3A_1196 = arith.extui %eq3A_1195 : vector<68x68xi1> to vector<68x68xi32>
    %convert_element_type3A_1197 = arith.sitofp %convert_element_type3A_1196 : vector<68x68xi32> to vector<68x68xf32>
    %slice3A_1198 = vector.extract_strided_slice %concatenate3A_797 {offsets = [7, 0], sizes = [1, 68], strides = [1, 1]} : vector<40x68xf32> to vector<1x68xf32>
    %transpose3A_1199 = tpu.transpose %slice3A_1198, [1, 0] : vector<1x68xf32> -> vector<68x1xf32>
    %slice3A_1200 = vector.extract_strided_slice %concatenate3A_1119 {offsets = [8, 0], sizes = [1, 68], strides = [1, 1]} : vector<40x68xf32> to vector<1x68xf32>
    %transpose3A_1201 = tpu.transpose %slice3A_1200, [1, 0] : vector<1x68xf32> -> vector<68x1xf32>
    %convert_element_type3A_1202 = arith.fptosi %transpose3A_1201 : vector<68x1xf32> to vector<68x1xi32>
    %eq3A_1203 = vector.broadcast %convert_element_type3A_1202 : vector<68x1xi32> to vector<68x68xi32>
    %eq3A_1204 = vector.broadcast %iota3A : vector<1x68xi32> to vector<68x68xi32>
    %eq3A_1205 = arith.cmpi eq, %eq3A_1203, %eq3A_1204 : vector<68x68xi32>
    %convert_element_type3A_1206 = arith.extui %eq3A_1205 : vector<68x68xi1> to vector<68x68xi32>
    %convert_element_type3A_1207 = arith.sitofp %convert_element_type3A_1206 : vector<68x68xi32> to vector<68x68xf32>
    %slice3A_1208 = vector.extract_strided_slice %concatenate3A_797 {offsets = [8, 0], sizes = [1, 68], strides = [1, 1]} : vector<40x68xf32> to vector<1x68xf32>
    %transpose3A_1209 = tpu.transpose %slice3A_1208, [1, 0] : vector<1x68xf32> -> vector<68x1xf32>
    %slice3A_1210 = vector.extract_strided_slice %concatenate3A_1119 {offsets = [9, 0], sizes = [1, 68], strides = [1, 1]} : vector<40x68xf32> to vector<1x68xf32>
    %transpose3A_1211 = tpu.transpose %slice3A_1210, [1, 0] : vector<1x68xf32> -> vector<68x1xf32>
    %convert_element_type3A_1212 = arith.fptosi %transpose3A_1211 : vector<68x1xf32> to vector<68x1xi32>
    %eq3A_1213 = vector.broadcast %convert_element_type3A_1212 : vector<68x1xi32> to vector<68x68xi32>
    %eq3A_1214 = vector.broadcast %iota3A : vector<1x68xi32> to vector<68x68xi32>
    %eq3A_1215 = arith.cmpi eq, %eq3A_1213, %eq3A_1214 : vector<68x68xi32>
    %convert_element_type3A_1216 = arith.extui %eq3A_1215 : vector<68x68xi1> to vector<68x68xi32>
    %convert_element_type3A_1217 = arith.sitofp %convert_element_type3A_1216 : vector<68x68xi32> to vector<68x68xf32>
    %slice3A_1218 = vector.extract_strided_slice %concatenate3A_797 {offsets = [9, 0], sizes = [1, 68], strides = [1, 1]} : vector<40x68xf32> to vector<1x68xf32>
    %transpose3A_1219 = tpu.transpose %slice3A_1218, [1, 0] : vector<1x68xf32> -> vector<68x1xf32>
    %slice3A_1220 = vector.extract_strided_slice %concatenate3A_1119 {offsets = [10, 0], sizes = [1, 68], strides = [1, 1]} : vector<40x68xf32> to vector<1x68xf32>
    %transpose3A_1221 = tpu.transpose %slice3A_1220, [1, 0] : vector<1x68xf32> -> vector<68x1xf32>
    %convert_element_type3A_1222 = arith.fptosi %transpose3A_1221 : vector<68x1xf32> to vector<68x1xi32>
    %eq3A_1223 = vector.broadcast %convert_element_type3A_1222 : vector<68x1xi32> to vector<68x68xi32>
    %eq3A_1224 = vector.broadcast %iota3A : vector<1x68xi32> to vector<68x68xi32>
    %eq3A_1225 = arith.cmpi eq, %eq3A_1223, %eq3A_1224 : vector<68x68xi32>
    %convert_element_type3A_1226 = arith.extui %eq3A_1225 : vector<68x68xi1> to vector<68x68xi32>
    %convert_element_type3A_1227 = arith.sitofp %convert_element_type3A_1226 : vector<68x68xi32> to vector<68x68xf32>
    %slice3A_1228 = vector.extract_strided_slice %concatenate3A_797 {offsets = [10, 0], sizes = [1, 68], strides = [1, 1]} : vector<40x68xf32> to vector<1x68xf32>
    %transpose3A_1229 = tpu.transpose %slice3A_1228, [1, 0] : vector<1x68xf32> -> vector<68x1xf32>
    %slice3A_1230 = vector.extract_strided_slice %concatenate3A_1119 {offsets = [11, 0], sizes = [1, 68], strides = [1, 1]} : vector<40x68xf32> to vector<1x68xf32>
    %transpose3A_1231 = tpu.transpose %slice3A_1230, [1, 0] : vector<1x68xf32> -> vector<68x1xf32>
    %convert_element_type3A_1232 = arith.fptosi %transpose3A_1231 : vector<68x1xf32> to vector<68x1xi32>
    %eq3A_1233 = vector.broadcast %convert_element_type3A_1232 : vector<68x1xi32> to vector<68x68xi32>
    %eq3A_1234 = vector.broadcast %iota3A : vector<1x68xi32> to vector<68x68xi32>
    %eq3A_1235 = arith.cmpi eq, %eq3A_1233, %eq3A_1234 : vector<68x68xi32>
    %convert_element_type3A_1236 = arith.extui %eq3A_1235 : vector<68x68xi1> to vector<68x68xi32>
    %convert_element_type3A_1237 = arith.sitofp %convert_element_type3A_1236 : vector<68x68xi32> to vector<68x68xf32>
    %slice3A_1238 = vector.extract_strided_slice %concatenate3A_797 {offsets = [11, 0], sizes = [1, 68], strides = [1, 1]} : vector<40x68xf32> to vector<1x68xf32>
    %transpose3A_1239 = tpu.transpose %slice3A_1238, [1, 0] : vector<1x68xf32> -> vector<68x1xf32>
    %slice3A_1240 = vector.extract_strided_slice %concatenate3A_1119 {offsets = [12, 0], sizes = [1, 68], strides = [1, 1]} : vector<40x68xf32> to vector<1x68xf32>
    %transpose3A_1241 = tpu.transpose %slice3A_1240, [1, 0] : vector<1x68xf32> -> vector<68x1xf32>
    %convert_element_type3A_1242 = arith.fptosi %transpose3A_1241 : vector<68x1xf32> to vector<68x1xi32>
    %eq3A_1243 = vector.broadcast %convert_element_type3A_1242 : vector<68x1xi32> to vector<68x68xi32>
    %eq3A_1244 = vector.broadcast %iota3A : vector<1x68xi32> to vector<68x68xi32>
    %eq3A_1245 = arith.cmpi eq, %eq3A_1243, %eq3A_1244 : vector<68x68xi32>
    %convert_element_type3A_1246 = arith.extui %eq3A_1245 : vector<68x68xi1> to vector<68x68xi32>
    %convert_element_type3A_1247 = arith.sitofp %convert_element_type3A_1246 : vector<68x68xi32> to vector<68x68xf32>
    %slice3A_1248 = vector.extract_strided_slice %concatenate3A_797 {offsets = [12, 0], sizes = [1, 68], strides = [1, 1]} : vector<40x68xf32> to vector<1x68xf32>
    %transpose3A_1249 = tpu.transpose %slice3A_1248, [1, 0] : vector<1x68xf32> -> vector<68x1xf32>
    %slice3A_1250 = vector.extract_strided_slice %concatenate3A_1119 {offsets = [13, 0], sizes = [1, 68], strides = [1, 1]} : vector<40x68xf32> to vector<1x68xf32>
    %transpose3A_1251 = tpu.transpose %slice3A_1250, [1, 0] : vector<1x68xf32> -> vector<68x1xf32>
    %convert_element_type3A_1252 = arith.fptosi %transpose3A_1251 : vector<68x1xf32> to vector<68x1xi32>
    %eq3A_1253 = vector.broadcast %convert_element_type3A_1252 : vector<68x1xi32> to vector<68x68xi32>
    %eq3A_1254 = vector.broadcast %iota3A : vector<1x68xi32> to vector<68x68xi32>
    %eq3A_1255 = arith.cmpi eq, %eq3A_1253, %eq3A_1254 : vector<68x68xi32>
    %convert_element_type3A_1256 = arith.extui %eq3A_1255 : vector<68x68xi1> to vector<68x68xi32>
    %convert_element_type3A_1257 = arith.sitofp %convert_element_type3A_1256 : vector<68x68xi32> to vector<68x68xf32>
    %slice3A_1258 = vector.extract_strided_slice %concatenate3A_797 {offsets = [13, 0], sizes = [1, 68], strides = [1, 1]} : vector<40x68xf32> to vector<1x68xf32>
    %transpose3A_1259 = tpu.transpose %slice3A_1258, [1, 0] : vector<1x68xf32> -> vector<68x1xf32>
    %slice3A_1260 = vector.extract_strided_slice %concatenate3A_1119 {offsets = [14, 0], sizes = [1, 68], strides = [1, 1]} : vector<40x68xf32> to vector<1x68xf32>
    %transpose3A_1261 = tpu.transpose %slice3A_1260, [1, 0] : vector<1x68xf32> -> vector<68x1xf32>
    %convert_element_type3A_1262 = arith.fptosi %transpose3A_1261 : vector<68x1xf32> to vector<68x1xi32>
    %eq3A_1263 = vector.broadcast %convert_element_type3A_1262 : vector<68x1xi32> to vector<68x68xi32>
    %eq3A_1264 = vector.broadcast %iota3A : vector<1x68xi32> to vector<68x68xi32>
    %eq3A_1265 = arith.cmpi eq, %eq3A_1263, %eq3A_1264 : vector<68x68xi32>
    %convert_element_type3A_1266 = arith.extui %eq3A_1265 : vector<68x68xi1> to vector<68x68xi32>
    %convert_element_type3A_1267 = arith.sitofp %convert_element_type3A_1266 : vector<68x68xi32> to vector<68x68xf32>
    %slice3A_1268 = vector.extract_strided_slice %concatenate3A_797 {offsets = [14, 0], sizes = [1, 68], strides = [1, 1]} : vector<40x68xf32> to vector<1x68xf32>
    %transpose3A_1269 = tpu.transpose %slice3A_1268, [1, 0] : vector<1x68xf32> -> vector<68x1xf32>
    %slice3A_1270 = vector.extract_strided_slice %concatenate3A_1119 {offsets = [15, 0], sizes = [1, 68], strides = [1, 1]} : vector<40x68xf32> to vector<1x68xf32>
    %transpose3A_1271 = tpu.transpose %slice3A_1270, [1, 0] : vector<1x68xf32> -> vector<68x1xf32>
    %convert_element_type3A_1272 = arith.fptosi %transpose3A_1271 : vector<68x1xf32> to vector<68x1xi32>
    %eq3A_1273 = vector.broadcast %convert_element_type3A_1272 : vector<68x1xi32> to vector<68x68xi32>
    %eq3A_1274 = vector.broadcast %iota3A : vector<1x68xi32> to vector<68x68xi32>
    %eq3A_1275 = arith.cmpi eq, %eq3A_1273, %eq3A_1274 : vector<68x68xi32>
    %convert_element_type3A_1276 = arith.extui %eq3A_1275 : vector<68x68xi1> to vector<68x68xi32>
    %convert_element_type3A_1277 = arith.sitofp %convert_element_type3A_1276 : vector<68x68xi32> to vector<68x68xf32>
    %slice3A_1278 = vector.extract_strided_slice %concatenate3A_797 {offsets = [15, 0], sizes = [1, 68], strides = [1, 1]} : vector<40x68xf32> to vector<1x68xf32>
    %transpose3A_1279 = tpu.transpose %slice3A_1278, [1, 0] : vector<1x68xf32> -> vector<68x1xf32>
    %slice3A_1280 = vector.extract_strided_slice %concatenate3A_1119 {offsets = [16, 0], sizes = [1, 68], strides = [1, 1]} : vector<40x68xf32> to vector<1x68xf32>
    %transpose3A_1281 = tpu.transpose %slice3A_1280, [1, 0] : vector<1x68xf32> -> vector<68x1xf32>
    %convert_element_type3A_1282 = arith.fptosi %transpose3A_1281 : vector<68x1xf32> to vector<68x1xi32>
    %eq3A_1283 = vector.broadcast %convert_element_type3A_1282 : vector<68x1xi32> to vector<68x68xi32>
    %eq3A_1284 = vector.broadcast %iota3A : vector<1x68xi32> to vector<68x68xi32>
    %eq3A_1285 = arith.cmpi eq, %eq3A_1283, %eq3A_1284 : vector<68x68xi32>
    %convert_element_type3A_1286 = arith.extui %eq3A_1285 : vector<68x68xi1> to vector<68x68xi32>
    %convert_element_type3A_1287 = arith.sitofp %convert_element_type3A_1286 : vector<68x68xi32> to vector<68x68xf32>
    %slice3A_1288 = vector.extract_strided_slice %concatenate3A_797 {offsets = [16, 0], sizes = [1, 68], strides = [1, 1]} : vector<40x68xf32> to vector<1x68xf32>
    %transpose3A_1289 = tpu.transpose %slice3A_1288, [1, 0] : vector<1x68xf32> -> vector<68x1xf32>
    %slice3A_1290 = vector.extract_strided_slice %concatenate3A_1119 {offsets = [17, 0], sizes = [1, 68], strides = [1, 1]} : vector<40x68xf32> to vector<1x68xf32>
    %transpose3A_1291 = tpu.transpose %slice3A_1290, [1, 0] : vector<1x68xf32> -> vector<68x1xf32>
    %convert_element_type3A_1292 = arith.fptosi %transpose3A_1291 : vector<68x1xf32> to vector<68x1xi32>
    %eq3A_1293 = vector.broadcast %convert_element_type3A_1292 : vector<68x1xi32> to vector<68x68xi32>
    %eq3A_1294 = vector.broadcast %iota3A : vector<1x68xi32> to vector<68x68xi32>
    %eq3A_1295 = arith.cmpi eq, %eq3A_1293, %eq3A_1294 : vector<68x68xi32>
    %convert_element_type3A_1296 = arith.extui %eq3A_1295 : vector<68x68xi1> to vector<68x68xi32>
    %convert_element_type3A_1297 = arith.sitofp %convert_element_type3A_1296 : vector<68x68xi32> to vector<68x68xf32>
    %slice3A_1298 = vector.extract_strided_slice %concatenate3A_797 {offsets = [17, 0], sizes = [1, 68], strides = [1, 1]} : vector<40x68xf32> to vector<1x68xf32>
    %transpose3A_1299 = tpu.transpose %slice3A_1298, [1, 0] : vector<1x68xf32> -> vector<68x1xf32>
    %slice3A_1300 = vector.extract_strided_slice %concatenate3A_1119 {offsets = [18, 0], sizes = [1, 68], strides = [1, 1]} : vector<40x68xf32> to vector<1x68xf32>
    %transpose3A_1301 = tpu.transpose %slice3A_1300, [1, 0] : vector<1x68xf32> -> vector<68x1xf32>
    %convert_element_type3A_1302 = arith.fptosi %transpose3A_1301 : vector<68x1xf32> to vector<68x1xi32>
    %eq3A_1303 = vector.broadcast %convert_element_type3A_1302 : vector<68x1xi32> to vector<68x68xi32>
    %eq3A_1304 = vector.broadcast %iota3A : vector<1x68xi32> to vector<68x68xi32>
    %eq3A_1305 = arith.cmpi eq, %eq3A_1303, %eq3A_1304 : vector<68x68xi32>
    %convert_element_type3A_1306 = arith.extui %eq3A_1305 : vector<68x68xi1> to vector<68x68xi32>
    %convert_element_type3A_1307 = arith.sitofp %convert_element_type3A_1306 : vector<68x68xi32> to vector<68x68xf32>
    %slice3A_1308 = vector.extract_strided_slice %concatenate3A_797 {offsets = [18, 0], sizes = [1, 68], strides = [1, 1]} : vector<40x68xf32> to vector<1x68xf32>
    %transpose3A_1309 = tpu.transpose %slice3A_1308, [1, 0] : vector<1x68xf32> -> vector<68x1xf32>
    %slice3A_1310 = vector.extract_strided_slice %concatenate3A_1119 {offsets = [19, 0], sizes = [1, 68], strides = [1, 1]} : vector<40x68xf32> to vector<1x68xf32>
    %transpose3A_1311 = tpu.transpose %slice3A_1310, [1, 0] : vector<1x68xf32> -> vector<68x1xf32>
    %convert_element_type3A_1312 = arith.fptosi %transpose3A_1311 : vector<68x1xf32> to vector<68x1xi32>
    %eq3A_1313 = vector.broadcast %convert_element_type3A_1312 : vector<68x1xi32> to vector<68x68xi32>
    %eq3A_1314 = vector.broadcast %iota3A : vector<1x68xi32> to vector<68x68xi32>
    %eq3A_1315 = arith.cmpi eq, %eq3A_1313, %eq3A_1314 : vector<68x68xi32>
    %convert_element_type3A_1316 = arith.extui %eq3A_1315 : vector<68x68xi1> to vector<68x68xi32>
    %convert_element_type3A_1317 = arith.sitofp %convert_element_type3A_1316 : vector<68x68xi32> to vector<68x68xf32>
    %slice3A_1318 = vector.extract_strided_slice %concatenate3A_797 {offsets = [19, 0], sizes = [1, 68], strides = [1, 1]} : vector<40x68xf32> to vector<1x68xf32>
    %transpose3A_1319 = tpu.transpose %slice3A_1318, [1, 0] : vector<1x68xf32> -> vector<68x1xf32>
    %slice3A_1320 = vector.extract_strided_slice %concatenate3A_1119 {offsets = [20, 0], sizes = [1, 68], strides = [1, 1]} : vector<40x68xf32> to vector<1x68xf32>
    %transpose3A_1321 = tpu.transpose %slice3A_1320, [1, 0] : vector<1x68xf32> -> vector<68x1xf32>
    %convert_element_type3A_1322 = arith.fptosi %transpose3A_1321 : vector<68x1xf32> to vector<68x1xi32>
    %eq3A_1323 = vector.broadcast %convert_element_type3A_1322 : vector<68x1xi32> to vector<68x68xi32>
    %eq3A_1324 = vector.broadcast %iota3A : vector<1x68xi32> to vector<68x68xi32>
    %eq3A_1325 = arith.cmpi eq, %eq3A_1323, %eq3A_1324 : vector<68x68xi32>
    %convert_element_type3A_1326 = arith.extui %eq3A_1325 : vector<68x68xi1> to vector<68x68xi32>
    %convert_element_type3A_1327 = arith.sitofp %convert_element_type3A_1326 : vector<68x68xi32> to vector<68x68xf32>
    %slice3A_1328 = vector.extract_strided_slice %concatenate3A_797 {offsets = [20, 0], sizes = [1, 68], strides = [1, 1]} : vector<40x68xf32> to vector<1x68xf32>
    %transpose3A_1329 = tpu.transpose %slice3A_1328, [1, 0] : vector<1x68xf32> -> vector<68x1xf32>
    %slice3A_1330 = vector.extract_strided_slice %concatenate3A_1119 {offsets = [21, 0], sizes = [1, 68], strides = [1, 1]} : vector<40x68xf32> to vector<1x68xf32>
    %transpose3A_1331 = tpu.transpose %slice3A_1330, [1, 0] : vector<1x68xf32> -> vector<68x1xf32>
    %convert_element_type3A_1332 = arith.fptosi %transpose3A_1331 : vector<68x1xf32> to vector<68x1xi32>
    %eq3A_1333 = vector.broadcast %convert_element_type3A_1332 : vector<68x1xi32> to vector<68x68xi32>
    %eq3A_1334 = vector.broadcast %iota3A : vector<1x68xi32> to vector<68x68xi32>
    %eq3A_1335 = arith.cmpi eq, %eq3A_1333, %eq3A_1334 : vector<68x68xi32>
    %convert_element_type3A_1336 = arith.extui %eq3A_1335 : vector<68x68xi1> to vector<68x68xi32>
    %convert_element_type3A_1337 = arith.sitofp %convert_element_type3A_1336 : vector<68x68xi32> to vector<68x68xf32>
    %slice3A_1338 = vector.extract_strided_slice %concatenate3A_797 {offsets = [21, 0], sizes = [1, 68], strides = [1, 1]} : vector<40x68xf32> to vector<1x68xf32>
    %transpose3A_1339 = tpu.transpose %slice3A_1338, [1, 0] : vector<1x68xf32> -> vector<68x1xf32>
    %slice3A_1340 = vector.extract_strided_slice %concatenate3A_1119 {offsets = [22, 0], sizes = [1, 68], strides = [1, 1]} : vector<40x68xf32> to vector<1x68xf32>
    %transpose3A_1341 = tpu.transpose %slice3A_1340, [1, 0] : vector<1x68xf32> -> vector<68x1xf32>
    %convert_element_type3A_1342 = arith.fptosi %transpose3A_1341 : vector<68x1xf32> to vector<68x1xi32>
    %eq3A_1343 = vector.broadcast %convert_element_type3A_1342 : vector<68x1xi32> to vector<68x68xi32>
    %eq3A_1344 = vector.broadcast %iota3A : vector<1x68xi32> to vector<68x68xi32>
    %eq3A_1345 = arith.cmpi eq, %eq3A_1343, %eq3A_1344 : vector<68x68xi32>
    %convert_element_type3A_1346 = arith.extui %eq3A_1345 : vector<68x68xi1> to vector<68x68xi32>
    %convert_element_type3A_1347 = arith.sitofp %convert_element_type3A_1346 : vector<68x68xi32> to vector<68x68xf32>
    %slice3A_1348 = vector.extract_strided_slice %concatenate3A_797 {offsets = [22, 0], sizes = [1, 68], strides = [1, 1]} : vector<40x68xf32> to vector<1x68xf32>
    %transpose3A_1349 = tpu.transpose %slice3A_1348, [1, 0] : vector<1x68xf32> -> vector<68x1xf32>
    %slice3A_1350 = vector.extract_strided_slice %concatenate3A_1119 {offsets = [23, 0], sizes = [1, 68], strides = [1, 1]} : vector<40x68xf32> to vector<1x68xf32>
    %transpose3A_1351 = tpu.transpose %slice3A_1350, [1, 0] : vector<1x68xf32> -> vector<68x1xf32>
    %convert_element_type3A_1352 = arith.fptosi %transpose3A_1351 : vector<68x1xf32> to vector<68x1xi32>
    %eq3A_1353 = vector.broadcast %convert_element_type3A_1352 : vector<68x1xi32> to vector<68x68xi32>
    %eq3A_1354 = vector.broadcast %iota3A : vector<1x68xi32> to vector<68x68xi32>
    %eq3A_1355 = arith.cmpi eq, %eq3A_1353, %eq3A_1354 : vector<68x68xi32>
    %convert_element_type3A_1356 = arith.extui %eq3A_1355 : vector<68x68xi1> to vector<68x68xi32>
    %convert_element_type3A_1357 = arith.sitofp %convert_element_type3A_1356 : vector<68x68xi32> to vector<68x68xf32>
    %slice3A_1358 = vector.extract_strided_slice %concatenate3A_797 {offsets = [23, 0], sizes = [1, 68], strides = [1, 1]} : vector<40x68xf32> to vector<1x68xf32>
    %transpose3A_1359 = tpu.transpose %slice3A_1358, [1, 0] : vector<1x68xf32> -> vector<68x1xf32>
    %slice3A_1360 = vector.extract_strided_slice %concatenate3A_1119 {offsets = [24, 0], sizes = [1, 68], strides = [1, 1]} : vector<40x68xf32> to vector<1x68xf32>
    %transpose3A_1361 = tpu.transpose %slice3A_1360, [1, 0] : vector<1x68xf32> -> vector<68x1xf32>
    %convert_element_type3A_1362 = arith.fptosi %transpose3A_1361 : vector<68x1xf32> to vector<68x1xi32>
    %eq3A_1363 = vector.broadcast %convert_element_type3A_1362 : vector<68x1xi32> to vector<68x68xi32>
    %eq3A_1364 = vector.broadcast %iota3A : vector<1x68xi32> to vector<68x68xi32>
    %eq3A_1365 = arith.cmpi eq, %eq3A_1363, %eq3A_1364 : vector<68x68xi32>
    %convert_element_type3A_1366 = arith.extui %eq3A_1365 : vector<68x68xi1> to vector<68x68xi32>
    %convert_element_type3A_1367 = arith.sitofp %convert_element_type3A_1366 : vector<68x68xi32> to vector<68x68xf32>
    %slice3A_1368 = vector.extract_strided_slice %concatenate3A_797 {offsets = [24, 0], sizes = [1, 68], strides = [1, 1]} : vector<40x68xf32> to vector<1x68xf32>
    %transpose3A_1369 = tpu.transpose %slice3A_1368, [1, 0] : vector<1x68xf32> -> vector<68x1xf32>
    %slice3A_1370 = vector.extract_strided_slice %concatenate3A_1119 {offsets = [25, 0], sizes = [1, 68], strides = [1, 1]} : vector<40x68xf32> to vector<1x68xf32>
    %transpose3A_1371 = tpu.transpose %slice3A_1370, [1, 0] : vector<1x68xf32> -> vector<68x1xf32>
    %convert_element_type3A_1372 = arith.fptosi %transpose3A_1371 : vector<68x1xf32> to vector<68x1xi32>
    %eq3A_1373 = vector.broadcast %convert_element_type3A_1372 : vector<68x1xi32> to vector<68x68xi32>
    %eq3A_1374 = vector.broadcast %iota3A : vector<1x68xi32> to vector<68x68xi32>
    %eq3A_1375 = arith.cmpi eq, %eq3A_1373, %eq3A_1374 : vector<68x68xi32>
    %convert_element_type3A_1376 = arith.extui %eq3A_1375 : vector<68x68xi1> to vector<68x68xi32>
    %convert_element_type3A_1377 = arith.sitofp %convert_element_type3A_1376 : vector<68x68xi32> to vector<68x68xf32>
    %slice3A_1378 = vector.extract_strided_slice %concatenate3A_797 {offsets = [25, 0], sizes = [1, 68], strides = [1, 1]} : vector<40x68xf32> to vector<1x68xf32>
    %transpose3A_1379 = tpu.transpose %slice3A_1378, [1, 0] : vector<1x68xf32> -> vector<68x1xf32>
    %slice3A_1380 = vector.extract_strided_slice %concatenate3A_1119 {offsets = [26, 0], sizes = [1, 68], strides = [1, 1]} : vector<40x68xf32> to vector<1x68xf32>
    %transpose3A_1381 = tpu.transpose %slice3A_1380, [1, 0] : vector<1x68xf32> -> vector<68x1xf32>
    %convert_element_type3A_1382 = arith.fptosi %transpose3A_1381 : vector<68x1xf32> to vector<68x1xi32>
    %eq3A_1383 = vector.broadcast %convert_element_type3A_1382 : vector<68x1xi32> to vector<68x68xi32>
    %eq3A_1384 = vector.broadcast %iota3A : vector<1x68xi32> to vector<68x68xi32>
    %eq3A_1385 = arith.cmpi eq, %eq3A_1383, %eq3A_1384 : vector<68x68xi32>
    %convert_element_type3A_1386 = arith.extui %eq3A_1385 : vector<68x68xi1> to vector<68x68xi32>
    %convert_element_type3A_1387 = arith.sitofp %convert_element_type3A_1386 : vector<68x68xi32> to vector<68x68xf32>
    %slice3A_1388 = vector.extract_strided_slice %concatenate3A_797 {offsets = [26, 0], sizes = [1, 68], strides = [1, 1]} : vector<40x68xf32> to vector<1x68xf32>
    %transpose3A_1389 = tpu.transpose %slice3A_1388, [1, 0] : vector<1x68xf32> -> vector<68x1xf32>
    %slice3A_1390 = vector.extract_strided_slice %concatenate3A_1119 {offsets = [27, 0], sizes = [1, 68], strides = [1, 1]} : vector<40x68xf32> to vector<1x68xf32>
    %transpose3A_1391 = tpu.transpose %slice3A_1390, [1, 0] : vector<1x68xf32> -> vector<68x1xf32>
    %convert_element_type3A_1392 = arith.fptosi %transpose3A_1391 : vector<68x1xf32> to vector<68x1xi32>
    %eq3A_1393 = vector.broadcast %convert_element_type3A_1392 : vector<68x1xi32> to vector<68x68xi32>
    %eq3A_1394 = vector.broadcast %iota3A : vector<1x68xi32> to vector<68x68xi32>
    %eq3A_1395 = arith.cmpi eq, %eq3A_1393, %eq3A_1394 : vector<68x68xi32>
    %convert_element_type3A_1396 = arith.extui %eq3A_1395 : vector<68x68xi1> to vector<68x68xi32>
    %convert_element_type3A_1397 = arith.sitofp %convert_element_type3A_1396 : vector<68x68xi32> to vector<68x68xf32>
    %slice3A_1398 = vector.extract_strided_slice %concatenate3A_797 {offsets = [27, 0], sizes = [1, 68], strides = [1, 1]} : vector<40x68xf32> to vector<1x68xf32>
    %transpose3A_1399 = tpu.transpose %slice3A_1398, [1, 0] : vector<1x68xf32> -> vector<68x1xf32>
    %slice3A_1400 = vector.extract_strided_slice %concatenate3A_1119 {offsets = [28, 0], sizes = [1, 68], strides = [1, 1]} : vector<40x68xf32> to vector<1x68xf32>
    %transpose3A_1401 = tpu.transpose %slice3A_1400, [1, 0] : vector<1x68xf32> -> vector<68x1xf32>
    %convert_element_type3A_1402 = arith.fptosi %transpose3A_1401 : vector<68x1xf32> to vector<68x1xi32>
    %eq3A_1403 = vector.broadcast %convert_element_type3A_1402 : vector<68x1xi32> to vector<68x68xi32>
    %eq3A_1404 = vector.broadcast %iota3A : vector<1x68xi32> to vector<68x68xi32>
    %eq3A_1405 = arith.cmpi eq, %eq3A_1403, %eq3A_1404 : vector<68x68xi32>
    %convert_element_type3A_1406 = arith.extui %eq3A_1405 : vector<68x68xi1> to vector<68x68xi32>
    %convert_element_type3A_1407 = arith.sitofp %convert_element_type3A_1406 : vector<68x68xi32> to vector<68x68xf32>
    %slice3A_1408 = vector.extract_strided_slice %concatenate3A_797 {offsets = [28, 0], sizes = [1, 68], strides = [1, 1]} : vector<40x68xf32> to vector<1x68xf32>
    %transpose3A_1409 = tpu.transpose %slice3A_1408, [1, 0] : vector<1x68xf32> -> vector<68x1xf32>
    %slice3A_1410 = vector.extract_strided_slice %concatenate3A_1119 {offsets = [29, 0], sizes = [1, 68], strides = [1, 1]} : vector<40x68xf32> to vector<1x68xf32>
    %transpose3A_1411 = tpu.transpose %slice3A_1410, [1, 0] : vector<1x68xf32> -> vector<68x1xf32>
    %convert_element_type3A_1412 = arith.fptosi %transpose3A_1411 : vector<68x1xf32> to vector<68x1xi32>
    %eq3A_1413 = vector.broadcast %convert_element_type3A_1412 : vector<68x1xi32> to vector<68x68xi32>
    %eq3A_1414 = vector.broadcast %iota3A : vector<1x68xi32> to vector<68x68xi32>
    %eq3A_1415 = arith.cmpi eq, %eq3A_1413, %eq3A_1414 : vector<68x68xi32>
    %convert_element_type3A_1416 = arith.extui %eq3A_1415 : vector<68x68xi1> to vector<68x68xi32>
    %convert_element_type3A_1417 = arith.sitofp %convert_element_type3A_1416 : vector<68x68xi32> to vector<68x68xf32>
    %slice3A_1418 = vector.extract_strided_slice %concatenate3A_797 {offsets = [29, 0], sizes = [1, 68], strides = [1, 1]} : vector<40x68xf32> to vector<1x68xf32>
    %transpose3A_1419 = tpu.transpose %slice3A_1418, [1, 0] : vector<1x68xf32> -> vector<68x1xf32>
    %slice3A_1420 = vector.extract_strided_slice %concatenate3A_1119 {offsets = [30, 0], sizes = [1, 68], strides = [1, 1]} : vector<40x68xf32> to vector<1x68xf32>
    %transpose3A_1421 = tpu.transpose %slice3A_1420, [1, 0] : vector<1x68xf32> -> vector<68x1xf32>
    %convert_element_type3A_1422 = arith.fptosi %transpose3A_1421 : vector<68x1xf32> to vector<68x1xi32>
    %eq3A_1423 = vector.broadcast %convert_element_type3A_1422 : vector<68x1xi32> to vector<68x68xi32>
    %eq3A_1424 = vector.broadcast %iota3A : vector<1x68xi32> to vector<68x68xi32>
    %eq3A_1425 = arith.cmpi eq, %eq3A_1423, %eq3A_1424 : vector<68x68xi32>
    %convert_element_type3A_1426 = arith.extui %eq3A_1425 : vector<68x68xi1> to vector<68x68xi32>
    %convert_element_type3A_1427 = arith.sitofp %convert_element_type3A_1426 : vector<68x68xi32> to vector<68x68xf32>
    %slice3A_1428 = vector.extract_strided_slice %concatenate3A_797 {offsets = [30, 0], sizes = [1, 68], strides = [1, 1]} : vector<40x68xf32> to vector<1x68xf32>
    %transpose3A_1429 = tpu.transpose %slice3A_1428, [1, 0] : vector<1x68xf32> -> vector<68x1xf32>
    %slice3A_1430 = vector.extract_strided_slice %concatenate3A_1119 {offsets = [31, 0], sizes = [1, 68], strides = [1, 1]} : vector<40x68xf32> to vector<1x68xf32>
    %transpose3A_1431 = tpu.transpose %slice3A_1430, [1, 0] : vector<1x68xf32> -> vector<68x1xf32>
    %convert_element_type3A_1432 = arith.fptosi %transpose3A_1431 : vector<68x1xf32> to vector<68x1xi32>
    %eq3A_1433 = vector.broadcast %convert_element_type3A_1432 : vector<68x1xi32> to vector<68x68xi32>
    %eq3A_1434 = vector.broadcast %iota3A : vector<1x68xi32> to vector<68x68xi32>
    %eq3A_1435 = arith.cmpi eq, %eq3A_1433, %eq3A_1434 : vector<68x68xi32>
    %convert_element_type3A_1436 = arith.extui %eq3A_1435 : vector<68x68xi1> to vector<68x68xi32>
    %convert_element_type3A_1437 = arith.sitofp %convert_element_type3A_1436 : vector<68x68xi32> to vector<68x68xf32>
    %slice3A_1438 = vector.extract_strided_slice %concatenate3A_797 {offsets = [31, 0], sizes = [1, 68], strides = [1, 1]} : vector<40x68xf32> to vector<1x68xf32>
    %transpose3A_1439 = tpu.transpose %slice3A_1438, [1, 0] : vector<1x68xf32> -> vector<68x1xf32>
    %slice3A_1440 = vector.extract_strided_slice %concatenate3A_1119 {offsets = [32, 0], sizes = [1, 68], strides = [1, 1]} : vector<40x68xf32> to vector<1x68xf32>
    %transpose3A_1441 = tpu.transpose %slice3A_1440, [1, 0] : vector<1x68xf32> -> vector<68x1xf32>
    %convert_element_type3A_1442 = arith.fptosi %transpose3A_1441 : vector<68x1xf32> to vector<68x1xi32>
    %eq3A_1443 = vector.broadcast %convert_element_type3A_1442 : vector<68x1xi32> to vector<68x68xi32>
    %eq3A_1444 = vector.broadcast %iota3A : vector<1x68xi32> to vector<68x68xi32>
    %eq3A_1445 = arith.cmpi eq, %eq3A_1443, %eq3A_1444 : vector<68x68xi32>
    %convert_element_type3A_1446 = arith.extui %eq3A_1445 : vector<68x68xi1> to vector<68x68xi32>
    %convert_element_type3A_1447 = arith.sitofp %convert_element_type3A_1446 : vector<68x68xi32> to vector<68x68xf32>
    %slice3A_1448 = vector.extract_strided_slice %concatenate3A_797 {offsets = [32, 0], sizes = [1, 68], strides = [1, 1]} : vector<40x68xf32> to vector<1x68xf32>
    %transpose3A_1449 = tpu.transpose %slice3A_1448, [1, 0] : vector<1x68xf32> -> vector<68x1xf32>
    %slice3A_1450 = vector.extract_strided_slice %concatenate3A_1119 {offsets = [33, 0], sizes = [1, 68], strides = [1, 1]} : vector<40x68xf32> to vector<1x68xf32>
    %transpose3A_1451 = tpu.transpose %slice3A_1450, [1, 0] : vector<1x68xf32> -> vector<68x1xf32>
    %convert_element_type3A_1452 = arith.fptosi %transpose3A_1451 : vector<68x1xf32> to vector<68x1xi32>
    %eq3A_1453 = vector.broadcast %convert_element_type3A_1452 : vector<68x1xi32> to vector<68x68xi32>
    %eq3A_1454 = vector.broadcast %iota3A : vector<1x68xi32> to vector<68x68xi32>
    %eq3A_1455 = arith.cmpi eq, %eq3A_1453, %eq3A_1454 : vector<68x68xi32>
    %convert_element_type3A_1456 = arith.extui %eq3A_1455 : vector<68x68xi1> to vector<68x68xi32>
    %convert_element_type3A_1457 = arith.sitofp %convert_element_type3A_1456 : vector<68x68xi32> to vector<68x68xf32>
    %slice3A_1458 = vector.extract_strided_slice %concatenate3A_797 {offsets = [33, 0], sizes = [1, 68], strides = [1, 1]} : vector<40x68xf32> to vector<1x68xf32>
    %transpose3A_1459 = tpu.transpose %slice3A_1458, [1, 0] : vector<1x68xf32> -> vector<68x1xf32>
    %slice3A_1460 = vector.extract_strided_slice %concatenate3A_1119 {offsets = [34, 0], sizes = [1, 68], strides = [1, 1]} : vector<40x68xf32> to vector<1x68xf32>
    %transpose3A_1461 = tpu.transpose %slice3A_1460, [1, 0] : vector<1x68xf32> -> vector<68x1xf32>
    %convert_element_type3A_1462 = arith.fptosi %transpose3A_1461 : vector<68x1xf32> to vector<68x1xi32>
    %eq3A_1463 = vector.broadcast %convert_element_type3A_1462 : vector<68x1xi32> to vector<68x68xi32>
    %eq3A_1464 = vector.broadcast %iota3A : vector<1x68xi32> to vector<68x68xi32>
    %eq3A_1465 = arith.cmpi eq, %eq3A_1463, %eq3A_1464 : vector<68x68xi32>
    %convert_element_type3A_1466 = arith.extui %eq3A_1465 : vector<68x68xi1> to vector<68x68xi32>
    %convert_element_type3A_1467 = arith.sitofp %convert_element_type3A_1466 : vector<68x68xi32> to vector<68x68xf32>
    %slice3A_1468 = vector.extract_strided_slice %concatenate3A_797 {offsets = [34, 0], sizes = [1, 68], strides = [1, 1]} : vector<40x68xf32> to vector<1x68xf32>
    %transpose3A_1469 = tpu.transpose %slice3A_1468, [1, 0] : vector<1x68xf32> -> vector<68x1xf32>
    %slice3A_1470 = vector.extract_strided_slice %concatenate3A_1119 {offsets = [35, 0], sizes = [1, 68], strides = [1, 1]} : vector<40x68xf32> to vector<1x68xf32>
    %transpose3A_1471 = tpu.transpose %slice3A_1470, [1, 0] : vector<1x68xf32> -> vector<68x1xf32>
    %convert_element_type3A_1472 = arith.fptosi %transpose3A_1471 : vector<68x1xf32> to vector<68x1xi32>
    %eq3A_1473 = vector.broadcast %convert_element_type3A_1472 : vector<68x1xi32> to vector<68x68xi32>
    %eq3A_1474 = vector.broadcast %iota3A : vector<1x68xi32> to vector<68x68xi32>
    %eq3A_1475 = arith.cmpi eq, %eq3A_1473, %eq3A_1474 : vector<68x68xi32>
    %convert_element_type3A_1476 = arith.extui %eq3A_1475 : vector<68x68xi1> to vector<68x68xi32>
    %convert_element_type3A_1477 = arith.sitofp %convert_element_type3A_1476 : vector<68x68xi32> to vector<68x68xf32>
    %slice3A_1478 = vector.extract_strided_slice %concatenate3A_797 {offsets = [35, 0], sizes = [1, 68], strides = [1, 1]} : vector<40x68xf32> to vector<1x68xf32>
    %transpose3A_1479 = tpu.transpose %slice3A_1478, [1, 0] : vector<1x68xf32> -> vector<68x1xf32>
    %slice3A_1480 = vector.extract_strided_slice %concatenate3A_1119 {offsets = [36, 0], sizes = [1, 68], strides = [1, 1]} : vector<40x68xf32> to vector<1x68xf32>
    %transpose3A_1481 = tpu.transpose %slice3A_1480, [1, 0] : vector<1x68xf32> -> vector<68x1xf32>
    %convert_element_type3A_1482 = arith.fptosi %transpose3A_1481 : vector<68x1xf32> to vector<68x1xi32>
    %eq3A_1483 = vector.broadcast %convert_element_type3A_1482 : vector<68x1xi32> to vector<68x68xi32>
    %eq3A_1484 = vector.broadcast %iota3A : vector<1x68xi32> to vector<68x68xi32>
    %eq3A_1485 = arith.cmpi eq, %eq3A_1483, %eq3A_1484 : vector<68x68xi32>
    %convert_element_type3A_1486 = arith.extui %eq3A_1485 : vector<68x68xi1> to vector<68x68xi32>
    %convert_element_type3A_1487 = arith.sitofp %convert_element_type3A_1486 : vector<68x68xi32> to vector<68x68xf32>
    %slice3A_1488 = vector.extract_strided_slice %concatenate3A_797 {offsets = [36, 0], sizes = [1, 68], strides = [1, 1]} : vector<40x68xf32> to vector<1x68xf32>
    %transpose3A_1489 = tpu.transpose %slice3A_1488, [1, 0] : vector<1x68xf32> -> vector<68x1xf32>
    %slice3A_1490 = vector.extract_strided_slice %concatenate3A_1119 {offsets = [37, 0], sizes = [1, 68], strides = [1, 1]} : vector<40x68xf32> to vector<1x68xf32>
    %transpose3A_1491 = tpu.transpose %slice3A_1490, [1, 0] : vector<1x68xf32> -> vector<68x1xf32>
    %convert_element_type3A_1492 = arith.fptosi %transpose3A_1491 : vector<68x1xf32> to vector<68x1xi32>
    %eq3A_1493 = vector.broadcast %convert_element_type3A_1492 : vector<68x1xi32> to vector<68x68xi32>
    %eq3A_1494 = vector.broadcast %iota3A : vector<1x68xi32> to vector<68x68xi32>
    %eq3A_1495 = arith.cmpi eq, %eq3A_1493, %eq3A_1494 : vector<68x68xi32>
    %convert_element_type3A_1496 = arith.extui %eq3A_1495 : vector<68x68xi1> to vector<68x68xi32>
    %convert_element_type3A_1497 = arith.sitofp %convert_element_type3A_1496 : vector<68x68xi32> to vector<68x68xf32>
    %slice3A_1498 = vector.extract_strided_slice %concatenate3A_797 {offsets = [37, 0], sizes = [1, 68], strides = [1, 1]} : vector<40x68xf32> to vector<1x68xf32>
    %transpose3A_1499 = tpu.transpose %slice3A_1498, [1, 0] : vector<1x68xf32> -> vector<68x1xf32>
    %slice3A_1500 = vector.extract_strided_slice %concatenate3A_1119 {offsets = [38, 0], sizes = [1, 68], strides = [1, 1]} : vector<40x68xf32> to vector<1x68xf32>
    %transpose3A_1501 = tpu.transpose %slice3A_1500, [1, 0] : vector<1x68xf32> -> vector<68x1xf32>
    %convert_element_type3A_1502 = arith.fptosi %transpose3A_1501 : vector<68x1xf32> to vector<68x1xi32>
    %eq3A_1503 = vector.broadcast %convert_element_type3A_1502 : vector<68x1xi32> to vector<68x68xi32>
    %eq3A_1504 = vector.broadcast %iota3A : vector<1x68xi32> to vector<68x68xi32>
    %eq3A_1505 = arith.cmpi eq, %eq3A_1503, %eq3A_1504 : vector<68x68xi32>
    %convert_element_type3A_1506 = arith.extui %eq3A_1505 : vector<68x68xi1> to vector<68x68xi32>
    %convert_element_type3A_1507 = arith.sitofp %convert_element_type3A_1506 : vector<68x68xi32> to vector<68x68xf32>
    %slice3A_1508 = vector.extract_strided_slice %concatenate3A_797 {offsets = [38, 0], sizes = [1, 68], strides = [1, 1]} : vector<40x68xf32> to vector<1x68xf32>
    %transpose3A_1509 = tpu.transpose %slice3A_1508, [1, 0] : vector<1x68xf32> -> vector<68x1xf32>
    %slice3A_1510 = vector.extract_strided_slice %concatenate3A_1119 {offsets = [39, 0], sizes = [1, 68], strides = [1, 1]} : vector<40x68xf32> to vector<1x68xf32>
    %transpose3A_1511 = tpu.transpose %slice3A_1510, [1, 0] : vector<1x68xf32> -> vector<68x1xf32>
    %convert_element_type3A_1512 = arith.fptosi %transpose3A_1511 : vector<68x1xf32> to vector<68x1xi32>
    %eq3A_1513 = vector.broadcast %convert_element_type3A_1512 : vector<68x1xi32> to vector<68x68xi32>
    %eq3A_1514 = vector.broadcast %iota3A : vector<1x68xi32> to vector<68x68xi32>
    %eq3A_1515 = arith.cmpi eq, %eq3A_1513, %eq3A_1514 : vector<68x68xi32>
    %convert_element_type3A_1516 = arith.extui %eq3A_1515 : vector<68x68xi1> to vector<68x68xi32>
    %convert_element_type3A_1517 = arith.sitofp %convert_element_type3A_1516 : vector<68x68xi32> to vector<68x68xf32>
    %slice3A_1518 = vector.extract_strided_slice %concatenate3A_797 {offsets = [39, 0], sizes = [1, 68], strides = [1, 1]} : vector<40x68xf32> to vector<1x68xf32>
    %transpose3A_1519 = tpu.transpose %slice3A_1518, [1, 0] : vector<1x68xf32> -> vector<68x1xf32>
    %get3A_1520 = arith.constant 0 : index
    %get3A_1521 = arith.constant 0 : index
    %get3A_1522 = vector.load %arg6[%get3A_1520, %get3A_1521] : memref<1x512xf32, #tpu.memory_space<vmem>>, vector<1x512xf32>
    %mul3A_1523 = vector.broadcast %reshape3A_22 : vector<68x1xf32> to vector<68x512xf32>
    %mul3A_1524 = vector.broadcast %get3A_1522 : vector<1x512xf32> to vector<68x512xf32>
    %mul3A_1525 = arith.mulf %mul3A_1523, %mul3A_1524 : vector<68x512xf32>
    %broadcast_in_dim3A_1526 = arith.constant 0.000000e+00 : f32
    %broadcast_in_dim3A_1527 = vector.broadcast %broadcast_in_dim3A_1526 : f32 to vector<68x512xf32>
    %dot_general3A = arith.constant dense<0.000000e+00> : vector<68x512xf32>
    %dot_general3A_1528 = tpu.matmul %convert_element_type3A_1127, %mul3A_1525, %dot_general3A {dimension_numbers = #tpu.dot_dimension_numbers<[1], [0], [0], [1], [0, 0, 1, 1], [], []>, precision = #tpu.contract_precision<fp32>, transpose_lhs_hint = false} : vector<68x68xf32>, vector<68x512xf32>, vector<68x512xf32> -> vector<68x512xf32>
    %mul3A_1529 = vector.broadcast %transpose3A_1129 : vector<68x1xf32> to vector<68x512xf32>
    %mul3A_1530 = arith.mulf %dot_general3A_1528, %mul3A_1529 : vector<68x512xf32>
    %add3A_1531 = arith.addf %broadcast_in_dim3A_1527, %mul3A_1530 : vector<68x512xf32>
    %dot_general3A_1532 = arith.constant dense<0.000000e+00> : vector<68x512xf32>
    %dot_general3A_1533 = tpu.matmul %convert_element_type3A_1137, %mul3A_1525, %dot_general3A_1532 {dimension_numbers = #tpu.dot_dimension_numbers<[1], [0], [0], [1], [0, 0, 1, 1], [], []>, precision = #tpu.contract_precision<fp32>, transpose_lhs_hint = false} : vector<68x68xf32>, vector<68x512xf32>, vector<68x512xf32> -> vector<68x512xf32>
    %mul3A_1534 = vector.broadcast %transpose3A_1139 : vector<68x1xf32> to vector<68x512xf32>
    %mul3A_1535 = arith.mulf %dot_general3A_1533, %mul3A_1534 : vector<68x512xf32>
    %add3A_1536 = arith.addf %add3A_1531, %mul3A_1535 : vector<68x512xf32>
    %dot_general3A_1537 = arith.constant dense<0.000000e+00> : vector<68x512xf32>
    %dot_general3A_1538 = tpu.matmul %convert_element_type3A_1147, %mul3A_1525, %dot_general3A_1537 {dimension_numbers = #tpu.dot_dimension_numbers<[1], [0], [0], [1], [0, 0, 1, 1], [], []>, precision = #tpu.contract_precision<fp32>, transpose_lhs_hint = false} : vector<68x68xf32>, vector<68x512xf32>, vector<68x512xf32> -> vector<68x512xf32>
    %mul3A_1539 = vector.broadcast %transpose3A_1149 : vector<68x1xf32> to vector<68x512xf32>
    %mul3A_1540 = arith.mulf %dot_general3A_1538, %mul3A_1539 : vector<68x512xf32>
    %add3A_1541 = arith.addf %add3A_1536, %mul3A_1540 : vector<68x512xf32>
    %dot_general3A_1542 = arith.constant dense<0.000000e+00> : vector<68x512xf32>
    %dot_general3A_1543 = tpu.matmul %convert_element_type3A_1157, %mul3A_1525, %dot_general3A_1542 {dimension_numbers = #tpu.dot_dimension_numbers<[1], [0], [0], [1], [0, 0, 1, 1], [], []>, precision = #tpu.contract_precision<fp32>, transpose_lhs_hint = false} : vector<68x68xf32>, vector<68x512xf32>, vector<68x512xf32> -> vector<68x512xf32>
    %mul3A_1544 = vector.broadcast %transpose3A_1159 : vector<68x1xf32> to vector<68x512xf32>
    %mul3A_1545 = arith.mulf %dot_general3A_1543, %mul3A_1544 : vector<68x512xf32>
    %add3A_1546 = arith.addf %add3A_1541, %mul3A_1545 : vector<68x512xf32>
    %dot_general3A_1547 = arith.constant dense<0.000000e+00> : vector<68x512xf32>
    %dot_general3A_1548 = tpu.matmul %convert_element_type3A_1167, %mul3A_1525, %dot_general3A_1547 {dimension_numbers = #tpu.dot_dimension_numbers<[1], [0], [0], [1], [0, 0, 1, 1], [], []>, precision = #tpu.contract_precision<fp32>, transpose_lhs_hint = false} : vector<68x68xf32>, vector<68x512xf32>, vector<68x512xf32> -> vector<68x512xf32>
    %mul3A_1549 = vector.broadcast %transpose3A_1169 : vector<68x1xf32> to vector<68x512xf32>
    %mul3A_1550 = arith.mulf %dot_general3A_1548, %mul3A_1549 : vector<68x512xf32>
    %add3A_1551 = arith.addf %add3A_1546, %mul3A_1550 : vector<68x512xf32>
    %dot_general3A_1552 = arith.constant dense<0.000000e+00> : vector<68x512xf32>
    %dot_general3A_1553 = tpu.matmul %convert_element_type3A_1177, %mul3A_1525, %dot_general3A_1552 {dimension_numbers = #tpu.dot_dimension_numbers<[1], [0], [0], [1], [0, 0, 1, 1], [], []>, precision = #tpu.contract_precision<fp32>, transpose_lhs_hint = false} : vector<68x68xf32>, vector<68x512xf32>, vector<68x512xf32> -> vector<68x512xf32>
    %mul3A_1554 = vector.broadcast %transpose3A_1179 : vector<68x1xf32> to vector<68x512xf32>
    %mul3A_1555 = arith.mulf %dot_general3A_1553, %mul3A_1554 : vector<68x512xf32>
    %add3A_1556 = arith.addf %add3A_1551, %mul3A_1555 : vector<68x512xf32>
    %dot_general3A_1557 = arith.constant dense<0.000000e+00> : vector<68x512xf32>
    %dot_general3A_1558 = tpu.matmul %convert_element_type3A_1187, %mul3A_1525, %dot_general3A_1557 {dimension_numbers = #tpu.dot_dimension_numbers<[1], [0], [0], [1], [0, 0, 1, 1], [], []>, precision = #tpu.contract_precision<fp32>, transpose_lhs_hint = false} : vector<68x68xf32>, vector<68x512xf32>, vector<68x512xf32> -> vector<68x512xf32>
    %mul3A_1559 = vector.broadcast %transpose3A_1189 : vector<68x1xf32> to vector<68x512xf32>
    %mul3A_1560 = arith.mulf %dot_general3A_1558, %mul3A_1559 : vector<68x512xf32>
    %add3A_1561 = arith.addf %add3A_1556, %mul3A_1560 : vector<68x512xf32>
    %dot_general3A_1562 = arith.constant dense<0.000000e+00> : vector<68x512xf32>
    %dot_general3A_1563 = tpu.matmul %convert_element_type3A_1197, %mul3A_1525, %dot_general3A_1562 {dimension_numbers = #tpu.dot_dimension_numbers<[1], [0], [0], [1], [0, 0, 1, 1], [], []>, precision = #tpu.contract_precision<fp32>, transpose_lhs_hint = false} : vector<68x68xf32>, vector<68x512xf32>, vector<68x512xf32> -> vector<68x512xf32>
    %mul3A_1564 = vector.broadcast %transpose3A_1199 : vector<68x1xf32> to vector<68x512xf32>
    %mul3A_1565 = arith.mulf %dot_general3A_1563, %mul3A_1564 : vector<68x512xf32>
    %add3A_1566 = arith.addf %add3A_1561, %mul3A_1565 : vector<68x512xf32>
    %dot_general3A_1567 = arith.constant dense<0.000000e+00> : vector<68x512xf32>
    %dot_general3A_1568 = tpu.matmul %convert_element_type3A_1207, %mul3A_1525, %dot_general3A_1567 {dimension_numbers = #tpu.dot_dimension_numbers<[1], [0], [0], [1], [0, 0, 1, 1], [], []>, precision = #tpu.contract_precision<fp32>, transpose_lhs_hint = false} : vector<68x68xf32>, vector<68x512xf32>, vector<68x512xf32> -> vector<68x512xf32>
    %mul3A_1569 = vector.broadcast %transpose3A_1209 : vector<68x1xf32> to vector<68x512xf32>
    %mul3A_1570 = arith.mulf %dot_general3A_1568, %mul3A_1569 : vector<68x512xf32>
    %add3A_1571 = arith.addf %add3A_1566, %mul3A_1570 : vector<68x512xf32>
    %dot_general3A_1572 = arith.constant dense<0.000000e+00> : vector<68x512xf32>
    %dot_general3A_1573 = tpu.matmul %convert_element_type3A_1217, %mul3A_1525, %dot_general3A_1572 {dimension_numbers = #tpu.dot_dimension_numbers<[1], [0], [0], [1], [0, 0, 1, 1], [], []>, precision = #tpu.contract_precision<fp32>, transpose_lhs_hint = false} : vector<68x68xf32>, vector<68x512xf32>, vector<68x512xf32> -> vector<68x512xf32>
    %mul3A_1574 = vector.broadcast %transpose3A_1219 : vector<68x1xf32> to vector<68x512xf32>
    %mul3A_1575 = arith.mulf %dot_general3A_1573, %mul3A_1574 : vector<68x512xf32>
    %add3A_1576 = arith.addf %add3A_1571, %mul3A_1575 : vector<68x512xf32>
    %dot_general3A_1577 = arith.constant dense<0.000000e+00> : vector<68x512xf32>
    %dot_general3A_1578 = tpu.matmul %convert_element_type3A_1227, %mul3A_1525, %dot_general3A_1577 {dimension_numbers = #tpu.dot_dimension_numbers<[1], [0], [0], [1], [0, 0, 1, 1], [], []>, precision = #tpu.contract_precision<fp32>, transpose_lhs_hint = false} : vector<68x68xf32>, vector<68x512xf32>, vector<68x512xf32> -> vector<68x512xf32>
    %mul3A_1579 = vector.broadcast %transpose3A_1229 : vector<68x1xf32> to vector<68x512xf32>
    %mul3A_1580 = arith.mulf %dot_general3A_1578, %mul3A_1579 : vector<68x512xf32>
    %add3A_1581 = arith.addf %add3A_1576, %mul3A_1580 : vector<68x512xf32>
    %dot_general3A_1582 = arith.constant dense<0.000000e+00> : vector<68x512xf32>
    %dot_general3A_1583 = tpu.matmul %convert_element_type3A_1237, %mul3A_1525, %dot_general3A_1582 {dimension_numbers = #tpu.dot_dimension_numbers<[1], [0], [0], [1], [0, 0, 1, 1], [], []>, precision = #tpu.contract_precision<fp32>, transpose_lhs_hint = false} : vector<68x68xf32>, vector<68x512xf32>, vector<68x512xf32> -> vector<68x512xf32>
    %mul3A_1584 = vector.broadcast %transpose3A_1239 : vector<68x1xf32> to vector<68x512xf32>
    %mul3A_1585 = arith.mulf %dot_general3A_1583, %mul3A_1584 : vector<68x512xf32>
    %add3A_1586 = arith.addf %add3A_1581, %mul3A_1585 : vector<68x512xf32>
    %dot_general3A_1587 = arith.constant dense<0.000000e+00> : vector<68x512xf32>
    %dot_general3A_1588 = tpu.matmul %convert_element_type3A_1247, %mul3A_1525, %dot_general3A_1587 {dimension_numbers = #tpu.dot_dimension_numbers<[1], [0], [0], [1], [0, 0, 1, 1], [], []>, precision = #tpu.contract_precision<fp32>, transpose_lhs_hint = false} : vector<68x68xf32>, vector<68x512xf32>, vector<68x512xf32> -> vector<68x512xf32>
    %mul3A_1589 = vector.broadcast %transpose3A_1249 : vector<68x1xf32> to vector<68x512xf32>
    %mul3A_1590 = arith.mulf %dot_general3A_1588, %mul3A_1589 : vector<68x512xf32>
    %add3A_1591 = arith.addf %add3A_1586, %mul3A_1590 : vector<68x512xf32>
    %dot_general3A_1592 = arith.constant dense<0.000000e+00> : vector<68x512xf32>
    %dot_general3A_1593 = tpu.matmul %convert_element_type3A_1257, %mul3A_1525, %dot_general3A_1592 {dimension_numbers = #tpu.dot_dimension_numbers<[1], [0], [0], [1], [0, 0, 1, 1], [], []>, precision = #tpu.contract_precision<fp32>, transpose_lhs_hint = false} : vector<68x68xf32>, vector<68x512xf32>, vector<68x512xf32> -> vector<68x512xf32>
    %mul3A_1594 = vector.broadcast %transpose3A_1259 : vector<68x1xf32> to vector<68x512xf32>
    %mul3A_1595 = arith.mulf %dot_general3A_1593, %mul3A_1594 : vector<68x512xf32>
    %add3A_1596 = arith.addf %add3A_1591, %mul3A_1595 : vector<68x512xf32>
    %dot_general3A_1597 = arith.constant dense<0.000000e+00> : vector<68x512xf32>
    %dot_general3A_1598 = tpu.matmul %convert_element_type3A_1267, %mul3A_1525, %dot_general3A_1597 {dimension_numbers = #tpu.dot_dimension_numbers<[1], [0], [0], [1], [0, 0, 1, 1], [], []>, precision = #tpu.contract_precision<fp32>, transpose_lhs_hint = false} : vector<68x68xf32>, vector<68x512xf32>, vector<68x512xf32> -> vector<68x512xf32>
    %mul3A_1599 = vector.broadcast %transpose3A_1269 : vector<68x1xf32> to vector<68x512xf32>
    %mul3A_1600 = arith.mulf %dot_general3A_1598, %mul3A_1599 : vector<68x512xf32>
    %add3A_1601 = arith.addf %add3A_1596, %mul3A_1600 : vector<68x512xf32>
    %dot_general3A_1602 = arith.constant dense<0.000000e+00> : vector<68x512xf32>
    %dot_general3A_1603 = tpu.matmul %convert_element_type3A_1277, %mul3A_1525, %dot_general3A_1602 {dimension_numbers = #tpu.dot_dimension_numbers<[1], [0], [0], [1], [0, 0, 1, 1], [], []>, precision = #tpu.contract_precision<fp32>, transpose_lhs_hint = false} : vector<68x68xf32>, vector<68x512xf32>, vector<68x512xf32> -> vector<68x512xf32>
    %mul3A_1604 = vector.broadcast %transpose3A_1279 : vector<68x1xf32> to vector<68x512xf32>
    %mul3A_1605 = arith.mulf %dot_general3A_1603, %mul3A_1604 : vector<68x512xf32>
    %add3A_1606 = arith.addf %add3A_1601, %mul3A_1605 : vector<68x512xf32>
    %dot_general3A_1607 = arith.constant dense<0.000000e+00> : vector<68x512xf32>
    %dot_general3A_1608 = tpu.matmul %convert_element_type3A_1287, %mul3A_1525, %dot_general3A_1607 {dimension_numbers = #tpu.dot_dimension_numbers<[1], [0], [0], [1], [0, 0, 1, 1], [], []>, precision = #tpu.contract_precision<fp32>, transpose_lhs_hint = false} : vector<68x68xf32>, vector<68x512xf32>, vector<68x512xf32> -> vector<68x512xf32>
    %mul3A_1609 = vector.broadcast %transpose3A_1289 : vector<68x1xf32> to vector<68x512xf32>
    %mul3A_1610 = arith.mulf %dot_general3A_1608, %mul3A_1609 : vector<68x512xf32>
    %add3A_1611 = arith.addf %add3A_1606, %mul3A_1610 : vector<68x512xf32>
    %dot_general3A_1612 = arith.constant dense<0.000000e+00> : vector<68x512xf32>
    %dot_general3A_1613 = tpu.matmul %convert_element_type3A_1297, %mul3A_1525, %dot_general3A_1612 {dimension_numbers = #tpu.dot_dimension_numbers<[1], [0], [0], [1], [0, 0, 1, 1], [], []>, precision = #tpu.contract_precision<fp32>, transpose_lhs_hint = false} : vector<68x68xf32>, vector<68x512xf32>, vector<68x512xf32> -> vector<68x512xf32>
    %mul3A_1614 = vector.broadcast %transpose3A_1299 : vector<68x1xf32> to vector<68x512xf32>
    %mul3A_1615 = arith.mulf %dot_general3A_1613, %mul3A_1614 : vector<68x512xf32>
    %add3A_1616 = arith.addf %add3A_1611, %mul3A_1615 : vector<68x512xf32>
    %dot_general3A_1617 = arith.constant dense<0.000000e+00> : vector<68x512xf32>
    %dot_general3A_1618 = tpu.matmul %convert_element_type3A_1307, %mul3A_1525, %dot_general3A_1617 {dimension_numbers = #tpu.dot_dimension_numbers<[1], [0], [0], [1], [0, 0, 1, 1], [], []>, precision = #tpu.contract_precision<fp32>, transpose_lhs_hint = false} : vector<68x68xf32>, vector<68x512xf32>, vector<68x512xf32> -> vector<68x512xf32>
    %mul3A_1619 = vector.broadcast %transpose3A_1309 : vector<68x1xf32> to vector<68x512xf32>
    %mul3A_1620 = arith.mulf %dot_general3A_1618, %mul3A_1619 : vector<68x512xf32>
    %add3A_1621 = arith.addf %add3A_1616, %mul3A_1620 : vector<68x512xf32>
    %dot_general3A_1622 = arith.constant dense<0.000000e+00> : vector<68x512xf32>
    %dot_general3A_1623 = tpu.matmul %convert_element_type3A_1317, %mul3A_1525, %dot_general3A_1622 {dimension_numbers = #tpu.dot_dimension_numbers<[1], [0], [0], [1], [0, 0, 1, 1], [], []>, precision = #tpu.contract_precision<fp32>, transpose_lhs_hint = false} : vector<68x68xf32>, vector<68x512xf32>, vector<68x512xf32> -> vector<68x512xf32>
    %mul3A_1624 = vector.broadcast %transpose3A_1319 : vector<68x1xf32> to vector<68x512xf32>
    %mul3A_1625 = arith.mulf %dot_general3A_1623, %mul3A_1624 : vector<68x512xf32>
    %add3A_1626 = arith.addf %add3A_1621, %mul3A_1625 : vector<68x512xf32>
    %dot_general3A_1627 = arith.constant dense<0.000000e+00> : vector<68x512xf32>
    %dot_general3A_1628 = tpu.matmul %convert_element_type3A_1327, %mul3A_1525, %dot_general3A_1627 {dimension_numbers = #tpu.dot_dimension_numbers<[1], [0], [0], [1], [0, 0, 1, 1], [], []>, precision = #tpu.contract_precision<fp32>, transpose_lhs_hint = false} : vector<68x68xf32>, vector<68x512xf32>, vector<68x512xf32> -> vector<68x512xf32>
    %mul3A_1629 = vector.broadcast %transpose3A_1329 : vector<68x1xf32> to vector<68x512xf32>
    %mul3A_1630 = arith.mulf %dot_general3A_1628, %mul3A_1629 : vector<68x512xf32>
    %add3A_1631 = arith.addf %add3A_1626, %mul3A_1630 : vector<68x512xf32>
    %dot_general3A_1632 = arith.constant dense<0.000000e+00> : vector<68x512xf32>
    %dot_general3A_1633 = tpu.matmul %convert_element_type3A_1337, %mul3A_1525, %dot_general3A_1632 {dimension_numbers = #tpu.dot_dimension_numbers<[1], [0], [0], [1], [0, 0, 1, 1], [], []>, precision = #tpu.contract_precision<fp32>, transpose_lhs_hint = false} : vector<68x68xf32>, vector<68x512xf32>, vector<68x512xf32> -> vector<68x512xf32>
    %mul3A_1634 = vector.broadcast %transpose3A_1339 : vector<68x1xf32> to vector<68x512xf32>
    %mul3A_1635 = arith.mulf %dot_general3A_1633, %mul3A_1634 : vector<68x512xf32>
    %add3A_1636 = arith.addf %add3A_1631, %mul3A_1635 : vector<68x512xf32>
    %dot_general3A_1637 = arith.constant dense<0.000000e+00> : vector<68x512xf32>
    %dot_general3A_1638 = tpu.matmul %convert_element_type3A_1347, %mul3A_1525, %dot_general3A_1637 {dimension_numbers = #tpu.dot_dimension_numbers<[1], [0], [0], [1], [0, 0, 1, 1], [], []>, precision = #tpu.contract_precision<fp32>, transpose_lhs_hint = false} : vector<68x68xf32>, vector<68x512xf32>, vector<68x512xf32> -> vector<68x512xf32>
    %mul3A_1639 = vector.broadcast %transpose3A_1349 : vector<68x1xf32> to vector<68x512xf32>
    %mul3A_1640 = arith.mulf %dot_general3A_1638, %mul3A_1639 : vector<68x512xf32>
    %add3A_1641 = arith.addf %add3A_1636, %mul3A_1640 : vector<68x512xf32>
    %dot_general3A_1642 = arith.constant dense<0.000000e+00> : vector<68x512xf32>
    %dot_general3A_1643 = tpu.matmul %convert_element_type3A_1357, %mul3A_1525, %dot_general3A_1642 {dimension_numbers = #tpu.dot_dimension_numbers<[1], [0], [0], [1], [0, 0, 1, 1], [], []>, precision = #tpu.contract_precision<fp32>, transpose_lhs_hint = false} : vector<68x68xf32>, vector<68x512xf32>, vector<68x512xf32> -> vector<68x512xf32>
    %mul3A_1644 = vector.broadcast %transpose3A_1359 : vector<68x1xf32> to vector<68x512xf32>
    %mul3A_1645 = arith.mulf %dot_general3A_1643, %mul3A_1644 : vector<68x512xf32>
    %add3A_1646 = arith.addf %add3A_1641, %mul3A_1645 : vector<68x512xf32>
    %dot_general3A_1647 = arith.constant dense<0.000000e+00> : vector<68x512xf32>
    %dot_general3A_1648 = tpu.matmul %convert_element_type3A_1367, %mul3A_1525, %dot_general3A_1647 {dimension_numbers = #tpu.dot_dimension_numbers<[1], [0], [0], [1], [0, 0, 1, 1], [], []>, precision = #tpu.contract_precision<fp32>, transpose_lhs_hint = false} : vector<68x68xf32>, vector<68x512xf32>, vector<68x512xf32> -> vector<68x512xf32>
    %mul3A_1649 = vector.broadcast %transpose3A_1369 : vector<68x1xf32> to vector<68x512xf32>
    %mul3A_1650 = arith.mulf %dot_general3A_1648, %mul3A_1649 : vector<68x512xf32>
    %add3A_1651 = arith.addf %add3A_1646, %mul3A_1650 : vector<68x512xf32>
    %dot_general3A_1652 = arith.constant dense<0.000000e+00> : vector<68x512xf32>
    %dot_general3A_1653 = tpu.matmul %convert_element_type3A_1377, %mul3A_1525, %dot_general3A_1652 {dimension_numbers = #tpu.dot_dimension_numbers<[1], [0], [0], [1], [0, 0, 1, 1], [], []>, precision = #tpu.contract_precision<fp32>, transpose_lhs_hint = false} : vector<68x68xf32>, vector<68x512xf32>, vector<68x512xf32> -> vector<68x512xf32>
    %mul3A_1654 = vector.broadcast %transpose3A_1379 : vector<68x1xf32> to vector<68x512xf32>
    %mul3A_1655 = arith.mulf %dot_general3A_1653, %mul3A_1654 : vector<68x512xf32>
    %add3A_1656 = arith.addf %add3A_1651, %mul3A_1655 : vector<68x512xf32>
    %dot_general3A_1657 = arith.constant dense<0.000000e+00> : vector<68x512xf32>
    %dot_general3A_1658 = tpu.matmul %convert_element_type3A_1387, %mul3A_1525, %dot_general3A_1657 {dimension_numbers = #tpu.dot_dimension_numbers<[1], [0], [0], [1], [0, 0, 1, 1], [], []>, precision = #tpu.contract_precision<fp32>, transpose_lhs_hint = false} : vector<68x68xf32>, vector<68x512xf32>, vector<68x512xf32> -> vector<68x512xf32>
    %mul3A_1659 = vector.broadcast %transpose3A_1389 : vector<68x1xf32> to vector<68x512xf32>
    %mul3A_1660 = arith.mulf %dot_general3A_1658, %mul3A_1659 : vector<68x512xf32>
    %add3A_1661 = arith.addf %add3A_1656, %mul3A_1660 : vector<68x512xf32>
    %dot_general3A_1662 = arith.constant dense<0.000000e+00> : vector<68x512xf32>
    %dot_general3A_1663 = tpu.matmul %convert_element_type3A_1397, %mul3A_1525, %dot_general3A_1662 {dimension_numbers = #tpu.dot_dimension_numbers<[1], [0], [0], [1], [0, 0, 1, 1], [], []>, precision = #tpu.contract_precision<fp32>, transpose_lhs_hint = false} : vector<68x68xf32>, vector<68x512xf32>, vector<68x512xf32> -> vector<68x512xf32>
    %mul3A_1664 = vector.broadcast %transpose3A_1399 : vector<68x1xf32> to vector<68x512xf32>
    %mul3A_1665 = arith.mulf %dot_general3A_1663, %mul3A_1664 : vector<68x512xf32>
    %add3A_1666 = arith.addf %add3A_1661, %mul3A_1665 : vector<68x512xf32>
    %dot_general3A_1667 = arith.constant dense<0.000000e+00> : vector<68x512xf32>
    %dot_general3A_1668 = tpu.matmul %convert_element_type3A_1407, %mul3A_1525, %dot_general3A_1667 {dimension_numbers = #tpu.dot_dimension_numbers<[1], [0], [0], [1], [0, 0, 1, 1], [], []>, precision = #tpu.contract_precision<fp32>, transpose_lhs_hint = false} : vector<68x68xf32>, vector<68x512xf32>, vector<68x512xf32> -> vector<68x512xf32>
    %mul3A_1669 = vector.broadcast %transpose3A_1409 : vector<68x1xf32> to vector<68x512xf32>
    %mul3A_1670 = arith.mulf %dot_general3A_1668, %mul3A_1669 : vector<68x512xf32>
    %add3A_1671 = arith.addf %add3A_1666, %mul3A_1670 : vector<68x512xf32>
    %dot_general3A_1672 = arith.constant dense<0.000000e+00> : vector<68x512xf32>
    %dot_general3A_1673 = tpu.matmul %convert_element_type3A_1417, %mul3A_1525, %dot_general3A_1672 {dimension_numbers = #tpu.dot_dimension_numbers<[1], [0], [0], [1], [0, 0, 1, 1], [], []>, precision = #tpu.contract_precision<fp32>, transpose_lhs_hint = false} : vector<68x68xf32>, vector<68x512xf32>, vector<68x512xf32> -> vector<68x512xf32>
    %mul3A_1674 = vector.broadcast %transpose3A_1419 : vector<68x1xf32> to vector<68x512xf32>
    %mul3A_1675 = arith.mulf %dot_general3A_1673, %mul3A_1674 : vector<68x512xf32>
    %add3A_1676 = arith.addf %add3A_1671, %mul3A_1675 : vector<68x512xf32>
    %dot_general3A_1677 = arith.constant dense<0.000000e+00> : vector<68x512xf32>
    %dot_general3A_1678 = tpu.matmul %convert_element_type3A_1427, %mul3A_1525, %dot_general3A_1677 {dimension_numbers = #tpu.dot_dimension_numbers<[1], [0], [0], [1], [0, 0, 1, 1], [], []>, precision = #tpu.contract_precision<fp32>, transpose_lhs_hint = false} : vector<68x68xf32>, vector<68x512xf32>, vector<68x512xf32> -> vector<68x512xf32>
    %mul3A_1679 = vector.broadcast %transpose3A_1429 : vector<68x1xf32> to vector<68x512xf32>
    %mul3A_1680 = arith.mulf %dot_general3A_1678, %mul3A_1679 : vector<68x512xf32>
    %add3A_1681 = arith.addf %add3A_1676, %mul3A_1680 : vector<68x512xf32>
    %dot_general3A_1682 = arith.constant dense<0.000000e+00> : vector<68x512xf32>
    %dot_general3A_1683 = tpu.matmul %convert_element_type3A_1437, %mul3A_1525, %dot_general3A_1682 {dimension_numbers = #tpu.dot_dimension_numbers<[1], [0], [0], [1], [0, 0, 1, 1], [], []>, precision = #tpu.contract_precision<fp32>, transpose_lhs_hint = false} : vector<68x68xf32>, vector<68x512xf32>, vector<68x512xf32> -> vector<68x512xf32>
    %mul3A_1684 = vector.broadcast %transpose3A_1439 : vector<68x1xf32> to vector<68x512xf32>
    %mul3A_1685 = arith.mulf %dot_general3A_1683, %mul3A_1684 : vector<68x512xf32>
    %add3A_1686 = arith.addf %add3A_1681, %mul3A_1685 : vector<68x512xf32>
    %dot_general3A_1687 = arith.constant dense<0.000000e+00> : vector<68x512xf32>
    %dot_general3A_1688 = tpu.matmul %convert_element_type3A_1447, %mul3A_1525, %dot_general3A_1687 {dimension_numbers = #tpu.dot_dimension_numbers<[1], [0], [0], [1], [0, 0, 1, 1], [], []>, precision = #tpu.contract_precision<fp32>, transpose_lhs_hint = false} : vector<68x68xf32>, vector<68x512xf32>, vector<68x512xf32> -> vector<68x512xf32>
    %mul3A_1689 = vector.broadcast %transpose3A_1449 : vector<68x1xf32> to vector<68x512xf32>
    %mul3A_1690 = arith.mulf %dot_general3A_1688, %mul3A_1689 : vector<68x512xf32>
    %add3A_1691 = arith.addf %add3A_1686, %mul3A_1690 : vector<68x512xf32>
    %dot_general3A_1692 = arith.constant dense<0.000000e+00> : vector<68x512xf32>
    %dot_general3A_1693 = tpu.matmul %convert_element_type3A_1457, %mul3A_1525, %dot_general3A_1692 {dimension_numbers = #tpu.dot_dimension_numbers<[1], [0], [0], [1], [0, 0, 1, 1], [], []>, precision = #tpu.contract_precision<fp32>, transpose_lhs_hint = false} : vector<68x68xf32>, vector<68x512xf32>, vector<68x512xf32> -> vector<68x512xf32>
    %mul3A_1694 = vector.broadcast %transpose3A_1459 : vector<68x1xf32> to vector<68x512xf32>
    %mul3A_1695 = arith.mulf %dot_general3A_1693, %mul3A_1694 : vector<68x512xf32>
    %add3A_1696 = arith.addf %add3A_1691, %mul3A_1695 : vector<68x512xf32>
    %dot_general3A_1697 = arith.constant dense<0.000000e+00> : vector<68x512xf32>
    %dot_general3A_1698 = tpu.matmul %convert_element_type3A_1467, %mul3A_1525, %dot_general3A_1697 {dimension_numbers = #tpu.dot_dimension_numbers<[1], [0], [0], [1], [0, 0, 1, 1], [], []>, precision = #tpu.contract_precision<fp32>, transpose_lhs_hint = false} : vector<68x68xf32>, vector<68x512xf32>, vector<68x512xf32> -> vector<68x512xf32>
    %mul3A_1699 = vector.broadcast %transpose3A_1469 : vector<68x1xf32> to vector<68x512xf32>
    %mul3A_1700 = arith.mulf %dot_general3A_1698, %mul3A_1699 : vector<68x512xf32>
    %add3A_1701 = arith.addf %add3A_1696, %mul3A_1700 : vector<68x512xf32>
    %dot_general3A_1702 = arith.constant dense<0.000000e+00> : vector<68x512xf32>
    %dot_general3A_1703 = tpu.matmul %convert_element_type3A_1477, %mul3A_1525, %dot_general3A_1702 {dimension_numbers = #tpu.dot_dimension_numbers<[1], [0], [0], [1], [0, 0, 1, 1], [], []>, precision = #tpu.contract_precision<fp32>, transpose_lhs_hint = false} : vector<68x68xf32>, vector<68x512xf32>, vector<68x512xf32> -> vector<68x512xf32>
    %mul3A_1704 = vector.broadcast %transpose3A_1479 : vector<68x1xf32> to vector<68x512xf32>
    %mul3A_1705 = arith.mulf %dot_general3A_1703, %mul3A_1704 : vector<68x512xf32>
    %add3A_1706 = arith.addf %add3A_1701, %mul3A_1705 : vector<68x512xf32>
    %dot_general3A_1707 = arith.constant dense<0.000000e+00> : vector<68x512xf32>
    %dot_general3A_1708 = tpu.matmul %convert_element_type3A_1487, %mul3A_1525, %dot_general3A_1707 {dimension_numbers = #tpu.dot_dimension_numbers<[1], [0], [0], [1], [0, 0, 1, 1], [], []>, precision = #tpu.contract_precision<fp32>, transpose_lhs_hint = false} : vector<68x68xf32>, vector<68x512xf32>, vector<68x512xf32> -> vector<68x512xf32>
    %mul3A_1709 = vector.broadcast %transpose3A_1489 : vector<68x1xf32> to vector<68x512xf32>
    %mul3A_1710 = arith.mulf %dot_general3A_1708, %mul3A_1709 : vector<68x512xf32>
    %add3A_1711 = arith.addf %add3A_1706, %mul3A_1710 : vector<68x512xf32>
    %dot_general3A_1712 = arith.constant dense<0.000000e+00> : vector<68x512xf32>
    %dot_general3A_1713 = tpu.matmul %convert_element_type3A_1497, %mul3A_1525, %dot_general3A_1712 {dimension_numbers = #tpu.dot_dimension_numbers<[1], [0], [0], [1], [0, 0, 1, 1], [], []>, precision = #tpu.contract_precision<fp32>, transpose_lhs_hint = false} : vector<68x68xf32>, vector<68x512xf32>, vector<68x512xf32> -> vector<68x512xf32>
    %mul3A_1714 = vector.broadcast %transpose3A_1499 : vector<68x1xf32> to vector<68x512xf32>
    %mul3A_1715 = arith.mulf %dot_general3A_1713, %mul3A_1714 : vector<68x512xf32>
    %add3A_1716 = arith.addf %add3A_1711, %mul3A_1715 : vector<68x512xf32>
    %dot_general3A_1717 = arith.constant dense<0.000000e+00> : vector<68x512xf32>
    %dot_general3A_1718 = tpu.matmul %convert_element_type3A_1507, %mul3A_1525, %dot_general3A_1717 {dimension_numbers = #tpu.dot_dimension_numbers<[1], [0], [0], [1], [0, 0, 1, 1], [], []>, precision = #tpu.contract_precision<fp32>, transpose_lhs_hint = false} : vector<68x68xf32>, vector<68x512xf32>, vector<68x512xf32> -> vector<68x512xf32>
    %mul3A_1719 = vector.broadcast %transpose3A_1509 : vector<68x1xf32> to vector<68x512xf32>
    %mul3A_1720 = arith.mulf %dot_general3A_1718, %mul3A_1719 : vector<68x512xf32>
    %add3A_1721 = arith.addf %add3A_1716, %mul3A_1720 : vector<68x512xf32>
    %dot_general3A_1722 = arith.constant dense<0.000000e+00> : vector<68x512xf32>
    %dot_general3A_1723 = tpu.matmul %convert_element_type3A_1517, %mul3A_1525, %dot_general3A_1722 {dimension_numbers = #tpu.dot_dimension_numbers<[1], [0], [0], [1], [0, 0, 1, 1], [], []>, precision = #tpu.contract_precision<fp32>, transpose_lhs_hint = false} : vector<68x68xf32>, vector<68x512xf32>, vector<68x512xf32> -> vector<68x512xf32>
    %mul3A_1724 = vector.broadcast %transpose3A_1519 : vector<68x1xf32> to vector<68x512xf32>
    %mul3A_1725 = arith.mulf %dot_general3A_1723, %mul3A_1724 : vector<68x512xf32>
    %add3A_1726 = arith.addf %add3A_1721, %mul3A_1725 : vector<68x512xf32>
    %mul3A_1727 = vector.broadcast %mul3A_476 : vector<68x1xf32> to vector<68x512xf32>
    %mul3A_1728 = arith.mulf %mul3A_1525, %mul3A_1727 : vector<68x512xf32>
    %add3A_1729 = arith.addf %add3A_1726, %mul3A_1728 : vector<68x512xf32>
    %get3A_1730 = arith.constant 0 : index
    %get3A_1731 = arith.constant 0 : index
    %get3A_1732 = vector.load %arg7[%get3A_1730, %get3A_1731] : memref<1x512xf32, #tpu.memory_space<vmem>>, vector<1x512xf32>
    %add3A_1733 = vector.broadcast %get3A_1732 : vector<1x512xf32> to vector<68x512xf32>
    %add3A_1734 = arith.addf %add3A_1729, %add3A_1733 : vector<68x512xf32>
    %max3A_1735 = arith.constant 0.000000e+00 : f32
    %max3A_1736 = vector.broadcast %max3A_1735 : f32 to vector<68x512xf32>
    %max3A_1737 = arith.maximumf %add3A_1734, %max3A_1736 : vector<68x512xf32>
    %get3A_1738 = arith.constant 0 : index
    %get3A_1739 = arith.constant 0 : index
    %get3A_1740 = vector.load %arg8[%get3A_1738, %get3A_1739] : memref<512x256xf32, #tpu.memory_space<vmem>>, vector<512x256xf32>
    %dot_general3A_1741 = arith.constant dense<0.000000e+00> : vector<68x256xf32>
    %dot_general3A_1742 = tpu.matmul %max3A_1737, %get3A_1740, %dot_general3A_1741 {dimension_numbers = #tpu.dot_dimension_numbers<[1], [0], [0], [1], [0, 0, 1, 1], [], []>, transpose_lhs_hint = false} : vector<68x512xf32>, vector<512x256xf32>, vector<68x256xf32> -> vector<68x256xf32>
    %broadcast_in_dim3A_1743 = arith.constant 0.000000e+00 : f32
    %broadcast_in_dim3A_1744 = vector.broadcast %broadcast_in_dim3A_1743 : f32 to vector<68x256xf32>
    %dot_general3A_1745 = arith.constant dense<0.000000e+00> : vector<68x256xf32>
    %dot_general3A_1746 = tpu.matmul %convert_element_type3A_1127, %dot_general3A_1742, %dot_general3A_1745 {dimension_numbers = #tpu.dot_dimension_numbers<[1], [0], [0], [1], [0, 0, 1, 1], [], []>, precision = #tpu.contract_precision<fp32>, transpose_lhs_hint = false} : vector<68x68xf32>, vector<68x256xf32>, vector<68x256xf32> -> vector<68x256xf32>
    %mul3A_1747 = vector.broadcast %transpose3A_1129 : vector<68x1xf32> to vector<68x256xf32>
    %mul3A_1748 = arith.mulf %dot_general3A_1746, %mul3A_1747 : vector<68x256xf32>
    %add3A_1749 = arith.addf %broadcast_in_dim3A_1744, %mul3A_1748 : vector<68x256xf32>
    %dot_general3A_1750 = arith.constant dense<0.000000e+00> : vector<68x256xf32>
    %dot_general3A_1751 = tpu.matmul %convert_element_type3A_1137, %dot_general3A_1742, %dot_general3A_1750 {dimension_numbers = #tpu.dot_dimension_numbers<[1], [0], [0], [1], [0, 0, 1, 1], [], []>, precision = #tpu.contract_precision<fp32>, transpose_lhs_hint = false} : vector<68x68xf32>, vector<68x256xf32>, vector<68x256xf32> -> vector<68x256xf32>
    %mul3A_1752 = vector.broadcast %transpose3A_1139 : vector<68x1xf32> to vector<68x256xf32>
    %mul3A_1753 = arith.mulf %dot_general3A_1751, %mul3A_1752 : vector<68x256xf32>
    %add3A_1754 = arith.addf %add3A_1749, %mul3A_1753 : vector<68x256xf32>
    %dot_general3A_1755 = arith.constant dense<0.000000e+00> : vector<68x256xf32>
    %dot_general3A_1756 = tpu.matmul %convert_element_type3A_1147, %dot_general3A_1742, %dot_general3A_1755 {dimension_numbers = #tpu.dot_dimension_numbers<[1], [0], [0], [1], [0, 0, 1, 1], [], []>, precision = #tpu.contract_precision<fp32>, transpose_lhs_hint = false} : vector<68x68xf32>, vector<68x256xf32>, vector<68x256xf32> -> vector<68x256xf32>
    %mul3A_1757 = vector.broadcast %transpose3A_1149 : vector<68x1xf32> to vector<68x256xf32>
    %mul3A_1758 = arith.mulf %dot_general3A_1756, %mul3A_1757 : vector<68x256xf32>
    %add3A_1759 = arith.addf %add3A_1754, %mul3A_1758 : vector<68x256xf32>
    %dot_general3A_1760 = arith.constant dense<0.000000e+00> : vector<68x256xf32>
    %dot_general3A_1761 = tpu.matmul %convert_element_type3A_1157, %dot_general3A_1742, %dot_general3A_1760 {dimension_numbers = #tpu.dot_dimension_numbers<[1], [0], [0], [1], [0, 0, 1, 1], [], []>, precision = #tpu.contract_precision<fp32>, transpose_lhs_hint = false} : vector<68x68xf32>, vector<68x256xf32>, vector<68x256xf32> -> vector<68x256xf32>
    %mul3A_1762 = vector.broadcast %transpose3A_1159 : vector<68x1xf32> to vector<68x256xf32>
    %mul3A_1763 = arith.mulf %dot_general3A_1761, %mul3A_1762 : vector<68x256xf32>
    %add3A_1764 = arith.addf %add3A_1759, %mul3A_1763 : vector<68x256xf32>
    %dot_general3A_1765 = arith.constant dense<0.000000e+00> : vector<68x256xf32>
    %dot_general3A_1766 = tpu.matmul %convert_element_type3A_1167, %dot_general3A_1742, %dot_general3A_1765 {dimension_numbers = #tpu.dot_dimension_numbers<[1], [0], [0], [1], [0, 0, 1, 1], [], []>, precision = #tpu.contract_precision<fp32>, transpose_lhs_hint = false} : vector<68x68xf32>, vector<68x256xf32>, vector<68x256xf32> -> vector<68x256xf32>
    %mul3A_1767 = vector.broadcast %transpose3A_1169 : vector<68x1xf32> to vector<68x256xf32>
    %mul3A_1768 = arith.mulf %dot_general3A_1766, %mul3A_1767 : vector<68x256xf32>
    %add3A_1769 = arith.addf %add3A_1764, %mul3A_1768 : vector<68x256xf32>
    %dot_general3A_1770 = arith.constant dense<0.000000e+00> : vector<68x256xf32>
    %dot_general3A_1771 = tpu.matmul %convert_element_type3A_1177, %dot_general3A_1742, %dot_general3A_1770 {dimension_numbers = #tpu.dot_dimension_numbers<[1], [0], [0], [1], [0, 0, 1, 1], [], []>, precision = #tpu.contract_precision<fp32>, transpose_lhs_hint = false} : vector<68x68xf32>, vector<68x256xf32>, vector<68x256xf32> -> vector<68x256xf32>
    %mul3A_1772 = vector.broadcast %transpose3A_1179 : vector<68x1xf32> to vector<68x256xf32>
    %mul3A_1773 = arith.mulf %dot_general3A_1771, %mul3A_1772 : vector<68x256xf32>
    %add3A_1774 = arith.addf %add3A_1769, %mul3A_1773 : vector<68x256xf32>
    %dot_general3A_1775 = arith.constant dense<0.000000e+00> : vector<68x256xf32>
    %dot_general3A_1776 = tpu.matmul %convert_element_type3A_1187, %dot_general3A_1742, %dot_general3A_1775 {dimension_numbers = #tpu.dot_dimension_numbers<[1], [0], [0], [1], [0, 0, 1, 1], [], []>, precision = #tpu.contract_precision<fp32>, transpose_lhs_hint = false} : vector<68x68xf32>, vector<68x256xf32>, vector<68x256xf32> -> vector<68x256xf32>
    %mul3A_1777 = vector.broadcast %transpose3A_1189 : vector<68x1xf32> to vector<68x256xf32>
    %mul3A_1778 = arith.mulf %dot_general3A_1776, %mul3A_1777 : vector<68x256xf32>
    %add3A_1779 = arith.addf %add3A_1774, %mul3A_1778 : vector<68x256xf32>
    %dot_general3A_1780 = arith.constant dense<0.000000e+00> : vector<68x256xf32>
    %dot_general3A_1781 = tpu.matmul %convert_element_type3A_1197, %dot_general3A_1742, %dot_general3A_1780 {dimension_numbers = #tpu.dot_dimension_numbers<[1], [0], [0], [1], [0, 0, 1, 1], [], []>, precision = #tpu.contract_precision<fp32>, transpose_lhs_hint = false} : vector<68x68xf32>, vector<68x256xf32>, vector<68x256xf32> -> vector<68x256xf32>
    %mul3A_1782 = vector.broadcast %transpose3A_1199 : vector<68x1xf32> to vector<68x256xf32>
    %mul3A_1783 = arith.mulf %dot_general3A_1781, %mul3A_1782 : vector<68x256xf32>
    %add3A_1784 = arith.addf %add3A_1779, %mul3A_1783 : vector<68x256xf32>
    %dot_general3A_1785 = arith.constant dense<0.000000e+00> : vector<68x256xf32>
    %dot_general3A_1786 = tpu.matmul %convert_element_type3A_1207, %dot_general3A_1742, %dot_general3A_1785 {dimension_numbers = #tpu.dot_dimension_numbers<[1], [0], [0], [1], [0, 0, 1, 1], [], []>, precision = #tpu.contract_precision<fp32>, transpose_lhs_hint = false} : vector<68x68xf32>, vector<68x256xf32>, vector<68x256xf32> -> vector<68x256xf32>
    %mul3A_1787 = vector.broadcast %transpose3A_1209 : vector<68x1xf32> to vector<68x256xf32>
    %mul3A_1788 = arith.mulf %dot_general3A_1786, %mul3A_1787 : vector<68x256xf32>
    %add3A_1789 = arith.addf %add3A_1784, %mul3A_1788 : vector<68x256xf32>
    %dot_general3A_1790 = arith.constant dense<0.000000e+00> : vector<68x256xf32>
    %dot_general3A_1791 = tpu.matmul %convert_element_type3A_1217, %dot_general3A_1742, %dot_general3A_1790 {dimension_numbers = #tpu.dot_dimension_numbers<[1], [0], [0], [1], [0, 0, 1, 1], [], []>, precision = #tpu.contract_precision<fp32>, transpose_lhs_hint = false} : vector<68x68xf32>, vector<68x256xf32>, vector<68x256xf32> -> vector<68x256xf32>
    %mul3A_1792 = vector.broadcast %transpose3A_1219 : vector<68x1xf32> to vector<68x256xf32>
    %mul3A_1793 = arith.mulf %dot_general3A_1791, %mul3A_1792 : vector<68x256xf32>
    %add3A_1794 = arith.addf %add3A_1789, %mul3A_1793 : vector<68x256xf32>
    %dot_general3A_1795 = arith.constant dense<0.000000e+00> : vector<68x256xf32>
    %dot_general3A_1796 = tpu.matmul %convert_element_type3A_1227, %dot_general3A_1742, %dot_general3A_1795 {dimension_numbers = #tpu.dot_dimension_numbers<[1], [0], [0], [1], [0, 0, 1, 1], [], []>, precision = #tpu.contract_precision<fp32>, transpose_lhs_hint = false} : vector<68x68xf32>, vector<68x256xf32>, vector<68x256xf32> -> vector<68x256xf32>
    %mul3A_1797 = vector.broadcast %transpose3A_1229 : vector<68x1xf32> to vector<68x256xf32>
    %mul3A_1798 = arith.mulf %dot_general3A_1796, %mul3A_1797 : vector<68x256xf32>
    %add3A_1799 = arith.addf %add3A_1794, %mul3A_1798 : vector<68x256xf32>
    %dot_general3A_1800 = arith.constant dense<0.000000e+00> : vector<68x256xf32>
    %dot_general3A_1801 = tpu.matmul %convert_element_type3A_1237, %dot_general3A_1742, %dot_general3A_1800 {dimension_numbers = #tpu.dot_dimension_numbers<[1], [0], [0], [1], [0, 0, 1, 1], [], []>, precision = #tpu.contract_precision<fp32>, transpose_lhs_hint = false} : vector<68x68xf32>, vector<68x256xf32>, vector<68x256xf32> -> vector<68x256xf32>
    %mul3A_1802 = vector.broadcast %transpose3A_1239 : vector<68x1xf32> to vector<68x256xf32>
    %mul3A_1803 = arith.mulf %dot_general3A_1801, %mul3A_1802 : vector<68x256xf32>
    %add3A_1804 = arith.addf %add3A_1799, %mul3A_1803 : vector<68x256xf32>
    %dot_general3A_1805 = arith.constant dense<0.000000e+00> : vector<68x256xf32>
    %dot_general3A_1806 = tpu.matmul %convert_element_type3A_1247, %dot_general3A_1742, %dot_general3A_1805 {dimension_numbers = #tpu.dot_dimension_numbers<[1], [0], [0], [1], [0, 0, 1, 1], [], []>, precision = #tpu.contract_precision<fp32>, transpose_lhs_hint = false} : vector<68x68xf32>, vector<68x256xf32>, vector<68x256xf32> -> vector<68x256xf32>
    %mul3A_1807 = vector.broadcast %transpose3A_1249 : vector<68x1xf32> to vector<68x256xf32>
    %mul3A_1808 = arith.mulf %dot_general3A_1806, %mul3A_1807 : vector<68x256xf32>
    %add3A_1809 = arith.addf %add3A_1804, %mul3A_1808 : vector<68x256xf32>
    %dot_general3A_1810 = arith.constant dense<0.000000e+00> : vector<68x256xf32>
    %dot_general3A_1811 = tpu.matmul %convert_element_type3A_1257, %dot_general3A_1742, %dot_general3A_1810 {dimension_numbers = #tpu.dot_dimension_numbers<[1], [0], [0], [1], [0, 0, 1, 1], [], []>, precision = #tpu.contract_precision<fp32>, transpose_lhs_hint = false} : vector<68x68xf32>, vector<68x256xf32>, vector<68x256xf32> -> vector<68x256xf32>
    %mul3A_1812 = vector.broadcast %transpose3A_1259 : vector<68x1xf32> to vector<68x256xf32>
    %mul3A_1813 = arith.mulf %dot_general3A_1811, %mul3A_1812 : vector<68x256xf32>
    %add3A_1814 = arith.addf %add3A_1809, %mul3A_1813 : vector<68x256xf32>
    %dot_general3A_1815 = arith.constant dense<0.000000e+00> : vector<68x256xf32>
    %dot_general3A_1816 = tpu.matmul %convert_element_type3A_1267, %dot_general3A_1742, %dot_general3A_1815 {dimension_numbers = #tpu.dot_dimension_numbers<[1], [0], [0], [1], [0, 0, 1, 1], [], []>, precision = #tpu.contract_precision<fp32>, transpose_lhs_hint = false} : vector<68x68xf32>, vector<68x256xf32>, vector<68x256xf32> -> vector<68x256xf32>
    %mul3A_1817 = vector.broadcast %transpose3A_1269 : vector<68x1xf32> to vector<68x256xf32>
    %mul3A_1818 = arith.mulf %dot_general3A_1816, %mul3A_1817 : vector<68x256xf32>
    %add3A_1819 = arith.addf %add3A_1814, %mul3A_1818 : vector<68x256xf32>
    %dot_general3A_1820 = arith.constant dense<0.000000e+00> : vector<68x256xf32>
    %dot_general3A_1821 = tpu.matmul %convert_element_type3A_1277, %dot_general3A_1742, %dot_general3A_1820 {dimension_numbers = #tpu.dot_dimension_numbers<[1], [0], [0], [1], [0, 0, 1, 1], [], []>, precision = #tpu.contract_precision<fp32>, transpose_lhs_hint = false} : vector<68x68xf32>, vector<68x256xf32>, vector<68x256xf32> -> vector<68x256xf32>
    %mul3A_1822 = vector.broadcast %transpose3A_1279 : vector<68x1xf32> to vector<68x256xf32>
    %mul3A_1823 = arith.mulf %dot_general3A_1821, %mul3A_1822 : vector<68x256xf32>
    %add3A_1824 = arith.addf %add3A_1819, %mul3A_1823 : vector<68x256xf32>
    %dot_general3A_1825 = arith.constant dense<0.000000e+00> : vector<68x256xf32>
    %dot_general3A_1826 = tpu.matmul %convert_element_type3A_1287, %dot_general3A_1742, %dot_general3A_1825 {dimension_numbers = #tpu.dot_dimension_numbers<[1], [0], [0], [1], [0, 0, 1, 1], [], []>, precision = #tpu.contract_precision<fp32>, transpose_lhs_hint = false} : vector<68x68xf32>, vector<68x256xf32>, vector<68x256xf32> -> vector<68x256xf32>
    %mul3A_1827 = vector.broadcast %transpose3A_1289 : vector<68x1xf32> to vector<68x256xf32>
    %mul3A_1828 = arith.mulf %dot_general3A_1826, %mul3A_1827 : vector<68x256xf32>
    %add3A_1829 = arith.addf %add3A_1824, %mul3A_1828 : vector<68x256xf32>
    %dot_general3A_1830 = arith.constant dense<0.000000e+00> : vector<68x256xf32>
    %dot_general3A_1831 = tpu.matmul %convert_element_type3A_1297, %dot_general3A_1742, %dot_general3A_1830 {dimension_numbers = #tpu.dot_dimension_numbers<[1], [0], [0], [1], [0, 0, 1, 1], [], []>, precision = #tpu.contract_precision<fp32>, transpose_lhs_hint = false} : vector<68x68xf32>, vector<68x256xf32>, vector<68x256xf32> -> vector<68x256xf32>
    %mul3A_1832 = vector.broadcast %transpose3A_1299 : vector<68x1xf32> to vector<68x256xf32>
    %mul3A_1833 = arith.mulf %dot_general3A_1831, %mul3A_1832 : vector<68x256xf32>
    %add3A_1834 = arith.addf %add3A_1829, %mul3A_1833 : vector<68x256xf32>
    %dot_general3A_1835 = arith.constant dense<0.000000e+00> : vector<68x256xf32>
    %dot_general3A_1836 = tpu.matmul %convert_element_type3A_1307, %dot_general3A_1742, %dot_general3A_1835 {dimension_numbers = #tpu.dot_dimension_numbers<[1], [0], [0], [1], [0, 0, 1, 1], [], []>, precision = #tpu.contract_precision<fp32>, transpose_lhs_hint = false} : vector<68x68xf32>, vector<68x256xf32>, vector<68x256xf32> -> vector<68x256xf32>
    %mul3A_1837 = vector.broadcast %transpose3A_1309 : vector<68x1xf32> to vector<68x256xf32>
    %mul3A_1838 = arith.mulf %dot_general3A_1836, %mul3A_1837 : vector<68x256xf32>
    %add3A_1839 = arith.addf %add3A_1834, %mul3A_1838 : vector<68x256xf32>
    %dot_general3A_1840 = arith.constant dense<0.000000e+00> : vector<68x256xf32>
    %dot_general3A_1841 = tpu.matmul %convert_element_type3A_1317, %dot_general3A_1742, %dot_general3A_1840 {dimension_numbers = #tpu.dot_dimension_numbers<[1], [0], [0], [1], [0, 0, 1, 1], [], []>, precision = #tpu.contract_precision<fp32>, transpose_lhs_hint = false} : vector<68x68xf32>, vector<68x256xf32>, vector<68x256xf32> -> vector<68x256xf32>
    %mul3A_1842 = vector.broadcast %transpose3A_1319 : vector<68x1xf32> to vector<68x256xf32>
    %mul3A_1843 = arith.mulf %dot_general3A_1841, %mul3A_1842 : vector<68x256xf32>
    %add3A_1844 = arith.addf %add3A_1839, %mul3A_1843 : vector<68x256xf32>
    %dot_general3A_1845 = arith.constant dense<0.000000e+00> : vector<68x256xf32>
    %dot_general3A_1846 = tpu.matmul %convert_element_type3A_1327, %dot_general3A_1742, %dot_general3A_1845 {dimension_numbers = #tpu.dot_dimension_numbers<[1], [0], [0], [1], [0, 0, 1, 1], [], []>, precision = #tpu.contract_precision<fp32>, transpose_lhs_hint = false} : vector<68x68xf32>, vector<68x256xf32>, vector<68x256xf32> -> vector<68x256xf32>
    %mul3A_1847 = vector.broadcast %transpose3A_1329 : vector<68x1xf32> to vector<68x256xf32>
    %mul3A_1848 = arith.mulf %dot_general3A_1846, %mul3A_1847 : vector<68x256xf32>
    %add3A_1849 = arith.addf %add3A_1844, %mul3A_1848 : vector<68x256xf32>
    %dot_general3A_1850 = arith.constant dense<0.000000e+00> : vector<68x256xf32>
    %dot_general3A_1851 = tpu.matmul %convert_element_type3A_1337, %dot_general3A_1742, %dot_general3A_1850 {dimension_numbers = #tpu.dot_dimension_numbers<[1], [0], [0], [1], [0, 0, 1, 1], [], []>, precision = #tpu.contract_precision<fp32>, transpose_lhs_hint = false} : vector<68x68xf32>, vector<68x256xf32>, vector<68x256xf32> -> vector<68x256xf32>
    %mul3A_1852 = vector.broadcast %transpose3A_1339 : vector<68x1xf32> to vector<68x256xf32>
    %mul3A_1853 = arith.mulf %dot_general3A_1851, %mul3A_1852 : vector<68x256xf32>
    %add3A_1854 = arith.addf %add3A_1849, %mul3A_1853 : vector<68x256xf32>
    %dot_general3A_1855 = arith.constant dense<0.000000e+00> : vector<68x256xf32>
    %dot_general3A_1856 = tpu.matmul %convert_element_type3A_1347, %dot_general3A_1742, %dot_general3A_1855 {dimension_numbers = #tpu.dot_dimension_numbers<[1], [0], [0], [1], [0, 0, 1, 1], [], []>, precision = #tpu.contract_precision<fp32>, transpose_lhs_hint = false} : vector<68x68xf32>, vector<68x256xf32>, vector<68x256xf32> -> vector<68x256xf32>
    %mul3A_1857 = vector.broadcast %transpose3A_1349 : vector<68x1xf32> to vector<68x256xf32>
    %mul3A_1858 = arith.mulf %dot_general3A_1856, %mul3A_1857 : vector<68x256xf32>
    %add3A_1859 = arith.addf %add3A_1854, %mul3A_1858 : vector<68x256xf32>
    %dot_general3A_1860 = arith.constant dense<0.000000e+00> : vector<68x256xf32>
    %dot_general3A_1861 = tpu.matmul %convert_element_type3A_1357, %dot_general3A_1742, %dot_general3A_1860 {dimension_numbers = #tpu.dot_dimension_numbers<[1], [0], [0], [1], [0, 0, 1, 1], [], []>, precision = #tpu.contract_precision<fp32>, transpose_lhs_hint = false} : vector<68x68xf32>, vector<68x256xf32>, vector<68x256xf32> -> vector<68x256xf32>
    %mul3A_1862 = vector.broadcast %transpose3A_1359 : vector<68x1xf32> to vector<68x256xf32>
    %mul3A_1863 = arith.mulf %dot_general3A_1861, %mul3A_1862 : vector<68x256xf32>
    %add3A_1864 = arith.addf %add3A_1859, %mul3A_1863 : vector<68x256xf32>
    %dot_general3A_1865 = arith.constant dense<0.000000e+00> : vector<68x256xf32>
    %dot_general3A_1866 = tpu.matmul %convert_element_type3A_1367, %dot_general3A_1742, %dot_general3A_1865 {dimension_numbers = #tpu.dot_dimension_numbers<[1], [0], [0], [1], [0, 0, 1, 1], [], []>, precision = #tpu.contract_precision<fp32>, transpose_lhs_hint = false} : vector<68x68xf32>, vector<68x256xf32>, vector<68x256xf32> -> vector<68x256xf32>
    %mul3A_1867 = vector.broadcast %transpose3A_1369 : vector<68x1xf32> to vector<68x256xf32>
    %mul3A_1868 = arith.mulf %dot_general3A_1866, %mul3A_1867 : vector<68x256xf32>
    %add3A_1869 = arith.addf %add3A_1864, %mul3A_1868 : vector<68x256xf32>
    %dot_general3A_1870 = arith.constant dense<0.000000e+00> : vector<68x256xf32>
    %dot_general3A_1871 = tpu.matmul %convert_element_type3A_1377, %dot_general3A_1742, %dot_general3A_1870 {dimension_numbers = #tpu.dot_dimension_numbers<[1], [0], [0], [1], [0, 0, 1, 1], [], []>, precision = #tpu.contract_precision<fp32>, transpose_lhs_hint = false} : vector<68x68xf32>, vector<68x256xf32>, vector<68x256xf32> -> vector<68x256xf32>
    %mul3A_1872 = vector.broadcast %transpose3A_1379 : vector<68x1xf32> to vector<68x256xf32>
    %mul3A_1873 = arith.mulf %dot_general3A_1871, %mul3A_1872 : vector<68x256xf32>
    %add3A_1874 = arith.addf %add3A_1869, %mul3A_1873 : vector<68x256xf32>
    %dot_general3A_1875 = arith.constant dense<0.000000e+00> : vector<68x256xf32>
    %dot_general3A_1876 = tpu.matmul %convert_element_type3A_1387, %dot_general3A_1742, %dot_general3A_1875 {dimension_numbers = #tpu.dot_dimension_numbers<[1], [0], [0], [1], [0, 0, 1, 1], [], []>, precision = #tpu.contract_precision<fp32>, transpose_lhs_hint = false} : vector<68x68xf32>, vector<68x256xf32>, vector<68x256xf32> -> vector<68x256xf32>
    %mul3A_1877 = vector.broadcast %transpose3A_1389 : vector<68x1xf32> to vector<68x256xf32>
    %mul3A_1878 = arith.mulf %dot_general3A_1876, %mul3A_1877 : vector<68x256xf32>
    %add3A_1879 = arith.addf %add3A_1874, %mul3A_1878 : vector<68x256xf32>
    %dot_general3A_1880 = arith.constant dense<0.000000e+00> : vector<68x256xf32>
    %dot_general3A_1881 = tpu.matmul %convert_element_type3A_1397, %dot_general3A_1742, %dot_general3A_1880 {dimension_numbers = #tpu.dot_dimension_numbers<[1], [0], [0], [1], [0, 0, 1, 1], [], []>, precision = #tpu.contract_precision<fp32>, transpose_lhs_hint = false} : vector<68x68xf32>, vector<68x256xf32>, vector<68x256xf32> -> vector<68x256xf32>
    %mul3A_1882 = vector.broadcast %transpose3A_1399 : vector<68x1xf32> to vector<68x256xf32>
    %mul3A_1883 = arith.mulf %dot_general3A_1881, %mul3A_1882 : vector<68x256xf32>
    %add3A_1884 = arith.addf %add3A_1879, %mul3A_1883 : vector<68x256xf32>
    %dot_general3A_1885 = arith.constant dense<0.000000e+00> : vector<68x256xf32>
    %dot_general3A_1886 = tpu.matmul %convert_element_type3A_1407, %dot_general3A_1742, %dot_general3A_1885 {dimension_numbers = #tpu.dot_dimension_numbers<[1], [0], [0], [1], [0, 0, 1, 1], [], []>, precision = #tpu.contract_precision<fp32>, transpose_lhs_hint = false} : vector<68x68xf32>, vector<68x256xf32>, vector<68x256xf32> -> vector<68x256xf32>
    %mul3A_1887 = vector.broadcast %transpose3A_1409 : vector<68x1xf32> to vector<68x256xf32>
    %mul3A_1888 = arith.mulf %dot_general3A_1886, %mul3A_1887 : vector<68x256xf32>
    %add3A_1889 = arith.addf %add3A_1884, %mul3A_1888 : vector<68x256xf32>
    %dot_general3A_1890 = arith.constant dense<0.000000e+00> : vector<68x256xf32>
    %dot_general3A_1891 = tpu.matmul %convert_element_type3A_1417, %dot_general3A_1742, %dot_general3A_1890 {dimension_numbers = #tpu.dot_dimension_numbers<[1], [0], [0], [1], [0, 0, 1, 1], [], []>, precision = #tpu.contract_precision<fp32>, transpose_lhs_hint = false} : vector<68x68xf32>, vector<68x256xf32>, vector<68x256xf32> -> vector<68x256xf32>
    %mul3A_1892 = vector.broadcast %transpose3A_1419 : vector<68x1xf32> to vector<68x256xf32>
    %mul3A_1893 = arith.mulf %dot_general3A_1891, %mul3A_1892 : vector<68x256xf32>
    %add3A_1894 = arith.addf %add3A_1889, %mul3A_1893 : vector<68x256xf32>
    %dot_general3A_1895 = arith.constant dense<0.000000e+00> : vector<68x256xf32>
    %dot_general3A_1896 = tpu.matmul %convert_element_type3A_1427, %dot_general3A_1742, %dot_general3A_1895 {dimension_numbers = #tpu.dot_dimension_numbers<[1], [0], [0], [1], [0, 0, 1, 1], [], []>, precision = #tpu.contract_precision<fp32>, transpose_lhs_hint = false} : vector<68x68xf32>, vector<68x256xf32>, vector<68x256xf32> -> vector<68x256xf32>
    %mul3A_1897 = vector.broadcast %transpose3A_1429 : vector<68x1xf32> to vector<68x256xf32>
    %mul3A_1898 = arith.mulf %dot_general3A_1896, %mul3A_1897 : vector<68x256xf32>
    %add3A_1899 = arith.addf %add3A_1894, %mul3A_1898 : vector<68x256xf32>
    %dot_general3A_1900 = arith.constant dense<0.000000e+00> : vector<68x256xf32>
    %dot_general3A_1901 = tpu.matmul %convert_element_type3A_1437, %dot_general3A_1742, %dot_general3A_1900 {dimension_numbers = #tpu.dot_dimension_numbers<[1], [0], [0], [1], [0, 0, 1, 1], [], []>, precision = #tpu.contract_precision<fp32>, transpose_lhs_hint = false} : vector<68x68xf32>, vector<68x256xf32>, vector<68x256xf32> -> vector<68x256xf32>
    %mul3A_1902 = vector.broadcast %transpose3A_1439 : vector<68x1xf32> to vector<68x256xf32>
    %mul3A_1903 = arith.mulf %dot_general3A_1901, %mul3A_1902 : vector<68x256xf32>
    %add3A_1904 = arith.addf %add3A_1899, %mul3A_1903 : vector<68x256xf32>
    %dot_general3A_1905 = arith.constant dense<0.000000e+00> : vector<68x256xf32>
    %dot_general3A_1906 = tpu.matmul %convert_element_type3A_1447, %dot_general3A_1742, %dot_general3A_1905 {dimension_numbers = #tpu.dot_dimension_numbers<[1], [0], [0], [1], [0, 0, 1, 1], [], []>, precision = #tpu.contract_precision<fp32>, transpose_lhs_hint = false} : vector<68x68xf32>, vector<68x256xf32>, vector<68x256xf32> -> vector<68x256xf32>
    %mul3A_1907 = vector.broadcast %transpose3A_1449 : vector<68x1xf32> to vector<68x256xf32>
    %mul3A_1908 = arith.mulf %dot_general3A_1906, %mul3A_1907 : vector<68x256xf32>
    %add3A_1909 = arith.addf %add3A_1904, %mul3A_1908 : vector<68x256xf32>
    %dot_general3A_1910 = arith.constant dense<0.000000e+00> : vector<68x256xf32>
    %dot_general3A_1911 = tpu.matmul %convert_element_type3A_1457, %dot_general3A_1742, %dot_general3A_1910 {dimension_numbers = #tpu.dot_dimension_numbers<[1], [0], [0], [1], [0, 0, 1, 1], [], []>, precision = #tpu.contract_precision<fp32>, transpose_lhs_hint = false} : vector<68x68xf32>, vector<68x256xf32>, vector<68x256xf32> -> vector<68x256xf32>
    %mul3A_1912 = vector.broadcast %transpose3A_1459 : vector<68x1xf32> to vector<68x256xf32>
    %mul3A_1913 = arith.mulf %dot_general3A_1911, %mul3A_1912 : vector<68x256xf32>
    %add3A_1914 = arith.addf %add3A_1909, %mul3A_1913 : vector<68x256xf32>
    %dot_general3A_1915 = arith.constant dense<0.000000e+00> : vector<68x256xf32>
    %dot_general3A_1916 = tpu.matmul %convert_element_type3A_1467, %dot_general3A_1742, %dot_general3A_1915 {dimension_numbers = #tpu.dot_dimension_numbers<[1], [0], [0], [1], [0, 0, 1, 1], [], []>, precision = #tpu.contract_precision<fp32>, transpose_lhs_hint = false} : vector<68x68xf32>, vector<68x256xf32>, vector<68x256xf32> -> vector<68x256xf32>
    %mul3A_1917 = vector.broadcast %transpose3A_1469 : vector<68x1xf32> to vector<68x256xf32>
    %mul3A_1918 = arith.mulf %dot_general3A_1916, %mul3A_1917 : vector<68x256xf32>
    %add3A_1919 = arith.addf %add3A_1914, %mul3A_1918 : vector<68x256xf32>
    %dot_general3A_1920 = arith.constant dense<0.000000e+00> : vector<68x256xf32>
    %dot_general3A_1921 = tpu.matmul %convert_element_type3A_1477, %dot_general3A_1742, %dot_general3A_1920 {dimension_numbers = #tpu.dot_dimension_numbers<[1], [0], [0], [1], [0, 0, 1, 1], [], []>, precision = #tpu.contract_precision<fp32>, transpose_lhs_hint = false} : vector<68x68xf32>, vector<68x256xf32>, vector<68x256xf32> -> vector<68x256xf32>
    %mul3A_1922 = vector.broadcast %transpose3A_1479 : vector<68x1xf32> to vector<68x256xf32>
    %mul3A_1923 = arith.mulf %dot_general3A_1921, %mul3A_1922 : vector<68x256xf32>
    %add3A_1924 = arith.addf %add3A_1919, %mul3A_1923 : vector<68x256xf32>
    %dot_general3A_1925 = arith.constant dense<0.000000e+00> : vector<68x256xf32>
    %dot_general3A_1926 = tpu.matmul %convert_element_type3A_1487, %dot_general3A_1742, %dot_general3A_1925 {dimension_numbers = #tpu.dot_dimension_numbers<[1], [0], [0], [1], [0, 0, 1, 1], [], []>, precision = #tpu.contract_precision<fp32>, transpose_lhs_hint = false} : vector<68x68xf32>, vector<68x256xf32>, vector<68x256xf32> -> vector<68x256xf32>
    %mul3A_1927 = vector.broadcast %transpose3A_1489 : vector<68x1xf32> to vector<68x256xf32>
    %mul3A_1928 = arith.mulf %dot_general3A_1926, %mul3A_1927 : vector<68x256xf32>
    %add3A_1929 = arith.addf %add3A_1924, %mul3A_1928 : vector<68x256xf32>
    %dot_general3A_1930 = arith.constant dense<0.000000e+00> : vector<68x256xf32>
    %dot_general3A_1931 = tpu.matmul %convert_element_type3A_1497, %dot_general3A_1742, %dot_general3A_1930 {dimension_numbers = #tpu.dot_dimension_numbers<[1], [0], [0], [1], [0, 0, 1, 1], [], []>, precision = #tpu.contract_precision<fp32>, transpose_lhs_hint = false} : vector<68x68xf32>, vector<68x256xf32>, vector<68x256xf32> -> vector<68x256xf32>
    %mul3A_1932 = vector.broadcast %transpose3A_1499 : vector<68x1xf32> to vector<68x256xf32>
    %mul3A_1933 = arith.mulf %dot_general3A_1931, %mul3A_1932 : vector<68x256xf32>
    %add3A_1934 = arith.addf %add3A_1929, %mul3A_1933 : vector<68x256xf32>
    %dot_general3A_1935 = arith.constant dense<0.000000e+00> : vector<68x256xf32>
    %dot_general3A_1936 = tpu.matmul %convert_element_type3A_1507, %dot_general3A_1742, %dot_general3A_1935 {dimension_numbers = #tpu.dot_dimension_numbers<[1], [0], [0], [1], [0, 0, 1, 1], [], []>, precision = #tpu.contract_precision<fp32>, transpose_lhs_hint = false} : vector<68x68xf32>, vector<68x256xf32>, vector<68x256xf32> -> vector<68x256xf32>
    %mul3A_1937 = vector.broadcast %transpose3A_1509 : vector<68x1xf32> to vector<68x256xf32>
    %mul3A_1938 = arith.mulf %dot_general3A_1936, %mul3A_1937 : vector<68x256xf32>
    %add3A_1939 = arith.addf %add3A_1934, %mul3A_1938 : vector<68x256xf32>
    %dot_general3A_1940 = arith.constant dense<0.000000e+00> : vector<68x256xf32>
    %dot_general3A_1941 = tpu.matmul %convert_element_type3A_1517, %dot_general3A_1742, %dot_general3A_1940 {dimension_numbers = #tpu.dot_dimension_numbers<[1], [0], [0], [1], [0, 0, 1, 1], [], []>, precision = #tpu.contract_precision<fp32>, transpose_lhs_hint = false} : vector<68x68xf32>, vector<68x256xf32>, vector<68x256xf32> -> vector<68x256xf32>
    %mul3A_1942 = vector.broadcast %transpose3A_1519 : vector<68x1xf32> to vector<68x256xf32>
    %mul3A_1943 = arith.mulf %dot_general3A_1941, %mul3A_1942 : vector<68x256xf32>
    %add3A_1944 = arith.addf %add3A_1939, %mul3A_1943 : vector<68x256xf32>
    %mul3A_1945 = vector.broadcast %mul3A_476 : vector<68x1xf32> to vector<68x256xf32>
    %mul3A_1946 = arith.mulf %dot_general3A_1742, %mul3A_1945 : vector<68x256xf32>
    %add3A_1947 = arith.addf %add3A_1944, %mul3A_1946 : vector<68x256xf32>
    %get3A_1948 = arith.constant 0 : index
    %get3A_1949 = arith.constant 0 : index
    %get3A_1950 = vector.load %arg9[%get3A_1948, %get3A_1949] : memref<1x256xf32, #tpu.memory_space<vmem>>, vector<1x256xf32>
    %add3A_1951 = vector.broadcast %get3A_1950 : vector<1x256xf32> to vector<68x256xf32>
    %add3A_1952 = arith.addf %add3A_1947, %add3A_1951 : vector<68x256xf32>
    %max3A_1953 = arith.constant 0.000000e+00 : f32
    %max3A_1954 = vector.broadcast %max3A_1953 : f32 to vector<68x256xf32>
    %max3A_1955 = arith.maximumf %add3A_1952, %max3A_1954 : vector<68x256xf32>
    %get3A_1956 = arith.constant 0 : index
    %get3A_1957 = arith.constant 0 : index
    %get3A_1958 = vector.load %arg10[%get3A_1956, %get3A_1957] : memref<256x128xf32, #tpu.memory_space<vmem>>, vector<256x128xf32>
    %dot_general3A_1959 = arith.constant dense<0.000000e+00> : vector<68x128xf32>
    %dot_general3A_1960 = tpu.matmul %max3A_1955, %get3A_1958, %dot_general3A_1959 {dimension_numbers = #tpu.dot_dimension_numbers<[1], [0], [0], [1], [0, 0, 1, 1], [], []>, transpose_lhs_hint = false} : vector<68x256xf32>, vector<256x128xf32>, vector<68x128xf32> -> vector<68x128xf32>
    %broadcast_in_dim3A_1961 = arith.constant 0.000000e+00 : f32
    %broadcast_in_dim3A_1962 = vector.broadcast %broadcast_in_dim3A_1961 : f32 to vector<68x128xf32>
    %dot_general3A_1963 = arith.constant dense<0.000000e+00> : vector<68x128xf32>
    %dot_general3A_1964 = tpu.matmul %convert_element_type3A_1127, %dot_general3A_1960, %dot_general3A_1963 {dimension_numbers = #tpu.dot_dimension_numbers<[1], [0], [0], [1], [0, 0, 1, 1], [], []>, precision = #tpu.contract_precision<fp32>, transpose_lhs_hint = false} : vector<68x68xf32>, vector<68x128xf32>, vector<68x128xf32> -> vector<68x128xf32>
    %mul3A_1965 = vector.broadcast %transpose3A_1129 : vector<68x1xf32> to vector<68x128xf32>
    %mul3A_1966 = arith.mulf %dot_general3A_1964, %mul3A_1965 : vector<68x128xf32>
    %add3A_1967 = arith.addf %broadcast_in_dim3A_1962, %mul3A_1966 : vector<68x128xf32>
    %dot_general3A_1968 = arith.constant dense<0.000000e+00> : vector<68x128xf32>
    %dot_general3A_1969 = tpu.matmul %convert_element_type3A_1137, %dot_general3A_1960, %dot_general3A_1968 {dimension_numbers = #tpu.dot_dimension_numbers<[1], [0], [0], [1], [0, 0, 1, 1], [], []>, precision = #tpu.contract_precision<fp32>, transpose_lhs_hint = false} : vector<68x68xf32>, vector<68x128xf32>, vector<68x128xf32> -> vector<68x128xf32>
    %mul3A_1970 = vector.broadcast %transpose3A_1139 : vector<68x1xf32> to vector<68x128xf32>
    %mul3A_1971 = arith.mulf %dot_general3A_1969, %mul3A_1970 : vector<68x128xf32>
    %add3A_1972 = arith.addf %add3A_1967, %mul3A_1971 : vector<68x128xf32>
    %dot_general3A_1973 = arith.constant dense<0.000000e+00> : vector<68x128xf32>
    %dot_general3A_1974 = tpu.matmul %convert_element_type3A_1147, %dot_general3A_1960, %dot_general3A_1973 {dimension_numbers = #tpu.dot_dimension_numbers<[1], [0], [0], [1], [0, 0, 1, 1], [], []>, precision = #tpu.contract_precision<fp32>, transpose_lhs_hint = false} : vector<68x68xf32>, vector<68x128xf32>, vector<68x128xf32> -> vector<68x128xf32>
    %mul3A_1975 = vector.broadcast %transpose3A_1149 : vector<68x1xf32> to vector<68x128xf32>
    %mul3A_1976 = arith.mulf %dot_general3A_1974, %mul3A_1975 : vector<68x128xf32>
    %add3A_1977 = arith.addf %add3A_1972, %mul3A_1976 : vector<68x128xf32>
    %dot_general3A_1978 = arith.constant dense<0.000000e+00> : vector<68x128xf32>
    %dot_general3A_1979 = tpu.matmul %convert_element_type3A_1157, %dot_general3A_1960, %dot_general3A_1978 {dimension_numbers = #tpu.dot_dimension_numbers<[1], [0], [0], [1], [0, 0, 1, 1], [], []>, precision = #tpu.contract_precision<fp32>, transpose_lhs_hint = false} : vector<68x68xf32>, vector<68x128xf32>, vector<68x128xf32> -> vector<68x128xf32>
    %mul3A_1980 = vector.broadcast %transpose3A_1159 : vector<68x1xf32> to vector<68x128xf32>
    %mul3A_1981 = arith.mulf %dot_general3A_1979, %mul3A_1980 : vector<68x128xf32>
    %add3A_1982 = arith.addf %add3A_1977, %mul3A_1981 : vector<68x128xf32>
    %dot_general3A_1983 = arith.constant dense<0.000000e+00> : vector<68x128xf32>
    %dot_general3A_1984 = tpu.matmul %convert_element_type3A_1167, %dot_general3A_1960, %dot_general3A_1983 {dimension_numbers = #tpu.dot_dimension_numbers<[1], [0], [0], [1], [0, 0, 1, 1], [], []>, precision = #tpu.contract_precision<fp32>, transpose_lhs_hint = false} : vector<68x68xf32>, vector<68x128xf32>, vector<68x128xf32> -> vector<68x128xf32>
    %mul3A_1985 = vector.broadcast %transpose3A_1169 : vector<68x1xf32> to vector<68x128xf32>
    %mul3A_1986 = arith.mulf %dot_general3A_1984, %mul3A_1985 : vector<68x128xf32>
    %add3A_1987 = arith.addf %add3A_1982, %mul3A_1986 : vector<68x128xf32>
    %dot_general3A_1988 = arith.constant dense<0.000000e+00> : vector<68x128xf32>
    %dot_general3A_1989 = tpu.matmul %convert_element_type3A_1177, %dot_general3A_1960, %dot_general3A_1988 {dimension_numbers = #tpu.dot_dimension_numbers<[1], [0], [0], [1], [0, 0, 1, 1], [], []>, precision = #tpu.contract_precision<fp32>, transpose_lhs_hint = false} : vector<68x68xf32>, vector<68x128xf32>, vector<68x128xf32> -> vector<68x128xf32>
    %mul3A_1990 = vector.broadcast %transpose3A_1179 : vector<68x1xf32> to vector<68x128xf32>
    %mul3A_1991 = arith.mulf %dot_general3A_1989, %mul3A_1990 : vector<68x128xf32>
    %add3A_1992 = arith.addf %add3A_1987, %mul3A_1991 : vector<68x128xf32>
    %dot_general3A_1993 = arith.constant dense<0.000000e+00> : vector<68x128xf32>
    %dot_general3A_1994 = tpu.matmul %convert_element_type3A_1187, %dot_general3A_1960, %dot_general3A_1993 {dimension_numbers = #tpu.dot_dimension_numbers<[1], [0], [0], [1], [0, 0, 1, 1], [], []>, precision = #tpu.contract_precision<fp32>, transpose_lhs_hint = false} : vector<68x68xf32>, vector<68x128xf32>, vector<68x128xf32> -> vector<68x128xf32>
    %mul3A_1995 = vector.broadcast %transpose3A_1189 : vector<68x1xf32> to vector<68x128xf32>
    %mul3A_1996 = arith.mulf %dot_general3A_1994, %mul3A_1995 : vector<68x128xf32>
    %add3A_1997 = arith.addf %add3A_1992, %mul3A_1996 : vector<68x128xf32>
    %dot_general3A_1998 = arith.constant dense<0.000000e+00> : vector<68x128xf32>
    %dot_general3A_1999 = tpu.matmul %convert_element_type3A_1197, %dot_general3A_1960, %dot_general3A_1998 {dimension_numbers = #tpu.dot_dimension_numbers<[1], [0], [0], [1], [0, 0, 1, 1], [], []>, precision = #tpu.contract_precision<fp32>, transpose_lhs_hint = false} : vector<68x68xf32>, vector<68x128xf32>, vector<68x128xf32> -> vector<68x128xf32>
    %mul3A_2000 = vector.broadcast %transpose3A_1199 : vector<68x1xf32> to vector<68x128xf32>
    %mul3A_2001 = arith.mulf %dot_general3A_1999, %mul3A_2000 : vector<68x128xf32>
    %add3A_2002 = arith.addf %add3A_1997, %mul3A_2001 : vector<68x128xf32>
    %dot_general3A_2003 = arith.constant dense<0.000000e+00> : vector<68x128xf32>
    %dot_general3A_2004 = tpu.matmul %convert_element_type3A_1207, %dot_general3A_1960, %dot_general3A_2003 {dimension_numbers = #tpu.dot_dimension_numbers<[1], [0], [0], [1], [0, 0, 1, 1], [], []>, precision = #tpu.contract_precision<fp32>, transpose_lhs_hint = false} : vector<68x68xf32>, vector<68x128xf32>, vector<68x128xf32> -> vector<68x128xf32>
    %mul3A_2005 = vector.broadcast %transpose3A_1209 : vector<68x1xf32> to vector<68x128xf32>
    %mul3A_2006 = arith.mulf %dot_general3A_2004, %mul3A_2005 : vector<68x128xf32>
    %add3A_2007 = arith.addf %add3A_2002, %mul3A_2006 : vector<68x128xf32>
    %dot_general3A_2008 = arith.constant dense<0.000000e+00> : vector<68x128xf32>
    %dot_general3A_2009 = tpu.matmul %convert_element_type3A_1217, %dot_general3A_1960, %dot_general3A_2008 {dimension_numbers = #tpu.dot_dimension_numbers<[1], [0], [0], [1], [0, 0, 1, 1], [], []>, precision = #tpu.contract_precision<fp32>, transpose_lhs_hint = false} : vector<68x68xf32>, vector<68x128xf32>, vector<68x128xf32> -> vector<68x128xf32>
    %mul3A_2010 = vector.broadcast %transpose3A_1219 : vector<68x1xf32> to vector<68x128xf32>
    %mul3A_2011 = arith.mulf %dot_general3A_2009, %mul3A_2010 : vector<68x128xf32>
    %add3A_2012 = arith.addf %add3A_2007, %mul3A_2011 : vector<68x128xf32>
    %dot_general3A_2013 = arith.constant dense<0.000000e+00> : vector<68x128xf32>
    %dot_general3A_2014 = tpu.matmul %convert_element_type3A_1227, %dot_general3A_1960, %dot_general3A_2013 {dimension_numbers = #tpu.dot_dimension_numbers<[1], [0], [0], [1], [0, 0, 1, 1], [], []>, precision = #tpu.contract_precision<fp32>, transpose_lhs_hint = false} : vector<68x68xf32>, vector<68x128xf32>, vector<68x128xf32> -> vector<68x128xf32>
    %mul3A_2015 = vector.broadcast %transpose3A_1229 : vector<68x1xf32> to vector<68x128xf32>
    %mul3A_2016 = arith.mulf %dot_general3A_2014, %mul3A_2015 : vector<68x128xf32>
    %add3A_2017 = arith.addf %add3A_2012, %mul3A_2016 : vector<68x128xf32>
    %dot_general3A_2018 = arith.constant dense<0.000000e+00> : vector<68x128xf32>
    %dot_general3A_2019 = tpu.matmul %convert_element_type3A_1237, %dot_general3A_1960, %dot_general3A_2018 {dimension_numbers = #tpu.dot_dimension_numbers<[1], [0], [0], [1], [0, 0, 1, 1], [], []>, precision = #tpu.contract_precision<fp32>, transpose_lhs_hint = false} : vector<68x68xf32>, vector<68x128xf32>, vector<68x128xf32> -> vector<68x128xf32>
    %mul3A_2020 = vector.broadcast %transpose3A_1239 : vector<68x1xf32> to vector<68x128xf32>
    %mul3A_2021 = arith.mulf %dot_general3A_2019, %mul3A_2020 : vector<68x128xf32>
    %add3A_2022 = arith.addf %add3A_2017, %mul3A_2021 : vector<68x128xf32>
    %dot_general3A_2023 = arith.constant dense<0.000000e+00> : vector<68x128xf32>
    %dot_general3A_2024 = tpu.matmul %convert_element_type3A_1247, %dot_general3A_1960, %dot_general3A_2023 {dimension_numbers = #tpu.dot_dimension_numbers<[1], [0], [0], [1], [0, 0, 1, 1], [], []>, precision = #tpu.contract_precision<fp32>, transpose_lhs_hint = false} : vector<68x68xf32>, vector<68x128xf32>, vector<68x128xf32> -> vector<68x128xf32>
    %mul3A_2025 = vector.broadcast %transpose3A_1249 : vector<68x1xf32> to vector<68x128xf32>
    %mul3A_2026 = arith.mulf %dot_general3A_2024, %mul3A_2025 : vector<68x128xf32>
    %add3A_2027 = arith.addf %add3A_2022, %mul3A_2026 : vector<68x128xf32>
    %dot_general3A_2028 = arith.constant dense<0.000000e+00> : vector<68x128xf32>
    %dot_general3A_2029 = tpu.matmul %convert_element_type3A_1257, %dot_general3A_1960, %dot_general3A_2028 {dimension_numbers = #tpu.dot_dimension_numbers<[1], [0], [0], [1], [0, 0, 1, 1], [], []>, precision = #tpu.contract_precision<fp32>, transpose_lhs_hint = false} : vector<68x68xf32>, vector<68x128xf32>, vector<68x128xf32> -> vector<68x128xf32>
    %mul3A_2030 = vector.broadcast %transpose3A_1259 : vector<68x1xf32> to vector<68x128xf32>
    %mul3A_2031 = arith.mulf %dot_general3A_2029, %mul3A_2030 : vector<68x128xf32>
    %add3A_2032 = arith.addf %add3A_2027, %mul3A_2031 : vector<68x128xf32>
    %dot_general3A_2033 = arith.constant dense<0.000000e+00> : vector<68x128xf32>
    %dot_general3A_2034 = tpu.matmul %convert_element_type3A_1267, %dot_general3A_1960, %dot_general3A_2033 {dimension_numbers = #tpu.dot_dimension_numbers<[1], [0], [0], [1], [0, 0, 1, 1], [], []>, precision = #tpu.contract_precision<fp32>, transpose_lhs_hint = false} : vector<68x68xf32>, vector<68x128xf32>, vector<68x128xf32> -> vector<68x128xf32>
    %mul3A_2035 = vector.broadcast %transpose3A_1269 : vector<68x1xf32> to vector<68x128xf32>
    %mul3A_2036 = arith.mulf %dot_general3A_2034, %mul3A_2035 : vector<68x128xf32>
    %add3A_2037 = arith.addf %add3A_2032, %mul3A_2036 : vector<68x128xf32>
    %dot_general3A_2038 = arith.constant dense<0.000000e+00> : vector<68x128xf32>
    %dot_general3A_2039 = tpu.matmul %convert_element_type3A_1277, %dot_general3A_1960, %dot_general3A_2038 {dimension_numbers = #tpu.dot_dimension_numbers<[1], [0], [0], [1], [0, 0, 1, 1], [], []>, precision = #tpu.contract_precision<fp32>, transpose_lhs_hint = false} : vector<68x68xf32>, vector<68x128xf32>, vector<68x128xf32> -> vector<68x128xf32>
    %mul3A_2040 = vector.broadcast %transpose3A_1279 : vector<68x1xf32> to vector<68x128xf32>
    %mul3A_2041 = arith.mulf %dot_general3A_2039, %mul3A_2040 : vector<68x128xf32>
    %add3A_2042 = arith.addf %add3A_2037, %mul3A_2041 : vector<68x128xf32>
    %dot_general3A_2043 = arith.constant dense<0.000000e+00> : vector<68x128xf32>
    %dot_general3A_2044 = tpu.matmul %convert_element_type3A_1287, %dot_general3A_1960, %dot_general3A_2043 {dimension_numbers = #tpu.dot_dimension_numbers<[1], [0], [0], [1], [0, 0, 1, 1], [], []>, precision = #tpu.contract_precision<fp32>, transpose_lhs_hint = false} : vector<68x68xf32>, vector<68x128xf32>, vector<68x128xf32> -> vector<68x128xf32>
    %mul3A_2045 = vector.broadcast %transpose3A_1289 : vector<68x1xf32> to vector<68x128xf32>
    %mul3A_2046 = arith.mulf %dot_general3A_2044, %mul3A_2045 : vector<68x128xf32>
    %add3A_2047 = arith.addf %add3A_2042, %mul3A_2046 : vector<68x128xf32>
    %dot_general3A_2048 = arith.constant dense<0.000000e+00> : vector<68x128xf32>
    %dot_general3A_2049 = tpu.matmul %convert_element_type3A_1297, %dot_general3A_1960, %dot_general3A_2048 {dimension_numbers = #tpu.dot_dimension_numbers<[1], [0], [0], [1], [0, 0, 1, 1], [], []>, precision = #tpu.contract_precision<fp32>, transpose_lhs_hint = false} : vector<68x68xf32>, vector<68x128xf32>, vector<68x128xf32> -> vector<68x128xf32>
    %mul3A_2050 = vector.broadcast %transpose3A_1299 : vector<68x1xf32> to vector<68x128xf32>
    %mul3A_2051 = arith.mulf %dot_general3A_2049, %mul3A_2050 : vector<68x128xf32>
    %add3A_2052 = arith.addf %add3A_2047, %mul3A_2051 : vector<68x128xf32>
    %dot_general3A_2053 = arith.constant dense<0.000000e+00> : vector<68x128xf32>
    %dot_general3A_2054 = tpu.matmul %convert_element_type3A_1307, %dot_general3A_1960, %dot_general3A_2053 {dimension_numbers = #tpu.dot_dimension_numbers<[1], [0], [0], [1], [0, 0, 1, 1], [], []>, precision = #tpu.contract_precision<fp32>, transpose_lhs_hint = false} : vector<68x68xf32>, vector<68x128xf32>, vector<68x128xf32> -> vector<68x128xf32>
    %mul3A_2055 = vector.broadcast %transpose3A_1309 : vector<68x1xf32> to vector<68x128xf32>
    %mul3A_2056 = arith.mulf %dot_general3A_2054, %mul3A_2055 : vector<68x128xf32>
    %add3A_2057 = arith.addf %add3A_2052, %mul3A_2056 : vector<68x128xf32>
    %dot_general3A_2058 = arith.constant dense<0.000000e+00> : vector<68x128xf32>
    %dot_general3A_2059 = tpu.matmul %convert_element_type3A_1317, %dot_general3A_1960, %dot_general3A_2058 {dimension_numbers = #tpu.dot_dimension_numbers<[1], [0], [0], [1], [0, 0, 1, 1], [], []>, precision = #tpu.contract_precision<fp32>, transpose_lhs_hint = false} : vector<68x68xf32>, vector<68x128xf32>, vector<68x128xf32> -> vector<68x128xf32>
    %mul3A_2060 = vector.broadcast %transpose3A_1319 : vector<68x1xf32> to vector<68x128xf32>
    %mul3A_2061 = arith.mulf %dot_general3A_2059, %mul3A_2060 : vector<68x128xf32>
    %add3A_2062 = arith.addf %add3A_2057, %mul3A_2061 : vector<68x128xf32>
    %dot_general3A_2063 = arith.constant dense<0.000000e+00> : vector<68x128xf32>
    %dot_general3A_2064 = tpu.matmul %convert_element_type3A_1327, %dot_general3A_1960, %dot_general3A_2063 {dimension_numbers = #tpu.dot_dimension_numbers<[1], [0], [0], [1], [0, 0, 1, 1], [], []>, precision = #tpu.contract_precision<fp32>, transpose_lhs_hint = false} : vector<68x68xf32>, vector<68x128xf32>, vector<68x128xf32> -> vector<68x128xf32>
    %mul3A_2065 = vector.broadcast %transpose3A_1329 : vector<68x1xf32> to vector<68x128xf32>
    %mul3A_2066 = arith.mulf %dot_general3A_2064, %mul3A_2065 : vector<68x128xf32>
    %add3A_2067 = arith.addf %add3A_2062, %mul3A_2066 : vector<68x128xf32>
    %dot_general3A_2068 = arith.constant dense<0.000000e+00> : vector<68x128xf32>
    %dot_general3A_2069 = tpu.matmul %convert_element_type3A_1337, %dot_general3A_1960, %dot_general3A_2068 {dimension_numbers = #tpu.dot_dimension_numbers<[1], [0], [0], [1], [0, 0, 1, 1], [], []>, precision = #tpu.contract_precision<fp32>, transpose_lhs_hint = false} : vector<68x68xf32>, vector<68x128xf32>, vector<68x128xf32> -> vector<68x128xf32>
    %mul3A_2070 = vector.broadcast %transpose3A_1339 : vector<68x1xf32> to vector<68x128xf32>
    %mul3A_2071 = arith.mulf %dot_general3A_2069, %mul3A_2070 : vector<68x128xf32>
    %add3A_2072 = arith.addf %add3A_2067, %mul3A_2071 : vector<68x128xf32>
    %dot_general3A_2073 = arith.constant dense<0.000000e+00> : vector<68x128xf32>
    %dot_general3A_2074 = tpu.matmul %convert_element_type3A_1347, %dot_general3A_1960, %dot_general3A_2073 {dimension_numbers = #tpu.dot_dimension_numbers<[1], [0], [0], [1], [0, 0, 1, 1], [], []>, precision = #tpu.contract_precision<fp32>, transpose_lhs_hint = false} : vector<68x68xf32>, vector<68x128xf32>, vector<68x128xf32> -> vector<68x128xf32>
    %mul3A_2075 = vector.broadcast %transpose3A_1349 : vector<68x1xf32> to vector<68x128xf32>
    %mul3A_2076 = arith.mulf %dot_general3A_2074, %mul3A_2075 : vector<68x128xf32>
    %add3A_2077 = arith.addf %add3A_2072, %mul3A_2076 : vector<68x128xf32>
    %dot_general3A_2078 = arith.constant dense<0.000000e+00> : vector<68x128xf32>
    %dot_general3A_2079 = tpu.matmul %convert_element_type3A_1357, %dot_general3A_1960, %dot_general3A_2078 {dimension_numbers = #tpu.dot_dimension_numbers<[1], [0], [0], [1], [0, 0, 1, 1], [], []>, precision = #tpu.contract_precision<fp32>, transpose_lhs_hint = false} : vector<68x68xf32>, vector<68x128xf32>, vector<68x128xf32> -> vector<68x128xf32>
    %mul3A_2080 = vector.broadcast %transpose3A_1359 : vector<68x1xf32> to vector<68x128xf32>
    %mul3A_2081 = arith.mulf %dot_general3A_2079, %mul3A_2080 : vector<68x128xf32>
    %add3A_2082 = arith.addf %add3A_2077, %mul3A_2081 : vector<68x128xf32>
    %dot_general3A_2083 = arith.constant dense<0.000000e+00> : vector<68x128xf32>
    %dot_general3A_2084 = tpu.matmul %convert_element_type3A_1367, %dot_general3A_1960, %dot_general3A_2083 {dimension_numbers = #tpu.dot_dimension_numbers<[1], [0], [0], [1], [0, 0, 1, 1], [], []>, precision = #tpu.contract_precision<fp32>, transpose_lhs_hint = false} : vector<68x68xf32>, vector<68x128xf32>, vector<68x128xf32> -> vector<68x128xf32>
    %mul3A_2085 = vector.broadcast %transpose3A_1369 : vector<68x1xf32> to vector<68x128xf32>
    %mul3A_2086 = arith.mulf %dot_general3A_2084, %mul3A_2085 : vector<68x128xf32>
    %add3A_2087 = arith.addf %add3A_2082, %mul3A_2086 : vector<68x128xf32>
    %dot_general3A_2088 = arith.constant dense<0.000000e+00> : vector<68x128xf32>
    %dot_general3A_2089 = tpu.matmul %convert_element_type3A_1377, %dot_general3A_1960, %dot_general3A_2088 {dimension_numbers = #tpu.dot_dimension_numbers<[1], [0], [0], [1], [0, 0, 1, 1], [], []>, precision = #tpu.contract_precision<fp32>, transpose_lhs_hint = false} : vector<68x68xf32>, vector<68x128xf32>, vector<68x128xf32> -> vector<68x128xf32>
    %mul3A_2090 = vector.broadcast %transpose3A_1379 : vector<68x1xf32> to vector<68x128xf32>
    %mul3A_2091 = arith.mulf %dot_general3A_2089, %mul3A_2090 : vector<68x128xf32>
    %add3A_2092 = arith.addf %add3A_2087, %mul3A_2091 : vector<68x128xf32>
    %dot_general3A_2093 = arith.constant dense<0.000000e+00> : vector<68x128xf32>
    %dot_general3A_2094 = tpu.matmul %convert_element_type3A_1387, %dot_general3A_1960, %dot_general3A_2093 {dimension_numbers = #tpu.dot_dimension_numbers<[1], [0], [0], [1], [0, 0, 1, 1], [], []>, precision = #tpu.contract_precision<fp32>, transpose_lhs_hint = false} : vector<68x68xf32>, vector<68x128xf32>, vector<68x128xf32> -> vector<68x128xf32>
    %mul3A_2095 = vector.broadcast %transpose3A_1389 : vector<68x1xf32> to vector<68x128xf32>
    %mul3A_2096 = arith.mulf %dot_general3A_2094, %mul3A_2095 : vector<68x128xf32>
    %add3A_2097 = arith.addf %add3A_2092, %mul3A_2096 : vector<68x128xf32>
    %dot_general3A_2098 = arith.constant dense<0.000000e+00> : vector<68x128xf32>
    %dot_general3A_2099 = tpu.matmul %convert_element_type3A_1397, %dot_general3A_1960, %dot_general3A_2098 {dimension_numbers = #tpu.dot_dimension_numbers<[1], [0], [0], [1], [0, 0, 1, 1], [], []>, precision = #tpu.contract_precision<fp32>, transpose_lhs_hint = false} : vector<68x68xf32>, vector<68x128xf32>, vector<68x128xf32> -> vector<68x128xf32>
    %mul3A_2100 = vector.broadcast %transpose3A_1399 : vector<68x1xf32> to vector<68x128xf32>
    %mul3A_2101 = arith.mulf %dot_general3A_2099, %mul3A_2100 : vector<68x128xf32>
    %add3A_2102 = arith.addf %add3A_2097, %mul3A_2101 : vector<68x128xf32>
    %dot_general3A_2103 = arith.constant dense<0.000000e+00> : vector<68x128xf32>
    %dot_general3A_2104 = tpu.matmul %convert_element_type3A_1407, %dot_general3A_1960, %dot_general3A_2103 {dimension_numbers = #tpu.dot_dimension_numbers<[1], [0], [0], [1], [0, 0, 1, 1], [], []>, precision = #tpu.contract_precision<fp32>, transpose_lhs_hint = false} : vector<68x68xf32>, vector<68x128xf32>, vector<68x128xf32> -> vector<68x128xf32>
    %mul3A_2105 = vector.broadcast %transpose3A_1409 : vector<68x1xf32> to vector<68x128xf32>
    %mul3A_2106 = arith.mulf %dot_general3A_2104, %mul3A_2105 : vector<68x128xf32>
    %add3A_2107 = arith.addf %add3A_2102, %mul3A_2106 : vector<68x128xf32>
    %dot_general3A_2108 = arith.constant dense<0.000000e+00> : vector<68x128xf32>
    %dot_general3A_2109 = tpu.matmul %convert_element_type3A_1417, %dot_general3A_1960, %dot_general3A_2108 {dimension_numbers = #tpu.dot_dimension_numbers<[1], [0], [0], [1], [0, 0, 1, 1], [], []>, precision = #tpu.contract_precision<fp32>, transpose_lhs_hint = false} : vector<68x68xf32>, vector<68x128xf32>, vector<68x128xf32> -> vector<68x128xf32>
    %mul3A_2110 = vector.broadcast %transpose3A_1419 : vector<68x1xf32> to vector<68x128xf32>
    %mul3A_2111 = arith.mulf %dot_general3A_2109, %mul3A_2110 : vector<68x128xf32>
    %add3A_2112 = arith.addf %add3A_2107, %mul3A_2111 : vector<68x128xf32>
    %dot_general3A_2113 = arith.constant dense<0.000000e+00> : vector<68x128xf32>
    %dot_general3A_2114 = tpu.matmul %convert_element_type3A_1427, %dot_general3A_1960, %dot_general3A_2113 {dimension_numbers = #tpu.dot_dimension_numbers<[1], [0], [0], [1], [0, 0, 1, 1], [], []>, precision = #tpu.contract_precision<fp32>, transpose_lhs_hint = false} : vector<68x68xf32>, vector<68x128xf32>, vector<68x128xf32> -> vector<68x128xf32>
    %mul3A_2115 = vector.broadcast %transpose3A_1429 : vector<68x1xf32> to vector<68x128xf32>
    %mul3A_2116 = arith.mulf %dot_general3A_2114, %mul3A_2115 : vector<68x128xf32>
    %add3A_2117 = arith.addf %add3A_2112, %mul3A_2116 : vector<68x128xf32>
    %dot_general3A_2118 = arith.constant dense<0.000000e+00> : vector<68x128xf32>
    %dot_general3A_2119 = tpu.matmul %convert_element_type3A_1437, %dot_general3A_1960, %dot_general3A_2118 {dimension_numbers = #tpu.dot_dimension_numbers<[1], [0], [0], [1], [0, 0, 1, 1], [], []>, precision = #tpu.contract_precision<fp32>, transpose_lhs_hint = false} : vector<68x68xf32>, vector<68x128xf32>, vector<68x128xf32> -> vector<68x128xf32>
    %mul3A_2120 = vector.broadcast %transpose3A_1439 : vector<68x1xf32> to vector<68x128xf32>
    %mul3A_2121 = arith.mulf %dot_general3A_2119, %mul3A_2120 : vector<68x128xf32>
    %add3A_2122 = arith.addf %add3A_2117, %mul3A_2121 : vector<68x128xf32>
    %dot_general3A_2123 = arith.constant dense<0.000000e+00> : vector<68x128xf32>
    %dot_general3A_2124 = tpu.matmul %convert_element_type3A_1447, %dot_general3A_1960, %dot_general3A_2123 {dimension_numbers = #tpu.dot_dimension_numbers<[1], [0], [0], [1], [0, 0, 1, 1], [], []>, precision = #tpu.contract_precision<fp32>, transpose_lhs_hint = false} : vector<68x68xf32>, vector<68x128xf32>, vector<68x128xf32> -> vector<68x128xf32>
    %mul3A_2125 = vector.broadcast %transpose3A_1449 : vector<68x1xf32> to vector<68x128xf32>
    %mul3A_2126 = arith.mulf %dot_general3A_2124, %mul3A_2125 : vector<68x128xf32>
    %add3A_2127 = arith.addf %add3A_2122, %mul3A_2126 : vector<68x128xf32>
    %dot_general3A_2128 = arith.constant dense<0.000000e+00> : vector<68x128xf32>
    %dot_general3A_2129 = tpu.matmul %convert_element_type3A_1457, %dot_general3A_1960, %dot_general3A_2128 {dimension_numbers = #tpu.dot_dimension_numbers<[1], [0], [0], [1], [0, 0, 1, 1], [], []>, precision = #tpu.contract_precision<fp32>, transpose_lhs_hint = false} : vector<68x68xf32>, vector<68x128xf32>, vector<68x128xf32> -> vector<68x128xf32>
    %mul3A_2130 = vector.broadcast %transpose3A_1459 : vector<68x1xf32> to vector<68x128xf32>
    %mul3A_2131 = arith.mulf %dot_general3A_2129, %mul3A_2130 : vector<68x128xf32>
    %add3A_2132 = arith.addf %add3A_2127, %mul3A_2131 : vector<68x128xf32>
    %dot_general3A_2133 = arith.constant dense<0.000000e+00> : vector<68x128xf32>
    %dot_general3A_2134 = tpu.matmul %convert_element_type3A_1467, %dot_general3A_1960, %dot_general3A_2133 {dimension_numbers = #tpu.dot_dimension_numbers<[1], [0], [0], [1], [0, 0, 1, 1], [], []>, precision = #tpu.contract_precision<fp32>, transpose_lhs_hint = false} : vector<68x68xf32>, vector<68x128xf32>, vector<68x128xf32> -> vector<68x128xf32>
    %mul3A_2135 = vector.broadcast %transpose3A_1469 : vector<68x1xf32> to vector<68x128xf32>
    %mul3A_2136 = arith.mulf %dot_general3A_2134, %mul3A_2135 : vector<68x128xf32>
    %add3A_2137 = arith.addf %add3A_2132, %mul3A_2136 : vector<68x128xf32>
    %dot_general3A_2138 = arith.constant dense<0.000000e+00> : vector<68x128xf32>
    %dot_general3A_2139 = tpu.matmul %convert_element_type3A_1477, %dot_general3A_1960, %dot_general3A_2138 {dimension_numbers = #tpu.dot_dimension_numbers<[1], [0], [0], [1], [0, 0, 1, 1], [], []>, precision = #tpu.contract_precision<fp32>, transpose_lhs_hint = false} : vector<68x68xf32>, vector<68x128xf32>, vector<68x128xf32> -> vector<68x128xf32>
    %mul3A_2140 = vector.broadcast %transpose3A_1479 : vector<68x1xf32> to vector<68x128xf32>
    %mul3A_2141 = arith.mulf %dot_general3A_2139, %mul3A_2140 : vector<68x128xf32>
    %add3A_2142 = arith.addf %add3A_2137, %mul3A_2141 : vector<68x128xf32>
    %dot_general3A_2143 = arith.constant dense<0.000000e+00> : vector<68x128xf32>
    %dot_general3A_2144 = tpu.matmul %convert_element_type3A_1487, %dot_general3A_1960, %dot_general3A_2143 {dimension_numbers = #tpu.dot_dimension_numbers<[1], [0], [0], [1], [0, 0, 1, 1], [], []>, precision = #tpu.contract_precision<fp32>, transpose_lhs_hint = false} : vector<68x68xf32>, vector<68x128xf32>, vector<68x128xf32> -> vector<68x128xf32>
    %mul3A_2145 = vector.broadcast %transpose3A_1489 : vector<68x1xf32> to vector<68x128xf32>
    %mul3A_2146 = arith.mulf %dot_general3A_2144, %mul3A_2145 : vector<68x128xf32>
    %add3A_2147 = arith.addf %add3A_2142, %mul3A_2146 : vector<68x128xf32>
    %dot_general3A_2148 = arith.constant dense<0.000000e+00> : vector<68x128xf32>
    %dot_general3A_2149 = tpu.matmul %convert_element_type3A_1497, %dot_general3A_1960, %dot_general3A_2148 {dimension_numbers = #tpu.dot_dimension_numbers<[1], [0], [0], [1], [0, 0, 1, 1], [], []>, precision = #tpu.contract_precision<fp32>, transpose_lhs_hint = false} : vector<68x68xf32>, vector<68x128xf32>, vector<68x128xf32> -> vector<68x128xf32>
    %mul3A_2150 = vector.broadcast %transpose3A_1499 : vector<68x1xf32> to vector<68x128xf32>
    %mul3A_2151 = arith.mulf %dot_general3A_2149, %mul3A_2150 : vector<68x128xf32>
    %add3A_2152 = arith.addf %add3A_2147, %mul3A_2151 : vector<68x128xf32>
    %dot_general3A_2153 = arith.constant dense<0.000000e+00> : vector<68x128xf32>
    %dot_general3A_2154 = tpu.matmul %convert_element_type3A_1507, %dot_general3A_1960, %dot_general3A_2153 {dimension_numbers = #tpu.dot_dimension_numbers<[1], [0], [0], [1], [0, 0, 1, 1], [], []>, precision = #tpu.contract_precision<fp32>, transpose_lhs_hint = false} : vector<68x68xf32>, vector<68x128xf32>, vector<68x128xf32> -> vector<68x128xf32>
    %mul3A_2155 = vector.broadcast %transpose3A_1509 : vector<68x1xf32> to vector<68x128xf32>
    %mul3A_2156 = arith.mulf %dot_general3A_2154, %mul3A_2155 : vector<68x128xf32>
    %add3A_2157 = arith.addf %add3A_2152, %mul3A_2156 : vector<68x128xf32>
    %dot_general3A_2158 = arith.constant dense<0.000000e+00> : vector<68x128xf32>
    %dot_general3A_2159 = tpu.matmul %convert_element_type3A_1517, %dot_general3A_1960, %dot_general3A_2158 {dimension_numbers = #tpu.dot_dimension_numbers<[1], [0], [0], [1], [0, 0, 1, 1], [], []>, precision = #tpu.contract_precision<fp32>, transpose_lhs_hint = false} : vector<68x68xf32>, vector<68x128xf32>, vector<68x128xf32> -> vector<68x128xf32>
    %mul3A_2160 = vector.broadcast %transpose3A_1519 : vector<68x1xf32> to vector<68x128xf32>
    %mul3A_2161 = arith.mulf %dot_general3A_2159, %mul3A_2160 : vector<68x128xf32>
    %add3A_2162 = arith.addf %add3A_2157, %mul3A_2161 : vector<68x128xf32>
    %mul3A_2163 = vector.broadcast %mul3A_476 : vector<68x1xf32> to vector<68x128xf32>
    %mul3A_2164 = arith.mulf %dot_general3A_1960, %mul3A_2163 : vector<68x128xf32>
    %add3A_2165 = arith.addf %add3A_2162, %mul3A_2164 : vector<68x128xf32>
    %get3A_2166 = arith.constant 0 : index
    %get3A_2167 = arith.constant 0 : index
    %get3A_2168 = vector.load %arg11[%get3A_2166, %get3A_2167] : memref<1x128xf32, #tpu.memory_space<vmem>>, vector<1x128xf32>
    %add3A_2169 = vector.broadcast %get3A_2168 : vector<1x128xf32> to vector<68x128xf32>
    %add3A_2170 = arith.addf %add3A_2165, %add3A_2169 : vector<68x128xf32>
    %max3A_2171 = arith.constant 0.000000e+00 : f32
    %max3A_2172 = vector.broadcast %max3A_2171 : f32 to vector<68x128xf32>
    %max3A_2173 = arith.maximumf %add3A_2170, %max3A_2172 : vector<68x128xf32>
    %get3A_2174 = arith.constant 0 : index
    %get3A_2175 = arith.constant 0 : index
    %get3A_2176 = vector.load %arg12[%get3A_2174, %get3A_2175] : memref<128x1xf32, #tpu.memory_space<vmem>>, vector<128x1xf32>
    %mul3A_2177 = arith.mulf %get3A_2176, %get3A_2176 : vector<128x1xf32>
    %reduce_sum3A_2178 = vector.shape_cast %mul3A_2177 : vector<128x1xf32> to vector<1x128x1xf32>
    %reduce_sum3A_2179 = arith.constant dense<0.000000e+00> : vector<1xf32>
    %reduce_sum3A_2180 = vector.multi_reduction <add>, %reduce_sum3A_2178, %reduce_sum3A_2179 [1, 2] : vector<1x128x1xf32> to vector<1xf32>
    %reduce_sum3A_2181 = vector.shape_cast %reduce_sum3A_2180 : vector<1xf32> to vector<1x1x1xf32>
    %reduce_sum3A_2182 = vector.extract %reduce_sum3A_2181[0, 0, 0] : f32 from vector<1x1x1xf32>
    %sqrt3A = math.sqrt %reduce_sum3A_2182 : f32
    %dot_general3A_2183 = arith.constant dense<0.000000e+00> : vector<68x1xf32>
    %dot_general3A_2184 = tpu.matmul %max3A_2173, %get3A_2176, %dot_general3A_2183 {dimension_numbers = #tpu.dot_dimension_numbers<[1], [0], [0], [1], [0, 0, 1, 1], [], []>, transpose_lhs_hint = false} : vector<68x128xf32>, vector<128x1xf32>, vector<68x1xf32> -> vector<68x1xf32>
    %div3A = vector.broadcast %sqrt3A : f32 to vector<68x1xf32>
    %div3A_2185 = arith.divf %dot_general3A_2184, %div3A : vector<68x1xf32>
    %tanh3A = math.tanh %div3A_2185 : vector<68x1xf32>
    %reshape3A_2186 = vector.shape_cast %tanh3A : vector<68x1xf32> to vector<1x68xf32>
    %iota3A_2187 = tpu.iota {dimensions = array<i32: 1>} : vector<68x68xi32>
    %iota3A_2188 = tpu.iota {dimensions = array<i32: 0>} : vector<68x68xi32>
    %gt3A_2189 = vector.broadcast %reshape3A_2186 : vector<1x68xf32> to vector<68x68xf32>
    %gt3A_2190 = vector.broadcast %tanh3A : vector<68x1xf32> to vector<68x68xf32>
    %gt3A_2191 = arith.cmpf ogt, %gt3A_2189, %gt3A_2190 : vector<68x68xf32>
    %eq3A_2192 = vector.broadcast %reshape3A_2186 : vector<1x68xf32> to vector<68x68xf32>
    %eq3A_2193 = vector.broadcast %tanh3A : vector<68x1xf32> to vector<68x68xf32>
    %eq3A_2194 = arith.cmpf oeq, %eq3A_2192, %eq3A_2193 : vector<68x68xf32>
    %lt3A_2195 = arith.cmpi slt, %iota3A_2187, %iota3A_2188 : vector<68x68xi32>
    %and3A = arith.andi %eq3A_2194, %lt3A_2195 : vector<68x68xi1>
    %or3A = arith.ori %gt3A_2191, %and3A : vector<68x68xi1>
    %convert_element_type3A_2196 = arith.extui %or3A : vector<68x68xi1> to vector<68x68xi32>
    %reduce_sum3A_2197 = arith.constant dense<0> : vector<68xi32>
    %reduce_sum3A_2198 = vector.multi_reduction <add>, %convert_element_type3A_2196, %reduce_sum3A_2197 [1] : vector<68x68xi32> to vector<68xi32>
    %broadcast_in_dim3A_2199 = vector.shape_cast %reduce_sum3A_2198 : vector<68xi32> to vector<68x1xi32>
    %iota3A_2200 = tpu.iota {dimensions = array<i32: 0>} : vector<34x68xi32>
    %reshape3A_2201 = vector.shape_cast %broadcast_in_dim3A_2199 : vector<68x1xi32> to vector<1x68xi32>
    %eq3A_2202 = vector.broadcast %reshape3A_2201 : vector<1x68xi32> to vector<34x68xi32>
    %eq3A_2203 = arith.cmpi eq, %eq3A_2202, %iota3A_2200 : vector<34x68xi32>
    %convert_element_type3A_2204 = arith.extui %eq3A_2203 : vector<34x68xi1> to vector<34x68xi32>
    %convert_element_type3A_2205 = arith.sitofp %convert_element_type3A_2204 : vector<34x68xi32> to vector<34x68xf32>
    %dot_general3A_2206 = arith.constant dense<0.000000e+00> : vector<34x1xf32>
    %dot_general3A_2207 = tpu.matmul %convert_element_type3A_2205, %tanh3A, %dot_general3A_2206 {dimension_numbers = #tpu.dot_dimension_numbers<[1], [0], [0], [1], [0, 0, 1, 1], [], []>, precision = #tpu.contract_precision<fp32>, transpose_lhs_hint = false} : vector<34x68xf32>, vector<68x1xf32>, vector<34x1xf32> -> vector<34x1xf32>
    %dot_general3A_2208 = arith.constant dense<0.000000e+00> : vector<34x128xf32>
    %dot_general3A_2209 = tpu.matmul %convert_element_type3A_2205, %max3A_2173, %dot_general3A_2208 {dimension_numbers = #tpu.dot_dimension_numbers<[1], [0], [0], [1], [0, 0, 1, 1], [], []>, precision = #tpu.contract_precision<fp32>, transpose_lhs_hint = false} : vector<34x68xf32>, vector<68x128xf32>, vector<34x128xf32> -> vector<34x128xf32>
    %mul3A_2210 = vector.broadcast %dot_general3A_2207 : vector<34x1xf32> to vector<34x128xf32>
    %mul3A_2211 = arith.mulf %dot_general3A_2209, %mul3A_2210 : vector<34x128xf32>
    %reshape3A_2212 = vector.shape_cast %mul3A_2211 : vector<34x128xf32> to vector<1x4352xf32>
    %get3A_2213 = arith.constant 0 : index
    %get3A_2214 = arith.constant 0 : index
    %get3A_2215 = vector.load %arg13[%get3A_2213, %get3A_2214] : memref<4352x128xf32, #tpu.memory_space<vmem>>, vector<4352x128xf32>
    %dot_general3A_2216 = arith.constant dense<0.000000e+00> : vector<1x128xf32>
    %dot_general3A_2217 = tpu.matmul %reshape3A_2212, %get3A_2215, %dot_general3A_2216 {dimension_numbers = #tpu.dot_dimension_numbers<[1], [0], [0], [1], [0, 0, 1, 1], [], []>, transpose_lhs_hint = false} : vector<1x4352xf32>, vector<4352x128xf32>, vector<1x128xf32> -> vector<1x128xf32>
    %get3A_2218 = arith.constant 0 : index
    %get3A_2219 = arith.constant 0 : index
    %get3A_2220 = vector.load %arg14[%get3A_2218, %get3A_2219] : memref<1x128xf32, #tpu.memory_space<vmem>>, vector<1x128xf32>
    %add3A_2221 = arith.addf %dot_general3A_2217, %get3A_2220 : vector<1x128xf32>
    %reduce_sum3A_2222 = arith.constant dense<0.000000e+00> : vector<1xf32>
    %reduce_sum3A_2223 = vector.multi_reduction <add>, %add3A_2221, %reduce_sum3A_2222 [1] : vector<1x128xf32> to vector<1xf32>
    %broadcast_in_dim3A_2224 = vector.shape_cast %reduce_sum3A_2223 : vector<1xf32> to vector<1x1xf32>
    %div3A_2225 = arith.constant 1.280000e+02 : f32
    %div3A_2226 = vector.broadcast %div3A_2225 : f32 to vector<1x1xf32>
    %div3A_2227 = arith.divf %broadcast_in_dim3A_2224, %div3A_2226 : vector<1x1xf32>
    %sub3A_2228 = vector.broadcast %div3A_2227 : vector<1x1xf32> to vector<1x128xf32>
    %sub3A_2229 = arith.subf %add3A_2221, %sub3A_2228 : vector<1x128xf32>
    %sub3A_2230 = vector.broadcast %div3A_2227 : vector<1x1xf32> to vector<1x128xf32>
    %sub3A_2231 = arith.subf %add3A_2221, %sub3A_2230 : vector<1x128xf32>
    %mul3A_2232 = arith.mulf %sub3A_2229, %sub3A_2231 : vector<1x128xf32>
    %reduce_sum3A_2233 = arith.constant dense<0.000000e+00> : vector<1xf32>
    %reduce_sum3A_2234 = vector.multi_reduction <add>, %mul3A_2232, %reduce_sum3A_2233 [1] : vector<1x128xf32> to vector<1xf32>
    %broadcast_in_dim3A_2235 = vector.shape_cast %reduce_sum3A_2234 : vector<1xf32> to vector<1x1xf32>
    %div3A_2236 = arith.constant 1.280000e+02 : f32
    %div3A_2237 = vector.broadcast %div3A_2236 : f32 to vector<1x1xf32>
    %div3A_2238 = arith.divf %broadcast_in_dim3A_2235, %div3A_2237 : vector<1x1xf32>
    %sub3A_2239 = vector.broadcast %div3A_2227 : vector<1x1xf32> to vector<1x128xf32>
    %sub3A_2240 = arith.subf %add3A_2221, %sub3A_2239 : vector<1x128xf32>
    %add3A_2241 = arith.constant 9.99999974E-6 : f32
    %add3A_2242 = vector.broadcast %add3A_2241 : f32 to vector<1x1xf32>
    %add3A_2243 = arith.addf %div3A_2238, %add3A_2242 : vector<1x1xf32>
    %rsqrt3A_2244 = math.rsqrt %add3A_2243 : vector<1x1xf32>
    %mul3A_2245 = vector.broadcast %rsqrt3A_2244 : vector<1x1xf32> to vector<1x128xf32>
    %mul3A_2246 = arith.mulf %sub3A_2240, %mul3A_2245 : vector<1x128xf32>
    %get3A_2247 = arith.constant 0 : index
    %get3A_2248 = arith.constant 0 : index
    %get3A_2249 = vector.load %arg15[%get3A_2247, %get3A_2248] : memref<1x128xf32, #tpu.memory_space<vmem>>, vector<1x128xf32>
    %mul3A_2250 = arith.mulf %mul3A_2246, %get3A_2249 : vector<1x128xf32>
    %get3A_2251 = arith.constant 0 : index
    %get3A_2252 = arith.constant 0 : index
    %get3A_2253 = vector.load %arg16[%get3A_2251, %get3A_2252] : memref<1x128xf32, #tpu.memory_space<vmem>>, vector<1x128xf32>
    %add3A_2254 = arith.addf %mul3A_2250, %get3A_2253 : vector<1x128xf32>
    %get3A_2255 = arith.constant 0 : index
    %get3A_2256 = arith.constant 0 : index
    %get3A_2257 = vector.load %arg17[%get3A_2255, %get3A_2256] : memref<128x68xf32, #tpu.memory_space<vmem>>, vector<128x68xf32>
    %dot_general3A_2258 = arith.constant dense<0.000000e+00> : vector<1x68xf32>
    %dot_general3A_2259 = tpu.matmul %add3A_2254, %get3A_2257, %dot_general3A_2258 {dimension_numbers = #tpu.dot_dimension_numbers<[1], [0], [0], [1], [0, 0, 1, 1], [], []>, transpose_lhs_hint = false} : vector<1x128xf32>, vector<128x68xf32>, vector<1x68xf32> -> vector<1x68xf32>
    %get3A_2260 = arith.constant 0 : index
    %get3A_2261 = arith.constant 0 : index
    %get3A_2262 = vector.load %arg18[%get3A_2260, %get3A_2261] : memref<1x68xf32, #tpu.memory_space<vmem>>, vector<1x68xf32>
    %add3A_2263 = arith.addf %dot_general3A_2259, %get3A_2262 : vector<1x68xf32>
    %max3A_2264 = arith.constant 0.000000e+00 : f32
    %max3A_2265 = vector.broadcast %max3A_2264 : f32 to vector<1x68xf32>
    %max3A_2266 = arith.maximumf %add3A_2263, %max3A_2265 : vector<1x68xf32>
    %reduce_sum3A_2267 = arith.constant dense<0.000000e+00> : vector<1xf32>
    %reduce_sum3A_2268 = vector.multi_reduction <add>, %max3A_2266, %reduce_sum3A_2267 [1] : vector<1x68xf32> to vector<1xf32>
    %broadcast_in_dim3A_2269 = vector.shape_cast %reduce_sum3A_2268 : vector<1xf32> to vector<1x1xf32>
    %div3A_2270 = arith.constant 6.800000e+01 : f32
    %div3A_2271 = vector.broadcast %div3A_2270 : f32 to vector<1x1xf32>
    %div3A_2272 = arith.divf %broadcast_in_dim3A_2269, %div3A_2271 : vector<1x1xf32>
    %sub3A_2273 = vector.broadcast %div3A_2272 : vector<1x1xf32> to vector<1x68xf32>
    %sub3A_2274 = arith.subf %max3A_2266, %sub3A_2273 : vector<1x68xf32>
    %sub3A_2275 = vector.broadcast %div3A_2272 : vector<1x1xf32> to vector<1x68xf32>
    %sub3A_2276 = arith.subf %max3A_2266, %sub3A_2275 : vector<1x68xf32>
    %mul3A_2277 = arith.mulf %sub3A_2274, %sub3A_2276 : vector<1x68xf32>
    %reduce_sum3A_2278 = arith.constant dense<0.000000e+00> : vector<1xf32>
    %reduce_sum3A_2279 = vector.multi_reduction <add>, %mul3A_2277, %reduce_sum3A_2278 [1] : vector<1x68xf32> to vector<1xf32>
    %broadcast_in_dim3A_2280 = vector.shape_cast %reduce_sum3A_2279 : vector<1xf32> to vector<1x1xf32>
    %div3A_2281 = arith.constant 6.800000e+01 : f32
    %div3A_2282 = vector.broadcast %div3A_2281 : f32 to vector<1x1xf32>
    %div3A_2283 = arith.divf %broadcast_in_dim3A_2280, %div3A_2282 : vector<1x1xf32>
    %sub3A_2284 = vector.broadcast %div3A_2272 : vector<1x1xf32> to vector<1x68xf32>
    %sub3A_2285 = arith.subf %max3A_2266, %sub3A_2284 : vector<1x68xf32>
    %add3A_2286 = arith.constant 9.99999974E-6 : f32
    %add3A_2287 = vector.broadcast %add3A_2286 : f32 to vector<1x1xf32>
    %add3A_2288 = arith.addf %div3A_2283, %add3A_2287 : vector<1x1xf32>
    %rsqrt3A_2289 = math.rsqrt %add3A_2288 : vector<1x1xf32>
    %mul3A_2290 = vector.broadcast %rsqrt3A_2289 : vector<1x1xf32> to vector<1x68xf32>
    %mul3A_2291 = arith.mulf %sub3A_2285, %mul3A_2290 : vector<1x68xf32>
    %get3A_2292 = arith.constant 0 : index
    %get3A_2293 = arith.constant 0 : index
    %get3A_2294 = vector.load %arg19[%get3A_2292, %get3A_2293] : memref<1x68xf32, #tpu.memory_space<vmem>>, vector<1x68xf32>
    %mul3A_2295 = arith.mulf %mul3A_2291, %get3A_2294 : vector<1x68xf32>
    %get3A_2296 = arith.constant 0 : index
    %get3A_2297 = arith.constant 0 : index
    %get3A_2298 = vector.load %arg20[%get3A_2296, %get3A_2297] : memref<1x68xf32, #tpu.memory_space<vmem>>, vector<1x68xf32>
    %add3A_2299 = arith.addf %mul3A_2295, %get3A_2298 : vector<1x68xf32>
    %transpose3A_2300 = tpu.transpose %add3A_2299, [1, 0] : vector<1x68xf32> -> vector<68x1xf32>
    %get3A_2301 = arith.constant 0 : index
    %get3A_2302 = arith.constant 0 : index
    %get3A_2303 = vector.load %arg21[%get3A_2301, %get3A_2302] : memref<1x1xf32, #tpu.memory_space<vmem>>, vector<1x1xf32>
    %get3A_2304 = vector.extract %get3A_2303[0, 0] : f32 from vector<1x1xf32>
    %mul3A_2305 = vector.broadcast %get3A_2304 : f32 to vector<68x1xf32>
    %mul3A_2306 = arith.mulf %transpose3A_2300, %mul3A_2305 : vector<68x1xf32>
    %broadcast_in_dim3A_2307 = arith.constant 0.000000e+00 : f32
    %broadcast_in_dim3A_2308 = vector.broadcast %broadcast_in_dim3A_2307 : f32 to vector<68x1xf32>
    %dot_general3A_2309 = arith.constant dense<0.000000e+00> : vector<68x1xf32>
    %dot_general3A_2310 = tpu.matmul %convert_element_type3A_1127, %mul3A_2306, %dot_general3A_2309 {dimension_numbers = #tpu.dot_dimension_numbers<[1], [0], [0], [1], [0, 0, 1, 1], [], []>, precision = #tpu.contract_precision<fp32>, transpose_lhs_hint = false} : vector<68x68xf32>, vector<68x1xf32>, vector<68x1xf32> -> vector<68x1xf32>
    %mul3A_2311 = arith.mulf %dot_general3A_2310, %transpose3A_1129 : vector<68x1xf32>
    %add3A_2312 = arith.addf %broadcast_in_dim3A_2308, %mul3A_2311 : vector<68x1xf32>
    %dot_general3A_2313 = arith.constant dense<0.000000e+00> : vector<68x1xf32>
    %dot_general3A_2314 = tpu.matmul %convert_element_type3A_1137, %mul3A_2306, %dot_general3A_2313 {dimension_numbers = #tpu.dot_dimension_numbers<[1], [0], [0], [1], [0, 0, 1, 1], [], []>, precision = #tpu.contract_precision<fp32>, transpose_lhs_hint = false} : vector<68x68xf32>, vector<68x1xf32>, vector<68x1xf32> -> vector<68x1xf32>
    %mul3A_2315 = arith.mulf %dot_general3A_2314, %transpose3A_1139 : vector<68x1xf32>
    %add3A_2316 = arith.addf %add3A_2312, %mul3A_2315 : vector<68x1xf32>
    %dot_general3A_2317 = arith.constant dense<0.000000e+00> : vector<68x1xf32>
    %dot_general3A_2318 = tpu.matmul %convert_element_type3A_1147, %mul3A_2306, %dot_general3A_2317 {dimension_numbers = #tpu.dot_dimension_numbers<[1], [0], [0], [1], [0, 0, 1, 1], [], []>, precision = #tpu.contract_precision<fp32>, transpose_lhs_hint = false} : vector<68x68xf32>, vector<68x1xf32>, vector<68x1xf32> -> vector<68x1xf32>
    %mul3A_2319 = arith.mulf %dot_general3A_2318, %transpose3A_1149 : vector<68x1xf32>
    %add3A_2320 = arith.addf %add3A_2316, %mul3A_2319 : vector<68x1xf32>
    %dot_general3A_2321 = arith.constant dense<0.000000e+00> : vector<68x1xf32>
    %dot_general3A_2322 = tpu.matmul %convert_element_type3A_1157, %mul3A_2306, %dot_general3A_2321 {dimension_numbers = #tpu.dot_dimension_numbers<[1], [0], [0], [1], [0, 0, 1, 1], [], []>, precision = #tpu.contract_precision<fp32>, transpose_lhs_hint = false} : vector<68x68xf32>, vector<68x1xf32>, vector<68x1xf32> -> vector<68x1xf32>
    %mul3A_2323 = arith.mulf %dot_general3A_2322, %transpose3A_1159 : vector<68x1xf32>
    %add3A_2324 = arith.addf %add3A_2320, %mul3A_2323 : vector<68x1xf32>
    %dot_general3A_2325 = arith.constant dense<0.000000e+00> : vector<68x1xf32>
    %dot_general3A_2326 = tpu.matmul %convert_element_type3A_1167, %mul3A_2306, %dot_general3A_2325 {dimension_numbers = #tpu.dot_dimension_numbers<[1], [0], [0], [1], [0, 0, 1, 1], [], []>, precision = #tpu.contract_precision<fp32>, transpose_lhs_hint = false} : vector<68x68xf32>, vector<68x1xf32>, vector<68x1xf32> -> vector<68x1xf32>
    %mul3A_2327 = arith.mulf %dot_general3A_2326, %transpose3A_1169 : vector<68x1xf32>
    %add3A_2328 = arith.addf %add3A_2324, %mul3A_2327 : vector<68x1xf32>
    %dot_general3A_2329 = arith.constant dense<0.000000e+00> : vector<68x1xf32>
    %dot_general3A_2330 = tpu.matmul %convert_element_type3A_1177, %mul3A_2306, %dot_general3A_2329 {dimension_numbers = #tpu.dot_dimension_numbers<[1], [0], [0], [1], [0, 0, 1, 1], [], []>, precision = #tpu.contract_precision<fp32>, transpose_lhs_hint = false} : vector<68x68xf32>, vector<68x1xf32>, vector<68x1xf32> -> vector<68x1xf32>
    %mul3A_2331 = arith.mulf %dot_general3A_2330, %transpose3A_1179 : vector<68x1xf32>
    %add3A_2332 = arith.addf %add3A_2328, %mul3A_2331 : vector<68x1xf32>
    %dot_general3A_2333 = arith.constant dense<0.000000e+00> : vector<68x1xf32>
    %dot_general3A_2334 = tpu.matmul %convert_element_type3A_1187, %mul3A_2306, %dot_general3A_2333 {dimension_numbers = #tpu.dot_dimension_numbers<[1], [0], [0], [1], [0, 0, 1, 1], [], []>, precision = #tpu.contract_precision<fp32>, transpose_lhs_hint = false} : vector<68x68xf32>, vector<68x1xf32>, vector<68x1xf32> -> vector<68x1xf32>
    %mul3A_2335 = arith.mulf %dot_general3A_2334, %transpose3A_1189 : vector<68x1xf32>
    %add3A_2336 = arith.addf %add3A_2332, %mul3A_2335 : vector<68x1xf32>
    %dot_general3A_2337 = arith.constant dense<0.000000e+00> : vector<68x1xf32>
    %dot_general3A_2338 = tpu.matmul %convert_element_type3A_1197, %mul3A_2306, %dot_general3A_2337 {dimension_numbers = #tpu.dot_dimension_numbers<[1], [0], [0], [1], [0, 0, 1, 1], [], []>, precision = #tpu.contract_precision<fp32>, transpose_lhs_hint = false} : vector<68x68xf32>, vector<68x1xf32>, vector<68x1xf32> -> vector<68x1xf32>
    %mul3A_2339 = arith.mulf %dot_general3A_2338, %transpose3A_1199 : vector<68x1xf32>
    %add3A_2340 = arith.addf %add3A_2336, %mul3A_2339 : vector<68x1xf32>
    %dot_general3A_2341 = arith.constant dense<0.000000e+00> : vector<68x1xf32>
    %dot_general3A_2342 = tpu.matmul %convert_element_type3A_1207, %mul3A_2306, %dot_general3A_2341 {dimension_numbers = #tpu.dot_dimension_numbers<[1], [0], [0], [1], [0, 0, 1, 1], [], []>, precision = #tpu.contract_precision<fp32>, transpose_lhs_hint = false} : vector<68x68xf32>, vector<68x1xf32>, vector<68x1xf32> -> vector<68x1xf32>
    %mul3A_2343 = arith.mulf %dot_general3A_2342, %transpose3A_1209 : vector<68x1xf32>
    %add3A_2344 = arith.addf %add3A_2340, %mul3A_2343 : vector<68x1xf32>
    %dot_general3A_2345 = arith.constant dense<0.000000e+00> : vector<68x1xf32>
    %dot_general3A_2346 = tpu.matmul %convert_element_type3A_1217, %mul3A_2306, %dot_general3A_2345 {dimension_numbers = #tpu.dot_dimension_numbers<[1], [0], [0], [1], [0, 0, 1, 1], [], []>, precision = #tpu.contract_precision<fp32>, transpose_lhs_hint = false} : vector<68x68xf32>, vector<68x1xf32>, vector<68x1xf32> -> vector<68x1xf32>
    %mul3A_2347 = arith.mulf %dot_general3A_2346, %transpose3A_1219 : vector<68x1xf32>
    %add3A_2348 = arith.addf %add3A_2344, %mul3A_2347 : vector<68x1xf32>
    %dot_general3A_2349 = arith.constant dense<0.000000e+00> : vector<68x1xf32>
    %dot_general3A_2350 = tpu.matmul %convert_element_type3A_1227, %mul3A_2306, %dot_general3A_2349 {dimension_numbers = #tpu.dot_dimension_numbers<[1], [0], [0], [1], [0, 0, 1, 1], [], []>, precision = #tpu.contract_precision<fp32>, transpose_lhs_hint = false} : vector<68x68xf32>, vector<68x1xf32>, vector<68x1xf32> -> vector<68x1xf32>
    %mul3A_2351 = arith.mulf %dot_general3A_2350, %transpose3A_1229 : vector<68x1xf32>
    %add3A_2352 = arith.addf %add3A_2348, %mul3A_2351 : vector<68x1xf32>
    %dot_general3A_2353 = arith.constant dense<0.000000e+00> : vector<68x1xf32>
    %dot_general3A_2354 = tpu.matmul %convert_element_type3A_1237, %mul3A_2306, %dot_general3A_2353 {dimension_numbers = #tpu.dot_dimension_numbers<[1], [0], [0], [1], [0, 0, 1, 1], [], []>, precision = #tpu.contract_precision<fp32>, transpose_lhs_hint = false} : vector<68x68xf32>, vector<68x1xf32>, vector<68x1xf32> -> vector<68x1xf32>
    %mul3A_2355 = arith.mulf %dot_general3A_2354, %transpose3A_1239 : vector<68x1xf32>
    %add3A_2356 = arith.addf %add3A_2352, %mul3A_2355 : vector<68x1xf32>
    %dot_general3A_2357 = arith.constant dense<0.000000e+00> : vector<68x1xf32>
    %dot_general3A_2358 = tpu.matmul %convert_element_type3A_1247, %mul3A_2306, %dot_general3A_2357 {dimension_numbers = #tpu.dot_dimension_numbers<[1], [0], [0], [1], [0, 0, 1, 1], [], []>, precision = #tpu.contract_precision<fp32>, transpose_lhs_hint = false} : vector<68x68xf32>, vector<68x1xf32>, vector<68x1xf32> -> vector<68x1xf32>
    %mul3A_2359 = arith.mulf %dot_general3A_2358, %transpose3A_1249 : vector<68x1xf32>
    %add3A_2360 = arith.addf %add3A_2356, %mul3A_2359 : vector<68x1xf32>
    %dot_general3A_2361 = arith.constant dense<0.000000e+00> : vector<68x1xf32>
    %dot_general3A_2362 = tpu.matmul %convert_element_type3A_1257, %mul3A_2306, %dot_general3A_2361 {dimension_numbers = #tpu.dot_dimension_numbers<[1], [0], [0], [1], [0, 0, 1, 1], [], []>, precision = #tpu.contract_precision<fp32>, transpose_lhs_hint = false} : vector<68x68xf32>, vector<68x1xf32>, vector<68x1xf32> -> vector<68x1xf32>
    %mul3A_2363 = arith.mulf %dot_general3A_2362, %transpose3A_1259 : vector<68x1xf32>
    %add3A_2364 = arith.addf %add3A_2360, %mul3A_2363 : vector<68x1xf32>
    %dot_general3A_2365 = arith.constant dense<0.000000e+00> : vector<68x1xf32>
    %dot_general3A_2366 = tpu.matmul %convert_element_type3A_1267, %mul3A_2306, %dot_general3A_2365 {dimension_numbers = #tpu.dot_dimension_numbers<[1], [0], [0], [1], [0, 0, 1, 1], [], []>, precision = #tpu.contract_precision<fp32>, transpose_lhs_hint = false} : vector<68x68xf32>, vector<68x1xf32>, vector<68x1xf32> -> vector<68x1xf32>
    %mul3A_2367 = arith.mulf %dot_general3A_2366, %transpose3A_1269 : vector<68x1xf32>
    %add3A_2368 = arith.addf %add3A_2364, %mul3A_2367 : vector<68x1xf32>
    %dot_general3A_2369 = arith.constant dense<0.000000e+00> : vector<68x1xf32>
    %dot_general3A_2370 = tpu.matmul %convert_element_type3A_1277, %mul3A_2306, %dot_general3A_2369 {dimension_numbers = #tpu.dot_dimension_numbers<[1], [0], [0], [1], [0, 0, 1, 1], [], []>, precision = #tpu.contract_precision<fp32>, transpose_lhs_hint = false} : vector<68x68xf32>, vector<68x1xf32>, vector<68x1xf32> -> vector<68x1xf32>
    %mul3A_2371 = arith.mulf %dot_general3A_2370, %transpose3A_1279 : vector<68x1xf32>
    %add3A_2372 = arith.addf %add3A_2368, %mul3A_2371 : vector<68x1xf32>
    %dot_general3A_2373 = arith.constant dense<0.000000e+00> : vector<68x1xf32>
    %dot_general3A_2374 = tpu.matmul %convert_element_type3A_1287, %mul3A_2306, %dot_general3A_2373 {dimension_numbers = #tpu.dot_dimension_numbers<[1], [0], [0], [1], [0, 0, 1, 1], [], []>, precision = #tpu.contract_precision<fp32>, transpose_lhs_hint = false} : vector<68x68xf32>, vector<68x1xf32>, vector<68x1xf32> -> vector<68x1xf32>
    %mul3A_2375 = arith.mulf %dot_general3A_2374, %transpose3A_1289 : vector<68x1xf32>
    %add3A_2376 = arith.addf %add3A_2372, %mul3A_2375 : vector<68x1xf32>
    %dot_general3A_2377 = arith.constant dense<0.000000e+00> : vector<68x1xf32>
    %dot_general3A_2378 = tpu.matmul %convert_element_type3A_1297, %mul3A_2306, %dot_general3A_2377 {dimension_numbers = #tpu.dot_dimension_numbers<[1], [0], [0], [1], [0, 0, 1, 1], [], []>, precision = #tpu.contract_precision<fp32>, transpose_lhs_hint = false} : vector<68x68xf32>, vector<68x1xf32>, vector<68x1xf32> -> vector<68x1xf32>
    %mul3A_2379 = arith.mulf %dot_general3A_2378, %transpose3A_1299 : vector<68x1xf32>
    %add3A_2380 = arith.addf %add3A_2376, %mul3A_2379 : vector<68x1xf32>
    %dot_general3A_2381 = arith.constant dense<0.000000e+00> : vector<68x1xf32>
    %dot_general3A_2382 = tpu.matmul %convert_element_type3A_1307, %mul3A_2306, %dot_general3A_2381 {dimension_numbers = #tpu.dot_dimension_numbers<[1], [0], [0], [1], [0, 0, 1, 1], [], []>, precision = #tpu.contract_precision<fp32>, transpose_lhs_hint = false} : vector<68x68xf32>, vector<68x1xf32>, vector<68x1xf32> -> vector<68x1xf32>
    %mul3A_2383 = arith.mulf %dot_general3A_2382, %transpose3A_1309 : vector<68x1xf32>
    %add3A_2384 = arith.addf %add3A_2380, %mul3A_2383 : vector<68x1xf32>
    %dot_general3A_2385 = arith.constant dense<0.000000e+00> : vector<68x1xf32>
    %dot_general3A_2386 = tpu.matmul %convert_element_type3A_1317, %mul3A_2306, %dot_general3A_2385 {dimension_numbers = #tpu.dot_dimension_numbers<[1], [0], [0], [1], [0, 0, 1, 1], [], []>, precision = #tpu.contract_precision<fp32>, transpose_lhs_hint = false} : vector<68x68xf32>, vector<68x1xf32>, vector<68x1xf32> -> vector<68x1xf32>
    %mul3A_2387 = arith.mulf %dot_general3A_2386, %transpose3A_1319 : vector<68x1xf32>
    %add3A_2388 = arith.addf %add3A_2384, %mul3A_2387 : vector<68x1xf32>
    %dot_general3A_2389 = arith.constant dense<0.000000e+00> : vector<68x1xf32>
    %dot_general3A_2390 = tpu.matmul %convert_element_type3A_1327, %mul3A_2306, %dot_general3A_2389 {dimension_numbers = #tpu.dot_dimension_numbers<[1], [0], [0], [1], [0, 0, 1, 1], [], []>, precision = #tpu.contract_precision<fp32>, transpose_lhs_hint = false} : vector<68x68xf32>, vector<68x1xf32>, vector<68x1xf32> -> vector<68x1xf32>
    %mul3A_2391 = arith.mulf %dot_general3A_2390, %transpose3A_1329 : vector<68x1xf32>
    %add3A_2392 = arith.addf %add3A_2388, %mul3A_2391 : vector<68x1xf32>
    %dot_general3A_2393 = arith.constant dense<0.000000e+00> : vector<68x1xf32>
    %dot_general3A_2394 = tpu.matmul %convert_element_type3A_1337, %mul3A_2306, %dot_general3A_2393 {dimension_numbers = #tpu.dot_dimension_numbers<[1], [0], [0], [1], [0, 0, 1, 1], [], []>, precision = #tpu.contract_precision<fp32>, transpose_lhs_hint = false} : vector<68x68xf32>, vector<68x1xf32>, vector<68x1xf32> -> vector<68x1xf32>
    %mul3A_2395 = arith.mulf %dot_general3A_2394, %transpose3A_1339 : vector<68x1xf32>
    %add3A_2396 = arith.addf %add3A_2392, %mul3A_2395 : vector<68x1xf32>
    %dot_general3A_2397 = arith.constant dense<0.000000e+00> : vector<68x1xf32>
    %dot_general3A_2398 = tpu.matmul %convert_element_type3A_1347, %mul3A_2306, %dot_general3A_2397 {dimension_numbers = #tpu.dot_dimension_numbers<[1], [0], [0], [1], [0, 0, 1, 1], [], []>, precision = #tpu.contract_precision<fp32>, transpose_lhs_hint = false} : vector<68x68xf32>, vector<68x1xf32>, vector<68x1xf32> -> vector<68x1xf32>
    %mul3A_2399 = arith.mulf %dot_general3A_2398, %transpose3A_1349 : vector<68x1xf32>
    %add3A_2400 = arith.addf %add3A_2396, %mul3A_2399 : vector<68x1xf32>
    %dot_general3A_2401 = arith.constant dense<0.000000e+00> : vector<68x1xf32>
    %dot_general3A_2402 = tpu.matmul %convert_element_type3A_1357, %mul3A_2306, %dot_general3A_2401 {dimension_numbers = #tpu.dot_dimension_numbers<[1], [0], [0], [1], [0, 0, 1, 1], [], []>, precision = #tpu.contract_precision<fp32>, transpose_lhs_hint = false} : vector<68x68xf32>, vector<68x1xf32>, vector<68x1xf32> -> vector<68x1xf32>
    %mul3A_2403 = arith.mulf %dot_general3A_2402, %transpose3A_1359 : vector<68x1xf32>
    %add3A_2404 = arith.addf %add3A_2400, %mul3A_2403 : vector<68x1xf32>
    %dot_general3A_2405 = arith.constant dense<0.000000e+00> : vector<68x1xf32>
    %dot_general3A_2406 = tpu.matmul %convert_element_type3A_1367, %mul3A_2306, %dot_general3A_2405 {dimension_numbers = #tpu.dot_dimension_numbers<[1], [0], [0], [1], [0, 0, 1, 1], [], []>, precision = #tpu.contract_precision<fp32>, transpose_lhs_hint = false} : vector<68x68xf32>, vector<68x1xf32>, vector<68x1xf32> -> vector<68x1xf32>
    %mul3A_2407 = arith.mulf %dot_general3A_2406, %transpose3A_1369 : vector<68x1xf32>
    %add3A_2408 = arith.addf %add3A_2404, %mul3A_2407 : vector<68x1xf32>
    %dot_general3A_2409 = arith.constant dense<0.000000e+00> : vector<68x1xf32>
    %dot_general3A_2410 = tpu.matmul %convert_element_type3A_1377, %mul3A_2306, %dot_general3A_2409 {dimension_numbers = #tpu.dot_dimension_numbers<[1], [0], [0], [1], [0, 0, 1, 1], [], []>, precision = #tpu.contract_precision<fp32>, transpose_lhs_hint = false} : vector<68x68xf32>, vector<68x1xf32>, vector<68x1xf32> -> vector<68x1xf32>
    %mul3A_2411 = arith.mulf %dot_general3A_2410, %transpose3A_1379 : vector<68x1xf32>
    %add3A_2412 = arith.addf %add3A_2408, %mul3A_2411 : vector<68x1xf32>
    %dot_general3A_2413 = arith.constant dense<0.000000e+00> : vector<68x1xf32>
    %dot_general3A_2414 = tpu.matmul %convert_element_type3A_1387, %mul3A_2306, %dot_general3A_2413 {dimension_numbers = #tpu.dot_dimension_numbers<[1], [0], [0], [1], [0, 0, 1, 1], [], []>, precision = #tpu.contract_precision<fp32>, transpose_lhs_hint = false} : vector<68x68xf32>, vector<68x1xf32>, vector<68x1xf32> -> vector<68x1xf32>
    %mul3A_2415 = arith.mulf %dot_general3A_2414, %transpose3A_1389 : vector<68x1xf32>
    %add3A_2416 = arith.addf %add3A_2412, %mul3A_2415 : vector<68x1xf32>
    %dot_general3A_2417 = arith.constant dense<0.000000e+00> : vector<68x1xf32>
    %dot_general3A_2418 = tpu.matmul %convert_element_type3A_1397, %mul3A_2306, %dot_general3A_2417 {dimension_numbers = #tpu.dot_dimension_numbers<[1], [0], [0], [1], [0, 0, 1, 1], [], []>, precision = #tpu.contract_precision<fp32>, transpose_lhs_hint = false} : vector<68x68xf32>, vector<68x1xf32>, vector<68x1xf32> -> vector<68x1xf32>
    %mul3A_2419 = arith.mulf %dot_general3A_2418, %transpose3A_1399 : vector<68x1xf32>
    %add3A_2420 = arith.addf %add3A_2416, %mul3A_2419 : vector<68x1xf32>
    %dot_general3A_2421 = arith.constant dense<0.000000e+00> : vector<68x1xf32>
    %dot_general3A_2422 = tpu.matmul %convert_element_type3A_1407, %mul3A_2306, %dot_general3A_2421 {dimension_numbers = #tpu.dot_dimension_numbers<[1], [0], [0], [1], [0, 0, 1, 1], [], []>, precision = #tpu.contract_precision<fp32>, transpose_lhs_hint = false} : vector<68x68xf32>, vector<68x1xf32>, vector<68x1xf32> -> vector<68x1xf32>
    %mul3A_2423 = arith.mulf %dot_general3A_2422, %transpose3A_1409 : vector<68x1xf32>
    %add3A_2424 = arith.addf %add3A_2420, %mul3A_2423 : vector<68x1xf32>
    %dot_general3A_2425 = arith.constant dense<0.000000e+00> : vector<68x1xf32>
    %dot_general3A_2426 = tpu.matmul %convert_element_type3A_1417, %mul3A_2306, %dot_general3A_2425 {dimension_numbers = #tpu.dot_dimension_numbers<[1], [0], [0], [1], [0, 0, 1, 1], [], []>, precision = #tpu.contract_precision<fp32>, transpose_lhs_hint = false} : vector<68x68xf32>, vector<68x1xf32>, vector<68x1xf32> -> vector<68x1xf32>
    %mul3A_2427 = arith.mulf %dot_general3A_2426, %transpose3A_1419 : vector<68x1xf32>
    %add3A_2428 = arith.addf %add3A_2424, %mul3A_2427 : vector<68x1xf32>
    %dot_general3A_2429 = arith.constant dense<0.000000e+00> : vector<68x1xf32>
    %dot_general3A_2430 = tpu.matmul %convert_element_type3A_1427, %mul3A_2306, %dot_general3A_2429 {dimension_numbers = #tpu.dot_dimension_numbers<[1], [0], [0], [1], [0, 0, 1, 1], [], []>, precision = #tpu.contract_precision<fp32>, transpose_lhs_hint = false} : vector<68x68xf32>, vector<68x1xf32>, vector<68x1xf32> -> vector<68x1xf32>
    %mul3A_2431 = arith.mulf %dot_general3A_2430, %transpose3A_1429 : vector<68x1xf32>
    %add3A_2432 = arith.addf %add3A_2428, %mul3A_2431 : vector<68x1xf32>
    %dot_general3A_2433 = arith.constant dense<0.000000e+00> : vector<68x1xf32>
    %dot_general3A_2434 = tpu.matmul %convert_element_type3A_1437, %mul3A_2306, %dot_general3A_2433 {dimension_numbers = #tpu.dot_dimension_numbers<[1], [0], [0], [1], [0, 0, 1, 1], [], []>, precision = #tpu.contract_precision<fp32>, transpose_lhs_hint = false} : vector<68x68xf32>, vector<68x1xf32>, vector<68x1xf32> -> vector<68x1xf32>
    %mul3A_2435 = arith.mulf %dot_general3A_2434, %transpose3A_1439 : vector<68x1xf32>
    %add3A_2436 = arith.addf %add3A_2432, %mul3A_2435 : vector<68x1xf32>
    %dot_general3A_2437 = arith.constant dense<0.000000e+00> : vector<68x1xf32>
    %dot_general3A_2438 = tpu.matmul %convert_element_type3A_1447, %mul3A_2306, %dot_general3A_2437 {dimension_numbers = #tpu.dot_dimension_numbers<[1], [0], [0], [1], [0, 0, 1, 1], [], []>, precision = #tpu.contract_precision<fp32>, transpose_lhs_hint = false} : vector<68x68xf32>, vector<68x1xf32>, vector<68x1xf32> -> vector<68x1xf32>
    %mul3A_2439 = arith.mulf %dot_general3A_2438, %transpose3A_1449 : vector<68x1xf32>
    %add3A_2440 = arith.addf %add3A_2436, %mul3A_2439 : vector<68x1xf32>
    %dot_general3A_2441 = arith.constant dense<0.000000e+00> : vector<68x1xf32>
    %dot_general3A_2442 = tpu.matmul %convert_element_type3A_1457, %mul3A_2306, %dot_general3A_2441 {dimension_numbers = #tpu.dot_dimension_numbers<[1], [0], [0], [1], [0, 0, 1, 1], [], []>, precision = #tpu.contract_precision<fp32>, transpose_lhs_hint = false} : vector<68x68xf32>, vector<68x1xf32>, vector<68x1xf32> -> vector<68x1xf32>
    %mul3A_2443 = arith.mulf %dot_general3A_2442, %transpose3A_1459 : vector<68x1xf32>
    %add3A_2444 = arith.addf %add3A_2440, %mul3A_2443 : vector<68x1xf32>
    %dot_general3A_2445 = arith.constant dense<0.000000e+00> : vector<68x1xf32>
    %dot_general3A_2446 = tpu.matmul %convert_element_type3A_1467, %mul3A_2306, %dot_general3A_2445 {dimension_numbers = #tpu.dot_dimension_numbers<[1], [0], [0], [1], [0, 0, 1, 1], [], []>, precision = #tpu.contract_precision<fp32>, transpose_lhs_hint = false} : vector<68x68xf32>, vector<68x1xf32>, vector<68x1xf32> -> vector<68x1xf32>
    %mul3A_2447 = arith.mulf %dot_general3A_2446, %transpose3A_1469 : vector<68x1xf32>
    %add3A_2448 = arith.addf %add3A_2444, %mul3A_2447 : vector<68x1xf32>
    %dot_general3A_2449 = arith.constant dense<0.000000e+00> : vector<68x1xf32>
    %dot_general3A_2450 = tpu.matmul %convert_element_type3A_1477, %mul3A_2306, %dot_general3A_2449 {dimension_numbers = #tpu.dot_dimension_numbers<[1], [0], [0], [1], [0, 0, 1, 1], [], []>, precision = #tpu.contract_precision<fp32>, transpose_lhs_hint = false} : vector<68x68xf32>, vector<68x1xf32>, vector<68x1xf32> -> vector<68x1xf32>
    %mul3A_2451 = arith.mulf %dot_general3A_2450, %transpose3A_1479 : vector<68x1xf32>
    %add3A_2452 = arith.addf %add3A_2448, %mul3A_2451 : vector<68x1xf32>
    %dot_general3A_2453 = arith.constant dense<0.000000e+00> : vector<68x1xf32>
    %dot_general3A_2454 = tpu.matmul %convert_element_type3A_1487, %mul3A_2306, %dot_general3A_2453 {dimension_numbers = #tpu.dot_dimension_numbers<[1], [0], [0], [1], [0, 0, 1, 1], [], []>, precision = #tpu.contract_precision<fp32>, transpose_lhs_hint = false} : vector<68x68xf32>, vector<68x1xf32>, vector<68x1xf32> -> vector<68x1xf32>
    %mul3A_2455 = arith.mulf %dot_general3A_2454, %transpose3A_1489 : vector<68x1xf32>
    %add3A_2456 = arith.addf %add3A_2452, %mul3A_2455 : vector<68x1xf32>
    %dot_general3A_2457 = arith.constant dense<0.000000e+00> : vector<68x1xf32>
    %dot_general3A_2458 = tpu.matmul %convert_element_type3A_1497, %mul3A_2306, %dot_general3A_2457 {dimension_numbers = #tpu.dot_dimension_numbers<[1], [0], [0], [1], [0, 0, 1, 1], [], []>, precision = #tpu.contract_precision<fp32>, transpose_lhs_hint = false} : vector<68x68xf32>, vector<68x1xf32>, vector<68x1xf32> -> vector<68x1xf32>
    %mul3A_2459 = arith.mulf %dot_general3A_2458, %transpose3A_1499 : vector<68x1xf32>
    %add3A_2460 = arith.addf %add3A_2456, %mul3A_2459 : vector<68x1xf32>
    %dot_general3A_2461 = arith.constant dense<0.000000e+00> : vector<68x1xf32>
    %dot_general3A_2462 = tpu.matmul %convert_element_type3A_1507, %mul3A_2306, %dot_general3A_2461 {dimension_numbers = #tpu.dot_dimension_numbers<[1], [0], [0], [1], [0, 0, 1, 1], [], []>, precision = #tpu.contract_precision<fp32>, transpose_lhs_hint = false} : vector<68x68xf32>, vector<68x1xf32>, vector<68x1xf32> -> vector<68x1xf32>
    %mul3A_2463 = arith.mulf %dot_general3A_2462, %transpose3A_1509 : vector<68x1xf32>
    %add3A_2464 = arith.addf %add3A_2460, %mul3A_2463 : vector<68x1xf32>
    %dot_general3A_2465 = arith.constant dense<0.000000e+00> : vector<68x1xf32>
    %dot_general3A_2466 = tpu.matmul %convert_element_type3A_1517, %mul3A_2306, %dot_general3A_2465 {dimension_numbers = #tpu.dot_dimension_numbers<[1], [0], [0], [1], [0, 0, 1, 1], [], []>, precision = #tpu.contract_precision<fp32>, transpose_lhs_hint = false} : vector<68x68xf32>, vector<68x1xf32>, vector<68x1xf32> -> vector<68x1xf32>
    %mul3A_2467 = arith.mulf %dot_general3A_2466, %transpose3A_1519 : vector<68x1xf32>
    %add3A_2468 = arith.addf %add3A_2464, %mul3A_2467 : vector<68x1xf32>
    %mul3A_2469 = arith.mulf %mul3A_2306, %mul3A_476 : vector<68x1xf32>
    %add3A_2470 = arith.addf %add3A_2468, %mul3A_2469 : vector<68x1xf32>
    %get3A_2471 = arith.constant 0 : index
    %get3A_2472 = arith.constant 0 : index
    %get3A_2473 = vector.load %arg22[%get3A_2471, %get3A_2472] : memref<1x1xf32, #tpu.memory_space<vmem>>, vector<1x1xf32>
    %get3A_2474 = vector.extract %get3A_2473[0, 0] : f32 from vector<1x1xf32>
    %add3A_2475 = vector.broadcast %get3A_2474 : f32 to vector<68x1xf32>
    %add3A_2476 = arith.addf %add3A_2470, %add3A_2475 : vector<68x1xf32>
    %max3A_2477 = arith.constant 0.000000e+00 : f32
    %max3A_2478 = vector.broadcast %max3A_2477 : f32 to vector<68x1xf32>
    %max3A_2479 = arith.maximumf %add3A_2476, %max3A_2478 : vector<68x1xf32>
    %reshape3A_2480 = vector.shape_cast %max3A_2479 : vector<68x1xf32> to vector<1x1x68xf32>
    %swap3A = arith.constant 0 : index
    %swap3A_2481 = arith.constant 0 : index
    %swap3A_2482 = arith.constant 0 : index
    %swap3A_2483 = vector.load %arg23[%swap3A, %swap3A_2481, %swap3A_2482] : memref<1x1x68xf32, #tpu.memory_space<vmem>>, vector<1x1x68xf32>
    tpu.vector_store %arg23[%swap3A, %swap3A_2481, %swap3A_2482], %reshape3A_2480 {strides = array<i32>} : memref<1x1x68xf32, #tpu.memory_space<vmem>>, vector<1x1x68xf32>,
    return
  }
  func.func @transform_0(%arg0: i32) -> (i32, i32, i32) {
    %c0_i32 = arith.constant 0 : i32
    %c0_i32_0 = arith.constant 0 : i32
    %c0_i32_1 = arith.constant 0 : i32
    return %arg0, %c0_i32, %c0_i32_0 : i32, i32, i32
  }
  func.func @transform_1(%arg0: i32) -> (i32, i32, i32) {
    %c0_i32 = arith.constant 0 : i32
    %c0_i32_0 = arith.constant 0 : i32
    %c0_i32_1 = arith.constant 0 : i32
    return %arg0, %c0_i32, %c0_i32_0 : i32, i32, i32
  }
  func.func @transform_2(%arg0: i32) -> (i32, i32, i32) {
    %c0_i32 = arith.constant 0 : i32
    %c0_i32_0 = arith.constant 0 : i32
    %c0_i32_1 = arith.constant 0 : i32
    return %arg0, %c0_i32, %c0_i32_0 : i32, i32, i32
  }
  func.func @transform_3(%arg0: i32) -> (i32, i32, i32) {
    %c0_i32 = arith.constant 0 : i32
    %c0_i32_0 = arith.constant 0 : i32
    %c0_i32_1 = arith.constant 0 : i32
    return %arg0, %c0_i32, %c0_i32_0 : i32, i32, i32
  }
  func.func @transform_4(%arg0: i32) -> (i32, i32, i32) {
    %c0_i32 = arith.constant 0 : i32
    %c0_i32_0 = arith.constant 0 : i32
    %c0_i32_1 = arith.constant 0 : i32
    return %arg0, %c0_i32, %c0_i32_0 : i32, i32, i32
  }
  func.func @transform_5(%arg0: i32) -> (i32, i32) {
    %c0_i32 = arith.constant 0 : i32
    %c0_i32_0 = arith.constant 0 : i32
    %c0_i32_1 = arith.constant 0 : i32
    return %c0_i32, %c0_i32_0 : i32, i32
  }
  func.func @transform_6(%arg0: i32) -> (i32, i32) {
    %c0_i32 = arith.constant 0 : i32
    %c0_i32_0 = arith.constant 0 : i32
    %c0_i32_1 = arith.constant 0 : i32
    return %c0_i32, %c0_i32_0 : i32, i32
  }
  func.func @transform_7(%arg0: i32) -> (i32, i32) {
    %c0_i32 = arith.constant 0 : i32
    %c0_i32_0 = arith.constant 0 : i32
    %c0_i32_1 = arith.constant 0 : i32
    return %c0_i32, %c0_i32_0 : i32, i32
  }
  func.func @transform_8(%arg0: i32) -> (i32, i32) {
    %c0_i32 = arith.constant 0 : i32
    %c0_i32_0 = arith.constant 0 : i32
    %c0_i32_1 = arith.constant 0 : i32
    return %c0_i32, %c0_i32_0 : i32, i32
  }
  func.func @transform_9(%arg0: i32) -> (i32, i32) {
    %c0_i32 = arith.constant 0 : i32
    %c0_i32_0 = arith.constant 0 : i32
    %c0_i32_1 = arith.constant 0 : i32
    return %c0_i32, %c0_i32_0 : i32, i32
  }
  func.func @transform_10(%arg0: i32) -> (i32, i32) {
    %c0_i32 = arith.constant 0 : i32
    %c0_i32_0 = arith.constant 0 : i32
    %c0_i32_1 = arith.constant 0 : i32
    return %c0_i32, %c0_i32_0 : i32, i32
  }
  func.func @transform_11(%arg0: i32) -> (i32, i32) {
    %c0_i32 = arith.constant 0 : i32
    %c0_i32_0 = arith.constant 0 : i32
    %c0_i32_1 = arith.constant 0 : i32
    return %c0_i32, %c0_i32_0 : i32, i32
  }
  func.func @transform_12(%arg0: i32) -> (i32, i32) {
    %c0_i32 = arith.constant 0 : i32
    %c0_i32_0 = arith.constant 0 : i32
    %c0_i32_1 = arith.constant 0 : i32
    return %c0_i32, %c0_i32_0 : i32, i32
  }
  func.func @transform_13(%arg0: i32) -> (i32, i32) {
    %c0_i32 = arith.constant 0 : i32
    %c0_i32_0 = arith.constant 0 : i32
    %c0_i32_1 = arith.constant 0 : i32
    return %c0_i32, %c0_i32_0 : i32, i32
  }
  func.func @transform_14(%arg0: i32) -> (i32, i32) {
    %c0_i32 = arith.constant 0 : i32
    %c0_i32_0 = arith.constant 0 : i32
    %c0_i32_1 = arith.constant 0 : i32
    return %c0_i32, %c0_i32_0 : i32, i32
  }
  func.func @transform_15(%arg0: i32) -> (i32, i32) {
    %c0_i32 = arith.constant 0 : i32
    %c0_i32_0 = arith.constant 0 : i32
    %c0_i32_1 = arith.constant 0 : i32
    return %c0_i32, %c0_i32_0 : i32, i32
  }
  func.func @transform_16(%arg0: i32) -> (i32, i32) {
    %c0_i32 = arith.constant 0 : i32
    %c0_i32_0 = arith.constant 0 : i32
    %c0_i32_1 = arith.constant 0 : i32
    return %c0_i32, %c0_i32_0 : i32, i32
  }
  func.func @transform_17(%arg0: i32) -> (i32, i32) {
    %c0_i32 = arith.constant 0 : i32
    %c0_i32_0 = arith.constant 0 : i32
    %c0_i32_1 = arith.constant 0 : i32
    return %c0_i32, %c0_i32_0 : i32, i32
  }
  func.func @transform_18(%arg0: i32) -> (i32, i32) {
    %c0_i32 = arith.constant 0 : i32
    %c0_i32_0 = arith.constant 0 : i32
    %c0_i32_1 = arith.constant 0 : i32
    return %c0_i32, %c0_i32_0 : i32, i32
  }
  func.func @transform_19(%arg0: i32) -> (i32, i32) {
    %c0_i32 = arith.constant 0 : i32
    %c0_i32_0 = arith.constant 0 : i32
    %c0_i32_1 = arith.constant 0 : i32
    return %c0_i32, %c0_i32_0 : i32, i32
  }
  func.func @transform_20(%arg0: i32) -> (i32, i32) {
    %c0_i32 = arith.constant 0 : i32
    %c0_i32_0 = arith.constant 0 : i32
    %c0_i32_1 = arith.constant 0 : i32
    return %c0_i32, %c0_i32_0 : i32, i32
  }
  func.func @transform_21(%arg0: i32) -> (i32, i32) {
    %c0_i32 = arith.constant 0 : i32
    %c0_i32_0 = arith.constant 0 : i32
    %c0_i32_1 = arith.constant 0 : i32
    return %c0_i32, %c0_i32_0 : i32, i32
  }
  func.func @transform_22(%arg0: i32) -> (i32, i32, i32) {
    %c0_i32 = arith.constant 0 : i32
    %c0_i32_0 = arith.constant 0 : i32
    %c0_i32_1 = arith.constant 0 : i32
    return %arg0, %c0_i32, %c0_i32_0 : i32, i32, i32
  }
}

</mosaic_0001>

<sc_bundles>
// kernel: gather_offload_async_start.1
scs
__scs_entry_jumppad:
0x0: {  	(pc) =	sbr.rel $0x88, $3  }
0x1: {  	(tag) =	ssettag $0x0;
	lr =	simm.s32 $0x1  }
0x2: {  	[smem:$0x3F8D] =	sst lr;
	_ =	strace $0xD0000000  }
0x3: {  	_ = 	snop  }
0x4: {  	_ = 	snop  }
0x5: {  	_ = 	snop  }
0x6: {  	_ = 	snop  }
0x7: {  	_ = 	snop  }
__scs_overlays_trampoline_lowered:
0x8: {  	[smem:$0x3F9C] =	sst s0  }
0x9: {  	[smem:$0x3F9D] =	sst s1  }
0xa: {  	[smem:$0x3F9E] =	sst s2  }
0xb: {  	[smem:$0x3F9F] =	sst s3  }
0xc: {  	[smem:$0x3FA0] =	sst s4  }
0xd: {  	[smem:$0x3FA1] =	sst s5  }
0xe: {  	[smem:$0x3FA2] =	sst s6  }
0xf: {  	[smem:$0x3FA3] =	sst s7  }
0x10: {  	[smem:$0x3FA4] =	sst s8  }
0x11: {  	[smem:$0x3FA5] =	sst s9;
	s0 =	simm.s32 @!p0 $0x0  }
0x12: {  	s1 =	sld [smem:$0x3F8B];
	s0 =	simm.s32 @p0 $0x1  }
0x13: {  	[smem:$0x3FA6] =	sst s0;
	s0 =	simm.s32 @!p1 $0x0  }
0x14: {  	s2 =	sld [smem:$0x3F8A];
	s0 =	simm.s32 @p1 $0x1  }
0x15: {  	[smem:$0x3FA7] =	sst s0;
	s0 =	simm.s32 @!p2 $0x0  }
0x16: {  	s3 =	sld [smem:$0x3FDB];
	s0 =	simm.s32 @p2 $0x1  }
0x17: {  	s4 =	simm.s32 $0x1BF5;
	[smem:$0x3FA9] =	sst s0  }
0x18: {  	s0 =	sld [smem:$0x3F8C];
	_ =	swait.ge [sflag:s4], $0x0  }
0x19: {  	s7 =	sld [smem:$0x3F8D]  }
0x1a: {  	s8 =	sadd.s32 $0xFFFFE003, lr  }
0x1b: {  	s9 =	sadd.s32 $0xFFFFFEF7, lr;
	s5 =	simm.s32 $0xFFFFFFFF;
	p2 =	slt.u32 s8, $0xFFFFF086  }
0x1c: {  	p1 =	slt.u32 s9, $0xF7A;
	s5 =	simm.s32 @!p2 $0x0  }
0x1d: {  	s5 =	simm.s32 @p1 $0x1;
	p0 =	seq.s32 s7, s2  }
0x1e: {  	s7 =	smul.u32 @!p0 $0xF7A, s2;
	p2 =	seq.s32 @!p0 s5, $0x0  }
0x1f: {  	s9 =	smul.u32 $0xF7A, s1;
	s8 =	simm.s32 @!p0 $0x1BF5;
	p2 =	por !p2, p0  }
0x20: {  	[sflag:s8] =	ssyncset.s32 @!p0 $0xFFFFF086;
	s6 =	sadd.s32 @!p0 s3, s7;
	s7 =	simm.s32 @!p0 $0x108  }
0x21: {  	s3 =	sadd.s32 s3, s9;
	s6 =	sadd.s32 @!p0 $0x88, s6;
	s7 =	simm.s32 @p2 $0x1082  }
0x22: {  	[simem:s7], [sflag:s8] =	dma.local @!p0 [hbm:s6], $0xF7A  }
0x23: {  	s9 =	sor.u32 $0xD0000000, s2;
	s6 =	simm.s32 $0x108;
	_ =	swait.ge @!p0 [sflag:s8], $0x0  }
0x24: {  	s3 =	sadd.s32 $0x88, s3;
	s6 =	simm.s32 @!p1 $0x1082;
	[sflag:s4] =	ssyncset.s32 $0xFFFFF086  }
0x25: {  	[simem:s6], [sflag:s4] =	dma.local [hbm:s3], $0xF7A  }
0x26: {  	[smem:$0x3F8D] =	sst s1;
	(tag) =	ssettag s2;
	_ =	strace s9  }
0x27: {  	s1 =	sld [smem:$0x3F9D]  }
0x28: {  	s2 =	sld [smem:$0x3F9E]  }
0x29: {  	s4 =	sld [smem:$0x3FA0]  }
0x2a: {  	p0 =	seq.s32 s5, $0x0;
	s5 =	sld [smem:$0x3FA1]  }
0x2b: {  	s6 =	sld [smem:$0x3FA2]  }
0x2c: {  	s7 =	sld [smem:$0x3FA3]  }
0x2d: {  	s3 =	simm.s32 $0x108;
	s8 =	sld [smem:$0x3FA4]  }
0x2e: {  	s3 =	simm.s32 @!p0 $0x1082;
	s9 =	sld [smem:$0x3FA5]  }
0x2f: {  	lr =	sadd.s32 s0, s3;
	s0 =	sld [smem:$0x3F9C]  }
0x30: {  	s3 =	sld [smem:$0x3F9F]  }
0x31: {  	[smem:$0x3FA8] =	sst s10  }
0x32: {  	s10 =	sld [smem:$0x3FA6];
	_ =	sdelay $0x3  }
0x33: {  	p0 =	seq.s32 s10, $0x1;
	s10 =	sld [smem:$0x3FA8];
	_ =	sdelay $0x3  }
0x34: {  	[smem:$0x3FA8] =	sst s10  }
0x35: {  	s10 =	sld [smem:$0x3FA7];
	_ =	sdelay $0x3  }
0x36: {  	p1 =	seq.s32 s10, $0x1;
	s10 =	sld [smem:$0x3FA8];
	_ =	sdelay $0x3  }
0x37: {  	[smem:$0x3FA8] =	sst s10  }
0x38: {  	s10 =	sld [smem:$0x3FA9]  }
0x39: {  	_ = 	snop;
	(pc) =	sbr.ind lr, $3  }
0x3a: {  	_ = 	snop  }
0x3b: {  	_ = 	snop  }
0x3c: {  	p2 =	seq.s32 s10, $0x1;
	s10 =	sld [smem:$0x3FA8]  }
0x3d: {  	_ =	shalt  }
0x3e: {  	_ =	shalt  }
0x3f: {  	_ =	shalt  }
0x40: {  	_ =	shalt  }
0x41: {  	_ =	shalt  }
0x42: {  	_ =	shalt  }
0x43: {  	_ =	shalt  }
0x44: {  	_ =	shalt  }
0x45: {  	_ =	shalt  }
0x46: {  	_ =	shalt  }
0x47: {  	_ =	shalt  }
0x48: {  	_ =	shalt  }
0x49: {  	_ =	shalt  }
0x4a: {  	_ =	shalt  }
0x4b: {  	_ =	shalt  }
0x4c: {  	_ =	shalt  }
0x4d: {  	_ =	shalt  }
0x4e: {  	_ =	shalt  }
0x4f: {  	_ =	shalt  }
0x50: {  	_ =	shalt  }
0x51: {  	_ =	shalt  }
0x52: {  	_ =	shalt  }
0x53: {  	_ =	shalt  }
0x54: {  	_ =	shalt  }
0x55: {  	_ =	shalt  }
0x56: {  	_ =	shalt  }
0x57: {  	_ =	shalt  }
0x58: {  	_ =	shalt  }
0x59: {  	_ =	shalt  }
0x5a: {  	_ =	shalt  }
0x5b: {  	_ =	shalt  }
0x5c: {  	_ =	shalt  }
0x5d: {  	_ =	shalt  }
0x5e: {  	_ =	shalt  }
0x5f: {  	_ =	shalt  }
0x60: {  	_ =	shalt  }
0x61: {  	_ =	shalt  }
0x62: {  	_ =	shalt  }
0x63: {  	_ =	shalt  }
0x64: {  	_ =	shalt  }
0x65: {  	_ =	shalt  }
0x66: {  	_ =	shalt  }
0x67: {  	_ =	shalt  }
0x68: {  	_ =	shalt  }
0x69: {  	_ =	shalt  }
0x6a: {  	_ =	shalt  }
0x6b: {  	_ =	shalt  }
0x6c: {  	_ =	shalt  }
0x6d: {  	_ =	shalt  }
0x6e: {  	_ =	shalt  }
0x6f: {  	_ =	shalt  }
0x70: {  	_ =	shalt  }
0x71: {  	_ =	shalt  }
0x72: {  	_ =	shalt  }
0x73: {  	_ =	shalt  }
0x74: {  	_ =	shalt  }
0x75: {  	_ =	shalt  }
0x76: {  	_ =	shalt  }
0x77: {  	_ =	shalt  }
0x78: {  	_ =	shalt  }
0x79: {  	_ =	shalt  }
0x7a: {  	_ =	shalt  }
0x7b: {  	_ =	shalt  }
0x7c: {  	_ =	shalt  }
0x7d: {  	_ =	shalt  }
0x7e: {  	_ =	shalt  }
0x7f: {  	_ =	shalt  }
0x80: {  	_ =	shalt  }
0x81: {  	_ =	shalt  }
0x82: {  	_ =	shalt  }
0x83: {  	_ =	shalt  }
0x84: {  	_ =	shalt  }
0x85: {  	_ =	shalt  }
0x86: {  	_ =	shalt  }
0x87: {  	_ =	shalt  }
.Lfunc_end0:
.L_simem_size_0:
called_computation.1_lowered:
.L_overlay_start_0:
0x88: {  	s2 =	sld [smem:$0x3FD9]  }
0x89: {  	s3 =	sld [smem:$0x3FFE];
	_ =	sdelay $0x1  }
0x8a: {  	s1 =	srdreg.scid  }
0x8b: {  	s0 =	sand.u32 $0x1, s1  }
0x8c: {  	s16 =	sshll.u32 s0, $0xA;
	s2 =	sadd.s32 s3, s2  }
0x8d: {  	s2 =	sadd.s32 s2, s16  }
0x8e: {  	[smem:$0x3FB4] =	sst s2  }
0x8f: {  	_ = 	snop  }
0x90: {  	(tm) =	ssettm $0x1  }
0x91: {  	s17 =	sld [smem:$0x3FFB];
	_ =	sdelay $0x3  }
0x92: {  	_ =	strace s17  }
0x93: {  	s2 =	sld [smem:$0x3FFC];
	_ =	sdelay $0x3  }
0x94: {  	_ =	strace s2  }
0x95: {  	s2 =	sld [smem:$0x3FFD];
	_ =	sdelay $0x3  }
0x96: {  	_ =	strace s2  }
0x97: {  	_ =	strace $0x8FFFFFFF  }
0x98: {  	s18 =	sld [smem:$0x3FDB];
	_ =	sdelay $0x1  }
0x99: {  	s19 =	simm.s32 $_scs_section_size  }
0x9a: {  	s4 =	simm.s32 $_size__tile_overlayer_lowered;
	s5 =	simm.s32 $_tile_overlayer_lowered  }
0x9b: {  	s22 =	simm.s32 $0x1BFF;
	s21 =	sshll.u32 s5, $0x1;
	s2 =	sadd.s32 s19, s18  }
0x9c: {  	s6 =	simm.s32 $0x0;
	s20 =	sshll.u32 s4, $0x1;
	s4 =	sadd.s32 s21, s2  }
0x9d: {  	[timem:s6], [sflag:s22] =	dma.local [hbm:s4], s20  }
0x9e: {  	_ =	swait.ge [sflag:s22], s20  }
0x9f: {  	s3 =	ssub.s32 $0x0, s20;
	[sflag:s22] =	ssyncset.done $0x0  }
0xa0: {  	[sflag:s22] =	ssyncadd.s32 s3;
	_ =	sdelay $0x1  }
0xa1: {  	s23 =	simm.s32 $0x1B8B  }
0xa2: {  	_ =	swait.ge [sflag:s23], $0x1  }
0xa3: {  	[sflag:s23] =	ssyncset.done $0x0  }
0xa4: {  	s25 =	simm.s32 $0x1B8E;
	s24 =	sld [smem:$0x3FFE];
	[sflag:s23] =	ssyncadd.s32 $0xFFFFFFFF  }
0xa5: {  	s26 =	simm.s32 $execute0_lowered;
	[smem:$0x3FD2] =	sst s25  }
0xa6: {  	s4 =	sshll.u32 s26, $0x1;
	_ =	strace $0x80000049;
	[dreg:$0x1] =	wrdreg $0xFFFFFFFF  }
0xa7: {  	s28 =	simm.s32 $_size_execute0_lowered;
	s2 =	sadd.s32 s2, s4;
	[dreg:$0x0] =	wrdreg $0x0  }
0xa8: {  	s4 =	sshll.u32 s28, $0x1;
	[dreg:$0x2] =	wrdreg s2  }
0xa9: {  	[dreg:$0x3] =	wrdreg s4  }
0xaa: {  	[dreg:$0x4] =	wrdreg $0xC0  }
0xab: {  	_ =	task [dreg:s6], $0x5FFFF  }
0xac: {  	[dreg:$0x1] =	wrdreg $0xFFFFFFFF  }
0xad: {  	[dreg:$0x0] =	wrdreg $0x60  }
0xae: {  	[dreg:$0x2] =	wrdreg s24  }
0xaf: {  	[dreg:$0x3] =	wrdreg $0x9  }
0xb0: {  	_ =	task.clear_ibuf [dreg:s6], $0x4FFFF;
	_ =	strace $0x90000049  }
0xb1: {  	s29 =	simm.s32 $0x9;
	_ =	strace $0x8000004B  }
0xb2: {  	_ =	swait.ge [sflag:s29], $0x1  }
0xb3: {  	[sflag:s29] =	ssyncadd.s32 $0xFFFFFFFF  }
0xb4: {  	_ =	strace $0x9000004B  }
0xb5: {  	_ =	sfence  }
0xb6: {  	s30 =	sld [smem:$0x0];
	_ =	sdelay $0x2  }
0xb7: {  	s31 =	sshll.u32 s1, $0xD;
	s1 =	sshrl.u32 s1, $0x2  }
0xb8: {  	s3 =	sand.u32 $0x4000, s31;
	s1 =	sadd.s32 s1, s30  }
0xb9: {  	s0 =	sor.u32 s3, s0;
	s1 =	sshll.u32 s1, $0x11  }
0xba: {  	s0 =	sor.u32 s1, s0  }
0xbb: {  	s0 =	sadd.s32 $0x8F2B, s0  }
0xbc: {  	[sflag:s0] =	ssyncadd.remote.s32 $0x1  }
0xbd: {  	_ =	sfence.sel $0xFFFF  }
0xbe: {  	[dreg:$0x0] =	wrdreg $0xFFFFFFFF;
	(pc) =	sbr.abs _section_cstart, $3  }
0xbf: {  	[dreg:$0x1] =	wrdreg $0xFFFFFFFF  }
0xc0: {  	_ =	task.clear_ibuf [dreg:s6], $0x2FFFF;
	_ =	strace $0x9FFFFFFF  }
0xc1: {  	(tm) =	ssettm $0x7FFFFFFF  }
tec
execute0_lowered:
.L_overlay_start_1:
0x0: {  	(tag) =	ssettag $0x1  }
0x1: {  	s0 =	srdreg.scid;
	s5 =	rddreg [dreg:$0x0]  }
0x2: {  	s1 =	stileid.u32;
	s6 =	simm.s32 $0x1;
	s9 =	simm.s32 $0x1  }
0x3: {  	s10 =	simm.s32 $0x3;
	s13 =	simm.s32 $0x0;
	s2 =	sshll.u32 s0, $0xC  }
0x4: {  	s12 =	simm.s32 $0x0;
	s3 =	sshll.u32 s1, $0xD;
	s2 =	sand.u32 $0x1000, s2  }
0x5: {  	s0 =	rddreg [dreg:$0x1];
	_ =	strace $0x8000004A;
	s2 =	sor.u32 s3, s2  }
0x6: {  	s4 =	sadd.s32 $0xCE00, s5;
	[sflag:s6] =	ssyncpa.u1 $0x0;
	s8 =	ssub.s32 $0x22000, s2  }
.Ltmp0:
0x7: {  	s3 =	sadd.s32 $0x2E00, s5;
	s7 =	sand.u32 $0x1F000, s8;
	(pc) =	sbr.rel .LBB2_1-.Ltmp0, $4  }
0x8: {  	s5 =	sadd.s32 $0x63C00, s5;
	s11 =	smov.u32 s2;
	p0 =	sne.s32 s7, $0x0  }
0x9: {  	s8 =	sshrl.u32 s8, $0x11;
	s7 =	simm.s32 $0x2;
	s9 =	simm.s32 @!p0 $0x0  }
0xa: {  	[sflag:s7] =	ssyncpa.u1 $0x0;
	p0 =	por $0x0, $0x0;
	s8 =	sadd.s32 s9, s8  }
0xb: {  	vm0 =	vmmov $0xffff;
	[sflag:s10] =	ssyncpa.u1 $0x0;
	s10 =	simm.s32 $0x0;
	s9 =	sadd.s32 $0x1, s8  }
.LBB2_4:
0xc: {  	vm1 =	veq.s32 v4, $0x80000000;
	v56 =	vand.u32 $0xFF, v4;
	v6 =	vand.u32 $0x3FF, v6  }
0xd: {  	v2 =	vor.u32 v2, v5;
	v59 =	vshrl.u32 v1, $0x8;
	v60 =	vand.u32 $0xFF, v1  }
0xe: {  	v4 =	vsel vm1, $0xFFFFFFFF, v56;
	v6 =	vsel vm1, $0xFFFFFFFF, v6;
	v2 =	vor.u32 v3, v2  }
0xf: {  	vm1 =	veq.s32 v1, $0x80000000;
	v5 =	vand.u32 $0x3FF, v59;
	v7 =	vshrl.u32 v4, $0x3  }
0x10: {  	v57 =	vshll.u32 v6, $0x3;
	v4 =	vshll.u32 v4, $0x7;
	v1 =	vsel vm1, $0xFFFFFFFF, v60  }
0x11: {  	v5 =	vsel vm1, $0xFFFFFFFF, v5;
	v6 =	vand.u32 $0x7F, v6;
	v7 =	vmul.u32 $0x1400, v7  }
0x12: {  	v58 =	vand.u32 $0xFFFFFC00, v57;
	v4 =	vand.u32 $0x380, v4;
	v61 =	vshrl.u32 v1, $0x3  }
0x13: {  	v62 =	vshll.u32 v5, $0x3;
	v3 =	vadd.s32 v7, v58;
	v7 =	vmul.u32 $0x1400, v61  }
0x14: {  	v1 =	vshll.u32 v1, $0x7;
	v3 =	vor.u32 v4, v3;
	v4 =	vand.u32 $0xFFFFFC00, v62  }
0x15: {  	v1 =	vand.u32 $0x380, v1;
	v3 =	vor.u32 v6, v3;
	v4 =	vadd.s32 v7, v4  }
0x16: {  	[tilespmem:s16], [sflag:$0x1] =	stream.indirect_vreg.gather [hbm4b:s3+s10], $0x1, v0, vm0, $0x4038;
	v63 =	vand.u32 $0x7F, v5;
	v1 =	vor.u32 v1, v4;
	[tilespmem:$0x4000] =	vst v63  }
0x17: {  	s15 =	sadd.s32 $0x10, s15;
	(ifvalue) =	ssetifvalue $0x7FFFFFFF;
	v0 =	vor.u32 v63, v1  }
0x18: {  	[tilespmem:s15], [sflag:$0x1] =	stream.indirect_vreg.gather [hbm4b:s3+s10], $0x1, v2, vm0, $0x4038;
	[tilespmem:$0x4000] =	vst v63  }
0x19: {  	s15 =	sadd.s32 $0x10, s15;
	(ifvalue) =	ssetifvalue $0x7FFFFFFF  }
0x1a: {  	[tilespmem:s15], [sflag:$0x1] =	stream.indirect_vreg.gather [hbm4b:s3+s10], $0x1, v3, vm0, $0x4038;
	[tilespmem:$0x4000] =	vst v63  }
0x1b: {  	s15 =	sadd.s32 $0x10, s15;
	(ifvalue) =	ssetifvalue $0x7FFFFFFF  }
0x1c: {  	[tilespmem:s15], [sflag:$0x1] =	stream.indirect_vreg.gather [hbm4b:s3+s10], $0x1, v0, vm0, $0x4038;
	[tilespmem:$0x4000] =	vst v63  }
0x1d: {  	_ =	swait.ge [sflag:s6], $0x1000  }
0x1e: {  	s30 =	sshrl.u32 s13, $0x3;
	[sflag:s6] =	ssyncset.done $0x0  }
0x1f: {  	s31 =	sand.u32 $0x7, s13;
	s15 =	sadd.s32 s5, s30;
	[sflag:s6] =	ssyncadd.s32 $0xFFFFF000  }
0x20: {  	[hbm4b:s15+s31] =	stream.linear.scatter [tilespmem:s14], [sflag:$0x3], $0x1000, $0x38;
	[tilespmem:$0x4000] =	vst v63  }
.LBB2_5:
0x21: {  	s15 =	sadd.s32 $0x20000, s11  }
0x22: {  	p2 =	sgt.s32 s15, $0x21FFF  }
0x23: {  	s15 =	smov.u32 @p2 s2;
	p2 =	sne.s32 s12, s9  }
.Ltmp1:
0x24: {  	p1 =	slt.u32 s12, $0x2;
	(pc) =	sbr.rel @!p2 .LBB2_6-.Ltmp1, $4  }
0x25: {  	s14 =	simm.s32 @!p1 $0x3  }
0x26: {  	s16 =	sadd.s32 $0x1, s12;
	_ =	swait.ge @!p1 [sflag:s14], $0x1000  }
0x27: {  	s13 =	smov.u32 s11;
	p0 =	por !p0, !p0;
	[sflag:s14] =	ssyncset.done @!p1 $0x0  }
0x28: {  	s12 =	smov.u32 s16;
	s11 =	smov.u32 s15;
	[sflag:s14] =	ssyncadd.s32 @!p1 $0xFFFFF000  }
.LBB2_1:
0x29: {  	p1 =	sge.u32 s12, s8  }
0x2a: {  	s14 =	sxor.u32 @!p1 $0xFFFFFFFF, s12  }
0x2b: {  	s31 =	sadd.s32 $0xFFFFFFFF, s12;
	s15 =	sshrl.u32 @!p1 s11, $0x3;
	s14 =	sshll.u32 @!p1 s14, $0xC  }
0x2c: {  	s16 =	sand.u32 @!p1 $0x7, s11;
	s15 =	sadd.s32 @!p1 s4, s15;
	s14 =	sand.u32 @!p1 $0x1000, s14  }
0x2d: {  	[tilespmem:s14], [sflag:$0x2] =	stream.linear.gather @!p1 [hbm4b:s15+s16], $0x1000, $0x38;
	[tilespmem:$0x4000] =	vst v63  }
0x2e: {  	p1 =	sge.u32 s31, s8  }
.Ltmp2:
0x2f: {  	_ = 	snop;
	(pc) =	sbr.rel @p1 .LBB2_5-.Ltmp2, $1  }
0x30: {  	_ =	sdelay $0x3  }
0x31: {  	s14 =	simm.s32 $0x1  }
0x32: {  	_ =	swait.ge [sflag:s7], $0x1000;
	s14 =	simm.s32 @!p0 $0x0  }
0x33: {  	[sflag:s7] =	ssyncset.done $0x0;
	s14 =	sshll.u32 s14, $0xC  }
0x34: {  	[sflag:s7] =	ssyncadd.s32 $0xFFFFF000;
	(ifvalue) =	ssetifvalue $0x7FFFFFFF;
	v0 =	vld.msk [tilespmem:s14+$0x0 ss:$0x1], $0xffff  }
0x35: {  	s15 =	sadd.s32 $0x10, s14  }
0x36: {  	v1 =	vld.msk [tilespmem:s15+$0x0 ss:$0x1], $0xffff;
	_ =	sdelay $0x2  }
0x37: {  	v2 =	vshrl.u32 v0, $0x8  }
0x38: {  	vm1 =	veq.s32 v0, $0x80000000;
	v0 =	vand.u32 $0xFF, v0;
	v2 =	vand.u32 $0x3FF, v2  }
0x39: {  	v0 =	vsel vm1, $0xFFFFFFFF, v0;
	v6 =	vshrl.u32 v1, $0x8;
	v2 =	vsel vm1, $0xFFFFFFFF, v2  }
0x3a: {  	v3 =	vshrl.u32 v0, $0x3;
	v0 =	vshll.u32 v0, $0x7;
	vm1 =	veq.s32 v1, $0x80000000  }
0x3b: {  	s15 =	sadd.s32 $0x10, s15;
	v1 =	vand.u32 $0xFF, v1;
	v4 =	vshll.u32 v2, $0x3;
	v3 =	vmul.u32 $0x1400, v3  }
0x3c: {  	v0 =	vand.u32 $0x380, v0;
	v7 =	vand.u32 $0x7F, v2;
	v5 =	vand.u32 $0xFFFFFC00, v4;
	v4 =	vld.msk [tilespmem:s15+$0x0 ss:$0x1], $0xffff  }
0x3d: {  	v1 =	vsel vm1, $0xFFFFFFFF, v1;
	v2 =	vadd.s32 v3, v5;
	v3 =	vand.u32 $0x3FF, v6  }
0x3e: {  	v3 =	vsel vm1, $0xFFFFFFFF, v3;
	v0 =	vor.u32 v0, v2;
	v2 =	vshrl.u32 v1, $0x3  }
0x3f: {  	s16 =	sshll.u32 s12, $0xC;
	s18 =	simm.s32 $0x30;
	v1 =	vshll.u32 v1, $0x7;
	v5 =	vshll.u32 v3, $0x3;
	v8 =	vmul.u32 $0x1400, v2  }
0x40: {  	s31 =	sand.u32 $0x1000, s16;
	s17 =	sadd.s32 $0x10, s15;
	s15 =	sor.u32 $0x2000, s14;
	v2 =	vand.u32 $0x380, v1;
	v0 =	vor.u32 v7, v0;
	v5 =	vand.u32 $0xFFFFFC00, v5  }
0x41: {  	s14 =	sor.u32 $0x2000, s31;
	s16 =	smov.u32 s15;
	v1 =	vld.msk [tilespmem:s17+$0x0 ss:$0x1], $0xffff;
	v3 =	vand.u32 $0x7F, v3;
	(ifvalue) =	ssetifvalue $0x7FFFFFFF;
	v6 =	vshrl.u32 v4, $0x8;
	v5 =	vadd.s32 v8, v5  }
.LBB2_3:
0x42: {  	s18 =	sadd.s32 $0x10, s18  }
0x43: {  	vm1 =	veq.s32 v4, $0x80000000;
	v4 =	vand.u32 $0xFF, v4;
	v6 =	vand.u32 $0x3FF, v6;
	s15 =	sadd.s32 $0x10, s15;
	p1 =	slt.u32 s18, $0xFF0  }
.Ltmp3:
0x44: {  	v5 =	vor.u32 v2, v5;
	v4 =	vsel vm1, $0xFFFFFFFF, v4;
	v7 =	vsel vm1, $0xFFFFFFFF, v6;
	(pc) =	sbr.rel @p1 .LBB2_3-.Ltmp3, $4  }
0x45: {  	v2 =	vshrl.u32 v4, $0x3;
	v6 =	vshll.u32 v7, $0x3;
	v4 =	vshll.u32 v4, $0x7;
	[tilespmem:s16], [sflag:$0x1] =	stream.indirect_vreg.gather [hbm4b:s3+s10], $0x1, v0, vm0, $0x4038;
	[tilespmem:$0x4000] =	vst v63  }
0x46: {  	v0 =	vor.u32 v3, v5;
	s16 =	smov.u32 s15;
	v8 =	vmul.u32 $0x1400, v2;
	v2 =	vand.u32 $0x380, v4  }
0x47: {  	s17 =	sadd.s32 $0x10, s17;
	v9 =	vand.u32 $0xFFFFFC00, v6  }
0x48: {  	v3 =	vand.u32 $0x7F, v7;
	v6 =	vshrl.u32 v1, $0x8;
	v5 =	vadd.s32 v8, v9;
	(ifvalue) =	ssetifvalue $0x7FFFFFFF;
	v4 =	vmovc v1;
	v1 =	vld.msk [tilespmem:s17+$0x0 ss:$0x1], $0xffff  }
.Ltmp4:
0x49: {  	_ = 	snop;
	(pc) =	sbr.rel .LBB2_4-.Ltmp4, $1  }
0x4a: {  	_ =	sdelay $0x3  }
.LBB2_6:
0x4b: {  	_ =	sfence.sel $0x180000  }
0x4c: {  	s2 =	simm.s32 $0x2;
	[bflag:$0x0] =	sbarrier.arrive $0xFFFF  }
0x4d: {  	s30 =	simm.s32 $0x3;
	[sflag:s2] =	ssyncpa.u1 $0x1  }
0x4e: {  	s31 =	simm.s32 $0x1;
	[sflag:s30] =	ssyncpa.u1 $0x1  }
0x4f: {  	[sflag:s31] =	ssyncpa.u1 $0x1  }
0x50: {  	p0 =	sne.s32 s1, $0x0;
	_ =	strace $0x9000004A  }
0x51: {  	s0 =	sadd.s32 @!p0 $0x100000, s0;
	[bflag:$0x2] =	sbarrier.arrive $0xFFFF  }
0x52: {  	[sflag:s0] =	ssyncadd.tile.s32 @!p0 $0x1;
	_ =	shalt  }
.Lfunc_end2:
_tile_overlayer_lowered:
.L_overlay_start_2:
0x53: {  	(tag) =	ssettag $0x2  }
0x54: {  	s0 =	rddreg [dreg:$0x0];
	s2 =	stileid.u32  }
0x55: {  	s1 =	rddreg [dreg:$0x1];
	p0 =	sne.s32 s2, $0x0  }
0x56: {  	s3 =	rddreg [dreg:$0x2];
	[bflag:$0x3] =	sbarrier.arrive $0xFFFF;
	s2 =	simm.s32 @!p0 $0x1C01  }
0x57: {  	[timem:s3], [sflag:s2] =	dma.local @!p0 [hbm:s0], s1  }
0x58: {  	s0 =	simm.s32 @!p0 $0x1  }
0x59: {  	_ =	swait.ge @!p0 [sflag:s0], s1  }
0x5a: {  	s1 =	ssub.s32 @!p0 $0x0, s1;
	[sflag:s0] =	ssyncset.done @!p0 $0x0  }
0x5b: {  	[sflag:s0] =	ssyncadd.s32 @!p0 s1  }
0x5c: {  	[bflag:$0x3] =	sbarrier.arrive $0xFFFF  }
0x5d: {  	_ =	shalt  }

// kernel: gather_offload_async_start.2
scs
__scs_entry_jumppad:
0x0: {  	(pc) =	sbr.rel $0x88, $3  }
0x1: {  	(tag) =	ssettag $0x0;
	lr =	simm.s32 $0x1  }
0x2: {  	[smem:$0x3F8D] =	sst lr;
	_ =	strace $0xD0000000  }
0x3: {  	_ = 	snop  }
0x4: {  	_ = 	snop  }
0x5: {  	_ = 	snop  }
0x6: {  	_ = 	snop  }
0x7: {  	_ = 	snop  }
__scs_overlays_trampoline_lowered:
0x8: {  	[smem:$0x3F9C] =	sst s0  }
0x9: {  	[smem:$0x3F9D] =	sst s1  }
0xa: {  	[smem:$0x3F9E] =	sst s2  }
0xb: {  	[smem:$0x3F9F] =	sst s3  }
0xc: {  	[smem:$0x3FA0] =	sst s4  }
0xd: {  	[smem:$0x3FA1] =	sst s5  }
0xe: {  	[smem:$0x3FA2] =	sst s6  }
0xf: {  	[smem:$0x3FA3] =	sst s7  }
0x10: {  	[smem:$0x3FA4] =	sst s8  }
0x11: {  	[smem:$0x3FA5] =	sst s9;
	s0 =	simm.s32 @!p0 $0x0  }
0x12: {  	s1 =	sld [smem:$0x3F8B];
	s0 =	simm.s32 @p0 $0x1  }
0x13: {  	[smem:$0x3FA6] =	sst s0;
	s0 =	simm.s32 @!p1 $0x0  }
0x14: {  	s2 =	sld [smem:$0x3F8A];
	s0 =	simm.s32 @p1 $0x1  }
0x15: {  	[smem:$0x3FA7] =	sst s0;
	s0 =	simm.s32 @!p2 $0x0  }
0x16: {  	s3 =	sld [smem:$0x3FDB];
	s0 =	simm.s32 @p2 $0x1  }
0x17: {  	s4 =	simm.s32 $0x1BF5;
	[smem:$0x3FA9] =	sst s0  }
0x18: {  	s0 =	sld [smem:$0x3F8C];
	_ =	swait.ge [sflag:s4], $0x0  }
0x19: {  	s7 =	sld [smem:$0x3F8D]  }
0x1a: {  	s8 =	sadd.s32 $0xFFFFE003, lr  }
0x1b: {  	s9 =	sadd.s32 $0xFFFFFEF7, lr;
	s5 =	simm.s32 $0xFFFFFFFF;
	p2 =	slt.u32 s8, $0xFFFFF086  }
0x1c: {  	p1 =	slt.u32 s9, $0xF7A;
	s5 =	simm.s32 @!p2 $0x0  }
0x1d: {  	s5 =	simm.s32 @p1 $0x1;
	p0 =	seq.s32 s7, s2  }
0x1e: {  	s7 =	smul.u32 @!p0 $0xF7A, s2;
	p2 =	seq.s32 @!p0 s5, $0x0  }
0x1f: {  	s9 =	smul.u32 $0xF7A, s1;
	s8 =	simm.s32 @!p0 $0x1BF5;
	p2 =	por !p2, p0  }
0x20: {  	[sflag:s8] =	ssyncset.s32 @!p0 $0xFFFFF086;
	s6 =	sadd.s32 @!p0 s3, s7;
	s7 =	simm.s32 @!p0 $0x108  }
0x21: {  	s3 =	sadd.s32 s3, s9;
	s6 =	sadd.s32 @!p0 $0x88, s6;
	s7 =	simm.s32 @p2 $0x1082  }
0x22: {  	[simem:s7], [sflag:s8] =	dma.local @!p0 [hbm:s6], $0xF7A  }
0x23: {  	s9 =	sor.u32 $0xD0000000, s2;
	s6 =	simm.s32 $0x108;
	_ =	swait.ge @!p0 [sflag:s8], $0x0  }
0x24: {  	s3 =	sadd.s32 $0x88, s3;
	s6 =	simm.s32 @!p1 $0x1082;
	[sflag:s4] =	ssyncset.s32 $0xFFFFF086  }
0x25: {  	[simem:s6], [sflag:s4] =	dma.local [hbm:s3], $0xF7A  }
0x26: {  	[smem:$0x3F8D] =	sst s1;
	(tag) =	ssettag s2;
	_ =	strace s9  }
0x27: {  	s1 =	sld [smem:$0x3F9D]  }
0x28: {  	s2 =	sld [smem:$0x3F9E]  }
0x29: {  	s4 =	sld [smem:$0x3FA0]  }
0x2a: {  	p0 =	seq.s32 s5, $0x0;
	s5 =	sld [smem:$0x3FA1]  }
0x2b: {  	s6 =	sld [smem:$0x3FA2]  }
0x2c: {  	s7 =	sld [smem:$0x3FA3]  }
0x2d: {  	s3 =	simm.s32 $0x108;
	s8 =	sld [smem:$0x3FA4]  }
0x2e: {  	s3 =	simm.s32 @!p0 $0x1082;
	s9 =	sld [smem:$0x3FA5]  }
0x2f: {  	lr =	sadd.s32 s0, s3;
	s0 =	sld [smem:$0x3F9C]  }
0x30: {  	s3 =	sld [smem:$0x3F9F]  }
0x31: {  	[smem:$0x3FA8] =	sst s10  }
0x32: {  	s10 =	sld [smem:$0x3FA6];
	_ =	sdelay $0x3  }
0x33: {  	p0 =	seq.s32 s10, $0x1;
	s10 =	sld [smem:$0x3FA8];
	_ =	sdelay $0x3  }
0x34: {  	[smem:$0x3FA8] =	sst s10  }
0x35: {  	s10 =	sld [smem:$0x3FA7];
	_ =	sdelay $0x3  }
0x36: {  	p1 =	seq.s32 s10, $0x1;
	s10 =	sld [smem:$0x3FA8];
	_ =	sdelay $0x3  }
0x37: {  	[smem:$0x3FA8] =	sst s10  }
0x38: {  	s10 =	sld [smem:$0x3FA9]  }
0x39: {  	_ = 	snop;
	(pc) =	sbr.ind lr, $3  }
0x3a: {  	_ = 	snop  }
0x3b: {  	_ = 	snop  }
0x3c: {  	p2 =	seq.s32 s10, $0x1;
	s10 =	sld [smem:$0x3FA8]  }
0x3d: {  	_ =	shalt  }
0x3e: {  	_ =	shalt  }
0x3f: {  	_ =	shalt  }
0x40: {  	_ =	shalt  }
0x41: {  	_ =	shalt  }
0x42: {  	_ =	shalt  }
0x43: {  	_ =	shalt  }
0x44: {  	_ =	shalt  }
0x45: {  	_ =	shalt  }
0x46: {  	_ =	shalt  }
0x47: {  	_ =	shalt  }
0x48: {  	_ =	shalt  }
0x49: {  	_ =	shalt  }
0x4a: {  	_ =	shalt  }
0x4b: {  	_ =	shalt  }
0x4c: {  	_ =	shalt  }
0x4d: {  	_ =	shalt  }
0x4e: {  	_ =	shalt  }
0x4f: {  	_ =	shalt  }
0x50: {  	_ =	shalt  }
0x51: {  	_ =	shalt  }
0x52: {  	_ =	shalt  }
0x53: {  	_ =	shalt  }
0x54: {  	_ =	shalt  }
0x55: {  	_ =	shalt  }
0x56: {  	_ =	shalt  }
0x57: {  	_ =	shalt  }
0x58: {  	_ =	shalt  }
0x59: {  	_ =	shalt  }
0x5a: {  	_ =	shalt  }
0x5b: {  	_ =	shalt  }
0x5c: {  	_ =	shalt  }
0x5d: {  	_ =	shalt  }
0x5e: {  	_ =	shalt  }
0x5f: {  	_ =	shalt  }
0x60: {  	_ =	shalt  }
0x61: {  	_ =	shalt  }
0x62: {  	_ =	shalt  }
0x63: {  	_ =	shalt  }
0x64: {  	_ =	shalt  }
0x65: {  	_ =	shalt  }
0x66: {  	_ =	shalt  }
0x67: {  	_ =	shalt  }
0x68: {  	_ =	shalt  }
0x69: {  	_ =	shalt  }
0x6a: {  	_ =	shalt  }
0x6b: {  	_ =	shalt  }
0x6c: {  	_ =	shalt  }
0x6d: {  	_ =	shalt  }
0x6e: {  	_ =	shalt  }
0x6f: {  	_ =	shalt  }
0x70: {  	_ =	shalt  }
0x71: {  	_ =	shalt  }
0x72: {  	_ =	shalt  }
0x73: {  	_ =	shalt  }
0x74: {  	_ =	shalt  }
0x75: {  	_ =	shalt  }
0x76: {  	_ =	shalt  }
0x77: {  	_ =	shalt  }
0x78: {  	_ =	shalt  }
0x79: {  	_ =	shalt  }
0x7a: {  	_ =	shalt  }
0x7b: {  	_ =	shalt  }
0x7c: {  	_ =	shalt  }
0x7d: {  	_ =	shalt  }
0x7e: {  	_ =	shalt  }
0x7f: {  	_ =	shalt  }
0x80: {  	_ =	shalt  }
0x81: {  	_ =	shalt  }
0x82: {  	_ =	shalt  }
0x83: {  	_ =	shalt  }
0x84: {  	_ =	shalt  }
0x85: {  	_ =	shalt  }
0x86: {  	_ =	shalt  }
0x87: {  	_ =	shalt  }
.Lfunc_end0:
.L_simem_size_0:
called_computation.2_lowered:
.L_overlay_start_0:
0x88: {  	s2 =	sld [smem:$0x3FD9]  }
0x89: {  	s3 =	sld [smem:$0x3FFE];
	_ =	sdelay $0x1  }
0x8a: {  	s1 =	srdreg.scid  }
0x8b: {  	s0 =	sand.u32 $0x1, s1  }
0x8c: {  	s17 =	sshll.u32 s0, $0xA;
	s2 =	sadd.s32 s3, s2  }
0x8d: {  	s2 =	sadd.s32 s2, s17  }
0x8e: {  	[smem:$0x3FB4] =	sst s2  }
0x8f: {  	_ = 	snop  }
0x90: {  	(tm) =	ssettm $0x1  }
0x91: {  	s18 =	sld [smem:$0x3FFB];
	_ =	sdelay $0x3  }
0x92: {  	_ =	strace s18  }
0x93: {  	s2 =	sld [smem:$0x3FFC];
	_ =	sdelay $0x3  }
0x94: {  	_ =	strace s2  }
0x95: {  	s2 =	sld [smem:$0x3FFD];
	_ =	sdelay $0x3  }
0x96: {  	_ =	strace s2  }
0x97: {  	_ =	strace $0x8FFFFFFF  }
0x98: {  	s19 =	sld [smem:$0x3FDB];
	_ =	sdelay $0x1  }
0x99: {  	s20 =	simm.s32 $_scs_section_size  }
0x9a: {  	s4 =	simm.s32 $_size__tile_overlayer_lowered;
	s5 =	simm.s32 $_tile_overlayer_lowered  }
0x9b: {  	s6 =	simm.s32 $0x1BFF;
	s21 =	sshll.u32 s5, $0x1;
	s3 =	sadd.s32 s20, s19  }
0x9c: {  	s22 =	simm.s32 $0x0;
	s4 =	sshll.u32 s4, $0x1;
	s5 =	sadd.s32 s21, s3  }
0x9d: {  	[timem:s22], [sflag:s6] =	dma.local [hbm:s5], s4  }
0x9e: {  	_ =	swait.ge [sflag:s6], s4  }
0x9f: {  	s4 =	ssub.s32 $0x0, s4;
	[sflag:s6] =	ssyncset.done $0x0  }
0xa0: {  	[sflag:s6] =	ssyncadd.s32 s4;
	_ =	sdelay $0x1  }
0xa1: {  	s23 =	simm.s32 $0x1B8B  }
0xa2: {  	_ =	swait.ge [sflag:s23], $0x1  }
0xa3: {  	[sflag:s23] =	ssyncset.done $0x0  }
0xa4: {  	[sflag:s23] =	ssyncadd.s32 $0xFFFFFFFF  }
0xa5: {  	s4 =	sld [smem:$0x0]  }
0xa6: {  	s5 =	sand.u32 $0xFFFFFFFE, s1  }
0xa7: {  	p0 =	sne.s32 s1, s5  }
0xa8: {  	s5 =	sshll.u32 @p0 s5, $0xE  }
0xa9: {  	s5 =	sadd.s32 @p0 $0x11B8D, s5;
	s6 =	sshll.u32 @p0 s4, $0x11  }
0xaa: {  	s5 =	sor.u32 @p0 s6, s5  }
0xab: {  	[sflag:s5] =	ssyncadd.remote.s32 @p0 $0x1;
	_ =	sdelay $0x1  }
0xac: {  	s5 =	simm.s32 @p0 $0x1B8D  }
0xad: {  	_ =	swait.eq @p0 [sflag:s5], $0x1  }
0xae: {  	[sflag:s5] =	ssyncadd.s32 @p0 $0xFFFFFFFF  }
0xaf: {  	s6 =	sshll.u32 @!p0 s1, $0xE  }
0xb0: {  	s6 =	sor.u32 @!p0 $0x4000, s6;
	s5 =	simm.s32 @!p0 $0x1B8D  }
0xb1: {  	s4 =	sshll.u32 @!p0 s4, $0x11;
	s6 =	sadd.s32 @!p0 $0x11B8D, s6;
	_ =	swait.eq @!p0 [sflag:s5], $0x1  }
0xb2: {  	s4 =	sor.u32 @!p0 s4, s6;
	[sflag:s5] =	ssyncadd.s32 @!p0 $0xFFFFFFFF  }
0xb3: {  	s25 =	simm.s32 $0x1B8E;
	s24 =	sld [smem:$0x3FFE];
	[sflag:s4] =	ssyncadd.remote.s32 @!p0 $0x1  }
0xb4: {  	s26 =	simm.s32 $execute0_lowered;
	[smem:$0x3FD2] =	sst s25  }
0xb5: {  	s5 =	sshll.u32 s26, $0x1;
	_ =	strace $0x8000004C;
	[dreg:$0x1] =	wrdreg $0xFFFFFFFF  }
0xb6: {  	s28 =	simm.s32 $_size_execute0_lowered;
	s3 =	sadd.s32 s3, s5;
	[dreg:$0x0] =	wrdreg $0x0  }
0xb7: {  	s5 =	sshll.u32 s28, $0x1;
	[dreg:$0x2] =	wrdreg s3  }
0xb8: {  	[dreg:$0x3] =	wrdreg s5  }
0xb9: {  	[dreg:$0x4] =	wrdreg $0xC0  }
0xba: {  	_ =	task [dreg:s22], $0x5FFFF  }
0xbb: {  	[dreg:$0x1] =	wrdreg $0xFFFFFFFF  }
0xbc: {  	[dreg:$0x0] =	wrdreg $0x60  }
0xbd: {  	[dreg:$0x2] =	wrdreg s24  }
0xbe: {  	[dreg:$0x3] =	wrdreg $0xA  }
0xbf: {  	_ =	task.clear_ibuf [dreg:s22], $0x4FFFF;
	_ =	strace $0x9000004C  }
0xc0: {  	s29 =	simm.s32 $0xA;
	_ =	strace $0x8000004E  }
0xc1: {  	_ =	swait.ge [sflag:s29], $0x1  }
0xc2: {  	[sflag:s29] =	ssyncadd.s32 $0xFFFFFFFF  }
0xc3: {  	_ =	strace $0x9000004E  }
0xc4: {  	_ =	sfence  }
0xc5: {  	s30 =	sld [smem:$0x0];
	_ =	sdelay $0x2  }
0xc6: {  	s31 =	sshll.u32 s1, $0xD;
	s1 =	sshrl.u32 s1, $0x2  }
0xc7: {  	s4 =	sand.u32 $0x4000, s31;
	s1 =	sadd.s32 s1, s30  }
0xc8: {  	s0 =	sor.u32 s4, s0;
	s1 =	sshll.u32 s1, $0x11  }
0xc9: {  	s0 =	sor.u32 s1, s0  }
0xca: {  	s0 =	sadd.s32 $0x8F2B, s0  }
0xcb: {  	[sflag:s0] =	ssyncadd.remote.s32 $0x1  }
0xcc: {  	_ =	sfence.sel $0xFFFF  }
0xcd: {  	[dreg:$0x0] =	wrdreg $0xFFFFFFFF;
	(pc) =	sbr.abs _section_cstart, $3  }
0xce: {  	[dreg:$0x1] =	wrdreg $0xFFFFFFFF  }
0xcf: {  	_ =	task.clear_ibuf [dreg:s22], $0x2FFFF;
	_ =	strace $0x9FFFFFFF  }
0xd0: {  	(tm) =	ssettm $0x7FFFFFFF  }
0xd1: {  	_ =	shalt  }
tec
execute0_lowered:
.L_overlay_start_1:
0x0: {  	(tag) =	ssettag $0x1  }
0x1: {  	s0 =	srdreg.scid;
	s5 =	rddreg [dreg:$0x0]  }
0x2: {  	s1 =	stileid.u32;
	s6 =	simm.s32 $0x1;
	s9 =	simm.s32 $0x1  }
0x3: {  	s10 =	simm.s32 $0x3;
	s13 =	simm.s32 $0x0;
	s2 =	sshll.u32 s0, $0xC  }
0x4: {  	s12 =	simm.s32 $0x0;
	s3 =	sshll.u32 s1, $0xD;
	s2 =	sand.u32 $0x1000, s2  }
0x5: {  	s0 =	rddreg [dreg:$0x1];
	_ =	strace $0x8000004D;
	s2 =	sor.u32 s3, s2  }
0x6: {  	s4 =	sadd.s32 $0xCE00, s5;
	[sflag:s6] =	ssyncpa.u1 $0x0;
	s8 =	ssub.s32 $0x22000, s2  }
.Ltmp0:
0x7: {  	s3 =	sadd.s32 $0x16200, s5;
	s7 =	sand.u32 $0x1F000, s8;
	(pc) =	sbr.rel .LBB2_1-.Ltmp0, $4  }
0x8: {  	s5 =	sadd.s32 $0x68000, s5;
	s11 =	smov.u32 s2;
	p0 =	sne.s32 s7, $0x0  }
0x9: {  	s8 =	sshrl.u32 s8, $0x11;
	s7 =	simm.s32 $0x2;
	s9 =	simm.s32 @!p0 $0x0  }
0xa: {  	[sflag:s7] =	ssyncpa.u1 $0x0;
	p0 =	por $0x0, $0x0;
	s8 =	sadd.s32 s9, s8  }
0xb: {  	vm0 =	vmmov $0xffff;
	[sflag:s10] =	ssyncpa.u1 $0x0;
	s10 =	simm.s32 $0x0;
	s9 =	sadd.s32 $0x1, s8  }
.LBB2_4:
0xc: {  	vm1 =	veq.s32 v4, $0x80000000;
	v56 =	vand.u32 $0xFF, v4;
	v6 =	vand.u32 $0x3FF, v6  }
0xd: {  	v2 =	vor.u32 v2, v5;
	v59 =	vshrl.u32 v1, $0x8;
	v60 =	vand.u32 $0xFF, v1  }
0xe: {  	v4 =	vsel vm1, $0xFFFFFFFF, v56;
	v6 =	vsel vm1, $0xFFFFFFFF, v6;
	v2 =	vor.u32 v3, v2  }
0xf: {  	vm1 =	veq.s32 v1, $0x80000000;
	v5 =	vand.u32 $0x3FF, v59;
	v7 =	vshrl.u32 v4, $0x3  }
0x10: {  	v57 =	vshll.u32 v6, $0x3;
	v4 =	vshll.u32 v4, $0x7;
	v1 =	vsel vm1, $0xFFFFFFFF, v60  }
0x11: {  	v5 =	vsel vm1, $0xFFFFFFFF, v5;
	v6 =	vand.u32 $0x7F, v6;
	v7 =	vmul.u32 $0x1400, v7  }
0x12: {  	v58 =	vand.u32 $0xFFFFFC00, v57;
	v4 =	vand.u32 $0x380, v4;
	v61 =	vshrl.u32 v1, $0x3  }
0x13: {  	v62 =	vshll.u32 v5, $0x3;
	v3 =	vadd.s32 v7, v58;
	v7 =	vmul.u32 $0x1400, v61  }
0x14: {  	v1 =	vshll.u32 v1, $0x7;
	v3 =	vor.u32 v4, v3;
	v4 =	vand.u32 $0xFFFFFC00, v62  }
0x15: {  	v1 =	vand.u32 $0x380, v1;
	v3 =	vor.u32 v6, v3;
	v4 =	vadd.s32 v7, v4  }
0x16: {  	[tilespmem:s16], [sflag:$0x1] =	stream.indirect_vreg.gather [hbm4b:s3+s10], $0x1, v0, vm0, $0x4038;
	v63 =	vand.u32 $0x7F, v5;
	v1 =	vor.u32 v1, v4;
	[tilespmem:$0x4000] =	vst v63  }
0x17: {  	s15 =	sadd.s32 $0x10, s15;
	(ifvalue) =	ssetifvalue $0x7FFFFFFF;
	v0 =	vor.u32 v63, v1  }
0x18: {  	[tilespmem:s15], [sflag:$0x1] =	stream.indirect_vreg.gather [hbm4b:s3+s10], $0x1, v2, vm0, $0x4038;
	[tilespmem:$0x4000] =	vst v63  }
0x19: {  	s15 =	sadd.s32 $0x10, s15;
	(ifvalue) =	ssetifvalue $0x7FFFFFFF  }
0x1a: {  	[tilespmem:s15], [sflag:$0x1] =	stream.indirect_vreg.gather [hbm4b:s3+s10], $0x1, v3, vm0, $0x4038;
	[tilespmem:$0x4000] =	vst v63  }
0x1b: {  	s15 =	sadd.s32 $0x10, s15;
	(ifvalue) =	ssetifvalue $0x7FFFFFFF  }
0x1c: {  	[tilespmem:s15], [sflag:$0x1] =	stream.indirect_vreg.gather [hbm4b:s3+s10], $0x1, v0, vm0, $0x4038;
	[tilespmem:$0x4000] =	vst v63  }
0x1d: {  	_ =	swait.ge [sflag:s6], $0x1000  }
0x1e: {  	s30 =	sshrl.u32 s13, $0x3;
	[sflag:s6] =	ssyncset.done $0x0  }
0x1f: {  	s31 =	sand.u32 $0x7, s13;
	s15 =	sadd.s32 s5, s30;
	[sflag:s6] =	ssyncadd.s32 $0xFFFFF000  }
0x20: {  	[hbm4b:s15+s31] =	stream.linear.scatter [tilespmem:s14], [sflag:$0x3], $0x1000, $0x38;
	[tilespmem:$0x4000] =	vst v63  }
.LBB2_5:
0x21: {  	s15 =	sadd.s32 $0x20000, s11  }
0x22: {  	p2 =	sgt.s32 s15, $0x21FFF  }
0x23: {  	s15 =	smov.u32 @p2 s2;
	p2 =	sne.s32 s12, s9  }
.Ltmp1:
0x24: {  	p1 =	slt.u32 s12, $0x2;
	(pc) =	sbr.rel @!p2 .LBB2_6-.Ltmp1, $4  }
0x25: {  	s14 =	simm.s32 @!p1 $0x3  }
0x26: {  	s16 =	sadd.s32 $0x1, s12;
	_ =	swait.ge @!p1 [sflag:s14], $0x1000  }
0x27: {  	s13 =	smov.u32 s11;
	p0 =	por !p0, !p0;
	[sflag:s14] =	ssyncset.done @!p1 $0x0  }
0x28: {  	s12 =	smov.u32 s16;
	s11 =	smov.u32 s15;
	[sflag:s14] =	ssyncadd.s32 @!p1 $0xFFFFF000  }
.LBB2_1:
0x29: {  	p1 =	sge.u32 s12, s8  }
0x2a: {  	s14 =	sxor.u32 @!p1 $0xFFFFFFFF, s12  }
0x2b: {  	s31 =	sadd.s32 $0xFFFFFFFF, s12;
	s15 =	sshrl.u32 @!p1 s11, $0x3;
	s14 =	sshll.u32 @!p1 s14, $0xC  }
0x2c: {  	s16 =	sand.u32 @!p1 $0x7, s11;
	s15 =	sadd.s32 @!p1 s4, s15;
	s14 =	sand.u32 @!p1 $0x1000, s14  }
0x2d: {  	[tilespmem:s14], [sflag:$0x2] =	stream.linear.gather @!p1 [hbm4b:s15+s16], $0x1000, $0x38;
	[tilespmem:$0x4000] =	vst v63  }
0x2e: {  	p1 =	sge.u32 s31, s8  }
.Ltmp2:
0x2f: {  	_ = 	snop;
	(pc) =	sbr.rel @p1 .LBB2_5-.Ltmp2, $1  }
0x30: {  	_ =	sdelay $0x3  }
0x31: {  	s14 =	simm.s32 $0x1  }
0x32: {  	_ =	swait.ge [sflag:s7], $0x1000;
	s14 =	simm.s32 @!p0 $0x0  }
0x33: {  	[sflag:s7] =	ssyncset.done $0x0;
	s14 =	sshll.u32 s14, $0xC  }
0x34: {  	[sflag:s7] =	ssyncadd.s32 $0xFFFFF000;
	(ifvalue) =	ssetifvalue $0x7FFFFFFF;
	v0 =	vld.msk [tilespmem:s14+$0x0 ss:$0x1], $0xffff  }
0x35: {  	s15 =	sadd.s32 $0x10, s14  }
0x36: {  	v1 =	vld.msk [tilespmem:s15+$0x0 ss:$0x1], $0xffff;
	_ =	sdelay $0x2  }
0x37: {  	v2 =	vshrl.u32 v0, $0x8  }
0x38: {  	vm1 =	veq.s32 v0, $0x80000000;
	v0 =	vand.u32 $0xFF, v0;
	v2 =	vand.u32 $0x3FF, v2  }
0x39: {  	v0 =	vsel vm1, $0xFFFFFFFF, v0;
	v6 =	vshrl.u32 v1, $0x8;
	v2 =	vsel vm1, $0xFFFFFFFF, v2  }
0x3a: {  	v3 =	vshrl.u32 v0, $0x3;
	v0 =	vshll.u32 v0, $0x7;
	vm1 =	veq.s32 v1, $0x80000000  }
0x3b: {  	s15 =	sadd.s32 $0x10, s15;
	v1 =	vand.u32 $0xFF, v1;
	v4 =	vshll.u32 v2, $0x3;
	v3 =	vmul.u32 $0x1400, v3  }
0x3c: {  	v0 =	vand.u32 $0x380, v0;
	v7 =	vand.u32 $0x7F, v2;
	v5 =	vand.u32 $0xFFFFFC00, v4;
	v4 =	vld.msk [tilespmem:s15+$0x0 ss:$0x1], $0xffff  }
0x3d: {  	v1 =	vsel vm1, $0xFFFFFFFF, v1;
	v2 =	vadd.s32 v3, v5;
	v3 =	vand.u32 $0x3FF, v6  }
0x3e: {  	v3 =	vsel vm1, $0xFFFFFFFF, v3;
	v0 =	vor.u32 v0, v2;
	v2 =	vshrl.u32 v1, $0x3  }
0x3f: {  	s16 =	sshll.u32 s12, $0xC;
	s18 =	simm.s32 $0x30;
	v1 =	vshll.u32 v1, $0x7;
	v5 =	vshll.u32 v3, $0x3;
	v8 =	vmul.u32 $0x1400, v2  }
0x40: {  	s31 =	sand.u32 $0x1000, s16;
	s17 =	sadd.s32 $0x10, s15;
	s15 =	sor.u32 $0x2000, s14;
	v2 =	vand.u32 $0x380, v1;
	v0 =	vor.u32 v7, v0;
	v5 =	vand.u32 $0xFFFFFC00, v5  }
0x41: {  	s14 =	sor.u32 $0x2000, s31;
	s16 =	smov.u32 s15;
	v1 =	vld.msk [tilespmem:s17+$0x0 ss:$0x1], $0xffff;
	v3 =	vand.u32 $0x7F, v3;
	(ifvalue) =	ssetifvalue $0x7FFFFFFF;
	v6 =	vshrl.u32 v4, $0x8;
	v5 =	vadd.s32 v8, v5  }
.LBB2_3:
0x42: {  	s18 =	sadd.s32 $0x10, s18  }
0x43: {  	vm1 =	veq.s32 v4, $0x80000000;
	v4 =	vand.u32 $0xFF, v4;
	v6 =	vand.u32 $0x3FF, v6;
	s15 =	sadd.s32 $0x10, s15;
	p1 =	slt.u32 s18, $0xFF0  }
.Ltmp3:
0x44: {  	v5 =	vor.u32 v2, v5;
	v4 =	vsel vm1, $0xFFFFFFFF, v4;
	v7 =	vsel vm1, $0xFFFFFFFF, v6;
	(pc) =	sbr.rel @p1 .LBB2_3-.Ltmp3, $4  }
0x45: {  	v2 =	vshrl.u32 v4, $0x3;
	v6 =	vshll.u32 v7, $0x3;
	v4 =	vshll.u32 v4, $0x7;
	[tilespmem:s16], [sflag:$0x1] =	stream.indirect_vreg.gather [hbm4b:s3+s10], $0x1, v0, vm0, $0x4038;
	[tilespmem:$0x4000] =	vst v63  }
0x46: {  	v0 =	vor.u32 v3, v5;
	s16 =	smov.u32 s15;
	v8 =	vmul.u32 $0x1400, v2;
	v2 =	vand.u32 $0x380, v4  }
0x47: {  	s17 =	sadd.s32 $0x10, s17;
	v9 =	vand.u32 $0xFFFFFC00, v6  }
0x48: {  	v3 =	vand.u32 $0x7F, v7;
	v6 =	vshrl.u32 v1, $0x8;
	v5 =	vadd.s32 v8, v9;
	(ifvalue) =	ssetifvalue $0x7FFFFFFF;
	v4 =	vmovc v1;
	v1 =	vld.msk [tilespmem:s17+$0x0 ss:$0x1], $0xffff  }
.Ltmp4:
0x49: {  	_ = 	snop;
	(pc) =	sbr.rel .LBB2_4-.Ltmp4, $1  }
0x4a: {  	_ =	sdelay $0x3  }
.LBB2_6:
0x4b: {  	_ =	sfence.sel $0x180000  }
0x4c: {  	s2 =	simm.s32 $0x2;
	[bflag:$0x0] =	sbarrier.arrive $0xFFFF  }
0x4d: {  	s30 =	simm.s32 $0x3;
	[sflag:s2] =	ssyncpa.u1 $0x1  }
0x4e: {  	s31 =	simm.s32 $0x1;
	[sflag:s30] =	ssyncpa.u1 $0x1  }
0x4f: {  	[sflag:s31] =	ssyncpa.u1 $0x1  }
0x50: {  	p0 =	sne.s32 s1, $0x0;
	_ =	strace $0x9000004D  }
0x51: {  	s0 =	sadd.s32 @!p0 $0x100000, s0;
	[bflag:$0x2] =	sbarrier.arrive $0xFFFF  }
0x52: {  	[sflag:s0] =	ssyncadd.tile.s32 @!p0 $0x1;
	_ =	shalt  }
.Lfunc_end2:
_tile_overlayer_lowered:
.L_overlay_start_2:
0x53: {  	(tag) =	ssettag $0x2  }
0x54: {  	s0 =	rddreg [dreg:$0x0];
	s2 =	stileid.u32  }
0x55: {  	s1 =	rddreg [dreg:$0x1];
	p0 =	sne.s32 s2, $0x0  }
0x56: {  	s3 =	rddreg [dreg:$0x2];
	[bflag:$0x3] =	sbarrier.arrive $0xFFFF;
	s2 =	simm.s32 @!p0 $0x1C01  }
0x57: {  	[timem:s3], [sflag:s2] =	dma.local @!p0 [hbm:s0], s1  }
0x58: {  	s0 =	simm.s32 @!p0 $0x1  }
0x59: {  	_ =	swait.ge @!p0 [sflag:s0], s1  }
0x5a: {  	s1 =	ssub.s32 @!p0 $0x0, s1;
	[sflag:s0] =	ssyncset.done @!p0 $0x0  }
0x5b: {  	[sflag:s0] =	ssyncadd.s32 @!p0 s1  }
0x5c: {  	[bflag:$0x3] =	sbarrier.arrive $0xFFFF  }
0x5d: {  	_ =	shalt  }

// kernel: gather_offload_async_start
scs
__scs_entry_jumppad:
0x0: {  	(pc) =	sbr.rel $0x88, $3  }
0x1: {  	(tag) =	ssettag $0x0;
	lr =	simm.s32 $0x1  }
0x2: {  	[smem:$0x3F8D] =	sst lr;
	_ =	strace $0xD0000000  }
0x3: {  	_ = 	snop  }
0x4: {  	_ = 	snop  }
0x5: {  	_ = 	snop  }
0x6: {  	_ = 	snop  }
0x7: {  	_ = 	snop  }
__scs_overlays_trampoline_lowered:
0x8: {  	[smem:$0x3F9C] =	sst s0  }
0x9: {  	[smem:$0x3F9D] =	sst s1  }
0xa: {  	[smem:$0x3F9E] =	sst s2  }
0xb: {  	[smem:$0x3F9F] =	sst s3  }
0xc: {  	[smem:$0x3FA0] =	sst s4  }
0xd: {  	[smem:$0x3FA1] =	sst s5  }
0xe: {  	[smem:$0x3FA2] =	sst s6  }
0xf: {  	[smem:$0x3FA3] =	sst s7  }
0x10: {  	[smem:$0x3FA4] =	sst s8  }
0x11: {  	[smem:$0x3FA5] =	sst s9;
	s0 =	simm.s32 @!p0 $0x0  }
0x12: {  	s1 =	sld [smem:$0x3F8B];
	s0 =	simm.s32 @p0 $0x1  }
0x13: {  	[smem:$0x3FA6] =	sst s0;
	s0 =	simm.s32 @!p1 $0x0  }
0x14: {  	s2 =	sld [smem:$0x3F8A];
	s0 =	simm.s32 @p1 $0x1  }
0x15: {  	[smem:$0x3FA7] =	sst s0;
	s0 =	simm.s32 @!p2 $0x0  }
0x16: {  	s3 =	sld [smem:$0x3FDB];
	s0 =	simm.s32 @p2 $0x1  }
0x17: {  	s4 =	simm.s32 $0x1BF5;
	[smem:$0x3FA9] =	sst s0  }
0x18: {  	s0 =	sld [smem:$0x3F8C];
	_ =	swait.ge [sflag:s4], $0x0  }
0x19: {  	s7 =	sld [smem:$0x3F8D]  }
0x1a: {  	s8 =	sadd.s32 $0xFFFFE003, lr  }
0x1b: {  	s9 =	sadd.s32 $0xFFFFFEF7, lr;
	s5 =	simm.s32 $0xFFFFFFFF;
	p2 =	slt.u32 s8, $0xFFFFF086  }
0x1c: {  	p1 =	slt.u32 s9, $0xF7A;
	s5 =	simm.s32 @!p2 $0x0  }
0x1d: {  	s5 =	simm.s32 @p1 $0x1;
	p0 =	seq.s32 s7, s2  }
0x1e: {  	s7 =	smul.u32 @!p0 $0xF7A, s2;
	p2 =	seq.s32 @!p0 s5, $0x0  }
0x1f: {  	s9 =	smul.u32 $0xF7A, s1;
	s8 =	simm.s32 @!p0 $0x1BF5;
	p2 =	por !p2, p0  }
0x20: {  	[sflag:s8] =	ssyncset.s32 @!p0 $0xFFFFF086;
	s6 =	sadd.s32 @!p0 s3, s7;
	s7 =	simm.s32 @!p0 $0x108  }
0x21: {  	s3 =	sadd.s32 s3, s9;
	s6 =	sadd.s32 @!p0 $0x88, s6;
	s7 =	simm.s32 @p2 $0x1082  }
0x22: {  	[simem:s7], [sflag:s8] =	dma.local @!p0 [hbm:s6], $0xF7A  }
0x23: {  	s9 =	sor.u32 $0xD0000000, s2;
	s6 =	simm.s32 $0x108;
	_ =	swait.ge @!p0 [sflag:s8], $0x0  }
0x24: {  	s3 =	sadd.s32 $0x88, s3;
	s6 =	simm.s32 @!p1 $0x1082;
	[sflag:s4] =	ssyncset.s32 $0xFFFFF086  }
0x25: {  	[simem:s6], [sflag:s4] =	dma.local [hbm:s3], $0xF7A  }
0x26: {  	[smem:$0x3F8D] =	sst s1;
	(tag) =	ssettag s2;
	_ =	strace s9  }
0x27: {  	s1 =	sld [smem:$0x3F9D]  }
0x28: {  	s2 =	sld [smem:$0x3F9E]  }
0x29: {  	s4 =	sld [smem:$0x3FA0]  }
0x2a: {  	p0 =	seq.s32 s5, $0x0;
	s5 =	sld [smem:$0x3FA1]  }
0x2b: {  	s6 =	sld [smem:$0x3FA2]  }
0x2c: {  	s7 =	sld [smem:$0x3FA3]  }
0x2d: {  	s3 =	simm.s32 $0x108;
	s8 =	sld [smem:$0x3FA4]  }
0x2e: {  	s3 =	simm.s32 @!p0 $0x1082;
	s9 =	sld [smem:$0x3FA5]  }
0x2f: {  	lr =	sadd.s32 s0, s3;
	s0 =	sld [smem:$0x3F9C]  }
0x30: {  	s3 =	sld [smem:$0x3F9F]  }
0x31: {  	[smem:$0x3FA8] =	sst s10  }
0x32: {  	s10 =	sld [smem:$0x3FA6];
	_ =	sdelay $0x3  }
0x33: {  	p0 =	seq.s32 s10, $0x1;
	s10 =	sld [smem:$0x3FA8];
	_ =	sdelay $0x3  }
0x34: {  	[smem:$0x3FA8] =	sst s10  }
0x35: {  	s10 =	sld [smem:$0x3FA7];
	_ =	sdelay $0x3  }
0x36: {  	p1 =	seq.s32 s10, $0x1;
	s10 =	sld [smem:$0x3FA8];
	_ =	sdelay $0x3  }
0x37: {  	[smem:$0x3FA8] =	sst s10  }
0x38: {  	s10 =	sld [smem:$0x3FA9]  }
0x39: {  	_ = 	snop;
	(pc) =	sbr.ind lr, $3  }
0x3a: {  	_ = 	snop  }
0x3b: {  	_ = 	snop  }
0x3c: {  	p2 =	seq.s32 s10, $0x1;
	s10 =	sld [smem:$0x3FA8]  }
0x3d: {  	_ =	shalt  }
0x3e: {  	_ =	shalt  }
0x3f: {  	_ =	shalt  }
0x40: {  	_ =	shalt  }
0x41: {  	_ =	shalt  }
0x42: {  	_ =	shalt  }
0x43: {  	_ =	shalt  }
0x44: {  	_ =	shalt  }
0x45: {  	_ =	shalt  }
0x46: {  	_ =	shalt  }
0x47: {  	_ =	shalt  }
0x48: {  	_ =	shalt  }
0x49: {  	_ =	shalt  }
0x4a: {  	_ =	shalt  }
0x4b: {  	_ =	shalt  }
0x4c: {  	_ =	shalt  }
0x4d: {  	_ =	shalt  }
0x4e: {  	_ =	shalt  }
0x4f: {  	_ =	shalt  }
0x50: {  	_ =	shalt  }
0x51: {  	_ =	shalt  }
0x52: {  	_ =	shalt  }
0x53: {  	_ =	shalt  }
0x54: {  	_ =	shalt  }
0x55: {  	_ =	shalt  }
0x56: {  	_ =	shalt  }
0x57: {  	_ =	shalt  }
0x58: {  	_ =	shalt  }
0x59: {  	_ =	shalt  }
0x5a: {  	_ =	shalt  }
0x5b: {  	_ =	shalt  }
0x5c: {  	_ =	shalt  }
0x5d: {  	_ =	shalt  }
0x5e: {  	_ =	shalt  }
0x5f: {  	_ =	shalt  }
0x60: {  	_ =	shalt  }
0x61: {  	_ =	shalt  }
0x62: {  	_ =	shalt  }
0x63: {  	_ =	shalt  }
0x64: {  	_ =	shalt  }
0x65: {  	_ =	shalt  }
0x66: {  	_ =	shalt  }
0x67: {  	_ =	shalt  }
0x68: {  	_ =	shalt  }
0x69: {  	_ =	shalt  }
0x6a: {  	_ =	shalt  }
0x6b: {  	_ =	shalt  }
0x6c: {  	_ =	shalt  }
0x6d: {  	_ =	shalt  }
0x6e: {  	_ =	shalt  }
0x6f: {  	_ =	shalt  }
0x70: {  	_ =	shalt  }
0x71: {  	_ =	shalt  }
0x72: {  	_ =	shalt  }
0x73: {  	_ =	shalt  }
0x74: {  	_ =	shalt  }
0x75: {  	_ =	shalt  }
0x76: {  	_ =	shalt  }
0x77: {  	_ =	shalt  }
0x78: {  	_ =	shalt  }
0x79: {  	_ =	shalt  }
0x7a: {  	_ =	shalt  }
0x7b: {  	_ =	shalt  }
0x7c: {  	_ =	shalt  }
0x7d: {  	_ =	shalt  }
0x7e: {  	_ =	shalt  }
0x7f: {  	_ =	shalt  }
0x80: {  	_ =	shalt  }
0x81: {  	_ =	shalt  }
0x82: {  	_ =	shalt  }
0x83: {  	_ =	shalt  }
0x84: {  	_ =	shalt  }
0x85: {  	_ =	shalt  }
0x86: {  	_ =	shalt  }
0x87: {  	_ =	shalt  }
.Lfunc_end0:
.L_simem_size_0:
called_computation_lowered:
.L_overlay_start_0:
0x88: {  	s2 =	sld [smem:$0x3FD9]  }
0x89: {  	s3 =	sld [smem:$0x3FFE];
	_ =	sdelay $0x1  }
0x8a: {  	s1 =	srdreg.scid  }
0x8b: {  	s0 =	sand.u32 $0x1, s1  }
0x8c: {  	s16 =	sshll.u32 s0, $0xA;
	s2 =	sadd.s32 s3, s2  }
0x8d: {  	s2 =	sadd.s32 s2, s16  }
0x8e: {  	[smem:$0x3FB4] =	sst s2  }
0x8f: {  	_ = 	snop  }
0x90: {  	(tm) =	ssettm $0x1  }
0x91: {  	s17 =	sld [smem:$0x3FFB];
	_ =	sdelay $0x3  }
0x92: {  	_ =	strace s17  }
0x93: {  	s2 =	sld [smem:$0x3FFC];
	_ =	sdelay $0x3  }
0x94: {  	_ =	strace s2  }
0x95: {  	s2 =	sld [smem:$0x3FFD];
	_ =	sdelay $0x3  }
0x96: {  	_ =	strace s2  }
0x97: {  	_ =	strace $0x8FFFFFFF  }
0x98: {  	s18 =	sld [smem:$0x3FDB];
	_ =	sdelay $0x1  }
0x99: {  	s19 =	simm.s32 $_scs_section_size  }
0x9a: {  	s4 =	simm.s32 $_size__tile_overlayer_lowered;
	s5 =	simm.s32 $_tile_overlayer_lowered  }
0x9b: {  	s22 =	simm.s32 $0x1BFF;
	s21 =	sshll.u32 s5, $0x1;
	s2 =	sadd.s32 s19, s18  }
0x9c: {  	s6 =	simm.s32 $0x0;
	s20 =	sshll.u32 s4, $0x1;
	s4 =	sadd.s32 s21, s2  }
0x9d: {  	[timem:s6], [sflag:s22] =	dma.local [hbm:s4], s20  }
0x9e: {  	_ =	swait.ge [sflag:s22], s20  }
0x9f: {  	s3 =	ssub.s32 $0x0, s20;
	[sflag:s22] =	ssyncset.done $0x0  }
0xa0: {  	[sflag:s22] =	ssyncadd.s32 s3;
	_ =	sdelay $0x1  }
0xa1: {  	s23 =	simm.s32 $0x1B8B  }
0xa2: {  	_ =	swait.ge [sflag:s23], $0x1  }
0xa3: {  	[sflag:s23] =	ssyncset.done $0x0  }
0xa4: {  	s25 =	simm.s32 $0x1B8E;
	s24 =	sld [smem:$0x3FFE];
	[sflag:s23] =	ssyncadd.s32 $0xFFFFFFFF  }
0xa5: {  	s26 =	simm.s32 $execute0_lowered;
	[smem:$0x3FD2] =	sst s25  }
0xa6: {  	s4 =	sshll.u32 s26, $0x1;
	_ =	strace $0x80000046;
	[dreg:$0x1] =	wrdreg $0xFFFFFFFF  }
0xa7: {  	s28 =	simm.s32 $_size_execute0_lowered;
	s2 =	sadd.s32 s2, s4;
	[dreg:$0x0] =	wrdreg $0x0  }
0xa8: {  	s4 =	sshll.u32 s28, $0x1;
	[dreg:$0x2] =	wrdreg s2  }
0xa9: {  	[dreg:$0x3] =	wrdreg s4  }
0xaa: {  	[dreg:$0x4] =	wrdreg $0xC0  }
0xab: {  	_ =	task [dreg:s6], $0x5FFFF  }
0xac: {  	[dreg:$0x1] =	wrdreg $0xFFFFFFFF  }
0xad: {  	[dreg:$0x0] =	wrdreg $0x60  }
0xae: {  	[dreg:$0x2] =	wrdreg s24  }
0xaf: {  	[dreg:$0x3] =	wrdreg $0x9  }
0xb0: {  	_ =	task.clear_ibuf [dreg:s6], $0x4FFFF;
	_ =	strace $0x90000046  }
0xb1: {  	s29 =	simm.s32 $0x9;
	_ =	strace $0x80000048  }
0xb2: {  	_ =	swait.ge [sflag:s29], $0x1  }
0xb3: {  	[sflag:s29] =	ssyncadd.s32 $0xFFFFFFFF  }
0xb4: {  	_ =	strace $0x90000048  }
0xb5: {  	_ =	sfence  }
0xb6: {  	s30 =	sld [smem:$0x0];
	_ =	sdelay $0x2  }
0xb7: {  	s31 =	sshll.u32 s1, $0xD;
	s1 =	sshrl.u32 s1, $0x2  }
0xb8: {  	s3 =	sand.u32 $0x4000, s31;
	s1 =	sadd.s32 s1, s30  }
0xb9: {  	s0 =	sor.u32 s3, s0;
	s1 =	sshll.u32 s1, $0x11  }
0xba: {  	s0 =	sor.u32 s1, s0  }
0xbb: {  	s0 =	sadd.s32 $0x8F2B, s0  }
0xbc: {  	[sflag:s0] =	ssyncadd.remote.s32 $0x1  }
0xbd: {  	_ =	sfence.sel $0xFFFF  }
0xbe: {  	[dreg:$0x0] =	wrdreg $0xFFFFFFFF;
	(pc) =	sbr.abs _section_cstart, $3  }
0xbf: {  	[dreg:$0x1] =	wrdreg $0xFFFFFFFF  }
0xc0: {  	_ =	task.clear_ibuf [dreg:s6], $0x2FFFF;
	_ =	strace $0x9FFFFFFF  }
0xc1: {  	(tm) =	ssettm $0x7FFFFFFF  }
tec
execute0_lowered:
.L_overlay_start_1:
0x0: {  	(tag) =	ssettag $0x1  }
0x1: {  	s0 =	srdreg.scid;
	s5 =	rddreg [dreg:$0x0]  }
0x2: {  	s1 =	stileid.u32;
	s6 =	simm.s32 $0x1;
	s9 =	simm.s32 $0x1  }
0x3: {  	s10 =	simm.s32 $0x3;
	s13 =	simm.s32 $0x0;
	s2 =	sshll.u32 s0, $0xC  }
0x4: {  	s12 =	simm.s32 $0x0;
	s3 =	sshll.u32 s1, $0xD;
	s2 =	sand.u32 $0x1000, s2  }
0x5: {  	s0 =	rddreg [dreg:$0x1];
	_ =	strace $0x80000047;
	s2 =	sor.u32 s3, s2  }
0x6: {  	s4 =	sadd.s32 $0xCE00, s5;
	[sflag:s6] =	ssyncpa.u1 $0x0;
	s8 =	ssub.s32 $0x22000, s2  }
.Ltmp0:
0x7: {  	s3 =	sadd.s32 $0x11200, s5;
	s7 =	sand.u32 $0x1F000, s8;
	(pc) =	sbr.rel .LBB2_1-.Ltmp0, $4  }
0x8: {  	s5 =	sadd.s32 $0x63C00, s5;
	s11 =	smov.u32 s2;
	p0 =	sne.s32 s7, $0x0  }
0x9: {  	s8 =	sshrl.u32 s8, $0x11;
	s7 =	simm.s32 $0x2;
	s9 =	simm.s32 @!p0 $0x0  }
0xa: {  	[sflag:s7] =	ssyncpa.u1 $0x0;
	p0 =	por $0x0, $0x0;
	s8 =	sadd.s32 s9, s8  }
0xb: {  	vm0 =	vmmov $0xffff;
	[sflag:s10] =	ssyncpa.u1 $0x0;
	s10 =	simm.s32 $0x0;
	s9 =	sadd.s32 $0x1, s8  }
.LBB2_4:
0xc: {  	vm1 =	veq.s32 v4, $0x80000000;
	v56 =	vand.u32 $0xFF, v4;
	v6 =	vand.u32 $0x3FF, v6  }
0xd: {  	v2 =	vor.u32 v2, v5;
	v59 =	vshrl.u32 v1, $0x8;
	v60 =	vand.u32 $0xFF, v1  }
0xe: {  	v4 =	vsel vm1, $0xFFFFFFFF, v56;
	v6 =	vsel vm1, $0xFFFFFFFF, v6;
	v2 =	vor.u32 v3, v2  }
0xf: {  	vm1 =	veq.s32 v1, $0x80000000;
	v5 =	vand.u32 $0x3FF, v59;
	v7 =	vshrl.u32 v4, $0x3  }
0x10: {  	v57 =	vshll.u32 v6, $0x3;
	v4 =	vshll.u32 v4, $0x7;
	v1 =	vsel vm1, $0xFFFFFFFF, v60  }
0x11: {  	v5 =	vsel vm1, $0xFFFFFFFF, v5;
	v6 =	vand.u32 $0x7F, v6;
	v7 =	vmul.u32 $0x1400, v7  }
0x12: {  	v58 =	vand.u32 $0xFFFFFC00, v57;
	v4 =	vand.u32 $0x380, v4;
	v61 =	vshrl.u32 v1, $0x3  }
0x13: {  	v62 =	vshll.u32 v5, $0x3;
	v3 =	vadd.s32 v7, v58;
	v7 =	vmul.u32 $0x1400, v61  }
0x14: {  	v1 =	vshll.u32 v1, $0x7;
	v3 =	vor.u32 v4, v3;
	v4 =	vand.u32 $0xFFFFFC00, v62  }
0x15: {  	v1 =	vand.u32 $0x380, v1;
	v3 =	vor.u32 v6, v3;
	v4 =	vadd.s32 v7, v4  }
0x16: {  	[tilespmem:s16], [sflag:$0x1] =	stream.indirect_vreg.gather [hbm4b:s3+s10], $0x1, v0, vm0, $0x4038;
	v63 =	vand.u32 $0x7F, v5;
	v1 =	vor.u32 v1, v4;
	[tilespmem:$0x4000] =	vst v63  }
0x17: {  	s15 =	sadd.s32 $0x10, s15;
	(ifvalue) =	ssetifvalue $0x7FFFFFFF;
	v0 =	vor.u32 v63, v1  }
0x18: {  	[tilespmem:s15], [sflag:$0x1] =	stream.indirect_vreg.gather [hbm4b:s3+s10], $0x1, v2, vm0, $0x4038;
	[tilespmem:$0x4000] =	vst v63  }
0x19: {  	s15 =	sadd.s32 $0x10, s15;
	(ifvalue) =	ssetifvalue $0x7FFFFFFF  }
0x1a: {  	[tilespmem:s15], [sflag:$0x1] =	stream.indirect_vreg.gather [hbm4b:s3+s10], $0x1, v3, vm0, $0x4038;
	[tilespmem:$0x4000] =	vst v63  }
0x1b: {  	s15 =	sadd.s32 $0x10, s15;
	(ifvalue) =	ssetifvalue $0x7FFFFFFF  }
0x1c: {  	[tilespmem:s15], [sflag:$0x1] =	stream.indirect_vreg.gather [hbm4b:s3+s10], $0x1, v0, vm0, $0x4038;
	[tilespmem:$0x4000] =	vst v63  }
0x1d: {  	_ =	swait.ge [sflag:s6], $0x1000  }
0x1e: {  	s30 =	sshrl.u32 s13, $0x3;
	[sflag:s6] =	ssyncset.done $0x0  }
0x1f: {  	s31 =	sand.u32 $0x7, s13;
	s15 =	sadd.s32 s5, s30;
	[sflag:s6] =	ssyncadd.s32 $0xFFFFF000  }
0x20: {  	[hbm4b:s15+s31] =	stream.linear.scatter [tilespmem:s14], [sflag:$0x3], $0x1000, $0x38;
	[tilespmem:$0x4000] =	vst v63  }
.LBB2_5:
0x21: {  	s15 =	sadd.s32 $0x20000, s11  }
0x22: {  	p2 =	sgt.s32 s15, $0x21FFF  }
0x23: {  	s15 =	smov.u32 @p2 s2;
	p2 =	sne.s32 s12, s9  }
.Ltmp1:
0x24: {  	p1 =	slt.u32 s12, $0x2;
	(pc) =	sbr.rel @!p2 .LBB2_6-.Ltmp1, $4  }
0x25: {  	s14 =	simm.s32 @!p1 $0x3  }
0x26: {  	s16 =	sadd.s32 $0x1, s12;
	_ =	swait.ge @!p1 [sflag:s14], $0x1000  }
0x27: {  	s13 =	smov.u32 s11;
	p0 =	por !p0, !p0;
	[sflag:s14] =	ssyncset.done @!p1 $0x0  }
0x28: {  	s12 =	smov.u32 s16;
	s11 =	smov.u32 s15;
	[sflag:s14] =	ssyncadd.s32 @!p1 $0xFFFFF000  }
.LBB2_1:
0x29: {  	p1 =	sge.u32 s12, s8  }
0x2a: {  	s14 =	sxor.u32 @!p1 $0xFFFFFFFF, s12  }
0x2b: {  	s31 =	sadd.s32 $0xFFFFFFFF, s12;
	s15 =	sshrl.u32 @!p1 s11, $0x3;
	s14 =	sshll.u32 @!p1 s14, $0xC  }
0x2c: {  	s16 =	sand.u32 @!p1 $0x7, s11;
	s15 =	sadd.s32 @!p1 s4, s15;
	s14 =	sand.u32 @!p1 $0x1000, s14  }
0x2d: {  	[tilespmem:s14], [sflag:$0x2] =	stream.linear.gather @!p1 [hbm4b:s15+s16], $0x1000, $0x38;
	[tilespmem:$0x4000] =	vst v63  }
0x2e: {  	p1 =	sge.u32 s31, s8  }
.Ltmp2:
0x2f: {  	_ = 	snop;
	(pc) =	sbr.rel @p1 .LBB2_5-.Ltmp2, $1  }
0x30: {  	_ =	sdelay $0x3  }
0x31: {  	s14 =	simm.s32 $0x1  }
0x32: {  	_ =	swait.ge [sflag:s7], $0x1000;
	s14 =	simm.s32 @!p0 $0x0  }
0x33: {  	[sflag:s7] =	ssyncset.done $0x0;
	s14 =	sshll.u32 s14, $0xC  }
0x34: {  	[sflag:s7] =	ssyncadd.s32 $0xFFFFF000;
	(ifvalue) =	ssetifvalue $0x7FFFFFFF;
	v0 =	vld.msk [tilespmem:s14+$0x0 ss:$0x1], $0xffff  }
0x35: {  	s15 =	sadd.s32 $0x10, s14  }
0x36: {  	v1 =	vld.msk [tilespmem:s15+$0x0 ss:$0x1], $0xffff;
	_ =	sdelay $0x2  }
0x37: {  	v2 =	vshrl.u32 v0, $0x8  }
0x38: {  	vm1 =	veq.s32 v0, $0x80000000;
	v0 =	vand.u32 $0xFF, v0;
	v2 =	vand.u32 $0x3FF, v2  }
0x39: {  	v0 =	vsel vm1, $0xFFFFFFFF, v0;
	v6 =	vshrl.u32 v1, $0x8;
	v2 =	vsel vm1, $0xFFFFFFFF, v2  }
0x3a: {  	v3 =	vshrl.u32 v0, $0x3;
	v0 =	vshll.u32 v0, $0x7;
	vm1 =	veq.s32 v1, $0x80000000  }
0x3b: {  	s15 =	sadd.s32 $0x10, s15;
	v1 =	vand.u32 $0xFF, v1;
	v4 =	vshll.u32 v2, $0x3;
	v3 =	vmul.u32 $0x1400, v3  }
0x3c: {  	v0 =	vand.u32 $0x380, v0;
	v7 =	vand.u32 $0x7F, v2;
	v5 =	vand.u32 $0xFFFFFC00, v4;
	v4 =	vld.msk [tilespmem:s15+$0x0 ss:$0x1], $0xffff  }
0x3d: {  	v1 =	vsel vm1, $0xFFFFFFFF, v1;
	v2 =	vadd.s32 v3, v5;
	v3 =	vand.u32 $0x3FF, v6  }
0x3e: {  	v3 =	vsel vm1, $0xFFFFFFFF, v3;
	v0 =	vor.u32 v0, v2;
	v2 =	vshrl.u32 v1, $0x3  }
0x3f: {  	s16 =	sshll.u32 s12, $0xC;
	s18 =	simm.s32 $0x30;
	v1 =	vshll.u32 v1, $0x7;
	v5 =	vshll.u32 v3, $0x3;
	v8 =	vmul.u32 $0x1400, v2  }
0x40: {  	s31 =	sand.u32 $0x1000, s16;
	s17 =	sadd.s32 $0x10, s15;
	s15 =	sor.u32 $0x2000, s14;
	v2 =	vand.u32 $0x380, v1;
	v0 =	vor.u32 v7, v0;
	v5 =	vand.u32 $0xFFFFFC00, v5  }
0x41: {  	s14 =	sor.u32 $0x2000, s31;
	s16 =	smov.u32 s15;
	v1 =	vld.msk [tilespmem:s17+$0x0 ss:$0x1], $0xffff;
	v3 =	vand.u32 $0x7F, v3;
	(ifvalue) =	ssetifvalue $0x7FFFFFFF;
	v6 =	vshrl.u32 v4, $0x8;
	v5 =	vadd.s32 v8, v5  }
.LBB2_3:
0x42: {  	s18 =	sadd.s32 $0x10, s18  }
0x43: {  	vm1 =	veq.s32 v4, $0x80000000;
	v4 =	vand.u32 $0xFF, v4;
	v6 =	vand.u32 $0x3FF, v6;
	s15 =	sadd.s32 $0x10, s15;
	p1 =	slt.u32 s18, $0xFF0  }
.Ltmp3:
0x44: {  	v5 =	vor.u32 v2, v5;
	v4 =	vsel vm1, $0xFFFFFFFF, v4;
	v7 =	vsel vm1, $0xFFFFFFFF, v6;
	(pc) =	sbr.rel @p1 .LBB2_3-.Ltmp3, $4  }
0x45: {  	v2 =	vshrl.u32 v4, $0x3;
	v6 =	vshll.u32 v7, $0x3;
	v4 =	vshll.u32 v4, $0x7;
	[tilespmem:s16], [sflag:$0x1] =	stream.indirect_vreg.gather [hbm4b:s3+s10], $0x1, v0, vm0, $0x4038;
	[tilespmem:$0x4000] =	vst v63  }
0x46: {  	v0 =	vor.u32 v3, v5;
	s16 =	smov.u32 s15;
	v8 =	vmul.u32 $0x1400, v2;
	v2 =	vand.u32 $0x380, v4  }
0x47: {  	s17 =	sadd.s32 $0x10, s17;
	v9 =	vand.u32 $0xFFFFFC00, v6  }
0x48: {  	v3 =	vand.u32 $0x7F, v7;
	v6 =	vshrl.u32 v1, $0x8;
	v5 =	vadd.s32 v8, v9;
	(ifvalue) =	ssetifvalue $0x7FFFFFFF;
	v4 =	vmovc v1;
	v1 =	vld.msk [tilespmem:s17+$0x0 ss:$0x1], $0xffff  }
.Ltmp4:
0x49: {  	_ = 	snop;
	(pc) =	sbr.rel .LBB2_4-.Ltmp4, $1  }
0x4a: {  	_ =	sdelay $0x3  }
.LBB2_6:
0x4b: {  	_ =	sfence.sel $0x180000  }
0x4c: {  	s2 =	simm.s32 $0x2;
	[bflag:$0x0] =	sbarrier.arrive $0xFFFF  }
0x4d: {  	s30 =	simm.s32 $0x3;
	[sflag:s2] =	ssyncpa.u1 $0x1  }
0x4e: {  	s31 =	simm.s32 $0x1;
	[sflag:s30] =	ssyncpa.u1 $0x1  }
0x4f: {  	[sflag:s31] =	ssyncpa.u1 $0x1  }
0x50: {  	p0 =	sne.s32 s1, $0x0;
	_ =	strace $0x90000047  }
0x51: {  	s0 =	sadd.s32 @!p0 $0x100000, s0;
	[bflag:$0x2] =	sbarrier.arrive $0xFFFF  }
0x52: {  	[sflag:s0] =	ssyncadd.tile.s32 @!p0 $0x1;
	_ =	shalt  }
.Lfunc_end2:
_tile_overlayer_lowered:
.L_overlay_start_2:
0x53: {  	(tag) =	ssettag $0x2  }
0x54: {  	s0 =	rddreg [dreg:$0x0];
	s2 =	stileid.u32  }
0x55: {  	s1 =	rddreg [dreg:$0x1];
	p0 =	sne.s32 s2, $0x0  }
0x56: {  	s3 =	rddreg [dreg:$0x2];
	[bflag:$0x3] =	sbarrier.arrive $0xFFFF;
	s2 =	simm.s32 @!p0 $0x1C01  }
0x57: {  	[timem:s3], [sflag:s2] =	dma.local @!p0 [hbm:s0], s1  }
0x58: {  	s0 =	simm.s32 @!p0 $0x1  }
0x59: {  	_ =	swait.ge @!p0 [sflag:s0], s1  }
0x5a: {  	s1 =	ssub.s32 @!p0 $0x0, s1;
	[sflag:s0] =	ssyncset.done @!p0 $0x0  }
0x5b: {  	[sflag:s0] =	ssyncadd.s32 @!p0 s1  }
0x5c: {  	[bflag:$0x3] =	sbarrier.arrive $0xFFFF  }
0x5d: {  	_ =	shalt  }

</sc_bundles>
